<compile_context>
chip_gen: v7x
topology: tpu7x:2x2x1
jax: 0.10.2.dev20260603
libtpu: 0.0.44.dev20260713+nightly
codegen_flags: <defaults>
</compile_context>

<pallas_src>
import functools

import jax
import jax.numpy as jnp
from jax import lax
from jax.experimental import pallas as pl
from jax.experimental.pallas import tpu as pltpu
from jax.experimental.pallas import tpu_sc as plsc

NN = 10000
NE = 320000
NE2 = 2 * NE
HD = 64

NT = 10240
NTILES = 32
W = 128
EP = 327680
E2P = 655360
EPT = EP // NTILES
E2PT = E2P // NTILES

@functools.cache
def _sc_mesh():
    return plsc.VectorSubcoreMesh(core_axis_name="c", subcore_axis_name="s",
                                  num_cores=2, num_subcores=16)


def _wid():
    return lax.axis_index("s") * 2 + lax.axis_index("c")



def _proj_body(e_ref, x_ref, w0a_ref, w0b_ref, wg1_ref, px_ref, p2_ref):
    e = e_ref[...]
    hi = lax.Precision.HIGHEST
    px_ref[:, :HD] = jnp.dot(e, w0a_ref[...], precision=hi,
                             preferred_element_type=jnp.float32)
    px_ref[:, HD:] = jnp.dot(x_ref[...], wg1_ref[...], precision=hi,
                             preferred_element_type=jnp.float32)
    p2 = jnp.dot(e, w0b_ref[...], precision=hi,
                 preferred_element_type=jnp.float32)
    p2_ref[:, :HD] = p2
    p2_ref[:, HD:] = p2


def _projections(embed, x, w0a, w0b, wg1):
    bn = 400
    grid = NN // bn
    return pl.pallas_call(
        _proj_body,
        grid=(grid,),
        in_specs=[
            pl.BlockSpec((bn, 128), lambda i: (i, 0)),
            pl.BlockSpec((bn, 128), lambda i: (i, 0)),
            pl.BlockSpec((128, HD), lambda i: (0, 0)),
            pl.BlockSpec((128, HD), lambda i: (0, 0)),
            pl.BlockSpec((128, HD), lambda i: (0, 0)),
        ],
        out_specs=[
            pl.BlockSpec((bn, 2 * HD), lambda i: (i, 0)),
            pl.BlockSpec((bn, 2 * HD), lambda i: (i, 0)),
        ],
        out_shape=[
            jax.ShapeDtypeStruct((NN, 2 * HD), jnp.float32),
            jax.ShapeDtypeStruct((NN, 2 * HD), jnp.float32),
        ],
    )(embed, x, w0a, w0b, wg1)



def _gather_rows_body(px_hbm, p2_hbm, row2_hbm, col2_hbm, ga_hbm, g2_hbm,
                      r0, r1, r2, c0, c1, c2,
                      ga0, ga1, ga2, g20, g21, g22,
                      sil, sgx, sg2, swx, sw2):
    wid = _wid()
    nw = EPT // W
    rbase = wid * nw
    base0 = wid * EPT

    def start_i(wi, rb, cb):
        pltpu.async_copy(row2_hbm.at[rbase + wi], rb, sil)
        pltpu.async_copy(col2_hbm.at[rbase + wi], cb, sil)

    def wait_i(rb, cb):
        pltpu.make_async_copy(row2_hbm.at[rbase], rb, sil).wait()
        pltpu.make_async_copy(col2_hbm.at[rbase], cb, sil).wait()

    def start_g(rb, cb, ga_b, g2_b):
        pltpu.async_copy(px_hbm.at[rb], ga_b, sgx)
        pltpu.async_copy(p2_hbm.at[cb], g2_b, sg2)

    def wait_g(rb, ga_b, g2_b):
        pltpu.make_async_copy(px_hbm.at[rb], ga_b, sgx).wait()
        pltpu.make_async_copy(p2_hbm.at[rb], g2_b, sg2).wait()

    def start_w(wi, ga_b, g2_b):
        dst = pl.ds(base0 + wi * W, W)
        pltpu.async_copy(ga_b, ga_hbm.at[dst], swx)
        pltpu.async_copy(g2_b, g2_hbm.at[dst], sw2)

    def wait_w(ga_b, g2_b):
        pltpu.make_async_copy(ga_b, ga_hbm.at[pl.ds(base0, W)], swx).wait()
        pltpu.make_async_copy(g2_b, g2_hbm.at[pl.ds(base0, W)], sw2).wait()

    start_i(0, r0, c0)
    start_i(1, r1, c1)
    start_i(2, r2, c2)
    wait_i(r0, c0)
    start_g(r0, c0, ga0, g20)
    wait_i(r1, c1)
    start_g(r1, c1, ga1, g21)

    @pl.loop(0, nw - 2, step=3)
    def _(w):
        wait_g(r0, ga0, g20)
        wait_i(r2, c2)
        start_g(r2, c2, ga2, g22)
        start_w(w, ga0, g20)

        @pl.when(w + 3 < nw)
        def _():
            start_i(w + 3, r0, c0)

        wait_g(r1, ga1, g21)
        wait_w(ga0, g20)

        @pl.when(w + 3 < nw)
        def _():
            wait_i(r0, c0)
            start_g(r0, c0, ga0, g20)

        start_w(w + 1, ga1, g21)

        @pl.when(w + 4 < nw)
        def _():
            start_i(w + 4, r1, c1)

        wait_g(r2, ga2, g22)
        wait_w(ga1, g21)

        @pl.when(w + 4 < nw)
        def _():
            wait_i(r1, c1)
            start_g(r1, c1, ga1, g21)

        start_w(w + 2, ga2, g22)

        @pl.when(w + 5 < nw)
        def _():
            start_i(w + 5, r2, c2)

        wait_w(ga2, g22)

    wait_g(r0, ga0, g20)
    start_w(nw - 2, ga0, g20)
    wait_g(r1, ga1, g21)
    start_w(nw - 1, ga1, g21)
    wait_w(ga0, g20)
    wait_w(ga1, g21)


def _gather_rows(px, p2, row2, col2):
    return pl.kernel(
        _gather_rows_body,
        out_type=[
            jax.ShapeDtypeStruct((EP, 2 * HD), jnp.float32),
            jax.ShapeDtypeStruct((EP, 2 * HD), jnp.float32),
        ],
        mesh=_sc_mesh(),
        scratch_types=(
            [pltpu.VMEM((W,), jnp.int32)] * 6
            + [pltpu.VMEM((W, 2 * HD), jnp.float32)] * 6
            + [pltpu.SemaphoreType.DMA] * 5
        ),
    )(px, p2, row2, col2)



def _edge_mlp_body(ga_ref, g2_ref, c0row_ref, w0c_ref, b0_ref, w1_ref, b1_ref,
                   v_ref):
    hi = lax.Precision.HIGHEST
    c0 = jnp.dot(c0row_ref[...], w0c_ref[...], precision=hi,
                 preferred_element_type=jnp.float32) + b0_ref[...]
    h = jnp.maximum(ga_ref[:, :HD] + g2_ref[:, :HD] + c0, 0.0)
    z = jnp.dot(h, w1_ref[...], precision=hi,
                preferred_element_type=jnp.float32) + b1_ref[...]
    v_ref[...] = jax.nn.sigmoid(z)


def _edge_mlp(ga, g2, c0row, w0c, b0, w1, b1):
    be = 2560
    grid = EP // be
    return pl.pallas_call(
        _edge_mlp_body,
        grid=(grid,),
        in_specs=[
            pl.BlockSpec((be, 2 * HD), lambda i: (i, 0)),
            pl.BlockSpec((be, 2 * HD), lambda i: (i, 0)),
            pl.BlockSpec((1, 128), lambda i: (0, 0)),
            pl.BlockSpec((128, HD), lambda i: (0, 0)),
            pl.BlockSpec((1, HD), lambda i: (0, 0)),
            pl.BlockSpec((HD, 1), lambda i: (0, 0)),
            pl.BlockSpec((1, 1), lambda i: (0, 0)),
        ],
        out_specs=pl.BlockSpec((be, 1), lambda i: (i, 0)),
        out_shape=jax.ShapeDtypeStruct((EP, 1), jnp.float32),
    )(ga, g2, c0row, w0c, b0, w1, b1)



def _runid_body(k_ref, rid_ref, carry):
    step = pl.program_id(0)

    @pl.when(step == 0)
    def _():
        carry[0] = 0
        carry[1] = -1

    k = k_ref[...]
    rowhead = jnp.concatenate(
        [jnp.full((1, 1), carry[1], jnp.int32), k[:-1, -1:]], axis=0)
    prevk = jnp.concatenate([rowhead, k[:, :-1]], axis=1)
    f = (k != prevk).astype(jnp.float32)
    ci = lax.broadcasted_iota(jnp.int32, (512, 512), 0)
    cj = lax.broadcasted_iota(jnp.int32, (512, 512), 1)
    lower = (ci <= cj).astype(jnp.float32)
    cs = jnp.dot(f, lower, preferred_element_type=jnp.float32)
    rt = cs[:, -1:]
    ri = lax.broadcasted_iota(jnp.int32, (16, 16), 0)
    rj = lax.broadcasted_iota(jnp.int32, (16, 16), 1)
    strict = (rj < ri).astype(jnp.float32)
    ro = jnp.dot(strict, rt, preferred_element_type=jnp.float32)
    incl = cs + ro
    rid_ref[...] = carry[0] + incl.astype(jnp.int32) - 1
    carry[0] = carry[0] + incl[-1, -1].astype(jnp.int32)
    carry[1] = k[-1, -1]


def _run_ids(keys_sorted):
    k2 = keys_sorted.reshape(E2P // 512, 512)
    rid = pl.pallas_call(
        _runid_body,
        grid=(E2P // 8192,),
        in_specs=[pl.BlockSpec((16, 512), lambda i: (i, 0))],
        out_specs=pl.BlockSpec((16, 512), lambda i: (i, 0)),
        out_shape=jax.ShapeDtypeStruct((E2P // 512, 512), jnp.int32),
        scratch_shapes=[pltpu.SMEM((2,), jnp.int32)],
    )(k2)
    return rid.reshape(E2P)



def _run_tables_body(so2_hbm, rid2_hbm, val_hbm, adj_hbm,
                     vparts_hbm, aparts_hbm, ridbyo_hbm,
                     oa_v, ob_v, ra_v, rb_v, opa_v, opb_v,
                     va_v, vb_v, aa_v, ab_v, a2a_v, a2b_v, zero_v,
                     sgl, sgv, sga, sso, sad, vsum_sh, asum_sh):
    cid = lax.axis_index("c")
    sid = lax.axis_index("s")
    wid = sid * 2 + cid
    nw = E2PT // W

    @pl.loop(0, 2048, step=16)
    def _(j):
        zero_v[pl.ds(j, 16)] = jnp.zeros((16,), jnp.float32)

    zbase = sid * (E2P // 16)

    @pl.loop(0, E2P // 16, step=2048)
    def _(z):
        pltpu.sync_copy(zero_v, vsum_sh.at[pl.ds(zbase + z, 2048)])
        pltpu.sync_copy(zero_v, asum_sh.at[pl.ds(zbase + z, 2048)])

    rbase = wid * nw

    def start_l(wi, o_b, r_b):
        pltpu.async_copy(so2_hbm.at[rbase + wi], o_b, sgl)
        pltpu.async_copy(rid2_hbm.at[rbase + wi], r_b, sgl)

    def wait_l(o_b, r_b):
        pltpu.make_async_copy(so2_hbm.at[rbase], o_b, sgl).wait()
        pltpu.make_async_copy(rid2_hbm.at[rbase], r_b, sgl).wait()

    def comp_op(o_b, op_b):
        @pl.loop(0, W, step=16)
        def _(j):
            ov = o_b[pl.ds(j, 16)]
            opv = jnp.where(ov < NE, ov, ov - NE)
            op_b[pl.ds(j, 16)] = jnp.minimum(opv, NE - 1)

    def start_g(op_b, v_b, a_b):
        pltpu.async_copy(val_hbm.at[op_b], v_b, sgv)
        pltpu.async_copy(adj_hbm.at[op_b], a_b, sga)

    def wait_g(op_b, v_b, a_b):
        pltpu.make_async_copy(val_hbm.at[op_b], v_b, sgv).wait()
        pltpu.make_async_copy(adj_hbm.at[op_b], a_b, sga).wait()

    def process(o_b, r_b, v_b, a_b, a2_b):
        @pl.loop(0, W, step=16)
        def _(j):
            orig = o_b[pl.ds(j, 16)] < NE
            a2_b[pl.ds(j, 16)] = jnp.where(orig, a_b[pl.ds(j, 16)], 0.0)

        pltpu.async_copy(v_b, vsum_sh.at[r_b], sad, add=True)
        pltpu.async_copy(a2_b, asum_sh.at[r_b], sad, add=True)
        pltpu.async_copy(r_b, ridbyo_hbm.at[o_b], sso)

    def wait_adds(o_b, r_b, v_b, a2_b):
        pltpu.make_async_copy(v_b, vsum_sh.at[r_b], sad).wait()
        pltpu.make_async_copy(a2_b, asum_sh.at[r_b], sad).wait()
        pltpu.make_async_copy(r_b, ridbyo_hbm.at[o_b], sso).wait()

    plsc.subcore_barrier()

    start_l(0, oa_v, ra_v)

    @pl.loop(0, nw, step=2)
    def _(w):
        wait_l(oa_v, ra_v)
        start_l(w + 1, ob_v, rb_v)
        comp_op(oa_v, opa_v)
        start_g(opa_v, va_v, aa_v)
        wait_l(ob_v, rb_v)
        comp_op(ob_v, opb_v)
        start_g(opb_v, vb_v, ab_v)
        wait_g(opa_v, va_v, aa_v)
        process(oa_v, ra_v, va_v, aa_v, a2a_v)
        wait_g(opb_v, vb_v, ab_v)
        process(ob_v, rb_v, vb_v, ab_v, a2b_v)
        wait_adds(oa_v, ra_v, va_v, a2a_v)
        wait_adds(ob_v, rb_v, vb_v, a2b_v)

        @pl.when(w + 2 < nw)
        def _():
            start_l(w + 2, oa_v, ra_v)

    plsc.subcore_barrier()

    dbase = sid * (E2P // 16)
    obase = cid * E2P + dbase

    @pl.loop(0, E2P // 16, step=2048)
    def _(z):
        pltpu.sync_copy(vsum_sh.at[pl.ds(dbase + z, 2048)],
                        vparts_hbm.at[pl.ds(obase + z, 2048)])
        pltpu.sync_copy(asum_sh.at[pl.ds(dbase + z, 2048)],
                        aparts_hbm.at[pl.ds(obase + z, 2048)])


def _run_tables(so2, rid2, values, adj_data):
    return pl.kernel(
        _run_tables_body,
        out_type=[
            jax.ShapeDtypeStruct((2 * E2P,), jnp.float32),
            jax.ShapeDtypeStruct((2 * E2P,), jnp.float32),
            jax.ShapeDtypeStruct((E2P,), jnp.int32),
        ],
        mesh=_sc_mesh(),
        scratch_types=(
            [pltpu.VMEM((W,), jnp.int32)] * 6
            + [pltpu.VMEM((W,), jnp.float32)] * 6
            + [pltpu.VMEM((2048,), jnp.float32),
               pltpu.SemaphoreType.DMA,
               pltpu.SemaphoreType.DMA,
               pltpu.SemaphoreType.DMA,
               pltpu.SemaphoreType.DMA,
               pltpu.SemaphoreType.DMA,
               pltpu.VMEM_SHARED((E2P,), jnp.float32),
               pltpu.VMEM_SHARED((E2P,), jnp.float32)]
        ),
    )(so2, rid2, values, adj_data)



def _merge_body(v0, v1, a0, a1, vo_ref, ao_ref):
    vo_ref[...] = v0[...] + v1[...]
    ao_ref[...] = a0[...] + a1[...]


def _merge_tables(vparts, aparts):
    r = E2P // 512
    br = 128
    sl = lambda t, i: t[i * E2P:(i + 1) * E2P].reshape(r, 512)
    ins = [sl(vparts, 0), sl(vparts, 1), sl(aparts, 0), sl(aparts, 1)]
    outs = pl.pallas_call(
        _merge_body,
        grid=(r // br,),
        in_specs=[pl.BlockSpec((br, 512), lambda i: (i, 0))] * 4,
        out_specs=[pl.BlockSpec((br, 512), lambda i: (i, 0))] * 2,
        out_shape=[jax.ShapeDtypeStruct((r, 512), jnp.float32)] * 2,
    )(*ins)
    return tuple(o.reshape(E2P) for o in outs)



def _gather_runsums_body(rb2_hbm, vsum_hbm, asum_hbm,
                         vse_hbm, ase_hbm,
                         idx_v, v0, v1, a0, a1, sg, sw):
    wid = _wid()
    nw = EPT // W
    pltpu.sync_copy(rb2_hbm.at[pl.ds(wid * nw, nw)], idx_v)
    base0 = wid * EPT

    def start_g(wi, vb, ab):
        pltpu.async_copy(vsum_hbm.at[idx_v.at[wi]], vb, sg)
        pltpu.async_copy(asum_hbm.at[idx_v.at[wi]], ab, sg)

    def wait_g(vb, ab):
        pltpu.make_async_copy(vsum_hbm.at[idx_v.at[0]], vb, sg).wait()
        pltpu.make_async_copy(asum_hbm.at[idx_v.at[0]], ab, sg).wait()

    def start_w(wi, vb, ab):
        d = pl.ds(base0 + wi * W, W)
        pltpu.async_copy(vb, vse_hbm.at[d], sw)
        pltpu.async_copy(ab, ase_hbm.at[d], sw)

    def wait_w(vb, ab):
        d = pl.ds(base0, W)
        pltpu.make_async_copy(vb, vse_hbm.at[d], sw).wait()
        pltpu.make_async_copy(ab, ase_hbm.at[d], sw).wait()

    start_g(0, v0, a0)

    @pl.loop(0, nw, step=2)
    def _(w):
        wait_g(v0, a0)
        start_g(w + 1, v1, a1)
        start_w(w, v0, a0)
        wait_g(v1, a1)
        wait_w(v0, a0)

        @pl.when(w + 2 < nw)
        def _():
            start_g(w + 2, v0, a0)

        start_w(w + 1, v1, a1)
        wait_w(v1, a1)


def _gather_runsums(rb2, vsum, asum):
    return pl.kernel(
        _gather_runsums_body,
        out_type=[jax.ShapeDtypeStruct((EP,), jnp.float32)] * 2,
        mesh=_sc_mesh(),
        scratch_types=[
            pltpu.VMEM((EPT // W, W), jnp.int32),
            pltpu.VMEM((W,), jnp.float32),
            pltpu.VMEM((W,), jnp.float32),
            pltpu.VMEM((W,), jnp.float32),
            pltpu.VMEM((W,), jnp.float32),
            pltpu.SemaphoreType.DMA,
            pltpu.SemaphoreType.DMA,
        ],
    )(rb2, vsum, asum)



def _scale_body(g_ref, row_ref, col_ref, ad_ref, vs_ref, as_ref,
                nid_ref, gcu_ref, tv_ref, tuv_ref):
    vs = vs_ref[...]
    asum = as_ref[...]
    row = row_ref[...]
    col = col_ref[...]
    nd = (row != col).astype(jnp.float32)
    ad = ad_ref[...]
    c = ad * vs * 0.5 * nd
    u = jnp.where((asum != 0.0) & (vs != 0.0),
                  nd * ad / jnp.where(asum != 0.0, asum, 1.0), 0.0)
    g = g_ref[:, HD:]
    gcu_ref[:, :HD] = g * c
    gcu_ref[:, HD:] = g * (u - c)
    isnid = (col == nid_ref[0, 0]).astype(jnp.float32)
    tv_ref[...] = c * isnid
    tuv_ref[...] = (u - c) * isnid


def _scale_messages(ga, rowp, colp, adjp, vse, ase, nid):
    be = 2560
    grid = EP // be
    col1 = lambda a: a.reshape(EP, 1)
    outs = pl.pallas_call(
        _scale_body,
        grid=(grid,),
        in_specs=[
            pl.BlockSpec((be, 2 * HD), lambda i: (i, 0)),
            pl.BlockSpec((be, 1), lambda i: (i, 0)),
            pl.BlockSpec((be, 1), lambda i: (i, 0)),
            pl.BlockSpec((be, 1), lambda i: (i, 0)),
            pl.BlockSpec((be, 1), lambda i: (i, 0)),
            pl.BlockSpec((be, 1), lambda i: (i, 0)),
            pl.BlockSpec((1, 1), lambda i: (0, 0)),
        ],
        out_specs=[
            pl.BlockSpec((be, 2 * HD), lambda i: (i, 0)),
            pl.BlockSpec((be, 1), lambda i: (i, 0)),
            pl.BlockSpec((be, 1), lambda i: (i, 0)),
        ],
        out_shape=[
            jax.ShapeDtypeStruct((EP, 2 * HD), jnp.float32),
            jax.ShapeDtypeStruct((EP, 1), jnp.float32),
            jax.ShapeDtypeStruct((EP, 1), jnp.float32),
        ],
    )(ga, col1(rowp.astype(jnp.float32)), col1(colp.astype(jnp.float32)),
      col1(adjp), col1(vse), col1(ase),
      jnp.full((1, 1), nid, jnp.float32))
    return outs



def _scatter_rows_body(gcu_hbm, tv2_hbm, tuv2_hbm, row2_hbm, col2_hbm,
                       accu_hbm, t_hbm, tu_hbm,
                       ic0, ic1, ir0, ir1, tb0, tb1, ub0, ub1,
                       r0, r1, zrow_v, zflat_v,
                       sg, accu_sh, t_sh, tu_sh):
    cid = lax.axis_index("c")
    sid = lax.axis_index("s")
    wid = sid * 2 + cid
    nw = EPT // W

    @pl.loop(0, 16)
    def _(r):
        @pl.loop(0, 2 * HD, step=16)
        def _(j):
            zrow_v[r, pl.ds(j, 16)] = jnp.zeros((16,), jnp.float32)

    @pl.loop(0, 2048, step=16)
    def _(j):
        zflat_v[pl.ds(j, 16)] = jnp.zeros((16,), jnp.float32)

    zr = sid * 624
    zn = jnp.where(sid == 15, 640, 624)

    @pl.loop(0, 640, step=16)
    def _(z):
        @pl.when(z < zn)
        def _():
            pltpu.sync_copy(zrow_v, accu_sh.at[pl.ds(zr + z, 16)])

    @pl.when(sid == 0)
    def _():
        @pl.loop(0, NT, step=2048)
        def _(z):
            pltpu.sync_copy(zflat_v, t_sh.at[pl.ds(z, 2048)])
            pltpu.sync_copy(zflat_v, tu_sh.at[pl.ds(z, 2048)])

    rbase = wid * nw
    base0 = wid * EPT

    def start_l(wi, rb, ic, ir, tb, ub):
        pltpu.async_copy(gcu_hbm.at[pl.ds(base0 + wi * W, W)], rb, sg)
        pltpu.async_copy(col2_hbm.at[rbase + wi], ic, sg)
        pltpu.async_copy(row2_hbm.at[rbase + wi], ir, sg)
        pltpu.async_copy(tv2_hbm.at[rbase + wi], tb, sg)
        pltpu.async_copy(tuv2_hbm.at[rbase + wi], ub, sg)

    def wait_l(rb, ic, ir, tb, ub):
        pltpu.make_async_copy(gcu_hbm.at[pl.ds(base0, W)], rb, sg).wait()
        pltpu.make_async_copy(col2_hbm.at[rbase], ic, sg).wait()
        pltpu.make_async_copy(row2_hbm.at[rbase], ir, sg).wait()
        pltpu.make_async_copy(tv2_hbm.at[rbase], tb, sg).wait()
        pltpu.make_async_copy(tuv2_hbm.at[rbase], ub, sg).wait()

    def process(rb, ic, ir, tb, ub):
        pltpu.sync_copy(rb, accu_sh.at[ic], add=True)
        pltpu.sync_copy(tb, t_sh.at[ir], add=True)
        pltpu.sync_copy(ub, tu_sh.at[ir], add=True)

    plsc.subcore_barrier()

    start_l(0, r0, ic0, ir0, tb0, ub0)

    @pl.loop(0, nw, step=2)
    def _(w):
        wait_l(r0, ic0, ir0, tb0, ub0)
        start_l(w + 1, r1, ic1, ir1, tb1, ub1)
        process(r0, ic0, ir0, tb0, ub0)
        wait_l(r1, ic1, ir1, tb1, ub1)

        @pl.when(w + 2 < nw)
        def _():
            start_l(w + 2, r0, ic0, ir0, tb0, ub0)

        process(r1, ic1, ir1, tb1, ub1)

    plsc.subcore_barrier()

    @pl.loop(0, 640, step=16)
    def _(z):
        @pl.when(z < zn)
        def _():
            pltpu.sync_copy(accu_sh.at[pl.ds(zr + z, 16)],
                            accu_hbm.at[pl.ds(cid * NN + zr + z, 16)])

    @pl.when(sid == 0)
    def _():
        pltpu.sync_copy(t_sh, t_hbm.at[pl.ds(cid * NT, NT)])
        pltpu.sync_copy(tu_sh, tu_hbm.at[pl.ds(cid * NT, NT)])


def _scatter_rows(gcu, tv2, tuv2, row2, col2):
    return pl.kernel(
        _scatter_rows_body,
        out_type=[
            jax.ShapeDtypeStruct((2 * NN, 2 * HD), jnp.float32),
            jax.ShapeDtypeStruct((2 * NT,), jnp.float32),
            jax.ShapeDtypeStruct((2 * NT,), jnp.float32),
        ],
        mesh=_sc_mesh(),
        scratch_types=(
            [pltpu.VMEM((W,), jnp.int32)] * 4
            + [pltpu.VMEM((W,), jnp.float32)] * 4
            + [pltpu.VMEM((W, 2 * HD), jnp.float32)] * 2
            + [pltpu.VMEM((16, 2 * HD), jnp.float32),
               pltpu.VMEM((2048,), jnp.float32),
               pltpu.SemaphoreType.DMA,
               pltpu.VMEM_SHARED((NN, 2 * HD), jnp.float32),
               pltpu.VMEM_SHARED((NT,), jnp.float32),
               pltpu.VMEM_SHARED((NT,), jnp.float32)]
        ),
    )(gcu, tv2, tuv2, row2, col2)



def _final_body(accu_ref, t_ref, tu_ref, wg2_ref, out_ref):
    acc = accu_ref[:NN] + accu_ref[NN:]
    h1 = jnp.maximum(acc[:, :HD], 0.0)
    h1cf = jnp.maximum(acc[:, HD:], 0.0)
    t = t_ref[0:1, :NN] + t_ref[1:2, :NN]
    tu = tu_ref[0:1, :NN] + tu_ref[1:2, :NN]
    hi = lax.Precision.HIGHEST
    z1 = jnp.dot(jnp.dot(t, h1, precision=hi,
                         preferred_element_type=jnp.float32),
                 wg2_ref[...], precision=hi,
                 preferred_element_type=jnp.float32)
    z2 = jnp.dot(jnp.dot(tu, h1cf, precision=hi,
                         preferred_element_type=jnp.float32),
                 wg2_ref[...], precision=hi,
                 preferred_element_type=jnp.float32)
    z = jnp.concatenate([z1, z2], axis=0)
    z = z - jnp.max(z, axis=1, keepdims=True)
    ez = jnp.exp(z)
    out_ref[...] = ez / jnp.sum(ez, axis=1, keepdims=True)


def _final(accu_parts, t_parts, tu_parts, wg2):
    return pl.pallas_call(
        _final_body,
        in_specs=[
            pl.BlockSpec((2 * NN, 2 * HD), lambda: (0, 0)),
            pl.BlockSpec((2, NT), lambda: (0, 0)),
            pl.BlockSpec((2, NT), lambda: (0, 0)),
            pl.BlockSpec((HD, 7), lambda: (0, 0)),
        ],
        out_specs=pl.BlockSpec((2, 7), lambda: (0, 0)),
        out_shape=jax.ShapeDtypeStruct((2, 7), jnp.float32),
    )(accu_parts, t_parts.reshape(2, NT), tu_parts.reshape(2, NT), wg2)



def kernel(x, adj_row, adj_col, adj_data, embed, W0, b0, W1, b1, Wg1, Wg2,
           nodeid, tmp):
    adj_row = adj_row.astype(jnp.int32)
    adj_col = adj_col.astype(jnp.int32)
    nid = jnp.asarray(nodeid, jnp.int32)

    pad_e = EP - NE
    rowp = jnp.concatenate([adj_row, jnp.zeros((pad_e,), jnp.int32)])
    colp = jnp.concatenate([adj_col, jnp.zeros((pad_e,), jnp.int32)])
    adjp = jnp.concatenate([adj_data, jnp.zeros((pad_e,), jnp.float32)])

    keys2 = jnp.concatenate([
        adj_row * NN + adj_col,
        adj_col * NN + adj_row,
        jnp.full((E2P - NE2,), jnp.iinfo(jnp.int32).max, jnp.int32),
    ])
    o2 = jnp.arange(E2P, dtype=jnp.int32)
    keys_sorted, so = lax.sort((keys2, o2), num_keys=1)

    w0a = W0[:128]
    w0b = W0[128:256]
    w0c = W0[256:]
    px, p2 = _projections(embed, x, w0a, w0b, Wg1)

    row2 = rowp.reshape(EP // W, W)
    col2 = colp.reshape(EP // W, W)
    ga, g2 = _gather_rows(px, p2, row2, col2)
    c0row = lax.dynamic_slice(embed, (nid, 0), (1, 128))
    values = _edge_mlp(ga, g2, c0row, w0c, b0.reshape(1, HD),
                       W1, b1.reshape(1, 1)).reshape(EP)

    rid = _run_ids(keys_sorted)
    vparts, aparts, ridbyo = _run_tables(
        so.reshape(E2P // W, W), rid.reshape(E2P // W, W), values, adjp)
    vsum, asum = _merge_tables(vparts, aparts)

    vse, ase = _gather_runsums(ridbyo.reshape(E2P // W, W), vsum, asum)
    gcu, tv, tuv = _scale_messages(ga, rowp, colp, adjp, vse, ase, nid)
    accu_parts, t_parts, tu_parts = _scatter_rows(
        gcu, tv.reshape(EP // W, W), tuv.reshape(EP // W, W), row2, col2)

    return _final(accu_parts, t_parts, tu_parts, Wg2)

# --- scband reference (transcript-rebuilt; emitter-appended) ---
"""Pipeline reference for scband-explainer-mo-85040352461204 (READ-ONLY COPY).

The authoritative reference and input builder live on the scoring server;
editing this copy changes nothing except your own understanding.
"""

import jax, jax.numpy as jnp
import numpy as np

N = 10000       # n_nodes
E = 320000      # n_edges
D = 128         # node feature dim (d_feat)
H = 128         # hidden1 (embed dim)
C = 7           # num classes of surrogate GNN model


def setup_inputs(seed: int = 0) -> dict:
    key = jax.random.key(seed)
    ks = jax.random.split(key, 12)
    x = jax.random.normal(ks[0], (N, D), dtype=jnp.float32)
    adj_row = jax.random.randint(ks[1], (E,), 0, N)
    adj_col = jax.random.randint(ks[2], (E,), 0, N)
    adj_data = jax.random.uniform(ks[3], (E,), dtype=jnp.float32)
    embed = jax.random.normal(ks[4], (N, H), dtype=jnp.float32) * 0.1
    # explainer elayers: Linear(3H, 64) -> ReLU -> Linear(64, 1)
    W0 = jax.random.normal(ks[5], (3 * H, 64), dtype=jnp.float32) * 0.05
    b0 = jnp.zeros((64,), dtype=jnp.float32)
    W1 = jax.random.normal(ks[6], (64, 1), dtype=jnp.float32) * 0.05
    b1 = jnp.zeros((1,), dtype=jnp.float32)
    # surrogate 2-layer edge-weighted GCN standing in for self.model (_edge_mask message passing)
    Wg1 = jax.random.normal(ks[7], (D, 64), dtype=jnp.float32) * 0.05
    Wg2 = jax.random.normal(ks[8], (64, C), dtype=jnp.float32) * 0.05
    return {
        'x': x, 'adj_row': adj_row, 'adj_col': adj_col, 'adj_data': adj_data,
        'embed': embed, 'W0': W0, 'b0': b0, 'W1': W1, 'b1': b1,
        'Wg1': Wg1, 'Wg2': Wg2, 'nodeid': 0, 'tmp': 1,
    }


def _edge_values(embed, nodeid, adj_row, adj_col, W0, b0, W1, b1):
    f1 = embed[adj_row]
    f2 = embed[adj_col]
    selfemb = jnp.broadcast_to(embed[nodeid][None, :], f1.shape)
    h = jnp.concatenate([f1, f2, selfemb], axis=-1)
    h = jax.nn.relu(h @ W0 + b0)
    h = h @ W1 + b1
    return jnp.reshape(h, (-1,))


def _masked_adj_dense(values, adj_row, adj_col, adj_data):
    # sparse_coo coalesce -> dense == scatter-add into dense
    mask = jnp.zeros((N, N), jnp.float32).at[adj_row, adj_col].add(values)
    sym_mask = (mask + mask.T) / 2.0
    adj = jnp.zeros((N, N), jnp.float32).at[adj_row, adj_col].add(adj_data)
    masked_adj = adj * sym_mask
    ii = jnp.arange(N)
    masked_adj = masked_adj.at[ii, ii].set(0.0)  # == mul by (ones - eye)
    return masked_adj


def _gcn(xf, src, dst, edge_w, Wg1, Wg2):
    def agg(v):
        return jax.ops.segment_sum(edge_w[:, None] * v[src], dst, num_segments=N)
    h1 = jax.nn.relu(agg(xf) @ Wg1)
    return agg(h1) @ Wg2


def reference(x, adj_row, adj_col, adj_data, embed, W0, b0, W1, b1, Wg1, Wg2, nodeid, tmp):
    # training=False path: concrete_sample is just sigmoid(log_alpha); tmp (beta) unused
    values = jax.nn.sigmoid(_edge_values(embed, nodeid, adj_row, adj_col, W0, b0, W1, b1))
    masked_adj = _masked_adj_dense(values, adj_row, adj_col, adj_data)
    # dense_to_sparse: masked_adj can only be nonzero at (adj_row, adj_col) or the
    # transposed positions, so enumerate that fixed-size candidate set, sorted into
    # the row-major order nonzero() yields, with duplicates and zeros masked out.
    src = jnp.concatenate([adj_row, adj_col])
    dst = jnp.concatenate([adj_col, adj_row])
    flat = src * N + dst
    order = jnp.argsort(flat)
    src = src[order]
    dst = dst[order]
    flat = flat[order]
    first = jnp.concatenate([jnp.ones((1,), dtype=bool), flat[1:] != flat[:-1]])
    w = masked_adj[src, dst]
    valid = first & (w != 0.0)
    edge_mask = jnp.where(valid, w, 0.0)
    out = _gcn(x, src, dst, edge_mask, Wg1, Wg2)
    res = jax.nn.softmax(out[nodeid])
    out_cf = _gcn(x, src, dst, jnp.where(valid, 1.0 - edge_mask, 0.0), Wg1, Wg2)
    cf_res = jax.nn.softmax(out_cf[nodeid])
    return jnp.stack([res, cf_res])

if __name__ == "__main__":
    import jax
    _d = setup_inputs()
    print(jax.jit(kernel)(*tuple(_d.values())))

</pallas_src>

<mosaic_0001>
#map = affine_map<(d0, d1) -> (0, 0)>
#map1 = affine_map<(d0, d1) -> (0)>
module attributes {stable_mosaic.version = 14 : i64} {
  func.func @_run_tables_body(%arg0: i32, %arg1: i32, %arg2: memref<5120x128xi32, #tpu.memory_space<hbm>>, %arg3: memref<5120x128xi32, #tpu.memory_space<hbm>>, %arg4: memref<327680xf32, #tpu.memory_space<hbm>>, %arg5: memref<327680xf32, #tpu.memory_space<hbm>>, %arg6: memref<1310720xf32, #tpu.memory_space<hbm>>, %arg7: memref<1310720xf32, #tpu.memory_space<hbm>>, %arg8: memref<655360xi32, #tpu.memory_space<hbm>>, %arg9: memref<128xi32, #tpu.memory_space<vmem>>, %arg10: memref<128xi32, #tpu.memory_space<vmem>>, %arg11: memref<128xi32, #tpu.memory_space<vmem>>, %arg12: memref<128xi32, #tpu.memory_space<vmem>>, %arg13: memref<128xi32, #tpu.memory_space<vmem>>, %arg14: memref<128xi32, #tpu.memory_space<vmem>>, %arg15: memref<128xf32, #tpu.memory_space<vmem>>, %arg16: memref<128xf32, #tpu.memory_space<vmem>>, %arg17: memref<128xf32, #tpu.memory_space<vmem>>, %arg18: memref<128xf32, #tpu.memory_space<vmem>>, %arg19: memref<128xf32, #tpu.memory_space<vmem>>, %arg20: memref<128xf32, #tpu.memory_space<vmem>>, %arg21: memref<2048xf32, #tpu.memory_space<vmem>>, %arg22: memref<!tpu.dma_semaphore, #tpu.memory_space<semaphore_mem>>, %arg23: memref<!tpu.dma_semaphore, #tpu.memory_space<semaphore_mem>>, %arg24: memref<!tpu.dma_semaphore, #tpu.memory_space<semaphore_mem>>, %arg25: memref<!tpu.dma_semaphore, #tpu.memory_space<semaphore_mem>>, %arg26: memref<!tpu.dma_semaphore, #tpu.memory_space<semaphore_mem>>, %arg27: memref<655360xf32, #tpu.memory_space<vmem_shared>>, %arg28: memref<655360xf32, #tpu.memory_space<vmem_shared>>) attributes {dimension_semantics = [#tpu.dimension_semantics<core_parallel>, #tpu.dimension_semantics<subcore_parallel>], iteration_bounds = array<i64: 2, 16>, scalar_prefetch = 0 : i64, scratch_operands = 20 : i64, tpu.core_type = #tpu.core_type<sc_vector_subcore>, window_params = [{transform_indices = #map}, {transform_indices = #map}, {transform_indices = #map1}, {transform_indices = #map1}, {transform_indices = #map1}, {transform_indices = #map1}, {transform_indices = #map1}]} {
    %mul3A = arith.constant 2 : i32
    %mul3A_0 = arith.muli %arg1, %mul3A : i32
    %add3A = arith.addi %mul3A_0, %arg0 : i32
    %scan3A = arith.constant 0 : i32
    %scan3A_1 = arith.constant 128 : i32
    %scan3A_2 = arith.addi %scan3A, %scan3A_1 : i32
    %scan3A_3 = arith.constant 1 : i32
    scf.for %scan3A_45 = %scan3A to %scan3A_2 step %scan3A_3  : i32 {
      %mul3A_46 = arith.constant 16 : i32
      %mul3A_47 = arith.muli %scan3A_45, %mul3A_46 : i32
      %add3A_48 = arith.constant 0 : i32
      %add3A_49 = arith.addi %add3A_48, %mul3A_47 : i32
      %broadcast_in_dim3A = arith.constant 0.000000e+00 : f32
      %broadcast_in_dim3A_50 = vector.broadcast %broadcast_in_dim3A : f32 to vector<16xf32>
      %swap3A = arith.index_cast %add3A_49 : i32 to index
      %swap3A_51 = tpu.vector_load %arg21[%swap3A] {strides = array<i32>} : memref<2048xf32, #tpu.memory_space<vmem>>, vector<16xf32>,
      %swap3A_52 = vector.shape_cast %swap3A_51 : vector<16xf32> to vector<16xf32>
      %swap3A_53 = vector.shape_cast %broadcast_in_dim3A_50 : vector<16xf32> to vector<16xf32>
      tpu.vector_store %arg21[%swap3A], %swap3A_53 {strides = array<i32>} : memref<2048xf32, #tpu.memory_space<vmem>>, vector<16xf32>,
    }
    %scan3A_4 = arith.constant 128 : i32
    %mul3A_5 = arith.constant 40960 : i32
    %mul3A_6 = arith.muli %arg1, %mul3A_5 : i32
    %scan3A_7 = arith.constant 0 : i32
    %scan3A_8 = arith.constant 20 : i32
    %scan3A_9 = arith.addi %scan3A_7, %scan3A_8 : i32
    %scan3A_10 = arith.constant 1 : i32
    scf.for %scan3A_45 = %scan3A_7 to %scan3A_9 step %scan3A_10  : i32 {
      %mul3A_46 = arith.constant 2048 : i32
      %mul3A_47 = arith.muli %scan3A_45, %mul3A_46 : i32
      %add3A_48 = arith.constant 0 : i32
      %add3A_49 = arith.addi %add3A_48, %mul3A_47 : i32
      %add3A_50 = arith.addi %mul3A_6, %add3A_49 : i32
      "tpu.region"() ({
        %run_scoped3A = tpu.sem_alloc : memref<!tpu.dma_semaphore, #tpu.memory_space<semaphore_mem>>
        %dma_start3A_52 = tpu.memref_slice %arg27[%add3A_50] : memref<655360xf32, #tpu.memory_space<vmem_shared>> -> memref<2048xf32, #tpu.memory_space<vmem_shared>>
        %dma_start3A_53 = tpu.memref_slice %arg27[%add3A_50] : memref<655360xf32, #tpu.memory_space<vmem_shared>> -> memref<2048xf32, #tpu.memory_space<vmem_shared>>
        tpu.enqueue_dma source(%arg21 : memref<2048xf32, #tpu.memory_space<vmem>>) target(%dma_start3A_53 : memref<2048xf32, #tpu.memory_space<vmem_shared>>) target_semaphore(%run_scoped3A : memref<!tpu.dma_semaphore, #tpu.memory_space<semaphore_mem>>)
        %dma_wait3A = tpu.memref_slice %arg27[%add3A_50] : memref<655360xf32, #tpu.memory_space<vmem_shared>> -> memref<2048xf32, #tpu.memory_space<vmem_shared>>
        %dma_wait3A_54 = tpu.memref_slice %arg27[%add3A_50] : memref<655360xf32, #tpu.memory_space<vmem_shared>> -> memref<2048xf32, #tpu.memory_space<vmem_shared>>
        tpu.wait_dma2 semaphore(%run_scoped3A : memref<!tpu.dma_semaphore, #tpu.memory_space<semaphore_mem>>) src(%arg21 : memref<2048xf32, #tpu.memory_space<vmem>>) dst(%dma_wait3A_54 : memref<2048xf32, #tpu.memory_space<vmem_shared>>)
        tpu.yield
      }) : () -> ()
      %add3A_51 = arith.addi %mul3A_6, %add3A_49 : i32
      "tpu.region"() ({
        %run_scoped3A = tpu.sem_alloc : memref<!tpu.dma_semaphore, #tpu.memory_space<semaphore_mem>>
        %dma_start3A_52 = tpu.memref_slice %arg28[%add3A_51] : memref<655360xf32, #tpu.memory_space<vmem_shared>> -> memref<2048xf32, #tpu.memory_space<vmem_shared>>
        %dma_start3A_53 = tpu.memref_slice %arg28[%add3A_51] : memref<655360xf32, #tpu.memory_space<vmem_shared>> -> memref<2048xf32, #tpu.memory_space<vmem_shared>>
        tpu.enqueue_dma source(%arg21 : memref<2048xf32, #tpu.memory_space<vmem>>) target(%dma_start3A_53 : memref<2048xf32, #tpu.memory_space<vmem_shared>>) target_semaphore(%run_scoped3A : memref<!tpu.dma_semaphore, #tpu.memory_space<semaphore_mem>>)
        %dma_wait3A = tpu.memref_slice %arg28[%add3A_51] : memref<655360xf32, #tpu.memory_space<vmem_shared>> -> memref<2048xf32, #tpu.memory_space<vmem_shared>>
        %dma_wait3A_54 = tpu.memref_slice %arg28[%add3A_51] : memref<655360xf32, #tpu.memory_space<vmem_shared>> -> memref<2048xf32, #tpu.memory_space<vmem_shared>>
        tpu.wait_dma2 semaphore(%run_scoped3A : memref<!tpu.dma_semaphore, #tpu.memory_space<semaphore_mem>>) src(%arg21 : memref<2048xf32, #tpu.memory_space<vmem>>) dst(%dma_wait3A_54 : memref<2048xf32, #tpu.memory_space<vmem_shared>>)
        tpu.yield
      }) : () -> ()
    }
    %scan3A_11 = arith.constant 20 : i32
    %mul3A_12 = arith.constant 160 : i32
    %mul3A_13 = arith.muli %add3A, %mul3A_12 : i32
    %barrier3A = arith.constant 0 : index
    tpu.barrier barrier_id(%barrier3A)
    %add3A_14 = arith.constant 0 : i32
    %add3A_15 = arith.addi %mul3A_13, %add3A_14 : i32
    %dma_start3A = arith.constant 0 : i32
    %dma_start3A_16 = tpu.memref_slice %arg2[%add3A_15, %dma_start3A] : memref<5120x128xi32, #tpu.memory_space<hbm>> -> memref<1x128xi32, #tpu.memory_space<hbm>>
    %dma_start3A_17 = tpu.memref_squeeze %dma_start3A_16 : memref<1x128xi32, #tpu.memory_space<hbm>> -> memref<128xi32, #tpu.memory_space<hbm>>
    %dma_start3A_18 = arith.constant 0 : i32
    %dma_start3A_19 = tpu.memref_slice %arg2[%add3A_15, %dma_start3A_18] : memref<5120x128xi32, #tpu.memory_space<hbm>> -> memref<1x128xi32, #tpu.memory_space<hbm>>
    %dma_start3A_20 = tpu.memref_squeeze %dma_start3A_19 : memref<1x128xi32, #tpu.memory_space<hbm>> -> memref<128xi32, #tpu.memory_space<hbm>>
    tpu.enqueue_dma source(%dma_start3A_20 : memref<128xi32, #tpu.memory_space<hbm>>) target(%arg9 : memref<128xi32, #tpu.memory_space<vmem>>) target_semaphore(%arg22 : memref<!tpu.dma_semaphore, #tpu.memory_space<semaphore_mem>>)
    %add3A_21 = arith.constant 0 : i32
    %add3A_22 = arith.addi %mul3A_13, %add3A_21 : i32
    %dma_start3A_23 = arith.constant 0 : i32
    %dma_start3A_24 = tpu.memref_slice %arg3[%add3A_22, %dma_start3A_23] : memref<5120x128xi32, #tpu.memory_space<hbm>> -> memref<1x128xi32, #tpu.memory_space<hbm>>
    %dma_start3A_25 = tpu.memref_squeeze %dma_start3A_24 : memref<1x128xi32, #tpu.memory_space<hbm>> -> memref<128xi32, #tpu.memory_space<hbm>>
    %dma_start3A_26 = arith.constant 0 : i32
    %dma_start3A_27 = tpu.memref_slice %arg3[%add3A_22, %dma_start3A_26] : memref<5120x128xi32, #tpu.memory_space<hbm>> -> memref<1x128xi32, #tpu.memory_space<hbm>>
    %dma_start3A_28 = tpu.memref_squeeze %dma_start3A_27 : memref<1x128xi32, #tpu.memory_space<hbm>> -> memref<128xi32, #tpu.memory_space<hbm>>
    tpu.enqueue_dma source(%dma_start3A_28 : memref<128xi32, #tpu.memory_space<hbm>>) target(%arg11 : memref<128xi32, #tpu.memory_space<vmem>>) target_semaphore(%arg22 : memref<!tpu.dma_semaphore, #tpu.memory_space<semaphore_mem>>)
    %scan3A_29 = arith.constant 0 : i32
    %scan3A_30 = arith.constant 80 : i32
    %scan3A_31 = arith.addi %scan3A_29, %scan3A_30 : i32
    %scan3A_32 = arith.constant 1 : i32
    scf.for %scan3A_45 = %scan3A_29 to %scan3A_31 step %scan3A_32  : i32 {
      %mul3A_46 = arith.constant 2 : i32
      %mul3A_47 = arith.muli %scan3A_45, %mul3A_46 : i32
      %add3A_48 = arith.constant 0 : i32
      %add3A_49 = arith.addi %add3A_48, %mul3A_47 : i32
      %dma_wait3A = arith.constant 0 : i32
      %dma_wait3A_50 = tpu.memref_slice %arg2[%mul3A_13, %dma_wait3A] : memref<5120x128xi32, #tpu.memory_space<hbm>> -> memref<1x128xi32, #tpu.memory_space<hbm>>
      %dma_wait3A_51 = tpu.memref_squeeze %dma_wait3A_50 : memref<1x128xi32, #tpu.memory_space<hbm>> -> memref<128xi32, #tpu.memory_space<hbm>>
      %dma_wait3A_52 = arith.constant 0 : i32
      %dma_wait3A_53 = tpu.memref_slice %arg2[%mul3A_13, %dma_wait3A_52] : memref<5120x128xi32, #tpu.memory_space<hbm>> -> memref<1x128xi32, #tpu.memory_space<hbm>>
      %dma_wait3A_54 = tpu.memref_squeeze %dma_wait3A_53 : memref<1x128xi32, #tpu.memory_space<hbm>> -> memref<128xi32, #tpu.memory_space<hbm>>
      tpu.wait_dma2 semaphore(%arg22 : memref<!tpu.dma_semaphore, #tpu.memory_space<semaphore_mem>>) src(%dma_wait3A_54 : memref<128xi32, #tpu.memory_space<hbm>>) dst(%arg9 : memref<128xi32, #tpu.memory_space<vmem>>)
      %dma_wait3A_55 = arith.constant 0 : i32
      %dma_wait3A_56 = tpu.memref_slice %arg3[%mul3A_13, %dma_wait3A_55] : memref<5120x128xi32, #tpu.memory_space<hbm>> -> memref<1x128xi32, #tpu.memory_space<hbm>>
      %dma_wait3A_57 = tpu.memref_squeeze %dma_wait3A_56 : memref<1x128xi32, #tpu.memory_space<hbm>> -> memref<128xi32, #tpu.memory_space<hbm>>
      %dma_wait3A_58 = arith.constant 0 : i32
      %dma_wait3A_59 = tpu.memref_slice %arg3[%mul3A_13, %dma_wait3A_58] : memref<5120x128xi32, #tpu.memory_space<hbm>> -> memref<1x128xi32, #tpu.memory_space<hbm>>
      %dma_wait3A_60 = tpu.memref_squeeze %dma_wait3A_59 : memref<1x128xi32, #tpu.memory_space<hbm>> -> memref<128xi32, #tpu.memory_space<hbm>>
      tpu.wait_dma2 semaphore(%arg22 : memref<!tpu.dma_semaphore, #tpu.memory_space<semaphore_mem>>) src(%dma_wait3A_60 : memref<128xi32, #tpu.memory_space<hbm>>) dst(%arg11 : memref<128xi32, #tpu.memory_space<vmem>>)
      %add3A_61 = arith.constant 1 : i32
      %add3A_62 = arith.addi %add3A_49, %add3A_61 : i32
      %add3A_63 = arith.addi %mul3A_13, %add3A_62 : i32
      %dma_start3A_64 = arith.constant 0 : i32
      %dma_start3A_65 = tpu.memref_slice %arg2[%add3A_63, %dma_start3A_64] : memref<5120x128xi32, #tpu.memory_space<hbm>> -> memref<1x128xi32, #tpu.memory_space<hbm>>
      %dma_start3A_66 = tpu.memref_squeeze %dma_start3A_65 : memref<1x128xi32, #tpu.memory_space<hbm>> -> memref<128xi32, #tpu.memory_space<hbm>>
      %dma_start3A_67 = arith.constant 0 : i32
      %dma_start3A_68 = tpu.memref_slice %arg2[%add3A_63, %dma_start3A_67] : memref<5120x128xi32, #tpu.memory_space<hbm>> -> memref<1x128xi32, #tpu.memory_space<hbm>>
      %dma_start3A_69 = tpu.memref_squeeze %dma_start3A_68 : memref<1x128xi32, #tpu.memory_space<hbm>> -> memref<128xi32, #tpu.memory_space<hbm>>
      tpu.enqueue_dma source(%dma_start3A_69 : memref<128xi32, #tpu.memory_space<hbm>>) target(%arg10 : memref<128xi32, #tpu.memory_space<vmem>>) target_semaphore(%arg22 : memref<!tpu.dma_semaphore, #tpu.memory_space<semaphore_mem>>)
      %add3A_70 = arith.addi %mul3A_13, %add3A_62 : i32
      %dma_start3A_71 = arith.constant 0 : i32
      %dma_start3A_72 = tpu.memref_slice %arg3[%add3A_70, %dma_start3A_71] : memref<5120x128xi32, #tpu.memory_space<hbm>> -> memref<1x128xi32, #tpu.memory_space<hbm>>
      %dma_start3A_73 = tpu.memref_squeeze %dma_start3A_72 : memref<1x128xi32, #tpu.memory_space<hbm>> -> memref<128xi32, #tpu.memory_space<hbm>>
      %dma_start3A_74 = arith.constant 0 : i32
      %dma_start3A_75 = tpu.memref_slice %arg3[%add3A_70, %dma_start3A_74] : memref<5120x128xi32, #tpu.memory_space<hbm>> -> memref<1x128xi32, #tpu.memory_space<hbm>>
      %dma_start3A_76 = tpu.memref_squeeze %dma_start3A_75 : memref<1x128xi32, #tpu.memory_space<hbm>> -> memref<128xi32, #tpu.memory_space<hbm>>
      tpu.enqueue_dma source(%dma_start3A_76 : memref<128xi32, #tpu.memory_space<hbm>>) target(%arg12 : memref<128xi32, #tpu.memory_space<vmem>>) target_semaphore(%arg22 : memref<!tpu.dma_semaphore, #tpu.memory_space<semaphore_mem>>)
      %scan3A_77 = arith.constant 0 : i32
      %scan3A_78 = arith.constant 8 : i32
      %scan3A_79 = arith.addi %scan3A_77, %scan3A_78 : i32
      %scan3A_80 = arith.constant 1 : i32
      scf.for %scan3A_153 = %scan3A_77 to %scan3A_79 step %scan3A_80  : i32 {
        %mul3A_154 = arith.constant 16 : i32
        %mul3A_155 = arith.muli %scan3A_153, %mul3A_154 : i32
        %add3A_156 = arith.constant 0 : i32
        %add3A_157 = arith.addi %add3A_156, %mul3A_155 : i32
        %get3A = arith.index_cast %add3A_157 : i32 to index
        %get3A_158 = tpu.vector_load %arg9[%get3A] {strides = array<i32>} : memref<128xi32, #tpu.memory_space<vmem>>, vector<16xi32>,
        %get3A_159 = vector.shape_cast %get3A_158 : vector<16xi32> to vector<16xi32>
        %lt3A_160 = arith.constant 320000 : i32
        %lt3A_161 = vector.broadcast %lt3A_160 : i32 to vector<16xi32>
        %lt3A_162 = arith.cmpi slt, %get3A_159, %lt3A_161 : vector<16xi32>
        %sub3A = arith.constant 320000 : i32
        %sub3A_163 = vector.broadcast %sub3A : i32 to vector<16xi32>
        %sub3A_164 = arith.subi %get3A_159, %sub3A_163 : vector<16xi32>
        %select_n3A = arith.select %lt3A_162, %get3A_159, %sub3A_164 : vector<16xi1>, vector<16xi32>
        %min3A = arith.constant 319999 : i32
        %min3A_165 = vector.broadcast %min3A : i32 to vector<16xi32>
        %min3A_166 = arith.minsi %select_n3A, %min3A_165 : vector<16xi32>
        %swap3A = arith.index_cast %add3A_157 : i32 to index
        %swap3A_167 = tpu.vector_load %arg13[%swap3A] {strides = array<i32>} : memref<128xi32, #tpu.memory_space<vmem>>, vector<16xi32>,
        %swap3A_168 = vector.shape_cast %swap3A_167 : vector<16xi32> to vector<16xi32>
        %swap3A_169 = vector.shape_cast %min3A_166 : vector<16xi32> to vector<16xi32>
        tpu.vector_store %arg13[%swap3A], %swap3A_169 {strides = array<i32>} : memref<128xi32, #tpu.memory_space<vmem>>, vector<16xi32>,
      }
      %scan3A_81 = arith.constant 8 : i32
      %dma_start3A_82 = arith.constant 0 : i32
      %dma_start3A_83 = tpu.memref_slice %arg4[%dma_start3A_82] : memref<327680xf32, #tpu.memory_space<hbm>> -> memref<327680xf32, #tpu.memory_space<hbm>>
      tpu.enqueue_indirect_dma source(%dma_start3A_83 : memref<327680xf32, #tpu.memory_space<hbm>>) target(%arg15 : memref<128xf32, #tpu.memory_space<vmem>>) offsets(%arg13 : memref<128xi32, #tpu.memory_space<vmem>>) semaphore(%arg23 : memref<!tpu.dma_semaphore, #tpu.memory_space<semaphore_mem>>)
      %dma_start3A_84 = arith.constant 0 : i32
      %dma_start3A_85 = tpu.memref_slice %arg5[%dma_start3A_84] : memref<327680xf32, #tpu.memory_space<hbm>> -> memref<327680xf32, #tpu.memory_space<hbm>>
      tpu.enqueue_indirect_dma source(%dma_start3A_85 : memref<327680xf32, #tpu.memory_space<hbm>>) target(%arg17 : memref<128xf32, #tpu.memory_space<vmem>>) offsets(%arg13 : memref<128xi32, #tpu.memory_space<vmem>>) semaphore(%arg24 : memref<!tpu.dma_semaphore, #tpu.memory_space<semaphore_mem>>)
      %dma_wait3A_86 = arith.constant 0 : i32
      %dma_wait3A_87 = tpu.memref_slice %arg2[%mul3A_13, %dma_wait3A_86] : memref<5120x128xi32, #tpu.memory_space<hbm>> -> memref<1x128xi32, #tpu.memory_space<hbm>>
      %dma_wait3A_88 = tpu.memref_squeeze %dma_wait3A_87 : memref<1x128xi32, #tpu.memory_space<hbm>> -> memref<128xi32, #tpu.memory_space<hbm>>
      %dma_wait3A_89 = arith.constant 0 : i32
      %dma_wait3A_90 = tpu.memref_slice %arg2[%mul3A_13, %dma_wait3A_89] : memref<5120x128xi32, #tpu.memory_space<hbm>> -> memref<1x128xi32, #tpu.memory_space<hbm>>
      %dma_wait3A_91 = tpu.memref_squeeze %dma_wait3A_90 : memref<1x128xi32, #tpu.memory_space<hbm>> -> memref<128xi32, #tpu.memory_space<hbm>>
      tpu.wait_dma2 semaphore(%arg22 : memref<!tpu.dma_semaphore, #tpu.memory_space<semaphore_mem>>) src(%dma_wait3A_91 : memref<128xi32, #tpu.memory_space<hbm>>) dst(%arg10 : memref<128xi32, #tpu.memory_space<vmem>>)
      %dma_wait3A_92 = arith.constant 0 : i32
      %dma_wait3A_93 = tpu.memref_slice %arg3[%mul3A_13, %dma_wait3A_92] : memref<5120x128xi32, #tpu.memory_space<hbm>> -> memref<1x128xi32, #tpu.memory_space<hbm>>
      %dma_wait3A_94 = tpu.memref_squeeze %dma_wait3A_93 : memref<1x128xi32, #tpu.memory_space<hbm>> -> memref<128xi32, #tpu.memory_space<hbm>>
      %dma_wait3A_95 = arith.constant 0 : i32
      %dma_wait3A_96 = tpu.memref_slice %arg3[%mul3A_13, %dma_wait3A_95] : memref<5120x128xi32, #tpu.memory_space<hbm>> -> memref<1x128xi32, #tpu.memory_space<hbm>>
      %dma_wait3A_97 = tpu.memref_squeeze %dma_wait3A_96 : memref<1x128xi32, #tpu.memory_space<hbm>> -> memref<128xi32, #tpu.memory_space<hbm>>
      tpu.wait_dma2 semaphore(%arg22 : memref<!tpu.dma_semaphore, #tpu.memory_space<semaphore_mem>>) src(%dma_wait3A_97 : memref<128xi32, #tpu.memory_space<hbm>>) dst(%arg12 : memref<128xi32, #tpu.memory_space<vmem>>)
      %scan3A_98 = arith.constant 0 : i32
      %scan3A_99 = arith.constant 8 : i32
      %scan3A_100 = arith.addi %scan3A_98, %scan3A_99 : i32
      %scan3A_101 = arith.constant 1 : i32
      scf.for %scan3A_153 = %scan3A_98 to %scan3A_100 step %scan3A_101  : i32 {
        %mul3A_154 = arith.constant 16 : i32
        %mul3A_155 = arith.muli %scan3A_153, %mul3A_154 : i32
        %add3A_156 = arith.constant 0 : i32
        %add3A_157 = arith.addi %add3A_156, %mul3A_155 : i32
        %get3A = arith.index_cast %add3A_157 : i32 to index
        %get3A_158 = tpu.vector_load %arg10[%get3A] {strides = array<i32>} : memref<128xi32, #tpu.memory_space<vmem>>, vector<16xi32>,
        %get3A_159 = vector.shape_cast %get3A_158 : vector<16xi32> to vector<16xi32>
        %lt3A_160 = arith.constant 320000 : i32
        %lt3A_161 = vector.broadcast %lt3A_160 : i32 to vector<16xi32>
        %lt3A_162 = arith.cmpi slt, %get3A_159, %lt3A_161 : vector<16xi32>
        %sub3A = arith.constant 320000 : i32
        %sub3A_163 = vector.broadcast %sub3A : i32 to vector<16xi32>
        %sub3A_164 = arith.subi %get3A_159, %sub3A_163 : vector<16xi32>
        %select_n3A = arith.select %lt3A_162, %get3A_159, %sub3A_164 : vector<16xi1>, vector<16xi32>
        %min3A = arith.constant 319999 : i32
        %min3A_165 = vector.broadcast %min3A : i32 to vector<16xi32>
        %min3A_166 = arith.minsi %select_n3A, %min3A_165 : vector<16xi32>
        %swap3A = arith.index_cast %add3A_157 : i32 to index
        %swap3A_167 = tpu.vector_load %arg14[%swap3A] {strides = array<i32>} : memref<128xi32, #tpu.memory_space<vmem>>, vector<16xi32>,
        %swap3A_168 = vector.shape_cast %swap3A_167 : vector<16xi32> to vector<16xi32>
        %swap3A_169 = vector.shape_cast %min3A_166 : vector<16xi32> to vector<16xi32>
        tpu.vector_store %arg14[%swap3A], %swap3A_169 {strides = array<i32>} : memref<128xi32, #tpu.memory_space<vmem>>, vector<16xi32>,
      }
      %scan3A_102 = arith.constant 8 : i32
      %dma_start3A_103 = arith.constant 0 : i32
      %dma_start3A_104 = tpu.memref_slice %arg4[%dma_start3A_103] : memref<327680xf32, #tpu.memory_space<hbm>> -> memref<327680xf32, #tpu.memory_space<hbm>>
      tpu.enqueue_indirect_dma source(%dma_start3A_104 : memref<327680xf32, #tpu.memory_space<hbm>>) target(%arg16 : memref<128xf32, #tpu.memory_space<vmem>>) offsets(%arg14 : memref<128xi32, #tpu.memory_space<vmem>>) semaphore(%arg23 : memref<!tpu.dma_semaphore, #tpu.memory_space<semaphore_mem>>)
      %dma_start3A_105 = arith.constant 0 : i32
      %dma_start3A_106 = tpu.memref_slice %arg5[%dma_start3A_105] : memref<327680xf32, #tpu.memory_space<hbm>> -> memref<327680xf32, #tpu.memory_space<hbm>>
      tpu.enqueue_indirect_dma source(%dma_start3A_106 : memref<327680xf32, #tpu.memory_space<hbm>>) target(%arg18 : memref<128xf32, #tpu.memory_space<vmem>>) offsets(%arg14 : memref<128xi32, #tpu.memory_space<vmem>>) semaphore(%arg24 : memref<!tpu.dma_semaphore, #tpu.memory_space<semaphore_mem>>)
      %dma_wait3A_107 = arith.constant 0 : i32
      %dma_wait3A_108 = tpu.memref_slice %arg4[%dma_wait3A_107] : memref<327680xf32, #tpu.memory_space<hbm>> -> memref<327680xf32, #tpu.memory_space<hbm>>
      tpu.wait_indirect_dma semaphore(%arg23 : memref<!tpu.dma_semaphore, #tpu.memory_space<semaphore_mem>>) src(%dma_wait3A_108 : memref<327680xf32, #tpu.memory_space<hbm>>) dst(%arg15 : memref<128xf32, #tpu.memory_space<vmem>>)
      %dma_wait3A_109 = arith.constant 0 : i32
      %dma_wait3A_110 = tpu.memref_slice %arg5[%dma_wait3A_109] : memref<327680xf32, #tpu.memory_space<hbm>> -> memref<327680xf32, #tpu.memory_space<hbm>>
      tpu.wait_indirect_dma semaphore(%arg24 : memref<!tpu.dma_semaphore, #tpu.memory_space<semaphore_mem>>) src(%dma_wait3A_110 : memref<327680xf32, #tpu.memory_space<hbm>>) dst(%arg17 : memref<128xf32, #tpu.memory_space<vmem>>)
      %scan3A_111 = arith.constant 0 : i32
      %scan3A_112 = arith.constant 8 : i32
      %scan3A_113 = arith.addi %scan3A_111, %scan3A_112 : i32
      %scan3A_114 = arith.constant 1 : i32
      scf.for %scan3A_153 = %scan3A_111 to %scan3A_113 step %scan3A_114  : i32 {
        %mul3A_154 = arith.constant 16 : i32
        %mul3A_155 = arith.muli %scan3A_153, %mul3A_154 : i32
        %add3A_156 = arith.constant 0 : i32
        %add3A_157 = arith.addi %add3A_156, %mul3A_155 : i32
        %get3A = arith.index_cast %add3A_157 : i32 to index
        %get3A_158 = tpu.vector_load %arg9[%get3A] {strides = array<i32>} : memref<128xi32, #tpu.memory_space<vmem>>, vector<16xi32>,
        %get3A_159 = vector.shape_cast %get3A_158 : vector<16xi32> to vector<16xi32>
        %lt3A_160 = arith.constant 320000 : i32
        %lt3A_161 = vector.broadcast %lt3A_160 : i32 to vector<16xi32>
        %lt3A_162 = arith.cmpi slt, %get3A_159, %lt3A_161 : vector<16xi32>
        %get3A_163 = arith.index_cast %add3A_157 : i32 to index
        %get3A_164 = tpu.vector_load %arg17[%get3A_163] {strides = array<i32>} : memref<128xf32, #tpu.memory_space<vmem>>, vector<16xf32>,
        %get3A_165 = vector.shape_cast %get3A_164 : vector<16xf32> to vector<16xf32>
        %jit3A = arith.constant 0.000000e+00 : f32
        %broadcast_in_dim3A = vector.broadcast %jit3A : f32 to vector<16xf32>
        %select_n3A = arith.select %lt3A_162, %get3A_165, %broadcast_in_dim3A : vector<16xi1>, vector<16xf32>
        %swap3A = arith.index_cast %add3A_157 : i32 to index
        %swap3A_166 = tpu.vector_load %arg19[%swap3A] {strides = array<i32>} : memref<128xf32, #tpu.memory_space<vmem>>, vector<16xf32>,
        %swap3A_167 = vector.shape_cast %swap3A_166 : vector<16xf32> to vector<16xf32>
        %swap3A_168 = vector.shape_cast %select_n3A : vector<16xf32> to vector<16xf32>
        tpu.vector_store %arg19[%swap3A], %swap3A_168 {strides = array<i32>} : memref<128xf32, #tpu.memory_space<vmem>>, vector<16xf32>,
      }
      %scan3A_115 = arith.constant 8 : i32
      %dma_start3A_116 = arith.constant 0 : i32
      %dma_start3A_117 = tpu.memref_slice %arg27[%dma_start3A_116] : memref<655360xf32, #tpu.memory_space<vmem_shared>> -> memref<655360xf32, #tpu.memory_space<vmem_shared>>
      tpu.enqueue_indirect_dma source(%arg15 : memref<128xf32, #tpu.memory_space<vmem>>) target(%dma_start3A_117 : memref<655360xf32, #tpu.memory_space<vmem_shared>>) offsets(%arg11 : memref<128xi32, #tpu.memory_space<vmem>>) semaphore(%arg26 : memref<!tpu.dma_semaphore, #tpu.memory_space<semaphore_mem>>) {add = true}
      %dma_start3A_118 = arith.constant 0 : i32
      %dma_start3A_119 = tpu.memref_slice %arg28[%dma_start3A_118] : memref<655360xf32, #tpu.memory_space<vmem_shared>> -> memref<655360xf32, #tpu.memory_space<vmem_shared>>
      tpu.enqueue_indirect_dma source(%arg19 : memref<128xf32, #tpu.memory_space<vmem>>) target(%dma_start3A_119 : memref<655360xf32, #tpu.memory_space<vmem_shared>>) offsets(%arg11 : memref<128xi32, #tpu.memory_space<vmem>>) semaphore(%arg26 : memref<!tpu.dma_semaphore, #tpu.memory_space<semaphore_mem>>) {add = true}
      %dma_start3A_120 = arith.constant 0 : i32
      %dma_start3A_121 = tpu.memref_slice %arg8[%dma_start3A_120] : memref<655360xi32, #tpu.memory_space<hbm>> -> memref<655360xi32, #tpu.memory_space<hbm>>
      tpu.enqueue_indirect_dma source(%arg11 : memref<128xi32, #tpu.memory_space<vmem>>) target(%dma_start3A_121 : memref<655360xi32, #tpu.memory_space<hbm>>) offsets(%arg9 : memref<128xi32, #tpu.memory_space<vmem>>) semaphore(%arg25 : memref<!tpu.dma_semaphore, #tpu.memory_space<semaphore_mem>>)
      %dma_wait3A_122 = arith.constant 0 : i32
      %dma_wait3A_123 = tpu.memref_slice %arg4[%dma_wait3A_122] : memref<327680xf32, #tpu.memory_space<hbm>> -> memref<327680xf32, #tpu.memory_space<hbm>>
      tpu.wait_indirect_dma semaphore(%arg23 : memref<!tpu.dma_semaphore, #tpu.memory_space<semaphore_mem>>) src(%dma_wait3A_123 : memref<327680xf32, #tpu.memory_space<hbm>>) dst(%arg16 : memref<128xf32, #tpu.memory_space<vmem>>)
      %dma_wait3A_124 = arith.constant 0 : i32
      %dma_wait3A_125 = tpu.memref_slice %arg5[%dma_wait3A_124] : memref<327680xf32, #tpu.memory_space<hbm>> -> memref<327680xf32, #tpu.memory_space<hbm>>
      tpu.wait_indirect_dma semaphore(%arg24 : memref<!tpu.dma_semaphore, #tpu.memory_space<semaphore_mem>>) src(%dma_wait3A_125 : memref<327680xf32, #tpu.memory_space<hbm>>) dst(%arg18 : memref<128xf32, #tpu.memory_space<vmem>>)
      %scan3A_126 = arith.constant 0 : i32
      %scan3A_127 = arith.constant 8 : i32
      %scan3A_128 = arith.addi %scan3A_126, %scan3A_127 : i32
      %scan3A_129 = arith.constant 1 : i32
      scf.for %scan3A_153 = %scan3A_126 to %scan3A_128 step %scan3A_129  : i32 {
        %mul3A_154 = arith.constant 16 : i32
        %mul3A_155 = arith.muli %scan3A_153, %mul3A_154 : i32
        %add3A_156 = arith.constant 0 : i32
        %add3A_157 = arith.addi %add3A_156, %mul3A_155 : i32
        %get3A = arith.index_cast %add3A_157 : i32 to index
        %get3A_158 = tpu.vector_load %arg10[%get3A] {strides = array<i32>} : memref<128xi32, #tpu.memory_space<vmem>>, vector<16xi32>,
        %get3A_159 = vector.shape_cast %get3A_158 : vector<16xi32> to vector<16xi32>
        %lt3A_160 = arith.constant 320000 : i32
        %lt3A_161 = vector.broadcast %lt3A_160 : i32 to vector<16xi32>
        %lt3A_162 = arith.cmpi slt, %get3A_159, %lt3A_161 : vector<16xi32>
        %get3A_163 = arith.index_cast %add3A_157 : i32 to index
        %get3A_164 = tpu.vector_load %arg18[%get3A_163] {strides = array<i32>} : memref<128xf32, #tpu.memory_space<vmem>>, vector<16xf32>,
        %get3A_165 = vector.shape_cast %get3A_164 : vector<16xf32> to vector<16xf32>
        %jit3A = arith.constant 0.000000e+00 : f32
        %broadcast_in_dim3A = vector.broadcast %jit3A : f32 to vector<16xf32>
        %select_n3A = arith.select %lt3A_162, %get3A_165, %broadcast_in_dim3A : vector<16xi1>, vector<16xf32>
        %swap3A = arith.index_cast %add3A_157 : i32 to index
        %swap3A_166 = tpu.vector_load %arg20[%swap3A] {strides = array<i32>} : memref<128xf32, #tpu.memory_space<vmem>>, vector<16xf32>,
        %swap3A_167 = vector.shape_cast %swap3A_166 : vector<16xf32> to vector<16xf32>
        %swap3A_168 = vector.shape_cast %select_n3A : vector<16xf32> to vector<16xf32>
        tpu.vector_store %arg20[%swap3A], %swap3A_168 {strides = array<i32>} : memref<128xf32, #tpu.memory_space<vmem>>, vector<16xf32>,
      }
      %scan3A_130 = arith.constant 8 : i32
      %dma_start3A_131 = arith.constant 0 : i32
      %dma_start3A_132 = tpu.memref_slice %arg27[%dma_start3A_131] : memref<655360xf32, #tpu.memory_space<vmem_shared>> -> memref<655360xf32, #tpu.memory_space<vmem_shared>>
      tpu.enqueue_indirect_dma source(%arg16 : memref<128xf32, #tpu.memory_space<vmem>>) target(%dma_start3A_132 : memref<655360xf32, #tpu.memory_space<vmem_shared>>) offsets(%arg12 : memref<128xi32, #tpu.memory_space<vmem>>) semaphore(%arg26 : memref<!tpu.dma_semaphore, #tpu.memory_space<semaphore_mem>>) {add = true}
      %dma_start3A_133 = arith.constant 0 : i32
      %dma_start3A_134 = tpu.memref_slice %arg28[%dma_start3A_133] : memref<655360xf32, #tpu.memory_space<vmem_shared>> -> memref<655360xf32, #tpu.memory_space<vmem_shared>>
      tpu.enqueue_indirect_dma source(%arg20 : memref<128xf32, #tpu.memory_space<vmem>>) target(%dma_start3A_134 : memref<655360xf32, #tpu.memory_space<vmem_shared>>) offsets(%arg12 : memref<128xi32, #tpu.memory_space<vmem>>) semaphore(%arg26 : memref<!tpu.dma_semaphore, #tpu.memory_space<semaphore_mem>>) {add = true}
      %dma_start3A_135 = arith.constant 0 : i32
      %dma_start3A_136 = tpu.memref_slice %arg8[%dma_start3A_135] : memref<655360xi32, #tpu.memory_space<hbm>> -> memref<655360xi32, #tpu.memory_space<hbm>>
      tpu.enqueue_indirect_dma source(%arg12 : memref<128xi32, #tpu.memory_space<vmem>>) target(%dma_start3A_136 : memref<655360xi32, #tpu.memory_space<hbm>>) offsets(%arg10 : memref<128xi32, #tpu.memory_space<vmem>>) semaphore(%arg25 : memref<!tpu.dma_semaphore, #tpu.memory_space<semaphore_mem>>)
      %dma_wait3A_137 = arith.constant 0 : i32
      %dma_wait3A_138 = tpu.memref_slice %arg27[%dma_wait3A_137] : memref<655360xf32, #tpu.memory_space<vmem_shared>> -> memref<655360xf32, #tpu.memory_space<vmem_shared>>
      tpu.wait_indirect_dma semaphore(%arg26 : memref<!tpu.dma_semaphore, #tpu.memory_space<semaphore_mem>>) src(%arg15 : memref<128xf32, #tpu.memory_space<vmem>>) dst(%dma_wait3A_138 : memref<655360xf32, #tpu.memory_space<vmem_shared>>)
      %dma_wait3A_139 = arith.constant 0 : i32
      %dma_wait3A_140 = tpu.memref_slice %arg28[%dma_wait3A_139] : memref<655360xf32, #tpu.memory_space<vmem_shared>> -> memref<655360xf32, #tpu.memory_space<vmem_shared>>
      tpu.wait_indirect_dma semaphore(%arg26 : memref<!tpu.dma_semaphore, #tpu.memory_space<semaphore_mem>>) src(%arg19 : memref<128xf32, #tpu.memory_space<vmem>>) dst(%dma_wait3A_140 : memref<655360xf32, #tpu.memory_space<vmem_shared>>)
      %dma_wait3A_141 = arith.constant 0 : i32
      %dma_wait3A_142 = tpu.memref_slice %arg8[%dma_wait3A_141] : memref<655360xi32, #tpu.memory_space<hbm>> -> memref<655360xi32, #tpu.memory_space<hbm>>
      tpu.wait_indirect_dma semaphore(%arg25 : memref<!tpu.dma_semaphore, #tpu.memory_space<semaphore_mem>>) src(%arg11 : memref<128xi32, #tpu.memory_space<vmem>>) dst(%dma_wait3A_142 : memref<655360xi32, #tpu.memory_space<hbm>>)
      %dma_wait3A_143 = arith.constant 0 : i32
      %dma_wait3A_144 = tpu.memref_slice %arg27[%dma_wait3A_143] : memref<655360xf32, #tpu.memory_space<vmem_shared>> -> memref<655360xf32, #tpu.memory_space<vmem_shared>>
      tpu.wait_indirect_dma semaphore(%arg26 : memref<!tpu.dma_semaphore, #tpu.memory_space<semaphore_mem>>) src(%arg16 : memref<128xf32, #tpu.memory_space<vmem>>) dst(%dma_wait3A_144 : memref<655360xf32, #tpu.memory_space<vmem_shared>>)
      %dma_wait3A_145 = arith.constant 0 : i32
      %dma_wait3A_146 = tpu.memref_slice %arg28[%dma_wait3A_145] : memref<655360xf32, #tpu.memory_space<vmem_shared>> -> memref<655360xf32, #tpu.memory_space<vmem_shared>>
      tpu.wait_indirect_dma semaphore(%arg26 : memref<!tpu.dma_semaphore, #tpu.memory_space<semaphore_mem>>) src(%arg20 : memref<128xf32, #tpu.memory_space<vmem>>) dst(%dma_wait3A_146 : memref<655360xf32, #tpu.memory_space<vmem_shared>>)
      %dma_wait3A_147 = arith.constant 0 : i32
      %dma_wait3A_148 = tpu.memref_slice %arg8[%dma_wait3A_147] : memref<655360xi32, #tpu.memory_space<hbm>> -> memref<655360xi32, #tpu.memory_space<hbm>>
      tpu.wait_indirect_dma semaphore(%arg25 : memref<!tpu.dma_semaphore, #tpu.memory_space<semaphore_mem>>) src(%arg12 : memref<128xi32, #tpu.memory_space<vmem>>) dst(%dma_wait3A_148 : memref<655360xi32, #tpu.memory_space<hbm>>)
      %add3A_149 = arith.constant 2 : i32
      %add3A_150 = arith.addi %add3A_49, %add3A_149 : i32
      %lt3A = arith.constant 160 : i32
      %lt3A_151 = arith.cmpi slt, %add3A_150, %lt3A : i32
      %convert_element_type3A = arith.extui %lt3A_151 : i1 to i32
      %cond3A = arith.constant 0 : i32
      %cond3A_152 = arith.cmpi ne, %convert_element_type3A, %cond3A : i32
      scf.if %cond3A_152 {
        %add3A_153 = arith.constant 2 : i32
        %add3A_154 = arith.addi %add3A_49, %add3A_153 : i32
        %add3A_155 = arith.addi %mul3A_13, %add3A_154 : i32
        %dma_start3A_156 = arith.constant 0 : i32
        %dma_start3A_157 = tpu.memref_slice %arg2[%add3A_155, %dma_start3A_156] : memref<5120x128xi32, #tpu.memory_space<hbm>> -> memref<1x128xi32, #tpu.memory_space<hbm>>
        %dma_start3A_158 = tpu.memref_squeeze %dma_start3A_157 : memref<1x128xi32, #tpu.memory_space<hbm>> -> memref<128xi32, #tpu.memory_space<hbm>>
        %dma_start3A_159 = arith.constant 0 : i32
        %dma_start3A_160 = tpu.memref_slice %arg2[%add3A_155, %dma_start3A_159] : memref<5120x128xi32, #tpu.memory_space<hbm>> -> memref<1x128xi32, #tpu.memory_space<hbm>>
        %dma_start3A_161 = tpu.memref_squeeze %dma_start3A_160 : memref<1x128xi32, #tpu.memory_space<hbm>> -> memref<128xi32, #tpu.memory_space<hbm>>
        tpu.enqueue_dma source(%dma_start3A_161 : memref<128xi32, #tpu.memory_space<hbm>>) target(%arg9 : memref<128xi32, #tpu.memory_space<vmem>>) target_semaphore(%arg22 : memref<!tpu.dma_semaphore, #tpu.memory_space<semaphore_mem>>)
        %add3A_162 = arith.addi %mul3A_13, %add3A_154 : i32
        %dma_start3A_163 = arith.constant 0 : i32
        %dma_start3A_164 = tpu.memref_slice %arg3[%add3A_162, %dma_start3A_163] : memref<5120x128xi32, #tpu.memory_space<hbm>> -> memref<1x128xi32, #tpu.memory_space<hbm>>
        %dma_start3A_165 = tpu.memref_squeeze %dma_start3A_164 : memref<1x128xi32, #tpu.memory_space<hbm>> -> memref<128xi32, #tpu.memory_space<hbm>>
        %dma_start3A_166 = arith.constant 0 : i32
        %dma_start3A_167 = tpu.memref_slice %arg3[%add3A_162, %dma_start3A_166] : memref<5120x128xi32, #tpu.memory_space<hbm>> -> memref<1x128xi32, #tpu.memory_space<hbm>>
        %dma_start3A_168 = tpu.memref_squeeze %dma_start3A_167 : memref<1x128xi32, #tpu.memory_space<hbm>> -> memref<128xi32, #tpu.memory_space<hbm>>
        tpu.enqueue_dma source(%dma_start3A_168 : memref<128xi32, #tpu.memory_space<hbm>>) target(%arg11 : memref<128xi32, #tpu.memory_space<vmem>>) target_semaphore(%arg22 : memref<!tpu.dma_semaphore, #tpu.memory_space<semaphore_mem>>)
      } else {
      }
    }
    %scan3A_33 = arith.constant 80 : i32
    %barrier3A_34 = arith.constant 0 : index
    tpu.barrier barrier_id(%barrier3A_34)
    %mul3A_35 = arith.constant 40960 : i32
    %mul3A_36 = arith.muli %arg1, %mul3A_35 : i32
    %mul3A_37 = arith.constant 655360 : i32
    %mul3A_38 = arith.muli %arg0, %mul3A_37 : i32
    %add3A_39 = arith.addi %mul3A_38, %mul3A_36 : i32
    %scan3A_40 = arith.constant 0 : i32
    %scan3A_41 = arith.constant 20 : i32
    %scan3A_42 = arith.addi %scan3A_40, %scan3A_41 : i32
    %scan3A_43 = arith.constant 1 : i32
    scf.for %scan3A_45 = %scan3A_40 to %scan3A_42 step %scan3A_43  : i32 {
      %mul3A_46 = arith.constant 2048 : i32
      %mul3A_47 = arith.muli %scan3A_45, %mul3A_46 : i32
      %add3A_48 = arith.constant 0 : i32
      %add3A_49 = arith.addi %add3A_48, %mul3A_47 : i32
      %add3A_50 = arith.addi %mul3A_36, %add3A_49 : i32
      %add3A_51 = arith.addi %add3A_39, %add3A_49 : i32
      "tpu.region"() ({
        %run_scoped3A = tpu.sem_alloc : memref<!tpu.dma_semaphore, #tpu.memory_space<semaphore_mem>>
        %dma_start3A_54 = tpu.memref_slice %arg6[%add3A_51] : memref<1310720xf32, #tpu.memory_space<hbm>> -> memref<2048xf32, #tpu.memory_space<hbm>>
        %dma_start3A_55 = tpu.memref_slice %arg27[%add3A_50] : memref<655360xf32, #tpu.memory_space<vmem_shared>> -> memref<2048xf32, #tpu.memory_space<vmem_shared>>
        tpu.enqueue_dma source(%dma_start3A_55 : memref<2048xf32, #tpu.memory_space<vmem_shared>>) target(%dma_start3A_54 : memref<2048xf32, #tpu.memory_space<hbm>>) target_semaphore(%run_scoped3A : memref<!tpu.dma_semaphore, #tpu.memory_space<semaphore_mem>>)
        %dma_wait3A = tpu.memref_slice %arg6[%add3A_51] : memref<1310720xf32, #tpu.memory_space<hbm>> -> memref<2048xf32, #tpu.memory_space<hbm>>
        %dma_wait3A_56 = tpu.memref_slice %arg27[%add3A_50] : memref<655360xf32, #tpu.memory_space<vmem_shared>> -> memref<2048xf32, #tpu.memory_space<vmem_shared>>
        tpu.wait_dma2 semaphore(%run_scoped3A : memref<!tpu.dma_semaphore, #tpu.memory_space<semaphore_mem>>) src(%dma_wait3A_56 : memref<2048xf32, #tpu.memory_space<vmem_shared>>) dst(%dma_wait3A : memref<2048xf32, #tpu.memory_space<hbm>>)
        tpu.yield
      }) : () -> ()
      %add3A_52 = arith.addi %mul3A_36, %add3A_49 : i32
      %add3A_53 = arith.addi %add3A_39, %add3A_49 : i32
      "tpu.region"() ({
        %run_scoped3A = tpu.sem_alloc : memref<!tpu.dma_semaphore, #tpu.memory_space<semaphore_mem>>
        %dma_start3A_54 = tpu.memref_slice %arg7[%add3A_53] : memref<1310720xf32, #tpu.memory_space<hbm>> -> memref<2048xf32, #tpu.memory_space<hbm>>
        %dma_start3A_55 = tpu.memref_slice %arg28[%add3A_52] : memref<655360xf32, #tpu.memory_space<vmem_shared>> -> memref<2048xf32, #tpu.memory_space<vmem_shared>>
        tpu.enqueue_dma source(%dma_start3A_55 : memref<2048xf32, #tpu.memory_space<vmem_shared>>) target(%dma_start3A_54 : memref<2048xf32, #tpu.memory_space<hbm>>) target_semaphore(%run_scoped3A : memref<!tpu.dma_semaphore, #tpu.memory_space<semaphore_mem>>)
        %dma_wait3A = tpu.memref_slice %arg7[%add3A_53] : memref<1310720xf32, #tpu.memory_space<hbm>> -> memref<2048xf32, #tpu.memory_space<hbm>>
        %dma_wait3A_56 = tpu.memref_slice %arg28[%add3A_52] : memref<655360xf32, #tpu.memory_space<vmem_shared>> -> memref<2048xf32, #tpu.memory_space<vmem_shared>>
        tpu.wait_dma2 semaphore(%run_scoped3A : memref<!tpu.dma_semaphore, #tpu.memory_space<semaphore_mem>>) src(%dma_wait3A_56 : memref<2048xf32, #tpu.memory_space<vmem_shared>>) dst(%dma_wait3A : memref<2048xf32, #tpu.memory_space<hbm>>)
        tpu.yield
      }) : () -> ()
    }
    %scan3A_44 = arith.constant 20 : i32
    return
  }
}

#map = affine_map<(d0, d1) -> (0, 0)>
#map1 = affine_map<(d0, d1) -> (0)>
module attributes {stable_mosaic.version = 14 : i64} {
  func.func @_gather_runsums_body(%arg0: i32, %arg1: i32, %arg2: memref<5120x128xi32, #tpu.memory_space<hbm>>, %arg3: memref<655360xf32, #tpu.memory_space<hbm>>, %arg4: memref<655360xf32, #tpu.memory_space<hbm>>, %arg5: memref<327680xf32, #tpu.memory_space<hbm>>, %arg6: memref<327680xf32, #tpu.memory_space<hbm>>, %arg7: memref<80x128xi32, #tpu.memory_space<vmem>>, %arg8: memref<128xf32, #tpu.memory_space<vmem>>, %arg9: memref<128xf32, #tpu.memory_space<vmem>>, %arg10: memref<128xf32, #tpu.memory_space<vmem>>, %arg11: memref<128xf32, #tpu.memory_space<vmem>>, %arg12: memref<!tpu.dma_semaphore, #tpu.memory_space<semaphore_mem>>, %arg13: memref<!tpu.dma_semaphore, #tpu.memory_space<semaphore_mem>>) attributes {dimension_semantics = [#tpu.dimension_semantics<core_parallel>, #tpu.dimension_semantics<subcore_parallel>], iteration_bounds = array<i64: 2, 16>, scalar_prefetch = 0 : i64, scratch_operands = 7 : i64, tpu.core_type = #tpu.core_type<sc_vector_subcore>, window_params = [{transform_indices = #map}, {transform_indices = #map1}, {transform_indices = #map1}, {transform_indices = #map1}, {transform_indices = #map1}]} {
    %mul3A = arith.constant 2 : i32
    %mul3A_0 = arith.muli %arg1, %mul3A : i32
    %add3A = arith.addi %mul3A_0, %arg0 : i32
    %mul3A_1 = arith.constant 80 : i32
    %mul3A_2 = arith.muli %add3A, %mul3A_1 : i32
    "tpu.region"() ({
      %run_scoped3A = tpu.sem_alloc : memref<!tpu.dma_semaphore, #tpu.memory_space<semaphore_mem>>
      %dma_start3A_20 = arith.constant 0 : i32
      %dma_start3A_21 = tpu.memref_slice %arg2[%mul3A_2, %dma_start3A_20] : memref<5120x128xi32, #tpu.memory_space<hbm>> -> memref<80x128xi32, #tpu.memory_space<hbm>>
      %dma_start3A_22 = arith.constant 0 : i32
      %dma_start3A_23 = tpu.memref_slice %arg2[%mul3A_2, %dma_start3A_22] : memref<5120x128xi32, #tpu.memory_space<hbm>> -> memref<80x128xi32, #tpu.memory_space<hbm>>
      tpu.enqueue_dma source(%dma_start3A_23 : memref<80x128xi32, #tpu.memory_space<hbm>>) target(%arg7 : memref<80x128xi32, #tpu.memory_space<vmem>>) target_semaphore(%run_scoped3A : memref<!tpu.dma_semaphore, #tpu.memory_space<semaphore_mem>>)
      %dma_wait3A = arith.constant 0 : i32
      %dma_wait3A_24 = tpu.memref_slice %arg2[%mul3A_2, %dma_wait3A] : memref<5120x128xi32, #tpu.memory_space<hbm>> -> memref<80x128xi32, #tpu.memory_space<hbm>>
      %dma_wait3A_25 = arith.constant 0 : i32
      %dma_wait3A_26 = tpu.memref_slice %arg2[%mul3A_2, %dma_wait3A_25] : memref<5120x128xi32, #tpu.memory_space<hbm>> -> memref<80x128xi32, #tpu.memory_space<hbm>>
      tpu.wait_dma2 semaphore(%run_scoped3A : memref<!tpu.dma_semaphore, #tpu.memory_space<semaphore_mem>>) src(%dma_wait3A_26 : memref<80x128xi32, #tpu.memory_space<hbm>>) dst(%arg7 : memref<80x128xi32, #tpu.memory_space<vmem>>)
      tpu.yield
    }) : () -> ()
    %mul3A_3 = arith.constant 10240 : i32
    %mul3A_4 = arith.muli %add3A, %mul3A_3 : i32
    %dma_start3A = arith.constant 0 : i32
    %dma_start3A_5 = arith.constant 0 : i32
    %dma_start3A_6 = tpu.memref_slice %arg7[%dma_start3A, %dma_start3A_5] : memref<80x128xi32, #tpu.memory_space<vmem>> -> memref<1x128xi32, #tpu.memory_space<vmem>>
    %dma_start3A_7 = tpu.memref_squeeze %dma_start3A_6 : memref<1x128xi32, #tpu.memory_space<vmem>> -> memref<128xi32, #tpu.memory_space<vmem>>
    %dma_start3A_8 = arith.constant 0 : i32
    %dma_start3A_9 = tpu.memref_slice %arg3[%dma_start3A_8] : memref<655360xf32, #tpu.memory_space<hbm>> -> memref<655360xf32, #tpu.memory_space<hbm>>
    tpu.enqueue_indirect_dma source(%dma_start3A_9 : memref<655360xf32, #tpu.memory_space<hbm>>) target(%arg8 : memref<128xf32, #tpu.memory_space<vmem>>) offsets(%dma_start3A_7 : memref<128xi32, #tpu.memory_space<vmem>>) semaphore(%arg12 : memref<!tpu.dma_semaphore, #tpu.memory_space<semaphore_mem>>)
    %dma_start3A_10 = arith.constant 0 : i32
    %dma_start3A_11 = arith.constant 0 : i32
    %dma_start3A_12 = tpu.memref_slice %arg7[%dma_start3A_10, %dma_start3A_11] : memref<80x128xi32, #tpu.memory_space<vmem>> -> memref<1x128xi32, #tpu.memory_space<vmem>>
    %dma_start3A_13 = tpu.memref_squeeze %dma_start3A_12 : memref<1x128xi32, #tpu.memory_space<vmem>> -> memref<128xi32, #tpu.memory_space<vmem>>
    %dma_start3A_14 = arith.constant 0 : i32
    %dma_start3A_15 = tpu.memref_slice %arg4[%dma_start3A_14] : memref<655360xf32, #tpu.memory_space<hbm>> -> memref<655360xf32, #tpu.memory_space<hbm>>
    tpu.enqueue_indirect_dma source(%dma_start3A_15 : memref<655360xf32, #tpu.memory_space<hbm>>) target(%arg10 : memref<128xf32, #tpu.memory_space<vmem>>) offsets(%dma_start3A_13 : memref<128xi32, #tpu.memory_space<vmem>>) semaphore(%arg12 : memref<!tpu.dma_semaphore, #tpu.memory_space<semaphore_mem>>)
    %scan3A = arith.constant 0 : i32
    %scan3A_16 = arith.constant 40 : i32
    %scan3A_17 = arith.addi %scan3A, %scan3A_16 : i32
    %scan3A_18 = arith.constant 1 : i32
    scf.for %scan3A_20 = %scan3A to %scan3A_17 step %scan3A_18  : i32 {
      %mul3A_21 = arith.constant 2 : i32
      %mul3A_22 = arith.muli %scan3A_20, %mul3A_21 : i32
      %add3A_23 = arith.constant 0 : i32
      %add3A_24 = arith.addi %add3A_23, %mul3A_22 : i32
      %dma_wait3A = arith.constant 0 : i32
      %dma_wait3A_25 = arith.constant 0 : i32
      %dma_wait3A_26 = tpu.memref_slice %arg7[%dma_wait3A, %dma_wait3A_25] : memref<80x128xi32, #tpu.memory_space<vmem>> -> memref<1x128xi32, #tpu.memory_space<vmem>>
      %dma_wait3A_27 = tpu.memref_squeeze %dma_wait3A_26 : memref<1x128xi32, #tpu.memory_space<vmem>> -> memref<128xi32, #tpu.memory_space<vmem>>
      %dma_wait3A_28 = arith.constant 0 : i32
      %dma_wait3A_29 = tpu.memref_slice %arg3[%dma_wait3A_28] : memref<655360xf32, #tpu.memory_space<hbm>> -> memref<655360xf32, #tpu.memory_space<hbm>>
      tpu.wait_indirect_dma semaphore(%arg12 : memref<!tpu.dma_semaphore, #tpu.memory_space<semaphore_mem>>) src(%dma_wait3A_29 : memref<655360xf32, #tpu.memory_space<hbm>>) dst(%arg8 : memref<128xf32, #tpu.memory_space<vmem>>)
      %dma_wait3A_30 = arith.constant 0 : i32
      %dma_wait3A_31 = arith.constant 0 : i32
      %dma_wait3A_32 = tpu.memref_slice %arg7[%dma_wait3A_30, %dma_wait3A_31] : memref<80x128xi32, #tpu.memory_space<vmem>> -> memref<1x128xi32, #tpu.memory_space<vmem>>
      %dma_wait3A_33 = tpu.memref_squeeze %dma_wait3A_32 : memref<1x128xi32, #tpu.memory_space<vmem>> -> memref<128xi32, #tpu.memory_space<vmem>>
      %dma_wait3A_34 = arith.constant 0 : i32
      %dma_wait3A_35 = tpu.memref_slice %arg4[%dma_wait3A_34] : memref<655360xf32, #tpu.memory_space<hbm>> -> memref<655360xf32, #tpu.memory_space<hbm>>
      tpu.wait_indirect_dma semaphore(%arg12 : memref<!tpu.dma_semaphore, #tpu.memory_space<semaphore_mem>>) src(%dma_wait3A_35 : memref<655360xf32, #tpu.memory_space<hbm>>) dst(%arg10 : memref<128xf32, #tpu.memory_space<vmem>>)
      %add3A_36 = arith.constant 1 : i32
      %add3A_37 = arith.addi %add3A_24, %add3A_36 : i32
      %dma_start3A_38 = arith.constant 0 : i32
      %dma_start3A_39 = tpu.memref_slice %arg7[%add3A_37, %dma_start3A_38] : memref<80x128xi32, #tpu.memory_space<vmem>> -> memref<1x128xi32, #tpu.memory_space<vmem>>
      %dma_start3A_40 = tpu.memref_squeeze %dma_start3A_39 : memref<1x128xi32, #tpu.memory_space<vmem>> -> memref<128xi32, #tpu.memory_space<vmem>>
      %dma_start3A_41 = arith.constant 0 : i32
      %dma_start3A_42 = tpu.memref_slice %arg3[%dma_start3A_41] : memref<655360xf32, #tpu.memory_space<hbm>> -> memref<655360xf32, #tpu.memory_space<hbm>>
      tpu.enqueue_indirect_dma source(%dma_start3A_42 : memref<655360xf32, #tpu.memory_space<hbm>>) target(%arg9 : memref<128xf32, #tpu.memory_space<vmem>>) offsets(%dma_start3A_40 : memref<128xi32, #tpu.memory_space<vmem>>) semaphore(%arg12 : memref<!tpu.dma_semaphore, #tpu.memory_space<semaphore_mem>>)
      %dma_start3A_43 = arith.constant 0 : i32
      %dma_start3A_44 = tpu.memref_slice %arg7[%add3A_37, %dma_start3A_43] : memref<80x128xi32, #tpu.memory_space<vmem>> -> memref<1x128xi32, #tpu.memory_space<vmem>>
      %dma_start3A_45 = tpu.memref_squeeze %dma_start3A_44 : memref<1x128xi32, #tpu.memory_space<vmem>> -> memref<128xi32, #tpu.memory_space<vmem>>
      %dma_start3A_46 = arith.constant 0 : i32
      %dma_start3A_47 = tpu.memref_slice %arg4[%dma_start3A_46] : memref<655360xf32, #tpu.memory_space<hbm>> -> memref<655360xf32, #tpu.memory_space<hbm>>
      tpu.enqueue_indirect_dma source(%dma_start3A_47 : memref<655360xf32, #tpu.memory_space<hbm>>) target(%arg11 : memref<128xf32, #tpu.memory_space<vmem>>) offsets(%dma_start3A_45 : memref<128xi32, #tpu.memory_space<vmem>>) semaphore(%arg12 : memref<!tpu.dma_semaphore, #tpu.memory_space<semaphore_mem>>)
      %mul3A_48 = arith.constant 128 : i32
      %mul3A_49 = arith.muli %add3A_24, %mul3A_48 : i32
      %add3A_50 = arith.addi %mul3A_4, %mul3A_49 : i32
      %dma_start3A_51 = tpu.memref_slice %arg5[%add3A_50] : memref<327680xf32, #tpu.memory_space<hbm>> -> memref<128xf32, #tpu.memory_space<hbm>>
      %dma_start3A_52 = tpu.memref_slice %arg5[%add3A_50] : memref<327680xf32, #tpu.memory_space<hbm>> -> memref<128xf32, #tpu.memory_space<hbm>>
      tpu.enqueue_dma source(%arg8 : memref<128xf32, #tpu.memory_space<vmem>>) target(%dma_start3A_52 : memref<128xf32, #tpu.memory_space<hbm>>) target_semaphore(%arg13 : memref<!tpu.dma_semaphore, #tpu.memory_space<semaphore_mem>>)
      %dma_start3A_53 = tpu.memref_slice %arg6[%add3A_50] : memref<327680xf32, #tpu.memory_space<hbm>> -> memref<128xf32, #tpu.memory_space<hbm>>
      %dma_start3A_54 = tpu.memref_slice %arg6[%add3A_50] : memref<327680xf32, #tpu.memory_space<hbm>> -> memref<128xf32, #tpu.memory_space<hbm>>
      tpu.enqueue_dma source(%arg10 : memref<128xf32, #tpu.memory_space<vmem>>) target(%dma_start3A_54 : memref<128xf32, #tpu.memory_space<hbm>>) target_semaphore(%arg13 : memref<!tpu.dma_semaphore, #tpu.memory_space<semaphore_mem>>)
      %dma_wait3A_55 = arith.constant 0 : i32
      %dma_wait3A_56 = arith.constant 0 : i32
      %dma_wait3A_57 = tpu.memref_slice %arg7[%dma_wait3A_55, %dma_wait3A_56] : memref<80x128xi32, #tpu.memory_space<vmem>> -> memref<1x128xi32, #tpu.memory_space<vmem>>
      %dma_wait3A_58 = tpu.memref_squeeze %dma_wait3A_57 : memref<1x128xi32, #tpu.memory_space<vmem>> -> memref<128xi32, #tpu.memory_space<vmem>>
      %dma_wait3A_59 = arith.constant 0 : i32
      %dma_wait3A_60 = tpu.memref_slice %arg3[%dma_wait3A_59] : memref<655360xf32, #tpu.memory_space<hbm>> -> memref<655360xf32, #tpu.memory_space<hbm>>
      tpu.wait_indirect_dma semaphore(%arg12 : memref<!tpu.dma_semaphore, #tpu.memory_space<semaphore_mem>>) src(%dma_wait3A_60 : memref<655360xf32, #tpu.memory_space<hbm>>) dst(%arg9 : memref<128xf32, #tpu.memory_space<vmem>>)
      %dma_wait3A_61 = arith.constant 0 : i32
      %dma_wait3A_62 = arith.constant 0 : i32
      %dma_wait3A_63 = tpu.memref_slice %arg7[%dma_wait3A_61, %dma_wait3A_62] : memref<80x128xi32, #tpu.memory_space<vmem>> -> memref<1x128xi32, #tpu.memory_space<vmem>>
      %dma_wait3A_64 = tpu.memref_squeeze %dma_wait3A_63 : memref<1x128xi32, #tpu.memory_space<vmem>> -> memref<128xi32, #tpu.memory_space<vmem>>
      %dma_wait3A_65 = arith.constant 0 : i32
      %dma_wait3A_66 = tpu.memref_slice %arg4[%dma_wait3A_65] : memref<655360xf32, #tpu.memory_space<hbm>> -> memref<655360xf32, #tpu.memory_space<hbm>>
      tpu.wait_indirect_dma semaphore(%arg12 : memref<!tpu.dma_semaphore, #tpu.memory_space<semaphore_mem>>) src(%dma_wait3A_66 : memref<655360xf32, #tpu.memory_space<hbm>>) dst(%arg11 : memref<128xf32, #tpu.memory_space<vmem>>)
      %dma_wait3A_67 = tpu.memref_slice %arg5[%mul3A_4] : memref<327680xf32, #tpu.memory_space<hbm>> -> memref<128xf32, #tpu.memory_space<hbm>>
      %dma_wait3A_68 = tpu.memref_slice %arg5[%mul3A_4] : memref<327680xf32, #tpu.memory_space<hbm>> -> memref<128xf32, #tpu.memory_space<hbm>>
      tpu.wait_dma2 semaphore(%arg13 : memref<!tpu.dma_semaphore, #tpu.memory_space<semaphore_mem>>) src(%arg8 : memref<128xf32, #tpu.memory_space<vmem>>) dst(%dma_wait3A_68 : memref<128xf32, #tpu.memory_space<hbm>>)
      %dma_wait3A_69 = tpu.memref_slice %arg6[%mul3A_4] : memref<327680xf32, #tpu.memory_space<hbm>> -> memref<128xf32, #tpu.memory_space<hbm>>
      %dma_wait3A_70 = tpu.memref_slice %arg6[%mul3A_4] : memref<327680xf32, #tpu.memory_space<hbm>> -> memref<128xf32, #tpu.memory_space<hbm>>
      tpu.wait_dma2 semaphore(%arg13 : memref<!tpu.dma_semaphore, #tpu.memory_space<semaphore_mem>>) src(%arg10 : memref<128xf32, #tpu.memory_space<vmem>>) dst(%dma_wait3A_70 : memref<128xf32, #tpu.memory_space<hbm>>)
      %add3A_71 = arith.constant 2 : i32
      %add3A_72 = arith.addi %add3A_24, %add3A_71 : i32
      %lt3A = arith.constant 80 : i32
      %lt3A_73 = arith.cmpi slt, %add3A_72, %lt3A : i32
      %convert_element_type3A = arith.extui %lt3A_73 : i1 to i32
      %cond3A = arith.constant 0 : i32
      %cond3A_74 = arith.cmpi ne, %convert_element_type3A, %cond3A : i32
      scf.if %cond3A_74 {
        %add3A_88 = arith.constant 2 : i32
        %add3A_89 = arith.addi %add3A_24, %add3A_88 : i32
        %dma_start3A_90 = arith.constant 0 : i32
        %dma_start3A_91 = tpu.memref_slice %arg7[%add3A_89, %dma_start3A_90] : memref<80x128xi32, #tpu.memory_space<vmem>> -> memref<1x128xi32, #tpu.memory_space<vmem>>
        %dma_start3A_92 = tpu.memref_squeeze %dma_start3A_91 : memref<1x128xi32, #tpu.memory_space<vmem>> -> memref<128xi32, #tpu.memory_space<vmem>>
        %dma_start3A_93 = arith.constant 0 : i32
        %dma_start3A_94 = tpu.memref_slice %arg3[%dma_start3A_93] : memref<655360xf32, #tpu.memory_space<hbm>> -> memref<655360xf32, #tpu.memory_space<hbm>>
        tpu.enqueue_indirect_dma source(%dma_start3A_94 : memref<655360xf32, #tpu.memory_space<hbm>>) target(%arg8 : memref<128xf32, #tpu.memory_space<vmem>>) offsets(%dma_start3A_92 : memref<128xi32, #tpu.memory_space<vmem>>) semaphore(%arg12 : memref<!tpu.dma_semaphore, #tpu.memory_space<semaphore_mem>>)
        %dma_start3A_95 = arith.constant 0 : i32
        %dma_start3A_96 = tpu.memref_slice %arg7[%add3A_89, %dma_start3A_95] : memref<80x128xi32, #tpu.memory_space<vmem>> -> memref<1x128xi32, #tpu.memory_space<vmem>>
        %dma_start3A_97 = tpu.memref_squeeze %dma_start3A_96 : memref<1x128xi32, #tpu.memory_space<vmem>> -> memref<128xi32, #tpu.memory_space<vmem>>
        %dma_start3A_98 = arith.constant 0 : i32
        %dma_start3A_99 = tpu.memref_slice %arg4[%dma_start3A_98] : memref<655360xf32, #tpu.memory_space<hbm>> -> memref<655360xf32, #tpu.memory_space<hbm>>
        tpu.enqueue_indirect_dma source(%dma_start3A_99 : memref<655360xf32, #tpu.memory_space<hbm>>) target(%arg10 : memref<128xf32, #tpu.memory_space<vmem>>) offsets(%dma_start3A_97 : memref<128xi32, #tpu.memory_space<vmem>>) semaphore(%arg12 : memref<!tpu.dma_semaphore, #tpu.memory_space<semaphore_mem>>)
      } else {
      }
      %add3A_75 = arith.constant 1 : i32
      %add3A_76 = arith.addi %add3A_24, %add3A_75 : i32
      %mul3A_77 = arith.constant 128 : i32
      %mul3A_78 = arith.muli %add3A_76, %mul3A_77 : i32
      %add3A_79 = arith.addi %mul3A_4, %mul3A_78 : i32
      %dma_start3A_80 = tpu.memref_slice %arg5[%add3A_79] : memref<327680xf32, #tpu.memory_space<hbm>> -> memref<128xf32, #tpu.memory_space<hbm>>
      %dma_start3A_81 = tpu.memref_slice %arg5[%add3A_79] : memref<327680xf32, #tpu.memory_space<hbm>> -> memref<128xf32, #tpu.memory_space<hbm>>
      tpu.enqueue_dma source(%arg9 : memref<128xf32, #tpu.memory_space<vmem>>) target(%dma_start3A_81 : memref<128xf32, #tpu.memory_space<hbm>>) target_semaphore(%arg13 : memref<!tpu.dma_semaphore, #tpu.memory_space<semaphore_mem>>)
      %dma_start3A_82 = tpu.memref_slice %arg6[%add3A_79] : memref<327680xf32, #tpu.memory_space<hbm>> -> memref<128xf32, #tpu.memory_space<hbm>>
      %dma_start3A_83 = tpu.memref_slice %arg6[%add3A_79] : memref<327680xf32, #tpu.memory_space<hbm>> -> memref<128xf32, #tpu.memory_space<hbm>>
      tpu.enqueue_dma source(%arg11 : memref<128xf32, #tpu.memory_space<vmem>>) target(%dma_start3A_83 : memref<128xf32, #tpu.memory_space<hbm>>) target_semaphore(%arg13 : memref<!tpu.dma_semaphore, #tpu.memory_space<semaphore_mem>>)
      %dma_wait3A_84 = tpu.memref_slice %arg5[%mul3A_4] : memref<327680xf32, #tpu.memory_space<hbm>> -> memref<128xf32, #tpu.memory_space<hbm>>
      %dma_wait3A_85 = tpu.memref_slice %arg5[%mul3A_4] : memref<327680xf32, #tpu.memory_space<hbm>> -> memref<128xf32, #tpu.memory_space<hbm>>
      tpu.wait_dma2 semaphore(%arg13 : memref<!tpu.dma_semaphore, #tpu.memory_space<semaphore_mem>>) src(%arg9 : memref<128xf32, #tpu.memory_space<vmem>>) dst(%dma_wait3A_85 : memref<128xf32, #tpu.memory_space<hbm>>)
      %dma_wait3A_86 = tpu.memref_slice %arg6[%mul3A_4] : memref<327680xf32, #tpu.memory_space<hbm>> -> memref<128xf32, #tpu.memory_space<hbm>>
      %dma_wait3A_87 = tpu.memref_slice %arg6[%mul3A_4] : memref<327680xf32, #tpu.memory_space<hbm>> -> memref<128xf32, #tpu.memory_space<hbm>>
      tpu.wait_dma2 semaphore(%arg13 : memref<!tpu.dma_semaphore, #tpu.memory_space<semaphore_mem>>) src(%arg11 : memref<128xf32, #tpu.memory_space<vmem>>) dst(%dma_wait3A_87 : memref<128xf32, #tpu.memory_space<hbm>>)
    }
    %scan3A_19 = arith.constant 40 : i32
    return
  }
}

#map = affine_map<(d0, d1) -> (0, 0)>
module attributes {stable_mosaic.version = 14 : i64} {
  func.func @_gather_rows_body(%arg0: i32, %arg1: i32, %arg2: memref<10000x128xf32, #tpu.memory_space<hbm>>, %arg3: memref<10000x128xf32, #tpu.memory_space<hbm>>, %arg4: memref<2560x128xi32, #tpu.memory_space<hbm>>, %arg5: memref<2560x128xi32, #tpu.memory_space<hbm>>, %arg6: memref<327680x128xf32, #tpu.memory_space<hbm>>, %arg7: memref<327680x128xf32, #tpu.memory_space<hbm>>, %arg8: memref<128xi32, #tpu.memory_space<vmem>>, %arg9: memref<128xi32, #tpu.memory_space<vmem>>, %arg10: memref<128xi32, #tpu.memory_space<vmem>>, %arg11: memref<128xi32, #tpu.memory_space<vmem>>, %arg12: memref<128xi32, #tpu.memory_space<vmem>>, %arg13: memref<128xi32, #tpu.memory_space<vmem>>, %arg14: memref<128x128xf32, #tpu.memory_space<vmem>>, %arg15: memref<128x128xf32, #tpu.memory_space<vmem>>, %arg16: memref<128x128xf32, #tpu.memory_space<vmem>>, %arg17: memref<128x128xf32, #tpu.memory_space<vmem>>, %arg18: memref<128x128xf32, #tpu.memory_space<vmem>>, %arg19: memref<128x128xf32, #tpu.memory_space<vmem>>, %arg20: memref<!tpu.dma_semaphore, #tpu.memory_space<semaphore_mem>>, %arg21: memref<!tpu.dma_semaphore, #tpu.memory_space<semaphore_mem>>, %arg22: memref<!tpu.dma_semaphore, #tpu.memory_space<semaphore_mem>>, %arg23: memref<!tpu.dma_semaphore, #tpu.memory_space<semaphore_mem>>, %arg24: memref<!tpu.dma_semaphore, #tpu.memory_space<semaphore_mem>>) attributes {dimension_semantics = [#tpu.dimension_semantics<core_parallel>, #tpu.dimension_semantics<subcore_parallel>], iteration_bounds = array<i64: 2, 16>, scalar_prefetch = 0 : i64, scratch_operands = 17 : i64, tpu.core_type = #tpu.core_type<sc_vector_subcore>, window_params = [{transform_indices = #map}, {transform_indices = #map}, {transform_indices = #map}, {transform_indices = #map}, {transform_indices = #map}, {transform_indices = #map}]} {
    %mul3A = arith.constant 2 : i32
    %mul3A_0 = arith.muli %arg1, %mul3A : i32
    %add3A = arith.addi %mul3A_0, %arg0 : i32
    %mul3A_1 = arith.constant 80 : i32
    %mul3A_2 = arith.muli %add3A, %mul3A_1 : i32
    %mul3A_3 = arith.constant 10240 : i32
    %mul3A_4 = arith.muli %add3A, %mul3A_3 : i32
    %add3A_5 = arith.constant 0 : i32
    %add3A_6 = arith.addi %mul3A_2, %add3A_5 : i32
    %dma_start3A = arith.constant 0 : i32
    %dma_start3A_7 = tpu.memref_slice %arg4[%add3A_6, %dma_start3A] : memref<2560x128xi32, #tpu.memory_space<hbm>> -> memref<1x128xi32, #tpu.memory_space<hbm>>
    %dma_start3A_8 = tpu.memref_squeeze %dma_start3A_7 : memref<1x128xi32, #tpu.memory_space<hbm>> -> memref<128xi32, #tpu.memory_space<hbm>>
    %dma_start3A_9 = arith.constant 0 : i32
    %dma_start3A_10 = tpu.memref_slice %arg4[%add3A_6, %dma_start3A_9] : memref<2560x128xi32, #tpu.memory_space<hbm>> -> memref<1x128xi32, #tpu.memory_space<hbm>>
    %dma_start3A_11 = tpu.memref_squeeze %dma_start3A_10 : memref<1x128xi32, #tpu.memory_space<hbm>> -> memref<128xi32, #tpu.memory_space<hbm>>
    tpu.enqueue_dma source(%dma_start3A_11 : memref<128xi32, #tpu.memory_space<hbm>>) target(%arg8 : memref<128xi32, #tpu.memory_space<vmem>>) target_semaphore(%arg20 : memref<!tpu.dma_semaphore, #tpu.memory_space<semaphore_mem>>)
    %add3A_12 = arith.constant 0 : i32
    %add3A_13 = arith.addi %mul3A_2, %add3A_12 : i32
    %dma_start3A_14 = arith.constant 0 : i32
    %dma_start3A_15 = tpu.memref_slice %arg5[%add3A_13, %dma_start3A_14] : memref<2560x128xi32, #tpu.memory_space<hbm>> -> memref<1x128xi32, #tpu.memory_space<hbm>>
    %dma_start3A_16 = tpu.memref_squeeze %dma_start3A_15 : memref<1x128xi32, #tpu.memory_space<hbm>> -> memref<128xi32, #tpu.memory_space<hbm>>
    %dma_start3A_17 = arith.constant 0 : i32
    %dma_start3A_18 = tpu.memref_slice %arg5[%add3A_13, %dma_start3A_17] : memref<2560x128xi32, #tpu.memory_space<hbm>> -> memref<1x128xi32, #tpu.memory_space<hbm>>
    %dma_start3A_19 = tpu.memref_squeeze %dma_start3A_18 : memref<1x128xi32, #tpu.memory_space<hbm>> -> memref<128xi32, #tpu.memory_space<hbm>>
    tpu.enqueue_dma source(%dma_start3A_19 : memref<128xi32, #tpu.memory_space<hbm>>) target(%arg11 : memref<128xi32, #tpu.memory_space<vmem>>) target_semaphore(%arg20 : memref<!tpu.dma_semaphore, #tpu.memory_space<semaphore_mem>>)
    %add3A_20 = arith.constant 1 : i32
    %add3A_21 = arith.addi %mul3A_2, %add3A_20 : i32
    %dma_start3A_22 = arith.constant 0 : i32
    %dma_start3A_23 = tpu.memref_slice %arg4[%add3A_21, %dma_start3A_22] : memref<2560x128xi32, #tpu.memory_space<hbm>> -> memref<1x128xi32, #tpu.memory_space<hbm>>
    %dma_start3A_24 = tpu.memref_squeeze %dma_start3A_23 : memref<1x128xi32, #tpu.memory_space<hbm>> -> memref<128xi32, #tpu.memory_space<hbm>>
    %dma_start3A_25 = arith.constant 0 : i32
    %dma_start3A_26 = tpu.memref_slice %arg4[%add3A_21, %dma_start3A_25] : memref<2560x128xi32, #tpu.memory_space<hbm>> -> memref<1x128xi32, #tpu.memory_space<hbm>>
    %dma_start3A_27 = tpu.memref_squeeze %dma_start3A_26 : memref<1x128xi32, #tpu.memory_space<hbm>> -> memref<128xi32, #tpu.memory_space<hbm>>
    tpu.enqueue_dma source(%dma_start3A_27 : memref<128xi32, #tpu.memory_space<hbm>>) target(%arg9 : memref<128xi32, #tpu.memory_space<vmem>>) target_semaphore(%arg20 : memref<!tpu.dma_semaphore, #tpu.memory_space<semaphore_mem>>)
    %add3A_28 = arith.constant 1 : i32
    %add3A_29 = arith.addi %mul3A_2, %add3A_28 : i32
    %dma_start3A_30 = arith.constant 0 : i32
    %dma_start3A_31 = tpu.memref_slice %arg5[%add3A_29, %dma_start3A_30] : memref<2560x128xi32, #tpu.memory_space<hbm>> -> memref<1x128xi32, #tpu.memory_space<hbm>>
    %dma_start3A_32 = tpu.memref_squeeze %dma_start3A_31 : memref<1x128xi32, #tpu.memory_space<hbm>> -> memref<128xi32, #tpu.memory_space<hbm>>
    %dma_start3A_33 = arith.constant 0 : i32
    %dma_start3A_34 = tpu.memref_slice %arg5[%add3A_29, %dma_start3A_33] : memref<2560x128xi32, #tpu.memory_space<hbm>> -> memref<1x128xi32, #tpu.memory_space<hbm>>
    %dma_start3A_35 = tpu.memref_squeeze %dma_start3A_34 : memref<1x128xi32, #tpu.memory_space<hbm>> -> memref<128xi32, #tpu.memory_space<hbm>>
    tpu.enqueue_dma source(%dma_start3A_35 : memref<128xi32, #tpu.memory_space<hbm>>) target(%arg12 : memref<128xi32, #tpu.memory_space<vmem>>) target_semaphore(%arg20 : memref<!tpu.dma_semaphore, #tpu.memory_space<semaphore_mem>>)
    %add3A_36 = arith.constant 2 : i32
    %add3A_37 = arith.addi %mul3A_2, %add3A_36 : i32
    %dma_start3A_38 = arith.constant 0 : i32
    %dma_start3A_39 = tpu.memref_slice %arg4[%add3A_37, %dma_start3A_38] : memref<2560x128xi32, #tpu.memory_space<hbm>> -> memref<1x128xi32, #tpu.memory_space<hbm>>
    %dma_start3A_40 = tpu.memref_squeeze %dma_start3A_39 : memref<1x128xi32, #tpu.memory_space<hbm>> -> memref<128xi32, #tpu.memory_space<hbm>>
    %dma_start3A_41 = arith.constant 0 : i32
    %dma_start3A_42 = tpu.memref_slice %arg4[%add3A_37, %dma_start3A_41] : memref<2560x128xi32, #tpu.memory_space<hbm>> -> memref<1x128xi32, #tpu.memory_space<hbm>>
    %dma_start3A_43 = tpu.memref_squeeze %dma_start3A_42 : memref<1x128xi32, #tpu.memory_space<hbm>> -> memref<128xi32, #tpu.memory_space<hbm>>
    tpu.enqueue_dma source(%dma_start3A_43 : memref<128xi32, #tpu.memory_space<hbm>>) target(%arg10 : memref<128xi32, #tpu.memory_space<vmem>>) target_semaphore(%arg20 : memref<!tpu.dma_semaphore, #tpu.memory_space<semaphore_mem>>)
    %add3A_44 = arith.constant 2 : i32
    %add3A_45 = arith.addi %mul3A_2, %add3A_44 : i32
    %dma_start3A_46 = arith.constant 0 : i32
    %dma_start3A_47 = tpu.memref_slice %arg5[%add3A_45, %dma_start3A_46] : memref<2560x128xi32, #tpu.memory_space<hbm>> -> memref<1x128xi32, #tpu.memory_space<hbm>>
    %dma_start3A_48 = tpu.memref_squeeze %dma_start3A_47 : memref<1x128xi32, #tpu.memory_space<hbm>> -> memref<128xi32, #tpu.memory_space<hbm>>
    %dma_start3A_49 = arith.constant 0 : i32
    %dma_start3A_50 = tpu.memref_slice %arg5[%add3A_45, %dma_start3A_49] : memref<2560x128xi32, #tpu.memory_space<hbm>> -> memref<1x128xi32, #tpu.memory_space<hbm>>
    %dma_start3A_51 = tpu.memref_squeeze %dma_start3A_50 : memref<1x128xi32, #tpu.memory_space<hbm>> -> memref<128xi32, #tpu.memory_space<hbm>>
    tpu.enqueue_dma source(%dma_start3A_51 : memref<128xi32, #tpu.memory_space<hbm>>) target(%arg13 : memref<128xi32, #tpu.memory_space<vmem>>) target_semaphore(%arg20 : memref<!tpu.dma_semaphore, #tpu.memory_space<semaphore_mem>>)
    %dma_wait3A = arith.constant 0 : i32
    %dma_wait3A_52 = tpu.memref_slice %arg4[%mul3A_2, %dma_wait3A] : memref<2560x128xi32, #tpu.memory_space<hbm>> -> memref<1x128xi32, #tpu.memory_space<hbm>>
    %dma_wait3A_53 = tpu.memref_squeeze %dma_wait3A_52 : memref<1x128xi32, #tpu.memory_space<hbm>> -> memref<128xi32, #tpu.memory_space<hbm>>
    %dma_wait3A_54 = arith.constant 0 : i32
    %dma_wait3A_55 = tpu.memref_slice %arg4[%mul3A_2, %dma_wait3A_54] : memref<2560x128xi32, #tpu.memory_space<hbm>> -> memref<1x128xi32, #tpu.memory_space<hbm>>
    %dma_wait3A_56 = tpu.memref_squeeze %dma_wait3A_55 : memref<1x128xi32, #tpu.memory_space<hbm>> -> memref<128xi32, #tpu.memory_space<hbm>>
    tpu.wait_dma2 semaphore(%arg20 : memref<!tpu.dma_semaphore, #tpu.memory_space<semaphore_mem>>) src(%dma_wait3A_56 : memref<128xi32, #tpu.memory_space<hbm>>) dst(%arg8 : memref<128xi32, #tpu.memory_space<vmem>>)
    %dma_wait3A_57 = arith.constant 0 : i32
    %dma_wait3A_58 = tpu.memref_slice %arg5[%mul3A_2, %dma_wait3A_57] : memref<2560x128xi32, #tpu.memory_space<hbm>> -> memref<1x128xi32, #tpu.memory_space<hbm>>
    %dma_wait3A_59 = tpu.memref_squeeze %dma_wait3A_58 : memref<1x128xi32, #tpu.memory_space<hbm>> -> memref<128xi32, #tpu.memory_space<hbm>>
    %dma_wait3A_60 = arith.constant 0 : i32
    %dma_wait3A_61 = tpu.memref_slice %arg5[%mul3A_2, %dma_wait3A_60] : memref<2560x128xi32, #tpu.memory_space<hbm>> -> memref<1x128xi32, #tpu.memory_space<hbm>>
    %dma_wait3A_62 = tpu.memref_squeeze %dma_wait3A_61 : memref<1x128xi32, #tpu.memory_space<hbm>> -> memref<128xi32, #tpu.memory_space<hbm>>
    tpu.wait_dma2 semaphore(%arg20 : memref<!tpu.dma_semaphore, #tpu.memory_space<semaphore_mem>>) src(%dma_wait3A_62 : memref<128xi32, #tpu.memory_space<hbm>>) dst(%arg11 : memref<128xi32, #tpu.memory_space<vmem>>)
    %dma_start3A_63 = arith.constant 0 : i32
    %dma_start3A_64 = arith.constant 0 : i32
    %dma_start3A_65 = tpu.memref_slice %arg2[%dma_start3A_63, %dma_start3A_64] : memref<10000x128xf32, #tpu.memory_space<hbm>> -> memref<10000x128xf32, #tpu.memory_space<hbm>>
    tpu.enqueue_indirect_dma source(%dma_start3A_65 : memref<10000x128xf32, #tpu.memory_space<hbm>>) target(%arg14 : memref<128x128xf32, #tpu.memory_space<vmem>>) offsets(%arg8 : memref<128xi32, #tpu.memory_space<vmem>>) semaphore(%arg21 : memref<!tpu.dma_semaphore, #tpu.memory_space<semaphore_mem>>)
    %dma_start3A_66 = arith.constant 0 : i32
    %dma_start3A_67 = arith.constant 0 : i32
    %dma_start3A_68 = tpu.memref_slice %arg3[%dma_start3A_66, %dma_start3A_67] : memref<10000x128xf32, #tpu.memory_space<hbm>> -> memref<10000x128xf32, #tpu.memory_space<hbm>>
    tpu.enqueue_indirect_dma source(%dma_start3A_68 : memref<10000x128xf32, #tpu.memory_space<hbm>>) target(%arg17 : memref<128x128xf32, #tpu.memory_space<vmem>>) offsets(%arg11 : memref<128xi32, #tpu.memory_space<vmem>>) semaphore(%arg22 : memref<!tpu.dma_semaphore, #tpu.memory_space<semaphore_mem>>)
    %dma_wait3A_69 = arith.constant 0 : i32
    %dma_wait3A_70 = tpu.memref_slice %arg4[%mul3A_2, %dma_wait3A_69] : memref<2560x128xi32, #tpu.memory_space<hbm>> -> memref<1x128xi32, #tpu.memory_space<hbm>>
    %dma_wait3A_71 = tpu.memref_squeeze %dma_wait3A_70 : memref<1x128xi32, #tpu.memory_space<hbm>> -> memref<128xi32, #tpu.memory_space<hbm>>
    %dma_wait3A_72 = arith.constant 0 : i32
    %dma_wait3A_73 = tpu.memref_slice %arg4[%mul3A_2, %dma_wait3A_72] : memref<2560x128xi32, #tpu.memory_space<hbm>> -> memref<1x128xi32, #tpu.memory_space<hbm>>
    %dma_wait3A_74 = tpu.memref_squeeze %dma_wait3A_73 : memref<1x128xi32, #tpu.memory_space<hbm>> -> memref<128xi32, #tpu.memory_space<hbm>>
    tpu.wait_dma2 semaphore(%arg20 : memref<!tpu.dma_semaphore, #tpu.memory_space<semaphore_mem>>) src(%dma_wait3A_74 : memref<128xi32, #tpu.memory_space<hbm>>) dst(%arg9 : memref<128xi32, #tpu.memory_space<vmem>>)
    %dma_wait3A_75 = arith.constant 0 : i32
    %dma_wait3A_76 = tpu.memref_slice %arg5[%mul3A_2, %dma_wait3A_75] : memref<2560x128xi32, #tpu.memory_space<hbm>> -> memref<1x128xi32, #tpu.memory_space<hbm>>
    %dma_wait3A_77 = tpu.memref_squeeze %dma_wait3A_76 : memref<1x128xi32, #tpu.memory_space<hbm>> -> memref<128xi32, #tpu.memory_space<hbm>>
    %dma_wait3A_78 = arith.constant 0 : i32
    %dma_wait3A_79 = tpu.memref_slice %arg5[%mul3A_2, %dma_wait3A_78] : memref<2560x128xi32, #tpu.memory_space<hbm>> -> memref<1x128xi32, #tpu.memory_space<hbm>>
    %dma_wait3A_80 = tpu.memref_squeeze %dma_wait3A_79 : memref<1x128xi32, #tpu.memory_space<hbm>> -> memref<128xi32, #tpu.memory_space<hbm>>
    tpu.wait_dma2 semaphore(%arg20 : memref<!tpu.dma_semaphore, #tpu.memory_space<semaphore_mem>>) src(%dma_wait3A_80 : memref<128xi32, #tpu.memory_space<hbm>>) dst(%arg12 : memref<128xi32, #tpu.memory_space<vmem>>)
    %dma_start3A_81 = arith.constant 0 : i32
    %dma_start3A_82 = arith.constant 0 : i32
    %dma_start3A_83 = tpu.memref_slice %arg2[%dma_start3A_81, %dma_start3A_82] : memref<10000x128xf32, #tpu.memory_space<hbm>> -> memref<10000x128xf32, #tpu.memory_space<hbm>>
    tpu.enqueue_indirect_dma source(%dma_start3A_83 : memref<10000x128xf32, #tpu.memory_space<hbm>>) target(%arg15 : memref<128x128xf32, #tpu.memory_space<vmem>>) offsets(%arg9 : memref<128xi32, #tpu.memory_space<vmem>>) semaphore(%arg21 : memref<!tpu.dma_semaphore, #tpu.memory_space<semaphore_mem>>)
    %dma_start3A_84 = arith.constant 0 : i32
    %dma_start3A_85 = arith.constant 0 : i32
    %dma_start3A_86 = tpu.memref_slice %arg3[%dma_start3A_84, %dma_start3A_85] : memref<10000x128xf32, #tpu.memory_space<hbm>> -> memref<10000x128xf32, #tpu.memory_space<hbm>>
    tpu.enqueue_indirect_dma source(%dma_start3A_86 : memref<10000x128xf32, #tpu.memory_space<hbm>>) target(%arg18 : memref<128x128xf32, #tpu.memory_space<vmem>>) offsets(%arg12 : memref<128xi32, #tpu.memory_space<vmem>>) semaphore(%arg22 : memref<!tpu.dma_semaphore, #tpu.memory_space<semaphore_mem>>)
    %scan3A = arith.constant 0 : i32
    %scan3A_87 = arith.constant 26 : i32
    %scan3A_88 = arith.addi %scan3A, %scan3A_87 : i32
    %scan3A_89 = arith.constant 1 : i32
    scf.for %scan3A_139 = %scan3A to %scan3A_88 step %scan3A_89  : i32 {
      %mul3A_140 = arith.constant 3 : i32
      %mul3A_141 = arith.muli %scan3A_139, %mul3A_140 : i32
      %add3A_142 = arith.constant 0 : i32
      %add3A_143 = arith.addi %add3A_142, %mul3A_141 : i32
      %dma_wait3A_144 = arith.constant 0 : i32
      %dma_wait3A_145 = arith.constant 0 : i32
      %dma_wait3A_146 = tpu.memref_slice %arg2[%dma_wait3A_144, %dma_wait3A_145] : memref<10000x128xf32, #tpu.memory_space<hbm>> -> memref<10000x128xf32, #tpu.memory_space<hbm>>
      tpu.wait_indirect_dma semaphore(%arg21 : memref<!tpu.dma_semaphore, #tpu.memory_space<semaphore_mem>>) src(%dma_wait3A_146 : memref<10000x128xf32, #tpu.memory_space<hbm>>) dst(%arg14 : memref<128x128xf32, #tpu.memory_space<vmem>>)
      %dma_wait3A_147 = arith.constant 0 : i32
      %dma_wait3A_148 = arith.constant 0 : i32
      %dma_wait3A_149 = tpu.memref_slice %arg3[%dma_wait3A_147, %dma_wait3A_148] : memref<10000x128xf32, #tpu.memory_space<hbm>> -> memref<10000x128xf32, #tpu.memory_space<hbm>>
      tpu.wait_indirect_dma semaphore(%arg22 : memref<!tpu.dma_semaphore, #tpu.memory_space<semaphore_mem>>) src(%dma_wait3A_149 : memref<10000x128xf32, #tpu.memory_space<hbm>>) dst(%arg17 : memref<128x128xf32, #tpu.memory_space<vmem>>)
      %dma_wait3A_150 = arith.constant 0 : i32
      %dma_wait3A_151 = tpu.memref_slice %arg4[%mul3A_2, %dma_wait3A_150] : memref<2560x128xi32, #tpu.memory_space<hbm>> -> memref<1x128xi32, #tpu.memory_space<hbm>>
      %dma_wait3A_152 = tpu.memref_squeeze %dma_wait3A_151 : memref<1x128xi32, #tpu.memory_space<hbm>> -> memref<128xi32, #tpu.memory_space<hbm>>
      %dma_wait3A_153 = arith.constant 0 : i32
      %dma_wait3A_154 = tpu.memref_slice %arg4[%mul3A_2, %dma_wait3A_153] : memref<2560x128xi32, #tpu.memory_space<hbm>> -> memref<1x128xi32, #tpu.memory_space<hbm>>
      %dma_wait3A_155 = tpu.memref_squeeze %dma_wait3A_154 : memref<1x128xi32, #tpu.memory_space<hbm>> -> memref<128xi32, #tpu.memory_space<hbm>>
      tpu.wait_dma2 semaphore(%arg20 : memref<!tpu.dma_semaphore, #tpu.memory_space<semaphore_mem>>) src(%dma_wait3A_155 : memref<128xi32, #tpu.memory_space<hbm>>) dst(%arg10 : memref<128xi32, #tpu.memory_space<vmem>>)
      %dma_wait3A_156 = arith.constant 0 : i32
      %dma_wait3A_157 = tpu.memref_slice %arg5[%mul3A_2, %dma_wait3A_156] : memref<2560x128xi32, #tpu.memory_space<hbm>> -> memref<1x128xi32, #tpu.memory_space<hbm>>
      %dma_wait3A_158 = tpu.memref_squeeze %dma_wait3A_157 : memref<1x128xi32, #tpu.memory_space<hbm>> -> memref<128xi32, #tpu.memory_space<hbm>>
      %dma_wait3A_159 = arith.constant 0 : i32
      %dma_wait3A_160 = tpu.memref_slice %arg5[%mul3A_2, %dma_wait3A_159] : memref<2560x128xi32, #tpu.memory_space<hbm>> -> memref<1x128xi32, #tpu.memory_space<hbm>>
      %dma_wait3A_161 = tpu.memref_squeeze %dma_wait3A_160 : memref<1x128xi32, #tpu.memory_space<hbm>> -> memref<128xi32, #tpu.memory_space<hbm>>
      tpu.wait_dma2 semaphore(%arg20 : memref<!tpu.dma_semaphore, #tpu.memory_space<semaphore_mem>>) src(%dma_wait3A_161 : memref<128xi32, #tpu.memory_space<hbm>>) dst(%arg13 : memref<128xi32, #tpu.memory_space<vmem>>)
      %dma_start3A_162 = arith.constant 0 : i32
      %dma_start3A_163 = arith.constant 0 : i32
      %dma_start3A_164 = tpu.memref_slice %arg2[%dma_start3A_162, %dma_start3A_163] : memref<10000x128xf32, #tpu.memory_space<hbm>> -> memref<10000x128xf32, #tpu.memory_space<hbm>>
      tpu.enqueue_indirect_dma source(%dma_start3A_164 : memref<10000x128xf32, #tpu.memory_space<hbm>>) target(%arg16 : memref<128x128xf32, #tpu.memory_space<vmem>>) offsets(%arg10 : memref<128xi32, #tpu.memory_space<vmem>>) semaphore(%arg21 : memref<!tpu.dma_semaphore, #tpu.memory_space<semaphore_mem>>)
      %dma_start3A_165 = arith.constant 0 : i32
      %dma_start3A_166 = arith.constant 0 : i32
      %dma_start3A_167 = tpu.memref_slice %arg3[%dma_start3A_165, %dma_start3A_166] : memref<10000x128xf32, #tpu.memory_space<hbm>> -> memref<10000x128xf32, #tpu.memory_space<hbm>>
      tpu.enqueue_indirect_dma source(%dma_start3A_167 : memref<10000x128xf32, #tpu.memory_space<hbm>>) target(%arg19 : memref<128x128xf32, #tpu.memory_space<vmem>>) offsets(%arg13 : memref<128xi32, #tpu.memory_space<vmem>>) semaphore(%arg22 : memref<!tpu.dma_semaphore, #tpu.memory_space<semaphore_mem>>)
      %mul3A_168 = arith.constant 128 : i32
      %mul3A_169 = arith.muli %add3A_143, %mul3A_168 : i32
      %add3A_170 = arith.addi %mul3A_4, %mul3A_169 : i32
      %dma_start3A_171 = arith.constant 0 : i32
      %dma_start3A_172 = tpu.memref_slice %arg6[%add3A_170, %dma_start3A_171] : memref<327680x128xf32, #tpu.memory_space<hbm>> -> memref<128x128xf32, #tpu.memory_space<hbm>>
      %dma_start3A_173 = arith.constant 0 : i32
      %dma_start3A_174 = tpu.memref_slice %arg6[%add3A_170, %dma_start3A_173] : memref<327680x128xf32, #tpu.memory_space<hbm>> -> memref<128x128xf32, #tpu.memory_space<hbm>>
      tpu.enqueue_dma source(%arg14 : memref<128x128xf32, #tpu.memory_space<vmem>>) target(%dma_start3A_174 : memref<128x128xf32, #tpu.memory_space<hbm>>) target_semaphore(%arg23 : memref<!tpu.dma_semaphore, #tpu.memory_space<semaphore_mem>>)
      %dma_start3A_175 = arith.constant 0 : i32
      %dma_start3A_176 = tpu.memref_slice %arg7[%add3A_170, %dma_start3A_175] : memref<327680x128xf32, #tpu.memory_space<hbm>> -> memref<128x128xf32, #tpu.memory_space<hbm>>
      %dma_start3A_177 = arith.constant 0 : i32
      %dma_start3A_178 = tpu.memref_slice %arg7[%add3A_170, %dma_start3A_177] : memref<327680x128xf32, #tpu.memory_space<hbm>> -> memref<128x128xf32, #tpu.memory_space<hbm>>
      tpu.enqueue_dma source(%arg17 : memref<128x128xf32, #tpu.memory_space<vmem>>) target(%dma_start3A_178 : memref<128x128xf32, #tpu.memory_space<hbm>>) target_semaphore(%arg24 : memref<!tpu.dma_semaphore, #tpu.memory_space<semaphore_mem>>)
      %add3A_179 = arith.constant 3 : i32
      %add3A_180 = arith.addi %add3A_143, %add3A_179 : i32
      %lt3A = arith.constant 80 : i32
      %lt3A_181 = arith.cmpi slt, %add3A_180, %lt3A : i32
      %convert_element_type3A = arith.extui %lt3A_181 : i1 to i32
      %cond3A = arith.constant 0 : i32
      %cond3A_182 = arith.cmpi ne, %convert_element_type3A, %cond3A : i32
      scf.if %cond3A_182 {
        %add3A_273 = arith.constant 3 : i32
        %add3A_274 = arith.addi %add3A_143, %add3A_273 : i32
        %add3A_275 = arith.addi %mul3A_2, %add3A_274 : i32
        %dma_start3A_276 = arith.constant 0 : i32
        %dma_start3A_277 = tpu.memref_slice %arg4[%add3A_275, %dma_start3A_276] : memref<2560x128xi32, #tpu.memory_space<hbm>> -> memref<1x128xi32, #tpu.memory_space<hbm>>
        %dma_start3A_278 = tpu.memref_squeeze %dma_start3A_277 : memref<1x128xi32, #tpu.memory_space<hbm>> -> memref<128xi32, #tpu.memory_space<hbm>>
        %dma_start3A_279 = arith.constant 0 : i32
        %dma_start3A_280 = tpu.memref_slice %arg4[%add3A_275, %dma_start3A_279] : memref<2560x128xi32, #tpu.memory_space<hbm>> -> memref<1x128xi32, #tpu.memory_space<hbm>>
        %dma_start3A_281 = tpu.memref_squeeze %dma_start3A_280 : memref<1x128xi32, #tpu.memory_space<hbm>> -> memref<128xi32, #tpu.memory_space<hbm>>
        tpu.enqueue_dma source(%dma_start3A_281 : memref<128xi32, #tpu.memory_space<hbm>>) target(%arg8 : memref<128xi32, #tpu.memory_space<vmem>>) target_semaphore(%arg20 : memref<!tpu.dma_semaphore, #tpu.memory_space<semaphore_mem>>)
        %add3A_282 = arith.addi %mul3A_2, %add3A_274 : i32
        %dma_start3A_283 = arith.constant 0 : i32
        %dma_start3A_284 = tpu.memref_slice %arg5[%add3A_282, %dma_start3A_283] : memref<2560x128xi32, #tpu.memory_space<hbm>> -> memref<1x128xi32, #tpu.memory_space<hbm>>
        %dma_start3A_285 = tpu.memref_squeeze %dma_start3A_284 : memref<1x128xi32, #tpu.memory_space<hbm>> -> memref<128xi32, #tpu.memory_space<hbm>>
        %dma_start3A_286 = arith.constant 0 : i32
        %dma_start3A_287 = tpu.memref_slice %arg5[%add3A_282, %dma_start3A_286] : memref<2560x128xi32, #tpu.memory_space<hbm>> -> memref<1x128xi32, #tpu.memory_space<hbm>>
        %dma_start3A_288 = tpu.memref_squeeze %dma_start3A_287 : memref<1x128xi32, #tpu.memory_space<hbm>> -> memref<128xi32, #tpu.memory_space<hbm>>
        tpu.enqueue_dma source(%dma_start3A_288 : memref<128xi32, #tpu.memory_space<hbm>>) target(%arg11 : memref<128xi32, #tpu.memory_space<vmem>>) target_semaphore(%arg20 : memref<!tpu.dma_semaphore, #tpu.memory_space<semaphore_mem>>)
      } else {
      }
      %dma_wait3A_183 = arith.constant 0 : i32
      %dma_wait3A_184 = arith.constant 0 : i32
      %dma_wait3A_185 = tpu.memref_slice %arg2[%dma_wait3A_183, %dma_wait3A_184] : memref<10000x128xf32, #tpu.memory_space<hbm>> -> memref<10000x128xf32, #tpu.memory_space<hbm>>
      tpu.wait_indirect_dma semaphore(%arg21 : memref<!tpu.dma_semaphore, #tpu.memory_space<semaphore_mem>>) src(%dma_wait3A_185 : memref<10000x128xf32, #tpu.memory_space<hbm>>) dst(%arg15 : memref<128x128xf32, #tpu.memory_space<vmem>>)
      %dma_wait3A_186 = arith.constant 0 : i32
      %dma_wait3A_187 = arith.constant 0 : i32
      %dma_wait3A_188 = tpu.memref_slice %arg3[%dma_wait3A_186, %dma_wait3A_187] : memref<10000x128xf32, #tpu.memory_space<hbm>> -> memref<10000x128xf32, #tpu.memory_space<hbm>>
      tpu.wait_indirect_dma semaphore(%arg22 : memref<!tpu.dma_semaphore, #tpu.memory_space<semaphore_mem>>) src(%dma_wait3A_188 : memref<10000x128xf32, #tpu.memory_space<hbm>>) dst(%arg18 : memref<128x128xf32, #tpu.memory_space<vmem>>)
      %dma_wait3A_189 = arith.constant 0 : i32
      %dma_wait3A_190 = tpu.memref_slice %arg6[%mul3A_4, %dma_wait3A_189] : memref<327680x128xf32, #tpu.memory_space<hbm>> -> memref<128x128xf32, #tpu.memory_space<hbm>>
      %dma_wait3A_191 = arith.constant 0 : i32
      %dma_wait3A_192 = tpu.memref_slice %arg6[%mul3A_4, %dma_wait3A_191] : memref<327680x128xf32, #tpu.memory_space<hbm>> -> memref<128x128xf32, #tpu.memory_space<hbm>>
      tpu.wait_dma2 semaphore(%arg23 : memref<!tpu.dma_semaphore, #tpu.memory_space<semaphore_mem>>) src(%arg14 : memref<128x128xf32, #tpu.memory_space<vmem>>) dst(%dma_wait3A_192 : memref<128x128xf32, #tpu.memory_space<hbm>>)
      %dma_wait3A_193 = arith.constant 0 : i32
      %dma_wait3A_194 = tpu.memref_slice %arg7[%mul3A_4, %dma_wait3A_193] : memref<327680x128xf32, #tpu.memory_space<hbm>> -> memref<128x128xf32, #tpu.memory_space<hbm>>
      %dma_wait3A_195 = arith.constant 0 : i32
      %dma_wait3A_196 = tpu.memref_slice %arg7[%mul3A_4, %dma_wait3A_195] : memref<327680x128xf32, #tpu.memory_space<hbm>> -> memref<128x128xf32, #tpu.memory_space<hbm>>
      tpu.wait_dma2 semaphore(%arg24 : memref<!tpu.dma_semaphore, #tpu.memory_space<semaphore_mem>>) src(%arg17 : memref<128x128xf32, #tpu.memory_space<vmem>>) dst(%dma_wait3A_196 : memref<128x128xf32, #tpu.memory_space<hbm>>)
      %add3A_197 = arith.constant 3 : i32
      %add3A_198 = arith.addi %add3A_143, %add3A_197 : i32
      %lt3A_199 = arith.constant 80 : i32
      %lt3A_200 = arith.cmpi slt, %add3A_198, %lt3A_199 : i32
      %convert_element_type3A_201 = arith.extui %lt3A_200 : i1 to i32
      %cond3A_202 = arith.constant 0 : i32
      %cond3A_203 = arith.cmpi ne, %convert_element_type3A_201, %cond3A_202 : i32
      scf.if %cond3A_203 {
        %dma_wait3A_273 = arith.constant 0 : i32
        %dma_wait3A_274 = tpu.memref_slice %arg4[%mul3A_2, %dma_wait3A_273] : memref<2560x128xi32, #tpu.memory_space<hbm>> -> memref<1x128xi32, #tpu.memory_space<hbm>>
        %dma_wait3A_275 = tpu.memref_squeeze %dma_wait3A_274 : memref<1x128xi32, #tpu.memory_space<hbm>> -> memref<128xi32, #tpu.memory_space<hbm>>
        %dma_wait3A_276 = arith.constant 0 : i32
        %dma_wait3A_277 = tpu.memref_slice %arg4[%mul3A_2, %dma_wait3A_276] : memref<2560x128xi32, #tpu.memory_space<hbm>> -> memref<1x128xi32, #tpu.memory_space<hbm>>
        %dma_wait3A_278 = tpu.memref_squeeze %dma_wait3A_277 : memref<1x128xi32, #tpu.memory_space<hbm>> -> memref<128xi32, #tpu.memory_space<hbm>>
        tpu.wait_dma2 semaphore(%arg20 : memref<!tpu.dma_semaphore, #tpu.memory_space<semaphore_mem>>) src(%dma_wait3A_278 : memref<128xi32, #tpu.memory_space<hbm>>) dst(%arg8 : memref<128xi32, #tpu.memory_space<vmem>>)
        %dma_wait3A_279 = arith.constant 0 : i32
        %dma_wait3A_280 = tpu.memref_slice %arg5[%mul3A_2, %dma_wait3A_279] : memref<2560x128xi32, #tpu.memory_space<hbm>> -> memref<1x128xi32, #tpu.memory_space<hbm>>
        %dma_wait3A_281 = tpu.memref_squeeze %dma_wait3A_280 : memref<1x128xi32, #tpu.memory_space<hbm>> -> memref<128xi32, #tpu.memory_space<hbm>>
        %dma_wait3A_282 = arith.constant 0 : i32
        %dma_wait3A_283 = tpu.memref_slice %arg5[%mul3A_2, %dma_wait3A_282] : memref<2560x128xi32, #tpu.memory_space<hbm>> -> memref<1x128xi32, #tpu.memory_space<hbm>>
        %dma_wait3A_284 = tpu.memref_squeeze %dma_wait3A_283 : memref<1x128xi32, #tpu.memory_space<hbm>> -> memref<128xi32, #tpu.memory_space<hbm>>
        tpu.wait_dma2 semaphore(%arg20 : memref<!tpu.dma_semaphore, #tpu.memory_space<semaphore_mem>>) src(%dma_wait3A_284 : memref<128xi32, #tpu.memory_space<hbm>>) dst(%arg11 : memref<128xi32, #tpu.memory_space<vmem>>)
        %dma_start3A_285 = arith.constant 0 : i32
        %dma_start3A_286 = arith.constant 0 : i32
        %dma_start3A_287 = tpu.memref_slice %arg2[%dma_start3A_285, %dma_start3A_286] : memref<10000x128xf32, #tpu.memory_space<hbm>> -> memref<10000x128xf32, #tpu.memory_space<hbm>>
        tpu.enqueue_indirect_dma source(%dma_start3A_287 : memref<10000x128xf32, #tpu.memory_space<hbm>>) target(%arg14 : memref<128x128xf32, #tpu.memory_space<vmem>>) offsets(%arg8 : memref<128xi32, #tpu.memory_space<vmem>>) semaphore(%arg21 : memref<!tpu.dma_semaphore, #tpu.memory_space<semaphore_mem>>)
        %dma_start3A_288 = arith.constant 0 : i32
        %dma_start3A_289 = arith.constant 0 : i32
        %dma_start3A_290 = tpu.memref_slice %arg3[%dma_start3A_288, %dma_start3A_289] : memref<10000x128xf32, #tpu.memory_space<hbm>> -> memref<10000x128xf32, #tpu.memory_space<hbm>>
        tpu.enqueue_indirect_dma source(%dma_start3A_290 : memref<10000x128xf32, #tpu.memory_space<hbm>>) target(%arg17 : memref<128x128xf32, #tpu.memory_space<vmem>>) offsets(%arg11 : memref<128xi32, #tpu.memory_space<vmem>>) semaphore(%arg22 : memref<!tpu.dma_semaphore, #tpu.memory_space<semaphore_mem>>)
      } else {
      }
      %add3A_204 = arith.constant 1 : i32
      %add3A_205 = arith.addi %add3A_143, %add3A_204 : i32
      %mul3A_206 = arith.constant 128 : i32
      %mul3A_207 = arith.muli %add3A_205, %mul3A_206 : i32
      %add3A_208 = arith.addi %mul3A_4, %mul3A_207 : i32
      %dma_start3A_209 = arith.constant 0 : i32
      %dma_start3A_210 = tpu.memref_slice %arg6[%add3A_208, %dma_start3A_209] : memref<327680x128xf32, #tpu.memory_space<hbm>> -> memref<128x128xf32, #tpu.memory_space<hbm>>
      %dma_start3A_211 = arith.constant 0 : i32
      %dma_start3A_212 = tpu.memref_slice %arg6[%add3A_208, %dma_start3A_211] : memref<327680x128xf32, #tpu.memory_space<hbm>> -> memref<128x128xf32, #tpu.memory_space<hbm>>
      tpu.enqueue_dma source(%arg15 : memref<128x128xf32, #tpu.memory_space<vmem>>) target(%dma_start3A_212 : memref<128x128xf32, #tpu.memory_space<hbm>>) target_semaphore(%arg23 : memref<!tpu.dma_semaphore, #tpu.memory_space<semaphore_mem>>)
      %dma_start3A_213 = arith.constant 0 : i32
      %dma_start3A_214 = tpu.memref_slice %arg7[%add3A_208, %dma_start3A_213] : memref<327680x128xf32, #tpu.memory_space<hbm>> -> memref<128x128xf32, #tpu.memory_space<hbm>>
      %dma_start3A_215 = arith.constant 0 : i32
      %dma_start3A_216 = tpu.memref_slice %arg7[%add3A_208, %dma_start3A_215] : memref<327680x128xf32, #tpu.memory_space<hbm>> -> memref<128x128xf32, #tpu.memory_space<hbm>>
      tpu.enqueue_dma source(%arg18 : memref<128x128xf32, #tpu.memory_space<vmem>>) target(%dma_start3A_216 : memref<128x128xf32, #tpu.memory_space<hbm>>) target_semaphore(%arg24 : memref<!tpu.dma_semaphore, #tpu.memory_space<semaphore_mem>>)
      %add3A_217 = arith.constant 4 : i32
      %add3A_218 = arith.addi %add3A_143, %add3A_217 : i32
      %lt3A_219 = arith.constant 80 : i32
      %lt3A_220 = arith.cmpi slt, %add3A_218, %lt3A_219 : i32
      %convert_element_type3A_221 = arith.extui %lt3A_220 : i1 to i32
      %cond3A_222 = arith.constant 0 : i32
      %cond3A_223 = arith.cmpi ne, %convert_element_type3A_221, %cond3A_222 : i32
      scf.if %cond3A_223 {
        %add3A_273 = arith.constant 4 : i32
        %add3A_274 = arith.addi %add3A_143, %add3A_273 : i32
        %add3A_275 = arith.addi %mul3A_2, %add3A_274 : i32
        %dma_start3A_276 = arith.constant 0 : i32
        %dma_start3A_277 = tpu.memref_slice %arg4[%add3A_275, %dma_start3A_276] : memref<2560x128xi32, #tpu.memory_space<hbm>> -> memref<1x128xi32, #tpu.memory_space<hbm>>
        %dma_start3A_278 = tpu.memref_squeeze %dma_start3A_277 : memref<1x128xi32, #tpu.memory_space<hbm>> -> memref<128xi32, #tpu.memory_space<hbm>>
        %dma_start3A_279 = arith.constant 0 : i32
        %dma_start3A_280 = tpu.memref_slice %arg4[%add3A_275, %dma_start3A_279] : memref<2560x128xi32, #tpu.memory_space<hbm>> -> memref<1x128xi32, #tpu.memory_space<hbm>>
        %dma_start3A_281 = tpu.memref_squeeze %dma_start3A_280 : memref<1x128xi32, #tpu.memory_space<hbm>> -> memref<128xi32, #tpu.memory_space<hbm>>
        tpu.enqueue_dma source(%dma_start3A_281 : memref<128xi32, #tpu.memory_space<hbm>>) target(%arg9 : memref<128xi32, #tpu.memory_space<vmem>>) target_semaphore(%arg20 : memref<!tpu.dma_semaphore, #tpu.memory_space<semaphore_mem>>)
        %add3A_282 = arith.addi %mul3A_2, %add3A_274 : i32
        %dma_start3A_283 = arith.constant 0 : i32
        %dma_start3A_284 = tpu.memref_slice %arg5[%add3A_282, %dma_start3A_283] : memref<2560x128xi32, #tpu.memory_space<hbm>> -> memref<1x128xi32, #tpu.memory_space<hbm>>
        %dma_start3A_285 = tpu.memref_squeeze %dma_start3A_284 : memref<1x128xi32, #tpu.memory_space<hbm>> -> memref<128xi32, #tpu.memory_space<hbm>>
        %dma_start3A_286 = arith.constant 0 : i32
        %dma_start3A_287 = tpu.memref_slice %arg5[%add3A_282, %dma_start3A_286] : memref<2560x128xi32, #tpu.memory_space<hbm>> -> memref<1x128xi32, #tpu.memory_space<hbm>>
        %dma_start3A_288 = tpu.memref_squeeze %dma_start3A_287 : memref<1x128xi32, #tpu.memory_space<hbm>> -> memref<128xi32, #tpu.memory_space<hbm>>
        tpu.enqueue_dma source(%dma_start3A_288 : memref<128xi32, #tpu.memory_space<hbm>>) target(%arg12 : memref<128xi32, #tpu.memory_space<vmem>>) target_semaphore(%arg20 : memref<!tpu.dma_semaphore, #tpu.memory_space<semaphore_mem>>)
      } else {
      }
      %dma_wait3A_224 = arith.constant 0 : i32
      %dma_wait3A_225 = arith.constant 0 : i32
      %dma_wait3A_226 = tpu.memref_slice %arg2[%dma_wait3A_224, %dma_wait3A_225] : memref<10000x128xf32, #tpu.memory_space<hbm>> -> memref<10000x128xf32, #tpu.memory_space<hbm>>
      tpu.wait_indirect_dma semaphore(%arg21 : memref<!tpu.dma_semaphore, #tpu.memory_space<semaphore_mem>>) src(%dma_wait3A_226 : memref<10000x128xf32, #tpu.memory_space<hbm>>) dst(%arg16 : memref<128x128xf32, #tpu.memory_space<vmem>>)
      %dma_wait3A_227 = arith.constant 0 : i32
      %dma_wait3A_228 = arith.constant 0 : i32
      %dma_wait3A_229 = tpu.memref_slice %arg3[%dma_wait3A_227, %dma_wait3A_228] : memref<10000x128xf32, #tpu.memory_space<hbm>> -> memref<10000x128xf32, #tpu.memory_space<hbm>>
      tpu.wait_indirect_dma semaphore(%arg22 : memref<!tpu.dma_semaphore, #tpu.memory_space<semaphore_mem>>) src(%dma_wait3A_229 : memref<10000x128xf32, #tpu.memory_space<hbm>>) dst(%arg19 : memref<128x128xf32, #tpu.memory_space<vmem>>)
      %dma_wait3A_230 = arith.constant 0 : i32
      %dma_wait3A_231 = tpu.memref_slice %arg6[%mul3A_4, %dma_wait3A_230] : memref<327680x128xf32, #tpu.memory_space<hbm>> -> memref<128x128xf32, #tpu.memory_space<hbm>>
      %dma_wait3A_232 = arith.constant 0 : i32
      %dma_wait3A_233 = tpu.memref_slice %arg6[%mul3A_4, %dma_wait3A_232] : memref<327680x128xf32, #tpu.memory_space<hbm>> -> memref<128x128xf32, #tpu.memory_space<hbm>>
      tpu.wait_dma2 semaphore(%arg23 : memref<!tpu.dma_semaphore, #tpu.memory_space<semaphore_mem>>) src(%arg15 : memref<128x128xf32, #tpu.memory_space<vmem>>) dst(%dma_wait3A_233 : memref<128x128xf32, #tpu.memory_space<hbm>>)
      %dma_wait3A_234 = arith.constant 0 : i32
      %dma_wait3A_235 = tpu.memref_slice %arg7[%mul3A_4, %dma_wait3A_234] : memref<327680x128xf32, #tpu.memory_space<hbm>> -> memref<128x128xf32, #tpu.memory_space<hbm>>
      %dma_wait3A_236 = arith.constant 0 : i32
      %dma_wait3A_237 = tpu.memref_slice %arg7[%mul3A_4, %dma_wait3A_236] : memref<327680x128xf32, #tpu.memory_space<hbm>> -> memref<128x128xf32, #tpu.memory_space<hbm>>
      tpu.wait_dma2 semaphore(%arg24 : memref<!tpu.dma_semaphore, #tpu.memory_space<semaphore_mem>>) src(%arg18 : memref<128x128xf32, #tpu.memory_space<vmem>>) dst(%dma_wait3A_237 : memref<128x128xf32, #tpu.memory_space<hbm>>)
      %add3A_238 = arith.constant 4 : i32
      %add3A_239 = arith.addi %add3A_143, %add3A_238 : i32
      %lt3A_240 = arith.constant 80 : i32
      %lt3A_241 = arith.cmpi slt, %add3A_239, %lt3A_240 : i32
      %convert_element_type3A_242 = arith.extui %lt3A_241 : i1 to i32
      %cond3A_243 = arith.constant 0 : i32
      %cond3A_244 = arith.cmpi ne, %convert_element_type3A_242, %cond3A_243 : i32
      scf.if %cond3A_244 {
        %dma_wait3A_273 = arith.constant 0 : i32
        %dma_wait3A_274 = tpu.memref_slice %arg4[%mul3A_2, %dma_wait3A_273] : memref<2560x128xi32, #tpu.memory_space<hbm>> -> memref<1x128xi32, #tpu.memory_space<hbm>>
        %dma_wait3A_275 = tpu.memref_squeeze %dma_wait3A_274 : memref<1x128xi32, #tpu.memory_space<hbm>> -> memref<128xi32, #tpu.memory_space<hbm>>
        %dma_wait3A_276 = arith.constant 0 : i32
        %dma_wait3A_277 = tpu.memref_slice %arg4[%mul3A_2, %dma_wait3A_276] : memref<2560x128xi32, #tpu.memory_space<hbm>> -> memref<1x128xi32, #tpu.memory_space<hbm>>
        %dma_wait3A_278 = tpu.memref_squeeze %dma_wait3A_277 : memref<1x128xi32, #tpu.memory_space<hbm>> -> memref<128xi32, #tpu.memory_space<hbm>>
        tpu.wait_dma2 semaphore(%arg20 : memref<!tpu.dma_semaphore, #tpu.memory_space<semaphore_mem>>) src(%dma_wait3A_278 : memref<128xi32, #tpu.memory_space<hbm>>) dst(%arg9 : memref<128xi32, #tpu.memory_space<vmem>>)
        %dma_wait3A_279 = arith.constant 0 : i32
        %dma_wait3A_280 = tpu.memref_slice %arg5[%mul3A_2, %dma_wait3A_279] : memref<2560x128xi32, #tpu.memory_space<hbm>> -> memref<1x128xi32, #tpu.memory_space<hbm>>
        %dma_wait3A_281 = tpu.memref_squeeze %dma_wait3A_280 : memref<1x128xi32, #tpu.memory_space<hbm>> -> memref<128xi32, #tpu.memory_space<hbm>>
        %dma_wait3A_282 = arith.constant 0 : i32
        %dma_wait3A_283 = tpu.memref_slice %arg5[%mul3A_2, %dma_wait3A_282] : memref<2560x128xi32, #tpu.memory_space<hbm>> -> memref<1x128xi32, #tpu.memory_space<hbm>>
        %dma_wait3A_284 = tpu.memref_squeeze %dma_wait3A_283 : memref<1x128xi32, #tpu.memory_space<hbm>> -> memref<128xi32, #tpu.memory_space<hbm>>
        tpu.wait_dma2 semaphore(%arg20 : memref<!tpu.dma_semaphore, #tpu.memory_space<semaphore_mem>>) src(%dma_wait3A_284 : memref<128xi32, #tpu.memory_space<hbm>>) dst(%arg12 : memref<128xi32, #tpu.memory_space<vmem>>)
        %dma_start3A_285 = arith.constant 0 : i32
        %dma_start3A_286 = arith.constant 0 : i32
        %dma_start3A_287 = tpu.memref_slice %arg2[%dma_start3A_285, %dma_start3A_286] : memref<10000x128xf32, #tpu.memory_space<hbm>> -> memref<10000x128xf32, #tpu.memory_space<hbm>>
        tpu.enqueue_indirect_dma source(%dma_start3A_287 : memref<10000x128xf32, #tpu.memory_space<hbm>>) target(%arg15 : memref<128x128xf32, #tpu.memory_space<vmem>>) offsets(%arg9 : memref<128xi32, #tpu.memory_space<vmem>>) semaphore(%arg21 : memref<!tpu.dma_semaphore, #tpu.memory_space<semaphore_mem>>)
        %dma_start3A_288 = arith.constant 0 : i32
        %dma_start3A_289 = arith.constant 0 : i32
        %dma_start3A_290 = tpu.memref_slice %arg3[%dma_start3A_288, %dma_start3A_289] : memref<10000x128xf32, #tpu.memory_space<hbm>> -> memref<10000x128xf32, #tpu.memory_space<hbm>>
        tpu.enqueue_indirect_dma source(%dma_start3A_290 : memref<10000x128xf32, #tpu.memory_space<hbm>>) target(%arg18 : memref<128x128xf32, #tpu.memory_space<vmem>>) offsets(%arg12 : memref<128xi32, #tpu.memory_space<vmem>>) semaphore(%arg22 : memref<!tpu.dma_semaphore, #tpu.memory_space<semaphore_mem>>)
      } else {
      }
      %add3A_245 = arith.constant 2 : i32
      %add3A_246 = arith.addi %add3A_143, %add3A_245 : i32
      %mul3A_247 = arith.constant 128 : i32
      %mul3A_248 = arith.muli %add3A_246, %mul3A_247 : i32
      %add3A_249 = arith.addi %mul3A_4, %mul3A_248 : i32
      %dma_start3A_250 = arith.constant 0 : i32
      %dma_start3A_251 = tpu.memref_slice %arg6[%add3A_249, %dma_start3A_250] : memref<327680x128xf32, #tpu.memory_space<hbm>> -> memref<128x128xf32, #tpu.memory_space<hbm>>
      %dma_start3A_252 = arith.constant 0 : i32
      %dma_start3A_253 = tpu.memref_slice %arg6[%add3A_249, %dma_start3A_252] : memref<327680x128xf32, #tpu.memory_space<hbm>> -> memref<128x128xf32, #tpu.memory_space<hbm>>
      tpu.enqueue_dma source(%arg16 : memref<128x128xf32, #tpu.memory_space<vmem>>) target(%dma_start3A_253 : memref<128x128xf32, #tpu.memory_space<hbm>>) target_semaphore(%arg23 : memref<!tpu.dma_semaphore, #tpu.memory_space<semaphore_mem>>)
      %dma_start3A_254 = arith.constant 0 : i32
      %dma_start3A_255 = tpu.memref_slice %arg7[%add3A_249, %dma_start3A_254] : memref<327680x128xf32, #tpu.memory_space<hbm>> -> memref<128x128xf32, #tpu.memory_space<hbm>>
      %dma_start3A_256 = arith.constant 0 : i32
      %dma_start3A_257 = tpu.memref_slice %arg7[%add3A_249, %dma_start3A_256] : memref<327680x128xf32, #tpu.memory_space<hbm>> -> memref<128x128xf32, #tpu.memory_space<hbm>>
      tpu.enqueue_dma source(%arg19 : memref<128x128xf32, #tpu.memory_space<vmem>>) target(%dma_start3A_257 : memref<128x128xf32, #tpu.memory_space<hbm>>) target_semaphore(%arg24 : memref<!tpu.dma_semaphore, #tpu.memory_space<semaphore_mem>>)
      %add3A_258 = arith.constant 5 : i32
      %add3A_259 = arith.addi %add3A_143, %add3A_258 : i32
      %lt3A_260 = arith.constant 80 : i32
      %lt3A_261 = arith.cmpi slt, %add3A_259, %lt3A_260 : i32
      %convert_element_type3A_262 = arith.extui %lt3A_261 : i1 to i32
      %cond3A_263 = arith.constant 0 : i32
      %cond3A_264 = arith.cmpi ne, %convert_element_type3A_262, %cond3A_263 : i32
      scf.if %cond3A_264 {
        %add3A_273 = arith.constant 5 : i32
        %add3A_274 = arith.addi %add3A_143, %add3A_273 : i32
        %add3A_275 = arith.addi %mul3A_2, %add3A_274 : i32
        %dma_start3A_276 = arith.constant 0 : i32
        %dma_start3A_277 = tpu.memref_slice %arg4[%add3A_275, %dma_start3A_276] : memref<2560x128xi32, #tpu.memory_space<hbm>> -> memref<1x128xi32, #tpu.memory_space<hbm>>
        %dma_start3A_278 = tpu.memref_squeeze %dma_start3A_277 : memref<1x128xi32, #tpu.memory_space<hbm>> -> memref<128xi32, #tpu.memory_space<hbm>>
        %dma_start3A_279 = arith.constant 0 : i32
        %dma_start3A_280 = tpu.memref_slice %arg4[%add3A_275, %dma_start3A_279] : memref<2560x128xi32, #tpu.memory_space<hbm>> -> memref<1x128xi32, #tpu.memory_space<hbm>>
        %dma_start3A_281 = tpu.memref_squeeze %dma_start3A_280 : memref<1x128xi32, #tpu.memory_space<hbm>> -> memref<128xi32, #tpu.memory_space<hbm>>
        tpu.enqueue_dma source(%dma_start3A_281 : memref<128xi32, #tpu.memory_space<hbm>>) target(%arg10 : memref<128xi32, #tpu.memory_space<vmem>>) target_semaphore(%arg20 : memref<!tpu.dma_semaphore, #tpu.memory_space<semaphore_mem>>)
        %add3A_282 = arith.addi %mul3A_2, %add3A_274 : i32
        %dma_start3A_283 = arith.constant 0 : i32
        %dma_start3A_284 = tpu.memref_slice %arg5[%add3A_282, %dma_start3A_283] : memref<2560x128xi32, #tpu.memory_space<hbm>> -> memref<1x128xi32, #tpu.memory_space<hbm>>
        %dma_start3A_285 = tpu.memref_squeeze %dma_start3A_284 : memref<1x128xi32, #tpu.memory_space<hbm>> -> memref<128xi32, #tpu.memory_space<hbm>>
        %dma_start3A_286 = arith.constant 0 : i32
        %dma_start3A_287 = tpu.memref_slice %arg5[%add3A_282, %dma_start3A_286] : memref<2560x128xi32, #tpu.memory_space<hbm>> -> memref<1x128xi32, #tpu.memory_space<hbm>>
        %dma_start3A_288 = tpu.memref_squeeze %dma_start3A_287 : memref<1x128xi32, #tpu.memory_space<hbm>> -> memref<128xi32, #tpu.memory_space<hbm>>
        tpu.enqueue_dma source(%dma_start3A_288 : memref<128xi32, #tpu.memory_space<hbm>>) target(%arg13 : memref<128xi32, #tpu.memory_space<vmem>>) target_semaphore(%arg20 : memref<!tpu.dma_semaphore, #tpu.memory_space<semaphore_mem>>)
      } else {
      }
      %dma_wait3A_265 = arith.constant 0 : i32
      %dma_wait3A_266 = tpu.memref_slice %arg6[%mul3A_4, %dma_wait3A_265] : memref<327680x128xf32, #tpu.memory_space<hbm>> -> memref<128x128xf32, #tpu.memory_space<hbm>>
      %dma_wait3A_267 = arith.constant 0 : i32
      %dma_wait3A_268 = tpu.memref_slice %arg6[%mul3A_4, %dma_wait3A_267] : memref<327680x128xf32, #tpu.memory_space<hbm>> -> memref<128x128xf32, #tpu.memory_space<hbm>>
      tpu.wait_dma2 semaphore(%arg23 : memref<!tpu.dma_semaphore, #tpu.memory_space<semaphore_mem>>) src(%arg16 : memref<128x128xf32, #tpu.memory_space<vmem>>) dst(%dma_wait3A_268 : memref<128x128xf32, #tpu.memory_space<hbm>>)
      %dma_wait3A_269 = arith.constant 0 : i32
      %dma_wait3A_270 = tpu.memref_slice %arg7[%mul3A_4, %dma_wait3A_269] : memref<327680x128xf32, #tpu.memory_space<hbm>> -> memref<128x128xf32, #tpu.memory_space<hbm>>
      %dma_wait3A_271 = arith.constant 0 : i32
      %dma_wait3A_272 = tpu.memref_slice %arg7[%mul3A_4, %dma_wait3A_271] : memref<327680x128xf32, #tpu.memory_space<hbm>> -> memref<128x128xf32, #tpu.memory_space<hbm>>
      tpu.wait_dma2 semaphore(%arg24 : memref<!tpu.dma_semaphore, #tpu.memory_space<semaphore_mem>>) src(%arg19 : memref<128x128xf32, #tpu.memory_space<vmem>>) dst(%dma_wait3A_272 : memref<128x128xf32, #tpu.memory_space<hbm>>)
    }
    %scan3A_90 = arith.constant 26 : i32
    %dma_wait3A_91 = arith.constant 0 : i32
    %dma_wait3A_92 = arith.constant 0 : i32
    %dma_wait3A_93 = tpu.memref_slice %arg2[%dma_wait3A_91, %dma_wait3A_92] : memref<10000x128xf32, #tpu.memory_space<hbm>> -> memref<10000x128xf32, #tpu.memory_space<hbm>>
    tpu.wait_indirect_dma semaphore(%arg21 : memref<!tpu.dma_semaphore, #tpu.memory_space<semaphore_mem>>) src(%dma_wait3A_93 : memref<10000x128xf32, #tpu.memory_space<hbm>>) dst(%arg14 : memref<128x128xf32, #tpu.memory_space<vmem>>)
    %dma_wait3A_94 = arith.constant 0 : i32
    %dma_wait3A_95 = arith.constant 0 : i32
    %dma_wait3A_96 = tpu.memref_slice %arg3[%dma_wait3A_94, %dma_wait3A_95] : memref<10000x128xf32, #tpu.memory_space<hbm>> -> memref<10000x128xf32, #tpu.memory_space<hbm>>
    tpu.wait_indirect_dma semaphore(%arg22 : memref<!tpu.dma_semaphore, #tpu.memory_space<semaphore_mem>>) src(%dma_wait3A_96 : memref<10000x128xf32, #tpu.memory_space<hbm>>) dst(%arg17 : memref<128x128xf32, #tpu.memory_space<vmem>>)
    %add3A_97 = arith.constant 9984 : i32
    %add3A_98 = arith.addi %mul3A_4, %add3A_97 : i32
    %dma_start3A_99 = arith.constant 0 : i32
    %dma_start3A_100 = tpu.memref_slice %arg6[%add3A_98, %dma_start3A_99] : memref<327680x128xf32, #tpu.memory_space<hbm>> -> memref<128x128xf32, #tpu.memory_space<hbm>>
    %dma_start3A_101 = arith.constant 0 : i32
    %dma_start3A_102 = tpu.memref_slice %arg6[%add3A_98, %dma_start3A_101] : memref<327680x128xf32, #tpu.memory_space<hbm>> -> memref<128x128xf32, #tpu.memory_space<hbm>>
    tpu.enqueue_dma source(%arg14 : memref<128x128xf32, #tpu.memory_space<vmem>>) target(%dma_start3A_102 : memref<128x128xf32, #tpu.memory_space<hbm>>) target_semaphore(%arg23 : memref<!tpu.dma_semaphore, #tpu.memory_space<semaphore_mem>>)
    %dma_start3A_103 = arith.constant 0 : i32
    %dma_start3A_104 = tpu.memref_slice %arg7[%add3A_98, %dma_start3A_103] : memref<327680x128xf32, #tpu.memory_space<hbm>> -> memref<128x128xf32, #tpu.memory_space<hbm>>
    %dma_start3A_105 = arith.constant 0 : i32
    %dma_start3A_106 = tpu.memref_slice %arg7[%add3A_98, %dma_start3A_105] : memref<327680x128xf32, #tpu.memory_space<hbm>> -> memref<128x128xf32, #tpu.memory_space<hbm>>
    tpu.enqueue_dma source(%arg17 : memref<128x128xf32, #tpu.memory_space<vmem>>) target(%dma_start3A_106 : memref<128x128xf32, #tpu.memory_space<hbm>>) target_semaphore(%arg24 : memref<!tpu.dma_semaphore, #tpu.memory_space<semaphore_mem>>)
    %dma_wait3A_107 = arith.constant 0 : i32
    %dma_wait3A_108 = arith.constant 0 : i32
    %dma_wait3A_109 = tpu.memref_slice %arg2[%dma_wait3A_107, %dma_wait3A_108] : memref<10000x128xf32, #tpu.memory_space<hbm>> -> memref<10000x128xf32, #tpu.memory_space<hbm>>
    tpu.wait_indirect_dma semaphore(%arg21 : memref<!tpu.dma_semaphore, #tpu.memory_space<semaphore_mem>>) src(%dma_wait3A_109 : memref<10000x128xf32, #tpu.memory_space<hbm>>) dst(%arg15 : memref<128x128xf32, #tpu.memory_space<vmem>>)
    %dma_wait3A_110 = arith.constant 0 : i32
    %dma_wait3A_111 = arith.constant 0 : i32
    %dma_wait3A_112 = tpu.memref_slice %arg3[%dma_wait3A_110, %dma_wait3A_111] : memref<10000x128xf32, #tpu.memory_space<hbm>> -> memref<10000x128xf32, #tpu.memory_space<hbm>>
    tpu.wait_indirect_dma semaphore(%arg22 : memref<!tpu.dma_semaphore, #tpu.memory_space<semaphore_mem>>) src(%dma_wait3A_112 : memref<10000x128xf32, #tpu.memory_space<hbm>>) dst(%arg18 : memref<128x128xf32, #tpu.memory_space<vmem>>)
    %add3A_113 = arith.constant 10112 : i32
    %add3A_114 = arith.addi %mul3A_4, %add3A_113 : i32
    %dma_start3A_115 = arith.constant 0 : i32
    %dma_start3A_116 = tpu.memref_slice %arg6[%add3A_114, %dma_start3A_115] : memref<327680x128xf32, #tpu.memory_space<hbm>> -> memref<128x128xf32, #tpu.memory_space<hbm>>
    %dma_start3A_117 = arith.constant 0 : i32
    %dma_start3A_118 = tpu.memref_slice %arg6[%add3A_114, %dma_start3A_117] : memref<327680x128xf32, #tpu.memory_space<hbm>> -> memref<128x128xf32, #tpu.memory_space<hbm>>
    tpu.enqueue_dma source(%arg15 : memref<128x128xf32, #tpu.memory_space<vmem>>) target(%dma_start3A_118 : memref<128x128xf32, #tpu.memory_space<hbm>>) target_semaphore(%arg23 : memref<!tpu.dma_semaphore, #tpu.memory_space<semaphore_mem>>)
    %dma_start3A_119 = arith.constant 0 : i32
    %dma_start3A_120 = tpu.memref_slice %arg7[%add3A_114, %dma_start3A_119] : memref<327680x128xf32, #tpu.memory_space<hbm>> -> memref<128x128xf32, #tpu.memory_space<hbm>>
    %dma_start3A_121 = arith.constant 0 : i32
    %dma_start3A_122 = tpu.memref_slice %arg7[%add3A_114, %dma_start3A_121] : memref<327680x128xf32, #tpu.memory_space<hbm>> -> memref<128x128xf32, #tpu.memory_space<hbm>>
    tpu.enqueue_dma source(%arg18 : memref<128x128xf32, #tpu.memory_space<vmem>>) target(%dma_start3A_122 : memref<128x128xf32, #tpu.memory_space<hbm>>) target_semaphore(%arg24 : memref<!tpu.dma_semaphore, #tpu.memory_space<semaphore_mem>>)
    %dma_wait3A_123 = arith.constant 0 : i32
    %dma_wait3A_124 = tpu.memref_slice %arg6[%mul3A_4, %dma_wait3A_123] : memref<327680x128xf32, #tpu.memory_space<hbm>> -> memref<128x128xf32, #tpu.memory_space<hbm>>
    %dma_wait3A_125 = arith.constant 0 : i32
    %dma_wait3A_126 = tpu.memref_slice %arg6[%mul3A_4, %dma_wait3A_125] : memref<327680x128xf32, #tpu.memory_space<hbm>> -> memref<128x128xf32, #tpu.memory_space<hbm>>
    tpu.wait_dma2 semaphore(%arg23 : memref<!tpu.dma_semaphore, #tpu.memory_space<semaphore_mem>>) src(%arg14 : memref<128x128xf32, #tpu.memory_space<vmem>>) dst(%dma_wait3A_126 : memref<128x128xf32, #tpu.memory_space<hbm>>)
    %dma_wait3A_127 = arith.constant 0 : i32
    %dma_wait3A_128 = tpu.memref_slice %arg7[%mul3A_4, %dma_wait3A_127] : memref<327680x128xf32, #tpu.memory_space<hbm>> -> memref<128x128xf32, #tpu.memory_space<hbm>>
    %dma_wait3A_129 = arith.constant 0 : i32
    %dma_wait3A_130 = tpu.memref_slice %arg7[%mul3A_4, %dma_wait3A_129] : memref<327680x128xf32, #tpu.memory_space<hbm>> -> memref<128x128xf32, #tpu.memory_space<hbm>>
    tpu.wait_dma2 semaphore(%arg24 : memref<!tpu.dma_semaphore, #tpu.memory_space<semaphore_mem>>) src(%arg17 : memref<128x128xf32, #tpu.memory_space<vmem>>) dst(%dma_wait3A_130 : memref<128x128xf32, #tpu.memory_space<hbm>>)
    %dma_wait3A_131 = arith.constant 0 : i32
    %dma_wait3A_132 = tpu.memref_slice %arg6[%mul3A_4, %dma_wait3A_131] : memref<327680x128xf32, #tpu.memory_space<hbm>> -> memref<128x128xf32, #tpu.memory_space<hbm>>
    %dma_wait3A_133 = arith.constant 0 : i32
    %dma_wait3A_134 = tpu.memref_slice %arg6[%mul3A_4, %dma_wait3A_133] : memref<327680x128xf32, #tpu.memory_space<hbm>> -> memref<128x128xf32, #tpu.memory_space<hbm>>
    tpu.wait_dma2 semaphore(%arg23 : memref<!tpu.dma_semaphore, #tpu.memory_space<semaphore_mem>>) src(%arg15 : memref<128x128xf32, #tpu.memory_space<vmem>>) dst(%dma_wait3A_134 : memref<128x128xf32, #tpu.memory_space<hbm>>)
    %dma_wait3A_135 = arith.constant 0 : i32
    %dma_wait3A_136 = tpu.memref_slice %arg7[%mul3A_4, %dma_wait3A_135] : memref<327680x128xf32, #tpu.memory_space<hbm>> -> memref<128x128xf32, #tpu.memory_space<hbm>>
    %dma_wait3A_137 = arith.constant 0 : i32
    %dma_wait3A_138 = tpu.memref_slice %arg7[%mul3A_4, %dma_wait3A_137] : memref<327680x128xf32, #tpu.memory_space<hbm>> -> memref<128x128xf32, #tpu.memory_space<hbm>>
    tpu.wait_dma2 semaphore(%arg24 : memref<!tpu.dma_semaphore, #tpu.memory_space<semaphore_mem>>) src(%arg18 : memref<128x128xf32, #tpu.memory_space<vmem>>) dst(%dma_wait3A_138 : memref<128x128xf32, #tpu.memory_space<hbm>>)
    return
  }
}

#map = affine_map<(d0, d1) -> (0, 0)>
#map1 = affine_map<(d0, d1) -> (0)>
module attributes {stable_mosaic.version = 14 : i64} {
  func.func @_scatter_rows_body(%arg0: i32, %arg1: i32, %arg2: memref<327680x128xf32, #tpu.memory_space<hbm>>, %arg3: memref<2560x128xf32, #tpu.memory_space<hbm>>, %arg4: memref<2560x128xf32, #tpu.memory_space<hbm>>, %arg5: memref<2560x128xi32, #tpu.memory_space<hbm>>, %arg6: memref<2560x128xi32, #tpu.memory_space<hbm>>, %arg7: memref<20000x128xf32, #tpu.memory_space<hbm>>, %arg8: memref<20480xf32, #tpu.memory_space<hbm>>, %arg9: memref<20480xf32, #tpu.memory_space<hbm>>, %arg10: memref<128xi32, #tpu.memory_space<vmem>>, %arg11: memref<128xi32, #tpu.memory_space<vmem>>, %arg12: memref<128xi32, #tpu.memory_space<vmem>>, %arg13: memref<128xi32, #tpu.memory_space<vmem>>, %arg14: memref<128xf32, #tpu.memory_space<vmem>>, %arg15: memref<128xf32, #tpu.memory_space<vmem>>, %arg16: memref<128xf32, #tpu.memory_space<vmem>>, %arg17: memref<128xf32, #tpu.memory_space<vmem>>, %arg18: memref<128x128xf32, #tpu.memory_space<vmem>>, %arg19: memref<128x128xf32, #tpu.memory_space<vmem>>, %arg20: memref<16x128xf32, #tpu.memory_space<vmem>>, %arg21: memref<2048xf32, #tpu.memory_space<vmem>>, %arg22: memref<!tpu.dma_semaphore, #tpu.memory_space<semaphore_mem>>, %arg23: memref<10000x128xf32, #tpu.memory_space<vmem_shared>>, %arg24: memref<10240xf32, #tpu.memory_space<vmem_shared>>, %arg25: memref<10240xf32, #tpu.memory_space<vmem_shared>>) attributes {dimension_semantics = [#tpu.dimension_semantics<core_parallel>, #tpu.dimension_semantics<subcore_parallel>], iteration_bounds = array<i64: 2, 16>, scalar_prefetch = 0 : i64, scratch_operands = 16 : i64, tpu.core_type = #tpu.core_type<sc_vector_subcore>, window_params = [{transform_indices = #map}, {transform_indices = #map}, {transform_indices = #map}, {transform_indices = #map}, {transform_indices = #map}, {transform_indices = #map}, {transform_indices = #map1}, {transform_indices = #map1}]} {
    %mul3A = arith.constant 2 : i32
    %mul3A_0 = arith.muli %arg1, %mul3A : i32
    %add3A = arith.addi %mul3A_0, %arg0 : i32
    %scan3A = arith.constant 0 : i32
    %scan3A_1 = arith.constant 16 : i32
    %scan3A_2 = arith.addi %scan3A, %scan3A_1 : i32
    %scan3A_3 = arith.constant 1 : i32
    scf.for %scan3A_79 = %scan3A to %scan3A_2 step %scan3A_3  : i32 {
      %mul3A_80 = arith.constant 1 : i32
      %mul3A_81 = arith.muli %scan3A_79, %mul3A_80 : i32
      %add3A_82 = arith.constant 0 : i32
      %add3A_83 = arith.addi %add3A_82, %mul3A_81 : i32
      %scan3A_84 = arith.constant 0 : i32
      %scan3A_85 = arith.constant 8 : i32
      %scan3A_86 = arith.addi %scan3A_84, %scan3A_85 : i32
      %scan3A_87 = arith.constant 1 : i32
      scf.for %scan3A_89 = %scan3A_84 to %scan3A_86 step %scan3A_87  : i32 {
        %mul3A_90 = arith.constant 16 : i32
        %mul3A_91 = arith.muli %scan3A_89, %mul3A_90 : i32
        %add3A_92 = arith.constant 0 : i32
        %add3A_93 = arith.addi %add3A_92, %mul3A_91 : i32
        %broadcast_in_dim3A = arith.constant 0.000000e+00 : f32
        %broadcast_in_dim3A_94 = vector.broadcast %broadcast_in_dim3A : f32 to vector<16xf32>
        %swap3A = arith.index_cast %add3A_83 : i32 to index
        %swap3A_95 = arith.index_cast %add3A_93 : i32 to index
        %swap3A_96 = tpu.vector_load %arg20[%swap3A, %swap3A_95] {strides = array<i32>} : memref<16x128xf32, #tpu.memory_space<vmem>>, vector<1x16xf32>,
        %swap3A_97 = vector.shape_cast %swap3A_96 : vector<1x16xf32> to vector<16xf32>
        %swap3A_98 = vector.shape_cast %broadcast_in_dim3A_94 : vector<16xf32> to vector<1x16xf32>
        tpu.vector_store %arg20[%swap3A, %swap3A_95], %swap3A_98 {strides = array<i32>} : memref<16x128xf32, #tpu.memory_space<vmem>>, vector<1x16xf32>,
      }
      %scan3A_88 = arith.constant 8 : i32
    }
    %scan3A_4 = arith.constant 16 : i32
    %scan3A_5 = arith.constant 0 : i32
    %scan3A_6 = arith.constant 128 : i32
    %scan3A_7 = arith.addi %scan3A_5, %scan3A_6 : i32
    %scan3A_8 = arith.constant 1 : i32
    scf.for %scan3A_79 = %scan3A_5 to %scan3A_7 step %scan3A_8  : i32 {
      %mul3A_80 = arith.constant 16 : i32
      %mul3A_81 = arith.muli %scan3A_79, %mul3A_80 : i32
      %add3A_82 = arith.constant 0 : i32
      %add3A_83 = arith.addi %add3A_82, %mul3A_81 : i32
      %broadcast_in_dim3A = arith.constant 0.000000e+00 : f32
      %broadcast_in_dim3A_84 = vector.broadcast %broadcast_in_dim3A : f32 to vector<16xf32>
      %swap3A = arith.index_cast %add3A_83 : i32 to index
      %swap3A_85 = tpu.vector_load %arg21[%swap3A] {strides = array<i32>} : memref<2048xf32, #tpu.memory_space<vmem>>, vector<16xf32>,
      %swap3A_86 = vector.shape_cast %swap3A_85 : vector<16xf32> to vector<16xf32>
      %swap3A_87 = vector.shape_cast %broadcast_in_dim3A_84 : vector<16xf32> to vector<16xf32>
      tpu.vector_store %arg21[%swap3A], %swap3A_87 {strides = array<i32>} : memref<2048xf32, #tpu.memory_space<vmem>>, vector<16xf32>,
    }
    %scan3A_9 = arith.constant 128 : i32
    %mul3A_10 = arith.constant 624 : i32
    %mul3A_11 = arith.muli %arg1, %mul3A_10 : i32
    %eq3A = arith.constant 15 : i32
    %eq3A_12 = arith.cmpi eq, %arg1, %eq3A : i32
    %jit3A = arith.constant 640 : i32
    %jit3A_13 = arith.constant 624 : i32
    %select_n3A = arith.select %eq3A_12, %jit3A, %jit3A_13 : i32
    %scan3A_14 = arith.constant 0 : i32
    %scan3A_15 = arith.constant 40 : i32
    %scan3A_16 = arith.addi %scan3A_14, %scan3A_15 : i32
    %scan3A_17 = arith.constant 1 : i32
    scf.for %scan3A_79 = %scan3A_14 to %scan3A_16 step %scan3A_17  : i32 {
      %mul3A_80 = arith.constant 16 : i32
      %mul3A_81 = arith.muli %scan3A_79, %mul3A_80 : i32
      %add3A_82 = arith.constant 0 : i32
      %add3A_83 = arith.addi %add3A_82, %mul3A_81 : i32
      %lt3A = arith.cmpi slt, %add3A_83, %select_n3A : i32
      %convert_element_type3A_84 = arith.extui %lt3A : i1 to i32
      %cond3A_85 = arith.constant 0 : i32
      %cond3A_86 = arith.cmpi ne, %convert_element_type3A_84, %cond3A_85 : i32
      scf.if %cond3A_86 {
        %add3A_87 = arith.addi %mul3A_11, %add3A_83 : i32
        "tpu.region"() ({
          %run_scoped3A = tpu.sem_alloc : memref<!tpu.dma_semaphore, #tpu.memory_space<semaphore_mem>>
          %dma_start3A_88 = arith.constant 0 : i32
          %dma_start3A_89 = tpu.memref_slice %arg23[%add3A_87, %dma_start3A_88] : memref<10000x128xf32, #tpu.memory_space<vmem_shared>> -> memref<16x128xf32, #tpu.memory_space<vmem_shared>>
          %dma_start3A_90 = arith.constant 0 : i32
          %dma_start3A_91 = tpu.memref_slice %arg23[%add3A_87, %dma_start3A_90] : memref<10000x128xf32, #tpu.memory_space<vmem_shared>> -> memref<16x128xf32, #tpu.memory_space<vmem_shared>>
          tpu.enqueue_dma source(%arg20 : memref<16x128xf32, #tpu.memory_space<vmem>>) target(%dma_start3A_91 : memref<16x128xf32, #tpu.memory_space<vmem_shared>>) target_semaphore(%run_scoped3A : memref<!tpu.dma_semaphore, #tpu.memory_space<semaphore_mem>>)
          %dma_wait3A = arith.constant 0 : i32
          %dma_wait3A_92 = tpu.memref_slice %arg23[%add3A_87, %dma_wait3A] : memref<10000x128xf32, #tpu.memory_space<vmem_shared>> -> memref<16x128xf32, #tpu.memory_space<vmem_shared>>
          %dma_wait3A_93 = arith.constant 0 : i32
          %dma_wait3A_94 = tpu.memref_slice %arg23[%add3A_87, %dma_wait3A_93] : memref<10000x128xf32, #tpu.memory_space<vmem_shared>> -> memref<16x128xf32, #tpu.memory_space<vmem_shared>>
          tpu.wait_dma2 semaphore(%run_scoped3A : memref<!tpu.dma_semaphore, #tpu.memory_space<semaphore_mem>>) src(%arg20 : memref<16x128xf32, #tpu.memory_space<vmem>>) dst(%dma_wait3A_94 : memref<16x128xf32, #tpu.memory_space<vmem_shared>>)
          tpu.yield
        }) : () -> ()
      } else {
      }
    }
    %scan3A_18 = arith.constant 40 : i32
    %eq3A_19 = arith.constant 0 : i32
    %eq3A_20 = arith.cmpi eq, %arg1, %eq3A_19 : i32
    %convert_element_type3A = arith.extui %eq3A_20 : i1 to i32
    %cond3A = arith.constant 0 : i32
    %cond3A_21 = arith.cmpi ne, %convert_element_type3A, %cond3A : i32
    scf.if %cond3A_21 {
      %scan3A_79 = arith.constant 0 : i32
      %scan3A_80 = arith.constant 5 : i32
      %scan3A_81 = arith.addi %scan3A_79, %scan3A_80 : i32
      %scan3A_82 = arith.constant 1 : i32
      scf.for %scan3A_84 = %scan3A_79 to %scan3A_81 step %scan3A_82  : i32 {
        %mul3A_85 = arith.constant 2048 : i32
        %mul3A_86 = arith.muli %scan3A_84, %mul3A_85 : i32
        %add3A_87 = arith.constant 0 : i32
        %add3A_88 = arith.addi %add3A_87, %mul3A_86 : i32
        "tpu.region"() ({
          %run_scoped3A = tpu.sem_alloc : memref<!tpu.dma_semaphore, #tpu.memory_space<semaphore_mem>>
          %dma_start3A_89 = tpu.memref_slice %arg24[%add3A_88] : memref<10240xf32, #tpu.memory_space<vmem_shared>> -> memref<2048xf32, #tpu.memory_space<vmem_shared>>
          %dma_start3A_90 = tpu.memref_slice %arg24[%add3A_88] : memref<10240xf32, #tpu.memory_space<vmem_shared>> -> memref<2048xf32, #tpu.memory_space<vmem_shared>>
          tpu.enqueue_dma source(%arg21 : memref<2048xf32, #tpu.memory_space<vmem>>) target(%dma_start3A_90 : memref<2048xf32, #tpu.memory_space<vmem_shared>>) target_semaphore(%run_scoped3A : memref<!tpu.dma_semaphore, #tpu.memory_space<semaphore_mem>>)
          %dma_wait3A = tpu.memref_slice %arg24[%add3A_88] : memref<10240xf32, #tpu.memory_space<vmem_shared>> -> memref<2048xf32, #tpu.memory_space<vmem_shared>>
          %dma_wait3A_91 = tpu.memref_slice %arg24[%add3A_88] : memref<10240xf32, #tpu.memory_space<vmem_shared>> -> memref<2048xf32, #tpu.memory_space<vmem_shared>>
          tpu.wait_dma2 semaphore(%run_scoped3A : memref<!tpu.dma_semaphore, #tpu.memory_space<semaphore_mem>>) src(%arg21 : memref<2048xf32, #tpu.memory_space<vmem>>) dst(%dma_wait3A_91 : memref<2048xf32, #tpu.memory_space<vmem_shared>>)
          tpu.yield
        }) : () -> ()
        "tpu.region"() ({
          %run_scoped3A = tpu.sem_alloc : memref<!tpu.dma_semaphore, #tpu.memory_space<semaphore_mem>>
          %dma_start3A_89 = tpu.memref_slice %arg25[%add3A_88] : memref<10240xf32, #tpu.memory_space<vmem_shared>> -> memref<2048xf32, #tpu.memory_space<vmem_shared>>
          %dma_start3A_90 = tpu.memref_slice %arg25[%add3A_88] : memref<10240xf32, #tpu.memory_space<vmem_shared>> -> memref<2048xf32, #tpu.memory_space<vmem_shared>>
          tpu.enqueue_dma source(%arg21 : memref<2048xf32, #tpu.memory_space<vmem>>) target(%dma_start3A_90 : memref<2048xf32, #tpu.memory_space<vmem_shared>>) target_semaphore(%run_scoped3A : memref<!tpu.dma_semaphore, #tpu.memory_space<semaphore_mem>>)
          %dma_wait3A = tpu.memref_slice %arg25[%add3A_88] : memref<10240xf32, #tpu.memory_space<vmem_shared>> -> memref<2048xf32, #tpu.memory_space<vmem_shared>>
          %dma_wait3A_91 = tpu.memref_slice %arg25[%add3A_88] : memref<10240xf32, #tpu.memory_space<vmem_shared>> -> memref<2048xf32, #tpu.memory_space<vmem_shared>>
          tpu.wait_dma2 semaphore(%run_scoped3A : memref<!tpu.dma_semaphore, #tpu.memory_space<semaphore_mem>>) src(%arg21 : memref<2048xf32, #tpu.memory_space<vmem>>) dst(%dma_wait3A_91 : memref<2048xf32, #tpu.memory_space<vmem_shared>>)
          tpu.yield
        }) : () -> ()
      }
      %scan3A_83 = arith.constant 5 : i32
    } else {
    }
    %mul3A_22 = arith.constant 80 : i32
    %mul3A_23 = arith.muli %add3A, %mul3A_22 : i32
    %mul3A_24 = arith.constant 10240 : i32
    %mul3A_25 = arith.muli %add3A, %mul3A_24 : i32
    %barrier3A = arith.constant 0 : index
    tpu.barrier barrier_id(%barrier3A)
    %add3A_26 = arith.constant 0 : i32
    %add3A_27 = arith.addi %mul3A_25, %add3A_26 : i32
    %dma_start3A = arith.constant 0 : i32
    %dma_start3A_28 = tpu.memref_slice %arg2[%add3A_27, %dma_start3A] : memref<327680x128xf32, #tpu.memory_space<hbm>> -> memref<128x128xf32, #tpu.memory_space<hbm>>
    %dma_start3A_29 = arith.constant 0 : i32
    %dma_start3A_30 = tpu.memref_slice %arg2[%add3A_27, %dma_start3A_29] : memref<327680x128xf32, #tpu.memory_space<hbm>> -> memref<128x128xf32, #tpu.memory_space<hbm>>
    tpu.enqueue_dma source(%dma_start3A_30 : memref<128x128xf32, #tpu.memory_space<hbm>>) target(%arg18 : memref<128x128xf32, #tpu.memory_space<vmem>>) target_semaphore(%arg22 : memref<!tpu.dma_semaphore, #tpu.memory_space<semaphore_mem>>)
    %add3A_31 = arith.constant 0 : i32
    %add3A_32 = arith.addi %mul3A_23, %add3A_31 : i32
    %dma_start3A_33 = arith.constant 0 : i32
    %dma_start3A_34 = tpu.memref_slice %arg6[%add3A_32, %dma_start3A_33] : memref<2560x128xi32, #tpu.memory_space<hbm>> -> memref<1x128xi32, #tpu.memory_space<hbm>>
    %dma_start3A_35 = tpu.memref_squeeze %dma_start3A_34 : memref<1x128xi32, #tpu.memory_space<hbm>> -> memref<128xi32, #tpu.memory_space<hbm>>
    %dma_start3A_36 = arith.constant 0 : i32
    %dma_start3A_37 = tpu.memref_slice %arg6[%add3A_32, %dma_start3A_36] : memref<2560x128xi32, #tpu.memory_space<hbm>> -> memref<1x128xi32, #tpu.memory_space<hbm>>
    %dma_start3A_38 = tpu.memref_squeeze %dma_start3A_37 : memref<1x128xi32, #tpu.memory_space<hbm>> -> memref<128xi32, #tpu.memory_space<hbm>>
    tpu.enqueue_dma source(%dma_start3A_38 : memref<128xi32, #tpu.memory_space<hbm>>) target(%arg10 : memref<128xi32, #tpu.memory_space<vmem>>) target_semaphore(%arg22 : memref<!tpu.dma_semaphore, #tpu.memory_space<semaphore_mem>>)
    %add3A_39 = arith.constant 0 : i32
    %add3A_40 = arith.addi %mul3A_23, %add3A_39 : i32
    %dma_start3A_41 = arith.constant 0 : i32
    %dma_start3A_42 = tpu.memref_slice %arg5[%add3A_40, %dma_start3A_41] : memref<2560x128xi32, #tpu.memory_space<hbm>> -> memref<1x128xi32, #tpu.memory_space<hbm>>
    %dma_start3A_43 = tpu.memref_squeeze %dma_start3A_42 : memref<1x128xi32, #tpu.memory_space<hbm>> -> memref<128xi32, #tpu.memory_space<hbm>>
    %dma_start3A_44 = arith.constant 0 : i32
    %dma_start3A_45 = tpu.memref_slice %arg5[%add3A_40, %dma_start3A_44] : memref<2560x128xi32, #tpu.memory_space<hbm>> -> memref<1x128xi32, #tpu.memory_space<hbm>>
    %dma_start3A_46 = tpu.memref_squeeze %dma_start3A_45 : memref<1x128xi32, #tpu.memory_space<hbm>> -> memref<128xi32, #tpu.memory_space<hbm>>
    tpu.enqueue_dma source(%dma_start3A_46 : memref<128xi32, #tpu.memory_space<hbm>>) target(%arg12 : memref<128xi32, #tpu.memory_space<vmem>>) target_semaphore(%arg22 : memref<!tpu.dma_semaphore, #tpu.memory_space<semaphore_mem>>)
    %add3A_47 = arith.constant 0 : i32
    %add3A_48 = arith.addi %mul3A_23, %add3A_47 : i32
    %dma_start3A_49 = arith.constant 0 : i32
    %dma_start3A_50 = tpu.memref_slice %arg3[%add3A_48, %dma_start3A_49] : memref<2560x128xf32, #tpu.memory_space<hbm>> -> memref<1x128xf32, #tpu.memory_space<hbm>>
    %dma_start3A_51 = tpu.memref_squeeze %dma_start3A_50 : memref<1x128xf32, #tpu.memory_space<hbm>> -> memref<128xf32, #tpu.memory_space<hbm>>
    %dma_start3A_52 = arith.constant 0 : i32
    %dma_start3A_53 = tpu.memref_slice %arg3[%add3A_48, %dma_start3A_52] : memref<2560x128xf32, #tpu.memory_space<hbm>> -> memref<1x128xf32, #tpu.memory_space<hbm>>
    %dma_start3A_54 = tpu.memref_squeeze %dma_start3A_53 : memref<1x128xf32, #tpu.memory_space<hbm>> -> memref<128xf32, #tpu.memory_space<hbm>>
    tpu.enqueue_dma source(%dma_start3A_54 : memref<128xf32, #tpu.memory_space<hbm>>) target(%arg14 : memref<128xf32, #tpu.memory_space<vmem>>) target_semaphore(%arg22 : memref<!tpu.dma_semaphore, #tpu.memory_space<semaphore_mem>>)
    %add3A_55 = arith.constant 0 : i32
    %add3A_56 = arith.addi %mul3A_23, %add3A_55 : i32
    %dma_start3A_57 = arith.constant 0 : i32
    %dma_start3A_58 = tpu.memref_slice %arg4[%add3A_56, %dma_start3A_57] : memref<2560x128xf32, #tpu.memory_space<hbm>> -> memref<1x128xf32, #tpu.memory_space<hbm>>
    %dma_start3A_59 = tpu.memref_squeeze %dma_start3A_58 : memref<1x128xf32, #tpu.memory_space<hbm>> -> memref<128xf32, #tpu.memory_space<hbm>>
    %dma_start3A_60 = arith.constant 0 : i32
    %dma_start3A_61 = tpu.memref_slice %arg4[%add3A_56, %dma_start3A_60] : memref<2560x128xf32, #tpu.memory_space<hbm>> -> memref<1x128xf32, #tpu.memory_space<hbm>>
    %dma_start3A_62 = tpu.memref_squeeze %dma_start3A_61 : memref<1x128xf32, #tpu.memory_space<hbm>> -> memref<128xf32, #tpu.memory_space<hbm>>
    tpu.enqueue_dma source(%dma_start3A_62 : memref<128xf32, #tpu.memory_space<hbm>>) target(%arg16 : memref<128xf32, #tpu.memory_space<vmem>>) target_semaphore(%arg22 : memref<!tpu.dma_semaphore, #tpu.memory_space<semaphore_mem>>)
    %scan3A_63 = arith.constant 0 : i32
    %scan3A_64 = arith.constant 40 : i32
    %scan3A_65 = arith.addi %scan3A_63, %scan3A_64 : i32
    %scan3A_66 = arith.constant 1 : i32
    scf.for %scan3A_79 = %scan3A_63 to %scan3A_65 step %scan3A_66  : i32 {
      %mul3A_80 = arith.constant 2 : i32
      %mul3A_81 = arith.muli %scan3A_79, %mul3A_80 : i32
      %add3A_82 = arith.constant 0 : i32
      %add3A_83 = arith.addi %add3A_82, %mul3A_81 : i32
      %dma_wait3A = arith.constant 0 : i32
      %dma_wait3A_84 = tpu.memref_slice %arg2[%mul3A_25, %dma_wait3A] : memref<327680x128xf32, #tpu.memory_space<hbm>> -> memref<128x128xf32, #tpu.memory_space<hbm>>
      %dma_wait3A_85 = arith.constant 0 : i32
      %dma_wait3A_86 = tpu.memref_slice %arg2[%mul3A_25, %dma_wait3A_85] : memref<327680x128xf32, #tpu.memory_space<hbm>> -> memref<128x128xf32, #tpu.memory_space<hbm>>
      tpu.wait_dma2 semaphore(%arg22 : memref<!tpu.dma_semaphore, #tpu.memory_space<semaphore_mem>>) src(%dma_wait3A_86 : memref<128x128xf32, #tpu.memory_space<hbm>>) dst(%arg18 : memref<128x128xf32, #tpu.memory_space<vmem>>)
      %dma_wait3A_87 = arith.constant 0 : i32
      %dma_wait3A_88 = tpu.memref_slice %arg6[%mul3A_23, %dma_wait3A_87] : memref<2560x128xi32, #tpu.memory_space<hbm>> -> memref<1x128xi32, #tpu.memory_space<hbm>>
      %dma_wait3A_89 = tpu.memref_squeeze %dma_wait3A_88 : memref<1x128xi32, #tpu.memory_space<hbm>> -> memref<128xi32, #tpu.memory_space<hbm>>
      %dma_wait3A_90 = arith.constant 0 : i32
      %dma_wait3A_91 = tpu.memref_slice %arg6[%mul3A_23, %dma_wait3A_90] : memref<2560x128xi32, #tpu.memory_space<hbm>> -> memref<1x128xi32, #tpu.memory_space<hbm>>
      %dma_wait3A_92 = tpu.memref_squeeze %dma_wait3A_91 : memref<1x128xi32, #tpu.memory_space<hbm>> -> memref<128xi32, #tpu.memory_space<hbm>>
      tpu.wait_dma2 semaphore(%arg22 : memref<!tpu.dma_semaphore, #tpu.memory_space<semaphore_mem>>) src(%dma_wait3A_92 : memref<128xi32, #tpu.memory_space<hbm>>) dst(%arg10 : memref<128xi32, #tpu.memory_space<vmem>>)
      %dma_wait3A_93 = arith.constant 0 : i32
      %dma_wait3A_94 = tpu.memref_slice %arg5[%mul3A_23, %dma_wait3A_93] : memref<2560x128xi32, #tpu.memory_space<hbm>> -> memref<1x128xi32, #tpu.memory_space<hbm>>
      %dma_wait3A_95 = tpu.memref_squeeze %dma_wait3A_94 : memref<1x128xi32, #tpu.memory_space<hbm>> -> memref<128xi32, #tpu.memory_space<hbm>>
      %dma_wait3A_96 = arith.constant 0 : i32
      %dma_wait3A_97 = tpu.memref_slice %arg5[%mul3A_23, %dma_wait3A_96] : memref<2560x128xi32, #tpu.memory_space<hbm>> -> memref<1x128xi32, #tpu.memory_space<hbm>>
      %dma_wait3A_98 = tpu.memref_squeeze %dma_wait3A_97 : memref<1x128xi32, #tpu.memory_space<hbm>> -> memref<128xi32, #tpu.memory_space<hbm>>
      tpu.wait_dma2 semaphore(%arg22 : memref<!tpu.dma_semaphore, #tpu.memory_space<semaphore_mem>>) src(%dma_wait3A_98 : memref<128xi32, #tpu.memory_space<hbm>>) dst(%arg12 : memref<128xi32, #tpu.memory_space<vmem>>)
      %dma_wait3A_99 = arith.constant 0 : i32
      %dma_wait3A_100 = tpu.memref_slice %arg3[%mul3A_23, %dma_wait3A_99] : memref<2560x128xf32, #tpu.memory_space<hbm>> -> memref<1x128xf32, #tpu.memory_space<hbm>>
      %dma_wait3A_101 = tpu.memref_squeeze %dma_wait3A_100 : memref<1x128xf32, #tpu.memory_space<hbm>> -> memref<128xf32, #tpu.memory_space<hbm>>
      %dma_wait3A_102 = arith.constant 0 : i32
      %dma_wait3A_103 = tpu.memref_slice %arg3[%mul3A_23, %dma_wait3A_102] : memref<2560x128xf32, #tpu.memory_space<hbm>> -> memref<1x128xf32, #tpu.memory_space<hbm>>
      %dma_wait3A_104 = tpu.memref_squeeze %dma_wait3A_103 : memref<1x128xf32, #tpu.memory_space<hbm>> -> memref<128xf32, #tpu.memory_space<hbm>>
      tpu.wait_dma2 semaphore(%arg22 : memref<!tpu.dma_semaphore, #tpu.memory_space<semaphore_mem>>) src(%dma_wait3A_104 : memref<128xf32, #tpu.memory_space<hbm>>) dst(%arg14 : memref<128xf32, #tpu.memory_space<vmem>>)
      %dma_wait3A_105 = arith.constant 0 : i32
      %dma_wait3A_106 = tpu.memref_slice %arg4[%mul3A_23, %dma_wait3A_105] : memref<2560x128xf32, #tpu.memory_space<hbm>> -> memref<1x128xf32, #tpu.memory_space<hbm>>
      %dma_wait3A_107 = tpu.memref_squeeze %dma_wait3A_106 : memref<1x128xf32, #tpu.memory_space<hbm>> -> memref<128xf32, #tpu.memory_space<hbm>>
      %dma_wait3A_108 = arith.constant 0 : i32
      %dma_wait3A_109 = tpu.memref_slice %arg4[%mul3A_23, %dma_wait3A_108] : memref<2560x128xf32, #tpu.memory_space<hbm>> -> memref<1x128xf32, #tpu.memory_space<hbm>>
      %dma_wait3A_110 = tpu.memref_squeeze %dma_wait3A_109 : memref<1x128xf32, #tpu.memory_space<hbm>> -> memref<128xf32, #tpu.memory_space<hbm>>
      tpu.wait_dma2 semaphore(%arg22 : memref<!tpu.dma_semaphore, #tpu.memory_space<semaphore_mem>>) src(%dma_wait3A_110 : memref<128xf32, #tpu.memory_space<hbm>>) dst(%arg16 : memref<128xf32, #tpu.memory_space<vmem>>)
      %add3A_111 = arith.constant 1 : i32
      %add3A_112 = arith.addi %add3A_83, %add3A_111 : i32
      %mul3A_113 = arith.constant 128 : i32
      %mul3A_114 = arith.muli %add3A_112, %mul3A_113 : i32
      %add3A_115 = arith.addi %mul3A_25, %mul3A_114 : i32
      %dma_start3A_116 = arith.constant 0 : i32
      %dma_start3A_117 = tpu.memref_slice %arg2[%add3A_115, %dma_start3A_116] : memref<327680x128xf32, #tpu.memory_space<hbm>> -> memref<128x128xf32, #tpu.memory_space<hbm>>
      %dma_start3A_118 = arith.constant 0 : i32
      %dma_start3A_119 = tpu.memref_slice %arg2[%add3A_115, %dma_start3A_118] : memref<327680x128xf32, #tpu.memory_space<hbm>> -> memref<128x128xf32, #tpu.memory_space<hbm>>
      tpu.enqueue_dma source(%dma_start3A_119 : memref<128x128xf32, #tpu.memory_space<hbm>>) target(%arg19 : memref<128x128xf32, #tpu.memory_space<vmem>>) target_semaphore(%arg22 : memref<!tpu.dma_semaphore, #tpu.memory_space<semaphore_mem>>)
      %add3A_120 = arith.addi %mul3A_23, %add3A_112 : i32
      %dma_start3A_121 = arith.constant 0 : i32
      %dma_start3A_122 = tpu.memref_slice %arg6[%add3A_120, %dma_start3A_121] : memref<2560x128xi32, #tpu.memory_space<hbm>> -> memref<1x128xi32, #tpu.memory_space<hbm>>
      %dma_start3A_123 = tpu.memref_squeeze %dma_start3A_122 : memref<1x128xi32, #tpu.memory_space<hbm>> -> memref<128xi32, #tpu.memory_space<hbm>>
      %dma_start3A_124 = arith.constant 0 : i32
      %dma_start3A_125 = tpu.memref_slice %arg6[%add3A_120, %dma_start3A_124] : memref<2560x128xi32, #tpu.memory_space<hbm>> -> memref<1x128xi32, #tpu.memory_space<hbm>>
      %dma_start3A_126 = tpu.memref_squeeze %dma_start3A_125 : memref<1x128xi32, #tpu.memory_space<hbm>> -> memref<128xi32, #tpu.memory_space<hbm>>
      tpu.enqueue_dma source(%dma_start3A_126 : memref<128xi32, #tpu.memory_space<hbm>>) target(%arg11 : memref<128xi32, #tpu.memory_space<vmem>>) target_semaphore(%arg22 : memref<!tpu.dma_semaphore, #tpu.memory_space<semaphore_mem>>)
      %add3A_127 = arith.addi %mul3A_23, %add3A_112 : i32
      %dma_start3A_128 = arith.constant 0 : i32
      %dma_start3A_129 = tpu.memref_slice %arg5[%add3A_127, %dma_start3A_128] : memref<2560x128xi32, #tpu.memory_space<hbm>> -> memref<1x128xi32, #tpu.memory_space<hbm>>
      %dma_start3A_130 = tpu.memref_squeeze %dma_start3A_129 : memref<1x128xi32, #tpu.memory_space<hbm>> -> memref<128xi32, #tpu.memory_space<hbm>>
      %dma_start3A_131 = arith.constant 0 : i32
      %dma_start3A_132 = tpu.memref_slice %arg5[%add3A_127, %dma_start3A_131] : memref<2560x128xi32, #tpu.memory_space<hbm>> -> memref<1x128xi32, #tpu.memory_space<hbm>>
      %dma_start3A_133 = tpu.memref_squeeze %dma_start3A_132 : memref<1x128xi32, #tpu.memory_space<hbm>> -> memref<128xi32, #tpu.memory_space<hbm>>
      tpu.enqueue_dma source(%dma_start3A_133 : memref<128xi32, #tpu.memory_space<hbm>>) target(%arg13 : memref<128xi32, #tpu.memory_space<vmem>>) target_semaphore(%arg22 : memref<!tpu.dma_semaphore, #tpu.memory_space<semaphore_mem>>)
      %add3A_134 = arith.addi %mul3A_23, %add3A_112 : i32
      %dma_start3A_135 = arith.constant 0 : i32
      %dma_start3A_136 = tpu.memref_slice %arg3[%add3A_134, %dma_start3A_135] : memref<2560x128xf32, #tpu.memory_space<hbm>> -> memref<1x128xf32, #tpu.memory_space<hbm>>
      %dma_start3A_137 = tpu.memref_squeeze %dma_start3A_136 : memref<1x128xf32, #tpu.memory_space<hbm>> -> memref<128xf32, #tpu.memory_space<hbm>>
      %dma_start3A_138 = arith.constant 0 : i32
      %dma_start3A_139 = tpu.memref_slice %arg3[%add3A_134, %dma_start3A_138] : memref<2560x128xf32, #tpu.memory_space<hbm>> -> memref<1x128xf32, #tpu.memory_space<hbm>>
      %dma_start3A_140 = tpu.memref_squeeze %dma_start3A_139 : memref<1x128xf32, #tpu.memory_space<hbm>> -> memref<128xf32, #tpu.memory_space<hbm>>
      tpu.enqueue_dma source(%dma_start3A_140 : memref<128xf32, #tpu.memory_space<hbm>>) target(%arg15 : memref<128xf32, #tpu.memory_space<vmem>>) target_semaphore(%arg22 : memref<!tpu.dma_semaphore, #tpu.memory_space<semaphore_mem>>)
      %add3A_141 = arith.addi %mul3A_23, %add3A_112 : i32
      %dma_start3A_142 = arith.constant 0 : i32
      %dma_start3A_143 = tpu.memref_slice %arg4[%add3A_141, %dma_start3A_142] : memref<2560x128xf32, #tpu.memory_space<hbm>> -> memref<1x128xf32, #tpu.memory_space<hbm>>
      %dma_start3A_144 = tpu.memref_squeeze %dma_start3A_143 : memref<1x128xf32, #tpu.memory_space<hbm>> -> memref<128xf32, #tpu.memory_space<hbm>>
      %dma_start3A_145 = arith.constant 0 : i32
      %dma_start3A_146 = tpu.memref_slice %arg4[%add3A_141, %dma_start3A_145] : memref<2560x128xf32, #tpu.memory_space<hbm>> -> memref<1x128xf32, #tpu.memory_space<hbm>>
      %dma_start3A_147 = tpu.memref_squeeze %dma_start3A_146 : memref<1x128xf32, #tpu.memory_space<hbm>> -> memref<128xf32, #tpu.memory_space<hbm>>
      tpu.enqueue_dma source(%dma_start3A_147 : memref<128xf32, #tpu.memory_space<hbm>>) target(%arg17 : memref<128xf32, #tpu.memory_space<vmem>>) target_semaphore(%arg22 : memref<!tpu.dma_semaphore, #tpu.memory_space<semaphore_mem>>)
      "tpu.region"() ({
        %run_scoped3A = tpu.sem_alloc : memref<!tpu.dma_semaphore, #tpu.memory_space<semaphore_mem>>
        %dma_start3A_182 = arith.constant 0 : i32
        %dma_start3A_183 = arith.constant 0 : i32
        %dma_start3A_184 = tpu.memref_slice %arg23[%dma_start3A_182, %dma_start3A_183] : memref<10000x128xf32, #tpu.memory_space<vmem_shared>> -> memref<10000x128xf32, #tpu.memory_space<vmem_shared>>
        tpu.enqueue_indirect_dma source(%arg18 : memref<128x128xf32, #tpu.memory_space<vmem>>) target(%dma_start3A_184 : memref<10000x128xf32, #tpu.memory_space<vmem_shared>>) offsets(%arg10 : memref<128xi32, #tpu.memory_space<vmem>>) semaphore(%run_scoped3A : memref<!tpu.dma_semaphore, #tpu.memory_space<semaphore_mem>>) {add = true}
        %dma_wait3A_185 = arith.constant 0 : i32
        %dma_wait3A_186 = arith.constant 0 : i32
        %dma_wait3A_187 = tpu.memref_slice %arg23[%dma_wait3A_185, %dma_wait3A_186] : memref<10000x128xf32, #tpu.memory_space<vmem_shared>> -> memref<10000x128xf32, #tpu.memory_space<vmem_shared>>
        tpu.wait_indirect_dma semaphore(%run_scoped3A : memref<!tpu.dma_semaphore, #tpu.memory_space<semaphore_mem>>) src(%arg18 : memref<128x128xf32, #tpu.memory_space<vmem>>) dst(%dma_wait3A_187 : memref<10000x128xf32, #tpu.memory_space<vmem_shared>>)
        tpu.yield
      }) : () -> ()
      "tpu.region"() ({
        %run_scoped3A = tpu.sem_alloc : memref<!tpu.dma_semaphore, #tpu.memory_space<semaphore_mem>>
        %dma_start3A_182 = arith.constant 0 : i32
        %dma_start3A_183 = tpu.memref_slice %arg24[%dma_start3A_182] : memref<10240xf32, #tpu.memory_space<vmem_shared>> -> memref<10240xf32, #tpu.memory_space<vmem_shared>>
        tpu.enqueue_indirect_dma source(%arg14 : memref<128xf32, #tpu.memory_space<vmem>>) target(%dma_start3A_183 : memref<10240xf32, #tpu.memory_space<vmem_shared>>) offsets(%arg12 : memref<128xi32, #tpu.memory_space<vmem>>) semaphore(%run_scoped3A : memref<!tpu.dma_semaphore, #tpu.memory_space<semaphore_mem>>) {add = true}
        %dma_wait3A_184 = arith.constant 0 : i32
        %dma_wait3A_185 = tpu.memref_slice %arg24[%dma_wait3A_184] : memref<10240xf32, #tpu.memory_space<vmem_shared>> -> memref<10240xf32, #tpu.memory_space<vmem_shared>>
        tpu.wait_indirect_dma semaphore(%run_scoped3A : memref<!tpu.dma_semaphore, #tpu.memory_space<semaphore_mem>>) src(%arg14 : memref<128xf32, #tpu.memory_space<vmem>>) dst(%dma_wait3A_185 : memref<10240xf32, #tpu.memory_space<vmem_shared>>)
        tpu.yield
      }) : () -> ()
      "tpu.region"() ({
        %run_scoped3A = tpu.sem_alloc : memref<!tpu.dma_semaphore, #tpu.memory_space<semaphore_mem>>
        %dma_start3A_182 = arith.constant 0 : i32
        %dma_start3A_183 = tpu.memref_slice %arg25[%dma_start3A_182] : memref<10240xf32, #tpu.memory_space<vmem_shared>> -> memref<10240xf32, #tpu.memory_space<vmem_shared>>
        tpu.enqueue_indirect_dma source(%arg16 : memref<128xf32, #tpu.memory_space<vmem>>) target(%dma_start3A_183 : memref<10240xf32, #tpu.memory_space<vmem_shared>>) offsets(%arg12 : memref<128xi32, #tpu.memory_space<vmem>>) semaphore(%run_scoped3A : memref<!tpu.dma_semaphore, #tpu.memory_space<semaphore_mem>>) {add = true}
        %dma_wait3A_184 = arith.constant 0 : i32
        %dma_wait3A_185 = tpu.memref_slice %arg25[%dma_wait3A_184] : memref<10240xf32, #tpu.memory_space<vmem_shared>> -> memref<10240xf32, #tpu.memory_space<vmem_shared>>
        tpu.wait_indirect_dma semaphore(%run_scoped3A : memref<!tpu.dma_semaphore, #tpu.memory_space<semaphore_mem>>) src(%arg16 : memref<128xf32, #tpu.memory_space<vmem>>) dst(%dma_wait3A_185 : memref<10240xf32, #tpu.memory_space<vmem_shared>>)
        tpu.yield
      }) : () -> ()
      %dma_wait3A_148 = arith.constant 0 : i32
      %dma_wait3A_149 = tpu.memref_slice %arg2[%mul3A_25, %dma_wait3A_148] : memref<327680x128xf32, #tpu.memory_space<hbm>> -> memref<128x128xf32, #tpu.memory_space<hbm>>
      %dma_wait3A_150 = arith.constant 0 : i32
      %dma_wait3A_151 = tpu.memref_slice %arg2[%mul3A_25, %dma_wait3A_150] : memref<327680x128xf32, #tpu.memory_space<hbm>> -> memref<128x128xf32, #tpu.memory_space<hbm>>
      tpu.wait_dma2 semaphore(%arg22 : memref<!tpu.dma_semaphore, #tpu.memory_space<semaphore_mem>>) src(%dma_wait3A_151 : memref<128x128xf32, #tpu.memory_space<hbm>>) dst(%arg19 : memref<128x128xf32, #tpu.memory_space<vmem>>)
      %dma_wait3A_152 = arith.constant 0 : i32
      %dma_wait3A_153 = tpu.memref_slice %arg6[%mul3A_23, %dma_wait3A_152] : memref<2560x128xi32, #tpu.memory_space<hbm>> -> memref<1x128xi32, #tpu.memory_space<hbm>>
      %dma_wait3A_154 = tpu.memref_squeeze %dma_wait3A_153 : memref<1x128xi32, #tpu.memory_space<hbm>> -> memref<128xi32, #tpu.memory_space<hbm>>
      %dma_wait3A_155 = arith.constant 0 : i32
      %dma_wait3A_156 = tpu.memref_slice %arg6[%mul3A_23, %dma_wait3A_155] : memref<2560x128xi32, #tpu.memory_space<hbm>> -> memref<1x128xi32, #tpu.memory_space<hbm>>
      %dma_wait3A_157 = tpu.memref_squeeze %dma_wait3A_156 : memref<1x128xi32, #tpu.memory_space<hbm>> -> memref<128xi32, #tpu.memory_space<hbm>>
      tpu.wait_dma2 semaphore(%arg22 : memref<!tpu.dma_semaphore, #tpu.memory_space<semaphore_mem>>) src(%dma_wait3A_157 : memref<128xi32, #tpu.memory_space<hbm>>) dst(%arg11 : memref<128xi32, #tpu.memory_space<vmem>>)
      %dma_wait3A_158 = arith.constant 0 : i32
      %dma_wait3A_159 = tpu.memref_slice %arg5[%mul3A_23, %dma_wait3A_158] : memref<2560x128xi32, #tpu.memory_space<hbm>> -> memref<1x128xi32, #tpu.memory_space<hbm>>
      %dma_wait3A_160 = tpu.memref_squeeze %dma_wait3A_159 : memref<1x128xi32, #tpu.memory_space<hbm>> -> memref<128xi32, #tpu.memory_space<hbm>>
      %dma_wait3A_161 = arith.constant 0 : i32
      %dma_wait3A_162 = tpu.memref_slice %arg5[%mul3A_23, %dma_wait3A_161] : memref<2560x128xi32, #tpu.memory_space<hbm>> -> memref<1x128xi32, #tpu.memory_space<hbm>>
      %dma_wait3A_163 = tpu.memref_squeeze %dma_wait3A_162 : memref<1x128xi32, #tpu.memory_space<hbm>> -> memref<128xi32, #tpu.memory_space<hbm>>
      tpu.wait_dma2 semaphore(%arg22 : memref<!tpu.dma_semaphore, #tpu.memory_space<semaphore_mem>>) src(%dma_wait3A_163 : memref<128xi32, #tpu.memory_space<hbm>>) dst(%arg13 : memref<128xi32, #tpu.memory_space<vmem>>)
      %dma_wait3A_164 = arith.constant 0 : i32
      %dma_wait3A_165 = tpu.memref_slice %arg3[%mul3A_23, %dma_wait3A_164] : memref<2560x128xf32, #tpu.memory_space<hbm>> -> memref<1x128xf32, #tpu.memory_space<hbm>>
      %dma_wait3A_166 = tpu.memref_squeeze %dma_wait3A_165 : memref<1x128xf32, #tpu.memory_space<hbm>> -> memref<128xf32, #tpu.memory_space<hbm>>
      %dma_wait3A_167 = arith.constant 0 : i32
      %dma_wait3A_168 = tpu.memref_slice %arg3[%mul3A_23, %dma_wait3A_167] : memref<2560x128xf32, #tpu.memory_space<hbm>> -> memref<1x128xf32, #tpu.memory_space<hbm>>
      %dma_wait3A_169 = tpu.memref_squeeze %dma_wait3A_168 : memref<1x128xf32, #tpu.memory_space<hbm>> -> memref<128xf32, #tpu.memory_space<hbm>>
      tpu.wait_dma2 semaphore(%arg22 : memref<!tpu.dma_semaphore, #tpu.memory_space<semaphore_mem>>) src(%dma_wait3A_169 : memref<128xf32, #tpu.memory_space<hbm>>) dst(%arg15 : memref<128xf32, #tpu.memory_space<vmem>>)
      %dma_wait3A_170 = arith.constant 0 : i32
      %dma_wait3A_171 = tpu.memref_slice %arg4[%mul3A_23, %dma_wait3A_170] : memref<2560x128xf32, #tpu.memory_space<hbm>> -> memref<1x128xf32, #tpu.memory_space<hbm>>
      %dma_wait3A_172 = tpu.memref_squeeze %dma_wait3A_171 : memref<1x128xf32, #tpu.memory_space<hbm>> -> memref<128xf32, #tpu.memory_space<hbm>>
      %dma_wait3A_173 = arith.constant 0 : i32
      %dma_wait3A_174 = tpu.memref_slice %arg4[%mul3A_23, %dma_wait3A_173] : memref<2560x128xf32, #tpu.memory_space<hbm>> -> memref<1x128xf32, #tpu.memory_space<hbm>>
      %dma_wait3A_175 = tpu.memref_squeeze %dma_wait3A_174 : memref<1x128xf32, #tpu.memory_space<hbm>> -> memref<128xf32, #tpu.memory_space<hbm>>
      tpu.wait_dma2 semaphore(%arg22 : memref<!tpu.dma_semaphore, #tpu.memory_space<semaphore_mem>>) src(%dma_wait3A_175 : memref<128xf32, #tpu.memory_space<hbm>>) dst(%arg17 : memref<128xf32, #tpu.memory_space<vmem>>)
      %add3A_176 = arith.constant 2 : i32
      %add3A_177 = arith.addi %add3A_83, %add3A_176 : i32
      %lt3A = arith.constant 80 : i32
      %lt3A_178 = arith.cmpi slt, %add3A_177, %lt3A : i32
      %convert_element_type3A_179 = arith.extui %lt3A_178 : i1 to i32
      %cond3A_180 = arith.constant 0 : i32
      %cond3A_181 = arith.cmpi ne, %convert_element_type3A_179, %cond3A_180 : i32
      scf.if %cond3A_181 {
        %add3A_182 = arith.constant 2 : i32
        %add3A_183 = arith.addi %add3A_83, %add3A_182 : i32
        %mul3A_184 = arith.constant 128 : i32
        %mul3A_185 = arith.muli %add3A_183, %mul3A_184 : i32
        %add3A_186 = arith.addi %mul3A_25, %mul3A_185 : i32
        %dma_start3A_187 = arith.constant 0 : i32
        %dma_start3A_188 = tpu.memref_slice %arg2[%add3A_186, %dma_start3A_187] : memref<327680x128xf32, #tpu.memory_space<hbm>> -> memref<128x128xf32, #tpu.memory_space<hbm>>
        %dma_start3A_189 = arith.constant 0 : i32
        %dma_start3A_190 = tpu.memref_slice %arg2[%add3A_186, %dma_start3A_189] : memref<327680x128xf32, #tpu.memory_space<hbm>> -> memref<128x128xf32, #tpu.memory_space<hbm>>
        tpu.enqueue_dma source(%dma_start3A_190 : memref<128x128xf32, #tpu.memory_space<hbm>>) target(%arg18 : memref<128x128xf32, #tpu.memory_space<vmem>>) target_semaphore(%arg22 : memref<!tpu.dma_semaphore, #tpu.memory_space<semaphore_mem>>)
        %add3A_191 = arith.addi %mul3A_23, %add3A_183 : i32
        %dma_start3A_192 = arith.constant 0 : i32
        %dma_start3A_193 = tpu.memref_slice %arg6[%add3A_191, %dma_start3A_192] : memref<2560x128xi32, #tpu.memory_space<hbm>> -> memref<1x128xi32, #tpu.memory_space<hbm>>
        %dma_start3A_194 = tpu.memref_squeeze %dma_start3A_193 : memref<1x128xi32, #tpu.memory_space<hbm>> -> memref<128xi32, #tpu.memory_space<hbm>>
        %dma_start3A_195 = arith.constant 0 : i32
        %dma_start3A_196 = tpu.memref_slice %arg6[%add3A_191, %dma_start3A_195] : memref<2560x128xi32, #tpu.memory_space<hbm>> -> memref<1x128xi32, #tpu.memory_space<hbm>>
        %dma_start3A_197 = tpu.memref_squeeze %dma_start3A_196 : memref<1x128xi32, #tpu.memory_space<hbm>> -> memref<128xi32, #tpu.memory_space<hbm>>
        tpu.enqueue_dma source(%dma_start3A_197 : memref<128xi32, #tpu.memory_space<hbm>>) target(%arg10 : memref<128xi32, #tpu.memory_space<vmem>>) target_semaphore(%arg22 : memref<!tpu.dma_semaphore, #tpu.memory_space<semaphore_mem>>)
        %add3A_198 = arith.addi %mul3A_23, %add3A_183 : i32
        %dma_start3A_199 = arith.constant 0 : i32
        %dma_start3A_200 = tpu.memref_slice %arg5[%add3A_198, %dma_start3A_199] : memref<2560x128xi32, #tpu.memory_space<hbm>> -> memref<1x128xi32, #tpu.memory_space<hbm>>
        %dma_start3A_201 = tpu.memref_squeeze %dma_start3A_200 : memref<1x128xi32, #tpu.memory_space<hbm>> -> memref<128xi32, #tpu.memory_space<hbm>>
        %dma_start3A_202 = arith.constant 0 : i32
        %dma_start3A_203 = tpu.memref_slice %arg5[%add3A_198, %dma_start3A_202] : memref<2560x128xi32, #tpu.memory_space<hbm>> -> memref<1x128xi32, #tpu.memory_space<hbm>>
        %dma_start3A_204 = tpu.memref_squeeze %dma_start3A_203 : memref<1x128xi32, #tpu.memory_space<hbm>> -> memref<128xi32, #tpu.memory_space<hbm>>
        tpu.enqueue_dma source(%dma_start3A_204 : memref<128xi32, #tpu.memory_space<hbm>>) target(%arg12 : memref<128xi32, #tpu.memory_space<vmem>>) target_semaphore(%arg22 : memref<!tpu.dma_semaphore, #tpu.memory_space<semaphore_mem>>)
        %add3A_205 = arith.addi %mul3A_23, %add3A_183 : i32
        %dma_start3A_206 = arith.constant 0 : i32
        %dma_start3A_207 = tpu.memref_slice %arg3[%add3A_205, %dma_start3A_206] : memref<2560x128xf32, #tpu.memory_space<hbm>> -> memref<1x128xf32, #tpu.memory_space<hbm>>
        %dma_start3A_208 = tpu.memref_squeeze %dma_start3A_207 : memref<1x128xf32, #tpu.memory_space<hbm>> -> memref<128xf32, #tpu.memory_space<hbm>>
        %dma_start3A_209 = arith.constant 0 : i32
        %dma_start3A_210 = tpu.memref_slice %arg3[%add3A_205, %dma_start3A_209] : memref<2560x128xf32, #tpu.memory_space<hbm>> -> memref<1x128xf32, #tpu.memory_space<hbm>>
        %dma_start3A_211 = tpu.memref_squeeze %dma_start3A_210 : memref<1x128xf32, #tpu.memory_space<hbm>> -> memref<128xf32, #tpu.memory_space<hbm>>
        tpu.enqueue_dma source(%dma_start3A_211 : memref<128xf32, #tpu.memory_space<hbm>>) target(%arg14 : memref<128xf32, #tpu.memory_space<vmem>>) target_semaphore(%arg22 : memref<!tpu.dma_semaphore, #tpu.memory_space<semaphore_mem>>)
        %add3A_212 = arith.addi %mul3A_23, %add3A_183 : i32
        %dma_start3A_213 = arith.constant 0 : i32
        %dma_start3A_214 = tpu.memref_slice %arg4[%add3A_212, %dma_start3A_213] : memref<2560x128xf32, #tpu.memory_space<hbm>> -> memref<1x128xf32, #tpu.memory_space<hbm>>
        %dma_start3A_215 = tpu.memref_squeeze %dma_start3A_214 : memref<1x128xf32, #tpu.memory_space<hbm>> -> memref<128xf32, #tpu.memory_space<hbm>>
        %dma_start3A_216 = arith.constant 0 : i32
        %dma_start3A_217 = tpu.memref_slice %arg4[%add3A_212, %dma_start3A_216] : memref<2560x128xf32, #tpu.memory_space<hbm>> -> memref<1x128xf32, #tpu.memory_space<hbm>>
        %dma_start3A_218 = tpu.memref_squeeze %dma_start3A_217 : memref<1x128xf32, #tpu.memory_space<hbm>> -> memref<128xf32, #tpu.memory_space<hbm>>
        tpu.enqueue_dma source(%dma_start3A_218 : memref<128xf32, #tpu.memory_space<hbm>>) target(%arg16 : memref<128xf32, #tpu.memory_space<vmem>>) target_semaphore(%arg22 : memref<!tpu.dma_semaphore, #tpu.memory_space<semaphore_mem>>)
      } else {
      }
      "tpu.region"() ({
        %run_scoped3A = tpu.sem_alloc : memref<!tpu.dma_semaphore, #tpu.memory_space<semaphore_mem>>
        %dma_start3A_182 = arith.constant 0 : i32
        %dma_start3A_183 = arith.constant 0 : i32
        %dma_start3A_184 = tpu.memref_slice %arg23[%dma_start3A_182, %dma_start3A_183] : memref<10000x128xf32, #tpu.memory_space<vmem_shared>> -> memref<10000x128xf32, #tpu.memory_space<vmem_shared>>
        tpu.enqueue_indirect_dma source(%arg19 : memref<128x128xf32, #tpu.memory_space<vmem>>) target(%dma_start3A_184 : memref<10000x128xf32, #tpu.memory_space<vmem_shared>>) offsets(%arg11 : memref<128xi32, #tpu.memory_space<vmem>>) semaphore(%run_scoped3A : memref<!tpu.dma_semaphore, #tpu.memory_space<semaphore_mem>>) {add = true}
        %dma_wait3A_185 = arith.constant 0 : i32
        %dma_wait3A_186 = arith.constant 0 : i32
        %dma_wait3A_187 = tpu.memref_slice %arg23[%dma_wait3A_185, %dma_wait3A_186] : memref<10000x128xf32, #tpu.memory_space<vmem_shared>> -> memref<10000x128xf32, #tpu.memory_space<vmem_shared>>
        tpu.wait_indirect_dma semaphore(%run_scoped3A : memref<!tpu.dma_semaphore, #tpu.memory_space<semaphore_mem>>) src(%arg19 : memref<128x128xf32, #tpu.memory_space<vmem>>) dst(%dma_wait3A_187 : memref<10000x128xf32, #tpu.memory_space<vmem_shared>>)
        tpu.yield
      }) : () -> ()
      "tpu.region"() ({
        %run_scoped3A = tpu.sem_alloc : memref<!tpu.dma_semaphore, #tpu.memory_space<semaphore_mem>>
        %dma_start3A_182 = arith.constant 0 : i32
        %dma_start3A_183 = tpu.memref_slice %arg24[%dma_start3A_182] : memref<10240xf32, #tpu.memory_space<vmem_shared>> -> memref<10240xf32, #tpu.memory_space<vmem_shared>>
        tpu.enqueue_indirect_dma source(%arg15 : memref<128xf32, #tpu.memory_space<vmem>>) target(%dma_start3A_183 : memref<10240xf32, #tpu.memory_space<vmem_shared>>) offsets(%arg13 : memref<128xi32, #tpu.memory_space<vmem>>) semaphore(%run_scoped3A : memref<!tpu.dma_semaphore, #tpu.memory_space<semaphore_mem>>) {add = true}
        %dma_wait3A_184 = arith.constant 0 : i32
        %dma_wait3A_185 = tpu.memref_slice %arg24[%dma_wait3A_184] : memref<10240xf32, #tpu.memory_space<vmem_shared>> -> memref<10240xf32, #tpu.memory_space<vmem_shared>>
        tpu.wait_indirect_dma semaphore(%run_scoped3A : memref<!tpu.dma_semaphore, #tpu.memory_space<semaphore_mem>>) src(%arg15 : memref<128xf32, #tpu.memory_space<vmem>>) dst(%dma_wait3A_185 : memref<10240xf32, #tpu.memory_space<vmem_shared>>)
        tpu.yield
      }) : () -> ()
      "tpu.region"() ({
        %run_scoped3A = tpu.sem_alloc : memref<!tpu.dma_semaphore, #tpu.memory_space<semaphore_mem>>
        %dma_start3A_182 = arith.constant 0 : i32
        %dma_start3A_183 = tpu.memref_slice %arg25[%dma_start3A_182] : memref<10240xf32, #tpu.memory_space<vmem_shared>> -> memref<10240xf32, #tpu.memory_space<vmem_shared>>
        tpu.enqueue_indirect_dma source(%arg17 : memref<128xf32, #tpu.memory_space<vmem>>) target(%dma_start3A_183 : memref<10240xf32, #tpu.memory_space<vmem_shared>>) offsets(%arg13 : memref<128xi32, #tpu.memory_space<vmem>>) semaphore(%run_scoped3A : memref<!tpu.dma_semaphore, #tpu.memory_space<semaphore_mem>>) {add = true}
        %dma_wait3A_184 = arith.constant 0 : i32
        %dma_wait3A_185 = tpu.memref_slice %arg25[%dma_wait3A_184] : memref<10240xf32, #tpu.memory_space<vmem_shared>> -> memref<10240xf32, #tpu.memory_space<vmem_shared>>
        tpu.wait_indirect_dma semaphore(%run_scoped3A : memref<!tpu.dma_semaphore, #tpu.memory_space<semaphore_mem>>) src(%arg17 : memref<128xf32, #tpu.memory_space<vmem>>) dst(%dma_wait3A_185 : memref<10240xf32, #tpu.memory_space<vmem_shared>>)
        tpu.yield
      }) : () -> ()
    }
    %scan3A_67 = arith.constant 40 : i32
    %barrier3A_68 = arith.constant 0 : index
    tpu.barrier barrier_id(%barrier3A_68)
    %scan3A_69 = arith.constant 0 : i32
    %scan3A_70 = arith.constant 40 : i32
    %scan3A_71 = arith.addi %scan3A_69, %scan3A_70 : i32
    %scan3A_72 = arith.constant 1 : i32
    scf.for %scan3A_79 = %scan3A_69 to %scan3A_71 step %scan3A_72  : i32 {
      %mul3A_80 = arith.constant 16 : i32
      %mul3A_81 = arith.muli %scan3A_79, %mul3A_80 : i32
      %add3A_82 = arith.constant 0 : i32
      %add3A_83 = arith.addi %add3A_82, %mul3A_81 : i32
      %lt3A = arith.cmpi slt, %add3A_83, %select_n3A : i32
      %convert_element_type3A_84 = arith.extui %lt3A : i1 to i32
      %cond3A_85 = arith.constant 0 : i32
      %cond3A_86 = arith.cmpi ne, %convert_element_type3A_84, %cond3A_85 : i32
      scf.if %cond3A_86 {
        %add3A_87 = arith.addi %mul3A_11, %add3A_83 : i32
        %mul3A_88 = arith.constant 10000 : i32
        %mul3A_89 = arith.muli %arg0, %mul3A_88 : i32
        %add3A_90 = arith.addi %mul3A_89, %mul3A_11 : i32
        %add3A_91 = arith.addi %add3A_90, %add3A_83 : i32
        "tpu.region"() ({
          %run_scoped3A = tpu.sem_alloc : memref<!tpu.dma_semaphore, #tpu.memory_space<semaphore_mem>>
          %dma_start3A_92 = arith.constant 0 : i32
          %dma_start3A_93 = tpu.memref_slice %arg7[%add3A_91, %dma_start3A_92] : memref<20000x128xf32, #tpu.memory_space<hbm>> -> memref<16x128xf32, #tpu.memory_space<hbm>>
          %dma_start3A_94 = arith.constant 0 : i32
          %dma_start3A_95 = tpu.memref_slice %arg23[%add3A_87, %dma_start3A_94] : memref<10000x128xf32, #tpu.memory_space<vmem_shared>> -> memref<16x128xf32, #tpu.memory_space<vmem_shared>>
          tpu.enqueue_dma source(%dma_start3A_95 : memref<16x128xf32, #tpu.memory_space<vmem_shared>>) target(%dma_start3A_93 : memref<16x128xf32, #tpu.memory_space<hbm>>) target_semaphore(%run_scoped3A : memref<!tpu.dma_semaphore, #tpu.memory_space<semaphore_mem>>)
          %dma_wait3A = arith.constant 0 : i32
          %dma_wait3A_96 = tpu.memref_slice %arg7[%add3A_91, %dma_wait3A] : memref<20000x128xf32, #tpu.memory_space<hbm>> -> memref<16x128xf32, #tpu.memory_space<hbm>>
          %dma_wait3A_97 = arith.constant 0 : i32
          %dma_wait3A_98 = tpu.memref_slice %arg23[%add3A_87, %dma_wait3A_97] : memref<10000x128xf32, #tpu.memory_space<vmem_shared>> -> memref<16x128xf32, #tpu.memory_space<vmem_shared>>
          tpu.wait_dma2 semaphore(%run_scoped3A : memref<!tpu.dma_semaphore, #tpu.memory_space<semaphore_mem>>) src(%dma_wait3A_98 : memref<16x128xf32, #tpu.memory_space<vmem_shared>>) dst(%dma_wait3A_96 : memref<16x128xf32, #tpu.memory_space<hbm>>)
          tpu.yield
        }) : () -> ()
      } else {
      }
    }
    %scan3A_73 = arith.constant 40 : i32
    %eq3A_74 = arith.constant 0 : i32
    %eq3A_75 = arith.cmpi eq, %arg1, %eq3A_74 : i32
    %convert_element_type3A_76 = arith.extui %eq3A_75 : i1 to i32
    %cond3A_77 = arith.constant 0 : i32
    %cond3A_78 = arith.cmpi ne, %convert_element_type3A_76, %cond3A_77 : i32
    scf.if %cond3A_78 {
      %mul3A_79 = arith.constant 10240 : i32
      %mul3A_80 = arith.muli %arg0, %mul3A_79 : i32
      "tpu.region"() ({
        %run_scoped3A = tpu.sem_alloc : memref<!tpu.dma_semaphore, #tpu.memory_space<semaphore_mem>>
        %dma_start3A_83 = tpu.memref_slice %arg8[%mul3A_80] : memref<20480xf32, #tpu.memory_space<hbm>> -> memref<10240xf32, #tpu.memory_space<hbm>>
        tpu.enqueue_dma source(%arg24 : memref<10240xf32, #tpu.memory_space<vmem_shared>>) target(%dma_start3A_83 : memref<10240xf32, #tpu.memory_space<hbm>>) target_semaphore(%run_scoped3A : memref<!tpu.dma_semaphore, #tpu.memory_space<semaphore_mem>>)
        %dma_wait3A = tpu.memref_slice %arg8[%mul3A_80] : memref<20480xf32, #tpu.memory_space<hbm>> -> memref<10240xf32, #tpu.memory_space<hbm>>
        tpu.wait_dma2 semaphore(%run_scoped3A : memref<!tpu.dma_semaphore, #tpu.memory_space<semaphore_mem>>) src(%arg24 : memref<10240xf32, #tpu.memory_space<vmem_shared>>) dst(%dma_wait3A : memref<10240xf32, #tpu.memory_space<hbm>>)
        tpu.yield
      }) : () -> ()
      %mul3A_81 = arith.constant 10240 : i32
      %mul3A_82 = arith.muli %arg0, %mul3A_81 : i32
      "tpu.region"() ({
        %run_scoped3A = tpu.sem_alloc : memref<!tpu.dma_semaphore, #tpu.memory_space<semaphore_mem>>
        %dma_start3A_83 = tpu.memref_slice %arg9[%mul3A_82] : memref<20480xf32, #tpu.memory_space<hbm>> -> memref<10240xf32, #tpu.memory_space<hbm>>
        tpu.enqueue_dma source(%arg25 : memref<10240xf32, #tpu.memory_space<vmem_shared>>) target(%dma_start3A_83 : memref<10240xf32, #tpu.memory_space<hbm>>) target_semaphore(%run_scoped3A : memref<!tpu.dma_semaphore, #tpu.memory_space<semaphore_mem>>)
        %dma_wait3A = tpu.memref_slice %arg9[%mul3A_82] : memref<20480xf32, #tpu.memory_space<hbm>> -> memref<10240xf32, #tpu.memory_space<hbm>>
        tpu.wait_dma2 semaphore(%run_scoped3A : memref<!tpu.dma_semaphore, #tpu.memory_space<semaphore_mem>>) src(%arg25 : memref<10240xf32, #tpu.memory_space<vmem_shared>>) dst(%dma_wait3A : memref<10240xf32, #tpu.memory_space<hbm>>)
        tpu.yield
      }) : () -> ()
    } else {
    }
    return
  }
}

module attributes {stable_mosaic.version = 14 : i64} {
  func.func @_proj_body(%arg0: i32, %arg1: memref<400x128xf32, #tpu.memory_space<vmem>>, %arg2: memref<400x128xf32, #tpu.memory_space<vmem>>, %arg3: memref<128x64xf32, #tpu.memory_space<vmem>>, %arg4: memref<128x64xf32, #tpu.memory_space<vmem>>, %arg5: memref<128x64xf32, #tpu.memory_space<vmem>>, %arg6: memref<400x128xf32, #tpu.memory_space<vmem>>, %arg7: memref<400x128xf32, #tpu.memory_space<vmem>>) attributes {dimension_semantics = [#tpu.dimension_semantics<arbitrary>], iteration_bounds = array<i64: 25>, scalar_prefetch = 0 : i64, scratch_operands = 0 : i64, tpu.core_type = #tpu.core_type<tc>, window_params = [{transform_indices = @transform_0, window_bounds = array<i64: 400, 128>}, {transform_indices = @transform_1, window_bounds = array<i64: 400, 128>}, {pipeline_mode = #tpu.pipeline_mode<synchronous>, transform_indices = @transform_2, window_bounds = array<i64: 128, 64>}, {pipeline_mode = #tpu.pipeline_mode<synchronous>, transform_indices = @transform_3, window_bounds = array<i64: 128, 64>}, {pipeline_mode = #tpu.pipeline_mode<synchronous>, transform_indices = @transform_4, window_bounds = array<i64: 128, 64>}, {transform_indices = @transform_5, window_bounds = array<i64: 400, 128>}, {transform_indices = @transform_6, window_bounds = array<i64: 400, 128>}]} {
    %get3A = arith.constant 0 : index
    %get3A_0 = arith.constant 0 : index
    %get3A_1 = vector.load %arg1[%get3A, %get3A_0] : memref<400x128xf32, #tpu.memory_space<vmem>>, vector<400x128xf32>
    %get3A_2 = arith.constant 0 : index
    %get3A_3 = arith.constant 0 : index
    %get3A_4 = vector.load %arg3[%get3A_2, %get3A_3] : memref<128x64xf32, #tpu.memory_space<vmem>>, vector<128x64xf32>
    %dot_general3A = arith.constant dense<0.000000e+00> : vector<400x64xf32>
    %dot_general3A_5 = tpu.matmul %get3A_1, %get3A_4, %dot_general3A {dimension_numbers = #tpu.dot_dimension_numbers<[1], [0], [0], [1], [0, 0, 1, 1], [], []>, precision = #tpu.contract_precision<fp32>, transpose_lhs_hint = false} : vector<400x128xf32>, vector<128x64xf32>, vector<400x64xf32> -> vector<400x64xf32>
    %swap3A = arith.constant 0 : index
    %swap3A_6 = arith.constant 0 : index
    %swap3A_7 = vector.load %arg6[%swap3A, %swap3A_6] : memref<400x128xf32, #tpu.memory_space<vmem>>, vector<400x64xf32>
    tpu.vector_store %arg6[%swap3A, %swap3A_6], %dot_general3A_5 {strides = array<i32>} : memref<400x128xf32, #tpu.memory_space<vmem>>, vector<400x64xf32>,
    %get3A_8 = arith.constant 0 : index
    %get3A_9 = arith.constant 0 : index
    %get3A_10 = vector.load %arg2[%get3A_8, %get3A_9] : memref<400x128xf32, #tpu.memory_space<vmem>>, vector<400x128xf32>
    %get3A_11 = arith.constant 0 : index
    %get3A_12 = arith.constant 0 : index
    %get3A_13 = vector.load %arg5[%get3A_11, %get3A_12] : memref<128x64xf32, #tpu.memory_space<vmem>>, vector<128x64xf32>
    %dot_general3A_14 = arith.constant dense<0.000000e+00> : vector<400x64xf32>
    %dot_general3A_15 = tpu.matmul %get3A_10, %get3A_13, %dot_general3A_14 {dimension_numbers = #tpu.dot_dimension_numbers<[1], [0], [0], [1], [0, 0, 1, 1], [], []>, precision = #tpu.contract_precision<fp32>, transpose_lhs_hint = false} : vector<400x128xf32>, vector<128x64xf32>, vector<400x64xf32> -> vector<400x64xf32>
    %swap3A_16 = arith.constant 0 : index
    %swap3A_17 = arith.constant 64 : index
    %swap3A_18 = vector.load %arg6[%swap3A_16, %swap3A_17] : memref<400x128xf32, #tpu.memory_space<vmem>>, vector<400x64xf32>
    tpu.vector_store %arg6[%swap3A_16, %swap3A_17], %dot_general3A_15 {strides = array<i32>} : memref<400x128xf32, #tpu.memory_space<vmem>>, vector<400x64xf32>,
    %get3A_19 = arith.constant 0 : index
    %get3A_20 = arith.constant 0 : index
    %get3A_21 = vector.load %arg4[%get3A_19, %get3A_20] : memref<128x64xf32, #tpu.memory_space<vmem>>, vector<128x64xf32>
    %dot_general3A_22 = arith.constant dense<0.000000e+00> : vector<400x64xf32>
    %dot_general3A_23 = tpu.matmul %get3A_1, %get3A_21, %dot_general3A_22 {dimension_numbers = #tpu.dot_dimension_numbers<[1], [0], [0], [1], [0, 0, 1, 1], [], []>, precision = #tpu.contract_precision<fp32>, transpose_lhs_hint = false} : vector<400x128xf32>, vector<128x64xf32>, vector<400x64xf32> -> vector<400x64xf32>
    %swap3A_24 = arith.constant 0 : index
    %swap3A_25 = arith.constant 0 : index
    %swap3A_26 = vector.load %arg7[%swap3A_24, %swap3A_25] : memref<400x128xf32, #tpu.memory_space<vmem>>, vector<400x64xf32>
    tpu.vector_store %arg7[%swap3A_24, %swap3A_25], %dot_general3A_23 {strides = array<i32>} : memref<400x128xf32, #tpu.memory_space<vmem>>, vector<400x64xf32>,
    %swap3A_27 = arith.constant 0 : index
    %swap3A_28 = arith.constant 64 : index
    %swap3A_29 = vector.load %arg7[%swap3A_27, %swap3A_28] : memref<400x128xf32, #tpu.memory_space<vmem>>, vector<400x64xf32>
    tpu.vector_store %arg7[%swap3A_27, %swap3A_28], %dot_general3A_23 {strides = array<i32>} : memref<400x128xf32, #tpu.memory_space<vmem>>, vector<400x64xf32>,
    return
  }
  func.func @transform_0(%arg0: i32) -> (i32, i32) {
    %c0_i32 = arith.constant 0 : i32
    %c0_i32_0 = arith.constant 0 : i32
    return %arg0, %c0_i32 : i32, i32
  }
  func.func @transform_1(%arg0: i32) -> (i32, i32) {
    %c0_i32 = arith.constant 0 : i32
    %c0_i32_0 = arith.constant 0 : i32
    return %arg0, %c0_i32 : i32, i32
  }
  func.func @transform_2(%arg0: i32) -> (i32, i32) {
    %c0_i32 = arith.constant 0 : i32
    %c0_i32_0 = arith.constant 0 : i32
    %c0_i32_1 = arith.constant 0 : i32
    return %c0_i32, %c0_i32_0 : i32, i32
  }
  func.func @transform_3(%arg0: i32) -> (i32, i32) {
    %c0_i32 = arith.constant 0 : i32
    %c0_i32_0 = arith.constant 0 : i32
    %c0_i32_1 = arith.constant 0 : i32
    return %c0_i32, %c0_i32_0 : i32, i32
  }
  func.func @transform_4(%arg0: i32) -> (i32, i32) {
    %c0_i32 = arith.constant 0 : i32
    %c0_i32_0 = arith.constant 0 : i32
    %c0_i32_1 = arith.constant 0 : i32
    return %c0_i32, %c0_i32_0 : i32, i32
  }
  func.func @transform_5(%arg0: i32) -> (i32, i32) {
    %c0_i32 = arith.constant 0 : i32
    %c0_i32_0 = arith.constant 0 : i32
    return %arg0, %c0_i32 : i32, i32
  }
  func.func @transform_6(%arg0: i32) -> (i32, i32) {
    %c0_i32 = arith.constant 0 : i32
    %c0_i32_0 = arith.constant 0 : i32
    return %arg0, %c0_i32 : i32, i32
  }
}

module attributes {stable_mosaic.version = 14 : i64} {
  func.func @_runid_body(%arg0: i32, %arg1: memref<16x512xi32, #tpu.memory_space<vmem>>, %arg2: memref<16x512xi32, #tpu.memory_space<vmem>>, %arg3: memref<2xi32, #tpu.memory_space<smem>>) attributes {dimension_semantics = [#tpu.dimension_semantics<arbitrary>], iteration_bounds = array<i64: 80>, scalar_prefetch = 0 : i64, scratch_operands = 1 : i64, tpu.core_type = #tpu.core_type<tc>, window_params = [{transform_indices = @transform_0, window_bounds = array<i64: 16, 512>}, {transform_indices = @transform_1, window_bounds = array<i64: 16, 512>}]} {
    %eq3A = arith.constant 0 : i32
    %eq3A_0 = arith.cmpi eq, %arg0, %eq3A : i32
    %convert_element_type3A = arith.extui %eq3A_0 : i1 to i32
    %cond3A = arith.constant 0 : i32
    %cond3A_1 = arith.cmpi ne, %convert_element_type3A, %cond3A : i32
    scf.if %cond3A_1 {
      %swap3A_42 = arith.constant 0 : i32
      %swap3A_43 = arith.constant 0 : index
      %swap3A_44 = memref.load %arg3[%swap3A_43] : memref<2xi32, #tpu.memory_space<smem>>
      memref.store %swap3A_42, %arg3[%swap3A_43] : memref<2xi32, #tpu.memory_space<smem>>
      %swap3A_45 = arith.constant -1 : i32
      %swap3A_46 = arith.constant 1 : index
      %swap3A_47 = memref.load %arg3[%swap3A_46] : memref<2xi32, #tpu.memory_space<smem>>
      memref.store %swap3A_45, %arg3[%swap3A_46] : memref<2xi32, #tpu.memory_space<smem>>
    } else {
    }
    %get3A = arith.constant 0 : index
    %get3A_2 = arith.constant 0 : index
    %get3A_3 = vector.load %arg1[%get3A, %get3A_2] : memref<16x512xi32, #tpu.memory_space<vmem>>, vector<16x512xi32>
    %get3A_4 = arith.constant 1 : index
    %get3A_5 = memref.load %arg3[%get3A_4] : memref<2xi32, #tpu.memory_space<smem>>
    %broadcast_in_dim3A = vector.broadcast %get3A_5 : i32 to vector<1x1xi32>
    %slice3A = vector.extract_strided_slice %get3A_3 {offsets = [0, 511], sizes = [15, 1], strides = [1, 1]} : vector<16x512xi32> to vector<15x1xi32>
    %concatenate3A = tpu.concatenate %broadcast_in_dim3A, %slice3A in 0 : vector<1x1xi32>, vector<15x1xi32> -> vector<16x1xi32>
    %slice3A_6 = vector.extract_strided_slice %get3A_3 {offsets = [0, 0], sizes = [16, 511], strides = [1, 1]} : vector<16x512xi32> to vector<16x511xi32>
    %concatenate3A_7 = tpu.concatenate %concatenate3A, %slice3A_6 in 1 : vector<16x1xi32>, vector<16x511xi32> -> vector<16x512xi32>
    %ne3A = arith.cmpi ne, %get3A_3, %concatenate3A_7 : vector<16x512xi32>
    %convert_element_type3A_8 = arith.extui %ne3A : vector<16x512xi1> to vector<16x512xi32>
    %convert_element_type3A_9 = arith.sitofp %convert_element_type3A_8 : vector<16x512xi32> to vector<16x512xf32>
    %iota3A = tpu.iota {dimensions = array<i32: 0>} : vector<512x512xi32>
    %iota3A_10 = tpu.iota {dimensions = array<i32: 1>} : vector<512x512xi32>
    %le3A = arith.cmpi sle, %iota3A, %iota3A_10 : vector<512x512xi32>
    %convert_element_type3A_11 = arith.extui %le3A : vector<512x512xi1> to vector<512x512xi32>
    %convert_element_type3A_12 = arith.sitofp %convert_element_type3A_11 : vector<512x512xi32> to vector<512x512xf32>
    %dot_general3A = arith.constant dense<0.000000e+00> : vector<16x512xf32>
    %dot_general3A_13 = tpu.matmul %convert_element_type3A_9, %convert_element_type3A_12, %dot_general3A {dimension_numbers = #tpu.dot_dimension_numbers<[1], [0], [0], [1], [0, 0, 1, 1], [], []>, transpose_lhs_hint = false} : vector<16x512xf32>, vector<512x512xf32>, vector<16x512xf32> -> vector<16x512xf32>
    %slice3A_14 = vector.extract_strided_slice %dot_general3A_13 {offsets = [0, 511], sizes = [16, 1], strides = [1, 1]} : vector<16x512xf32> to vector<16x1xf32>
    %iota3A_15 = tpu.iota {dimensions = array<i32: 0>} : vector<16x16xi32>
    %iota3A_16 = tpu.iota {dimensions = array<i32: 1>} : vector<16x16xi32>
    %lt3A = arith.cmpi slt, %iota3A_16, %iota3A_15 : vector<16x16xi32>
    %convert_element_type3A_17 = arith.extui %lt3A : vector<16x16xi1> to vector<16x16xi32>
    %convert_element_type3A_18 = arith.sitofp %convert_element_type3A_17 : vector<16x16xi32> to vector<16x16xf32>
    %dot_general3A_19 = arith.constant dense<0.000000e+00> : vector<16x1xf32>
    %dot_general3A_20 = tpu.matmul %convert_element_type3A_18, %slice3A_14, %dot_general3A_19 {dimension_numbers = #tpu.dot_dimension_numbers<[1], [0], [0], [1], [0, 0, 1, 1], [], []>, transpose_lhs_hint = false} : vector<16x16xf32>, vector<16x1xf32>, vector<16x1xf32> -> vector<16x1xf32>
    %add3A = vector.broadcast %dot_general3A_20 : vector<16x1xf32> to vector<16x512xf32>
    %add3A_21 = arith.addf %dot_general3A_13, %add3A : vector<16x512xf32>
    %get3A_22 = arith.constant 0 : index
    %get3A_23 = memref.load %arg3[%get3A_22] : memref<2xi32, #tpu.memory_space<smem>>
    %convert_element_type3A_24 = arith.fptosi %add3A_21 : vector<16x512xf32> to vector<16x512xi32>
    %add3A_25 = vector.broadcast %get3A_23 : i32 to vector<16x512xi32>
    %add3A_26 = arith.addi %add3A_25, %convert_element_type3A_24 : vector<16x512xi32>
    %sub3A = arith.constant 1 : i32
    %sub3A_27 = vector.broadcast %sub3A : i32 to vector<16x512xi32>
    %sub3A_28 = arith.subi %add3A_26, %sub3A_27 : vector<16x512xi32>
    %swap3A = arith.constant 0 : index
    %swap3A_29 = arith.constant 0 : index
    %swap3A_30 = vector.load %arg2[%swap3A, %swap3A_29] : memref<16x512xi32, #tpu.memory_space<vmem>>, vector<16x512xi32>
    tpu.vector_store %arg2[%swap3A, %swap3A_29], %sub3A_28 {strides = array<i32>} : memref<16x512xi32, #tpu.memory_space<vmem>>, vector<16x512xi32>,
    %get3A_31 = arith.constant 0 : index
    %get3A_32 = memref.load %arg3[%get3A_31] : memref<2xi32, #tpu.memory_space<smem>>
    %slice3A_33 = vector.extract_strided_slice %add3A_21 {offsets = [15, 511], sizes = [1, 1], strides = [1, 1]} : vector<16x512xf32> to vector<1x1xf32>
    %squeeze3A = vector.extract %slice3A_33[0, 0] : f32 from vector<1x1xf32>
    %convert_element_type3A_34 = arith.fptosi %squeeze3A : f32 to i32
    %add3A_35 = arith.addi %get3A_32, %convert_element_type3A_34 : i32
    %swap3A_36 = arith.constant 0 : index
    %swap3A_37 = memref.load %arg3[%swap3A_36] : memref<2xi32, #tpu.memory_space<smem>>
    memref.store %add3A_35, %arg3[%swap3A_36] : memref<2xi32, #tpu.memory_space<smem>>
    %slice3A_38 = vector.extract_strided_slice %get3A_3 {offsets = [15, 511], sizes = [1, 1], strides = [1, 1]} : vector<16x512xi32> to vector<1x1xi32>
    %squeeze3A_39 = vector.extract %slice3A_38[0, 0] : i32 from vector<1x1xi32>
    %swap3A_40 = arith.constant 1 : index
    %swap3A_41 = memref.load %arg3[%swap3A_40] : memref<2xi32, #tpu.memory_space<smem>>
    memref.store %squeeze3A_39, %arg3[%swap3A_40] : memref<2xi32, #tpu.memory_space<smem>>
    return
  }
  func.func @transform_0(%arg0: i32) -> (i32, i32) {
    %c0_i32 = arith.constant 0 : i32
    %c0_i32_0 = arith.constant 0 : i32
    return %arg0, %c0_i32 : i32, i32
  }
  func.func @transform_1(%arg0: i32) -> (i32, i32) {
    %c0_i32 = arith.constant 0 : i32
    %c0_i32_0 = arith.constant 0 : i32
    return %arg0, %c0_i32 : i32, i32
  }
}

module attributes {stable_mosaic.version = 14 : i64} {
  func.func @_edge_mlp_body(%arg0: i32, %arg1: memref<2560x128xf32, #tpu.memory_space<vmem>>, %arg2: memref<2560x128xf32, #tpu.memory_space<vmem>>, %arg3: memref<1x128xf32, #tpu.memory_space<vmem>>, %arg4: memref<128x64xf32, #tpu.memory_space<vmem>>, %arg5: memref<1x64xf32, #tpu.memory_space<vmem>>, %arg6: memref<64x1xf32, #tpu.memory_space<vmem>>, %arg7: memref<1x1xf32, #tpu.memory_space<vmem>>, %arg8: memref<2560x1xf32, #tpu.memory_space<vmem>>) attributes {dimension_semantics = [#tpu.dimension_semantics<arbitrary>], iteration_bounds = array<i64: 128>, scalar_prefetch = 0 : i64, scratch_operands = 0 : i64, tpu.core_type = #tpu.core_type<tc>, window_params = [{transform_indices = @transform_0, window_bounds = array<i64: 2560, 128>}, {transform_indices = @transform_1, window_bounds = array<i64: 2560, 128>}, {pipeline_mode = #tpu.pipeline_mode<synchronous>, transform_indices = @transform_2, window_bounds = array<i64: 1, 128>}, {pipeline_mode = #tpu.pipeline_mode<synchronous>, transform_indices = @transform_3, window_bounds = array<i64: 128, 64>}, {pipeline_mode = #tpu.pipeline_mode<synchronous>, transform_indices = @transform_4, window_bounds = array<i64: 1, 64>}, {pipeline_mode = #tpu.pipeline_mode<synchronous>, transform_indices = @transform_5, window_bounds = array<i64: 64, 1>}, {pipeline_mode = #tpu.pipeline_mode<synchronous>, transform_indices = @transform_6, window_bounds = array<i64: 1, 1>}, {transform_indices = @transform_7, window_bounds = array<i64: 2560, 1>}]} {
    %get3A = arith.constant 0 : index
    %get3A_0 = arith.constant 0 : index
    %get3A_1 = vector.load %arg3[%get3A, %get3A_0] : memref<1x128xf32, #tpu.memory_space<vmem>>, vector<1x128xf32>
    %get3A_2 = arith.constant 0 : index
    %get3A_3 = arith.constant 0 : index
    %get3A_4 = vector.load %arg4[%get3A_2, %get3A_3] : memref<128x64xf32, #tpu.memory_space<vmem>>, vector<128x64xf32>
    %dot_general3A = arith.constant dense<0.000000e+00> : vector<1x64xf32>
    %dot_general3A_5 = tpu.matmul %get3A_1, %get3A_4, %dot_general3A {dimension_numbers = #tpu.dot_dimension_numbers<[1], [0], [0], [1], [0, 0, 1, 1], [], []>, precision = #tpu.contract_precision<fp32>, transpose_lhs_hint = false} : vector<1x128xf32>, vector<128x64xf32>, vector<1x64xf32> -> vector<1x64xf32>
    %get3A_6 = arith.constant 0 : index
    %get3A_7 = arith.constant 0 : index
    %get3A_8 = vector.load %arg5[%get3A_6, %get3A_7] : memref<1x64xf32, #tpu.memory_space<vmem>>, vector<1x64xf32>
    %add3A = arith.addf %dot_general3A_5, %get3A_8 : vector<1x64xf32>
    %get3A_9 = arith.constant 0 : index
    %get3A_10 = arith.constant 0 : index
    %get3A_11 = vector.load %arg1[%get3A_9, %get3A_10] : memref<2560x128xf32, #tpu.memory_space<vmem>>, vector<2560x64xf32>
    %get3A_12 = arith.constant 0 : index
    %get3A_13 = arith.constant 0 : index
    %get3A_14 = vector.load %arg2[%get3A_12, %get3A_13] : memref<2560x128xf32, #tpu.memory_space<vmem>>, vector<2560x64xf32>
    %add3A_15 = arith.addf %get3A_11, %get3A_14 : vector<2560x64xf32>
    %add3A_16 = vector.broadcast %add3A : vector<1x64xf32> to vector<2560x64xf32>
    %add3A_17 = arith.addf %add3A_15, %add3A_16 : vector<2560x64xf32>
    %max3A = arith.constant 0.000000e+00 : f32
    %max3A_18 = vector.broadcast %max3A : f32 to vector<2560x64xf32>
    %max3A_19 = arith.maximumf %add3A_17, %max3A_18 : vector<2560x64xf32>
    %get3A_20 = arith.constant 0 : index
    %get3A_21 = arith.constant 0 : index
    %get3A_22 = vector.load %arg6[%get3A_20, %get3A_21] : memref<64x1xf32, #tpu.memory_space<vmem>>, vector<64x1xf32>
    %dot_general3A_23 = arith.constant dense<0.000000e+00> : vector<2560x1xf32>
    %dot_general3A_24 = tpu.matmul %max3A_19, %get3A_22, %dot_general3A_23 {dimension_numbers = #tpu.dot_dimension_numbers<[1], [0], [0], [1], [0, 0, 1, 1], [], []>, precision = #tpu.contract_precision<fp32>, transpose_lhs_hint = false} : vector<2560x64xf32>, vector<64x1xf32>, vector<2560x1xf32> -> vector<2560x1xf32>
    %get3A_25 = arith.constant 0 : index
    %get3A_26 = arith.constant 0 : index
    %get3A_27 = vector.load %arg7[%get3A_25, %get3A_26] : memref<1x1xf32, #tpu.memory_space<vmem>>, vector<1x1xf32>
    %add3A_28 = vector.broadcast %get3A_27 : vector<1x1xf32> to vector<2560x1xf32>
    %add3A_29 = arith.addf %dot_general3A_24, %add3A_28 : vector<2560x1xf32>
    %logistic3A = arith.negf %add3A_29 : vector<2560x1xf32>
    %logistic3A_30 = math.exp %logistic3A : vector<2560x1xf32>
    %logistic3A_31 = arith.constant 1.000000e+00 : f32
    %logistic3A_32 = vector.broadcast %logistic3A_31 : f32 to vector<2560x1xf32>
    %logistic3A_33 = arith.addf %logistic3A_32, %logistic3A_30 : vector<2560x1xf32>
    %logistic3A_34 = arith.divf %logistic3A_32, %logistic3A_33 : vector<2560x1xf32>
    %swap3A = arith.constant 0 : index
    %swap3A_35 = arith.constant 0 : index
    %swap3A_36 = vector.load %arg8[%swap3A, %swap3A_35] : memref<2560x1xf32, #tpu.memory_space<vmem>>, vector<2560x1xf32>
    tpu.vector_store %arg8[%swap3A, %swap3A_35], %logistic3A_34 {strides = array<i32>} : memref<2560x1xf32, #tpu.memory_space<vmem>>, vector<2560x1xf32>,
    return
  }
  func.func @transform_0(%arg0: i32) -> (i32, i32) {
    %c0_i32 = arith.constant 0 : i32
    %c0_i32_0 = arith.constant 0 : i32
    return %arg0, %c0_i32 : i32, i32
  }
  func.func @transform_1(%arg0: i32) -> (i32, i32) {
    %c0_i32 = arith.constant 0 : i32
    %c0_i32_0 = arith.constant 0 : i32
    return %arg0, %c0_i32 : i32, i32
  }
  func.func @transform_2(%arg0: i32) -> (i32, i32) {
    %c0_i32 = arith.constant 0 : i32
    %c0_i32_0 = arith.constant 0 : i32
    %c0_i32_1 = arith.constant 0 : i32
    return %c0_i32, %c0_i32_0 : i32, i32
  }
  func.func @transform_3(%arg0: i32) -> (i32, i32) {
    %c0_i32 = arith.constant 0 : i32
    %c0_i32_0 = arith.constant 0 : i32
    %c0_i32_1 = arith.constant 0 : i32
    return %c0_i32, %c0_i32_0 : i32, i32
  }
  func.func @transform_4(%arg0: i32) -> (i32, i32) {
    %c0_i32 = arith.constant 0 : i32
    %c0_i32_0 = arith.constant 0 : i32
    %c0_i32_1 = arith.constant 0 : i32
    return %c0_i32, %c0_i32_0 : i32, i32
  }
  func.func @transform_5(%arg0: i32) -> (i32, i32) {
    %c0_i32 = arith.constant 0 : i32
    %c0_i32_0 = arith.constant 0 : i32
    %c0_i32_1 = arith.constant 0 : i32
    return %c0_i32, %c0_i32_0 : i32, i32
  }
  func.func @transform_6(%arg0: i32) -> (i32, i32) {
    %c0_i32 = arith.constant 0 : i32
    %c0_i32_0 = arith.constant 0 : i32
    %c0_i32_1 = arith.constant 0 : i32
    return %c0_i32, %c0_i32_0 : i32, i32
  }
  func.func @transform_7(%arg0: i32) -> (i32, i32) {
    %c0_i32 = arith.constant 0 : i32
    %c0_i32_0 = arith.constant 0 : i32
    return %arg0, %c0_i32 : i32, i32
  }
}

module attributes {stable_mosaic.version = 14 : i64} {
  func.func @_merge_body(%arg0: i32, %arg1: memref<128x512xf32, #tpu.memory_space<vmem>>, %arg2: memref<128x512xf32, #tpu.memory_space<vmem>>, %arg3: memref<128x512xf32, #tpu.memory_space<vmem>>, %arg4: memref<128x512xf32, #tpu.memory_space<vmem>>, %arg5: memref<128x512xf32, #tpu.memory_space<vmem>>, %arg6: memref<128x512xf32, #tpu.memory_space<vmem>>) attributes {dimension_semantics = [#tpu.dimension_semantics<arbitrary>], iteration_bounds = array<i64: 10>, scalar_prefetch = 0 : i64, scratch_operands = 0 : i64, tpu.core_type = #tpu.core_type<tc>, window_params = [{transform_indices = @transform_0, window_bounds = array<i64: 128, 512>}, {transform_indices = @transform_1, window_bounds = array<i64: 128, 512>}, {transform_indices = @transform_2, window_bounds = array<i64: 128, 512>}, {transform_indices = @transform_3, window_bounds = array<i64: 128, 512>}, {transform_indices = @transform_4, window_bounds = array<i64: 128, 512>}, {transform_indices = @transform_5, window_bounds = array<i64: 128, 512>}]} {
    %get3A = arith.constant 0 : index
    %get3A_0 = arith.constant 0 : index
    %get3A_1 = vector.load %arg1[%get3A, %get3A_0] : memref<128x512xf32, #tpu.memory_space<vmem>>, vector<128x512xf32>
    %get3A_2 = arith.constant 0 : index
    %get3A_3 = arith.constant 0 : index
    %get3A_4 = vector.load %arg2[%get3A_2, %get3A_3] : memref<128x512xf32, #tpu.memory_space<vmem>>, vector<128x512xf32>
    %add3A = arith.addf %get3A_1, %get3A_4 : vector<128x512xf32>
    %swap3A = arith.constant 0 : index
    %swap3A_5 = arith.constant 0 : index
    %swap3A_6 = vector.load %arg5[%swap3A, %swap3A_5] : memref<128x512xf32, #tpu.memory_space<vmem>>, vector<128x512xf32>
    tpu.vector_store %arg5[%swap3A, %swap3A_5], %add3A {strides = array<i32>} : memref<128x512xf32, #tpu.memory_space<vmem>>, vector<128x512xf32>,
    %get3A_7 = arith.constant 0 : index
    %get3A_8 = arith.constant 0 : index
    %get3A_9 = vector.load %arg3[%get3A_7, %get3A_8] : memref<128x512xf32, #tpu.memory_space<vmem>>, vector<128x512xf32>
    %get3A_10 = arith.constant 0 : index
    %get3A_11 = arith.constant 0 : index
    %get3A_12 = vector.load %arg4[%get3A_10, %get3A_11] : memref<128x512xf32, #tpu.memory_space<vmem>>, vector<128x512xf32>
    %add3A_13 = arith.addf %get3A_9, %get3A_12 : vector<128x512xf32>
    %swap3A_14 = arith.constant 0 : index
    %swap3A_15 = arith.constant 0 : index
    %swap3A_16 = vector.load %arg6[%swap3A_14, %swap3A_15] : memref<128x512xf32, #tpu.memory_space<vmem>>, vector<128x512xf32>
    tpu.vector_store %arg6[%swap3A_14, %swap3A_15], %add3A_13 {strides = array<i32>} : memref<128x512xf32, #tpu.memory_space<vmem>>, vector<128x512xf32>,
    return
  }
  func.func @transform_0(%arg0: i32) -> (i32, i32) {
    %c0_i32 = arith.constant 0 : i32
    %c0_i32_0 = arith.constant 0 : i32
    return %arg0, %c0_i32 : i32, i32
  }
  func.func @transform_1(%arg0: i32) -> (i32, i32) {
    %c0_i32 = arith.constant 0 : i32
    %c0_i32_0 = arith.constant 0 : i32
    return %arg0, %c0_i32 : i32, i32
  }
  func.func @transform_2(%arg0: i32) -> (i32, i32) {
    %c0_i32 = arith.constant 0 : i32
    %c0_i32_0 = arith.constant 0 : i32
    return %arg0, %c0_i32 : i32, i32
  }
  func.func @transform_3(%arg0: i32) -> (i32, i32) {
    %c0_i32 = arith.constant 0 : i32
    %c0_i32_0 = arith.constant 0 : i32
    return %arg0, %c0_i32 : i32, i32
  }
  func.func @transform_4(%arg0: i32) -> (i32, i32) {
    %c0_i32 = arith.constant 0 : i32
    %c0_i32_0 = arith.constant 0 : i32
    return %arg0, %c0_i32 : i32, i32
  }
  func.func @transform_5(%arg0: i32) -> (i32, i32) {
    %c0_i32 = arith.constant 0 : i32
    %c0_i32_0 = arith.constant 0 : i32
    return %arg0, %c0_i32 : i32, i32
  }
}

module attributes {stable_mosaic.version = 14 : i64} {
  func.func @_scale_body(%arg0: i32, %arg1: memref<2560x128xf32, #tpu.memory_space<vmem>>, %arg2: memref<2560x1xf32, #tpu.memory_space<vmem>>, %arg3: memref<2560x1xf32, #tpu.memory_space<vmem>>, %arg4: memref<2560x1xf32, #tpu.memory_space<vmem>>, %arg5: memref<2560x1xf32, #tpu.memory_space<vmem>>, %arg6: memref<2560x1xf32, #tpu.memory_space<vmem>>, %arg7: memref<1x1xf32, #tpu.memory_space<vmem>>, %arg8: memref<2560x128xf32, #tpu.memory_space<vmem>>, %arg9: memref<2560x1xf32, #tpu.memory_space<vmem>>, %arg10: memref<2560x1xf32, #tpu.memory_space<vmem>>) attributes {dimension_semantics = [#tpu.dimension_semantics<arbitrary>], iteration_bounds = array<i64: 128>, scalar_prefetch = 0 : i64, scratch_operands = 0 : i64, tpu.core_type = #tpu.core_type<tc>, window_params = [{transform_indices = @transform_0, window_bounds = array<i64: 2560, 128>}, {transform_indices = @transform_1, window_bounds = array<i64: 2560, 1>}, {transform_indices = @transform_2, window_bounds = array<i64: 2560, 1>}, {transform_indices = @transform_3, window_bounds = array<i64: 2560, 1>}, {transform_indices = @transform_4, window_bounds = array<i64: 2560, 1>}, {transform_indices = @transform_5, window_bounds = array<i64: 2560, 1>}, {pipeline_mode = #tpu.pipeline_mode<synchronous>, transform_indices = @transform_6, window_bounds = array<i64: 1, 1>}, {transform_indices = @transform_7, window_bounds = array<i64: 2560, 128>}, {transform_indices = @transform_8, window_bounds = array<i64: 2560, 1>}, {transform_indices = @transform_9, window_bounds = array<i64: 2560, 1>}]} {
    %get3A = arith.constant 0 : index
    %get3A_0 = arith.constant 0 : index
    %get3A_1 = vector.load %arg5[%get3A, %get3A_0] : memref<2560x1xf32, #tpu.memory_space<vmem>>, vector<2560x1xf32>
    %get3A_2 = arith.constant 0 : index
    %get3A_3 = arith.constant 0 : index
    %get3A_4 = vector.load %arg6[%get3A_2, %get3A_3] : memref<2560x1xf32, #tpu.memory_space<vmem>>, vector<2560x1xf32>
    %get3A_5 = arith.constant 0 : index
    %get3A_6 = arith.constant 0 : index
    %get3A_7 = vector.load %arg2[%get3A_5, %get3A_6] : memref<2560x1xf32, #tpu.memory_space<vmem>>, vector<2560x1xf32>
    %get3A_8 = arith.constant 0 : index
    %get3A_9 = arith.constant 0 : index
    %get3A_10 = vector.load %arg3[%get3A_8, %get3A_9] : memref<2560x1xf32, #tpu.memory_space<vmem>>, vector<2560x1xf32>
    %ne3A = arith.cmpf one, %get3A_7, %get3A_10 : vector<2560x1xf32>
    %convert_element_type3A = arith.extui %ne3A : vector<2560x1xi1> to vector<2560x1xi32>
    %convert_element_type3A_11 = arith.sitofp %convert_element_type3A : vector<2560x1xi32> to vector<2560x1xf32>
    %get3A_12 = arith.constant 0 : index
    %get3A_13 = arith.constant 0 : index
    %get3A_14 = vector.load %arg4[%get3A_12, %get3A_13] : memref<2560x1xf32, #tpu.memory_space<vmem>>, vector<2560x1xf32>
    %mul3A = arith.mulf %get3A_14, %get3A_1 : vector<2560x1xf32>
    %mul3A_15 = arith.constant 5.000000e-01 : f32
    %mul3A_16 = vector.broadcast %mul3A_15 : f32 to vector<2560x1xf32>
    %mul3A_17 = arith.mulf %mul3A, %mul3A_16 : vector<2560x1xf32>
    %mul3A_18 = arith.mulf %mul3A_17, %convert_element_type3A_11 : vector<2560x1xf32>
    %ne3A_19 = arith.constant 0.000000e+00 : f32
    %ne3A_20 = vector.broadcast %ne3A_19 : f32 to vector<2560x1xf32>
    %ne3A_21 = arith.cmpf one, %get3A_4, %ne3A_20 : vector<2560x1xf32>
    %ne3A_22 = arith.constant 0.000000e+00 : f32
    %ne3A_23 = vector.broadcast %ne3A_22 : f32 to vector<2560x1xf32>
    %ne3A_24 = arith.cmpf one, %get3A_1, %ne3A_23 : vector<2560x1xf32>
    %and3A = arith.andi %ne3A_21, %ne3A_24 : vector<2560x1xi1>
    %mul3A_25 = arith.mulf %convert_element_type3A_11, %get3A_14 : vector<2560x1xf32>
    %ne3A_26 = arith.constant 0.000000e+00 : f32
    %ne3A_27 = vector.broadcast %ne3A_26 : f32 to vector<2560x1xf32>
    %ne3A_28 = arith.cmpf one, %get3A_4, %ne3A_27 : vector<2560x1xf32>
    %jit3A = arith.constant 1.000000e+00 : f32
    %broadcast_in_dim3A = vector.broadcast %jit3A : f32 to vector<2560x1xf32>
    %select_n3A = arith.select %ne3A_28, %get3A_4, %broadcast_in_dim3A : vector<2560x1xi1>, vector<2560x1xf32>
    %div3A = arith.divf %mul3A_25, %select_n3A : vector<2560x1xf32>
    %jit3A_29 = arith.constant 0.000000e+00 : f32
    %broadcast_in_dim3A_30 = vector.broadcast %jit3A_29 : f32 to vector<2560x1xf32>
    %select_n3A_31 = arith.select %and3A, %div3A, %broadcast_in_dim3A_30 : vector<2560x1xi1>, vector<2560x1xf32>
    %get3A_32 = arith.constant 0 : index
    %get3A_33 = arith.constant 64 : index
    %get3A_34 = vector.load %arg1[%get3A_32, %get3A_33] : memref<2560x128xf32, #tpu.memory_space<vmem>>, vector<2560x64xf32>
    %mul3A_35 = vector.broadcast %mul3A_18 : vector<2560x1xf32> to vector<2560x64xf32>
    %mul3A_36 = arith.mulf %get3A_34, %mul3A_35 : vector<2560x64xf32>
    %swap3A = arith.constant 0 : index
    %swap3A_37 = arith.constant 0 : index
    %swap3A_38 = vector.load %arg8[%swap3A, %swap3A_37] : memref<2560x128xf32, #tpu.memory_space<vmem>>, vector<2560x64xf32>
    tpu.vector_store %arg8[%swap3A, %swap3A_37], %mul3A_36 {strides = array<i32>} : memref<2560x128xf32, #tpu.memory_space<vmem>>, vector<2560x64xf32>,
    %sub3A = arith.subf %select_n3A_31, %mul3A_18 : vector<2560x1xf32>
    %mul3A_39 = vector.broadcast %sub3A : vector<2560x1xf32> to vector<2560x64xf32>
    %mul3A_40 = arith.mulf %get3A_34, %mul3A_39 : vector<2560x64xf32>
    %swap3A_41 = arith.constant 0 : index
    %swap3A_42 = arith.constant 64 : index
    %swap3A_43 = vector.load %arg8[%swap3A_41, %swap3A_42] : memref<2560x128xf32, #tpu.memory_space<vmem>>, vector<2560x64xf32>
    tpu.vector_store %arg8[%swap3A_41, %swap3A_42], %mul3A_40 {strides = array<i32>} : memref<2560x128xf32, #tpu.memory_space<vmem>>, vector<2560x64xf32>,
    %get3A_44 = arith.constant 0 : index
    %get3A_45 = arith.constant 0 : index
    %get3A_46 = vector.load %arg7[%get3A_44, %get3A_45] : memref<1x1xf32, #tpu.memory_space<vmem>>, vector<1x1xf32>
    %get3A_47 = vector.extract %get3A_46[0, 0] : f32 from vector<1x1xf32>
    %eq3A = vector.broadcast %get3A_47 : f32 to vector<2560x1xf32>
    %eq3A_48 = arith.cmpf oeq, %get3A_10, %eq3A : vector<2560x1xf32>
    %convert_element_type3A_49 = arith.extui %eq3A_48 : vector<2560x1xi1> to vector<2560x1xi32>
    %convert_element_type3A_50 = arith.sitofp %convert_element_type3A_49 : vector<2560x1xi32> to vector<2560x1xf32>
    %mul3A_51 = arith.mulf %mul3A_18, %convert_element_type3A_50 : vector<2560x1xf32>
    %swap3A_52 = arith.constant 0 : index
    %swap3A_53 = arith.constant 0 : index
    %swap3A_54 = vector.load %arg9[%swap3A_52, %swap3A_53] : memref<2560x1xf32, #tpu.memory_space<vmem>>, vector<2560x1xf32>
    tpu.vector_store %arg9[%swap3A_52, %swap3A_53], %mul3A_51 {strides = array<i32>} : memref<2560x1xf32, #tpu.memory_space<vmem>>, vector<2560x1xf32>,
    %sub3A_55 = arith.subf %select_n3A_31, %mul3A_18 : vector<2560x1xf32>
    %mul3A_56 = arith.mulf %sub3A_55, %convert_element_type3A_50 : vector<2560x1xf32>
    %swap3A_57 = arith.constant 0 : index
    %swap3A_58 = arith.constant 0 : index
    %swap3A_59 = vector.load %arg10[%swap3A_57, %swap3A_58] : memref<2560x1xf32, #tpu.memory_space<vmem>>, vector<2560x1xf32>
    tpu.vector_store %arg10[%swap3A_57, %swap3A_58], %mul3A_56 {strides = array<i32>} : memref<2560x1xf32, #tpu.memory_space<vmem>>, vector<2560x1xf32>,
    return
  }
  func.func @transform_0(%arg0: i32) -> (i32, i32) {
    %c0_i32 = arith.constant 0 : i32
    %c0_i32_0 = arith.constant 0 : i32
    return %arg0, %c0_i32 : i32, i32
  }
  func.func @transform_1(%arg0: i32) -> (i32, i32) {
    %c0_i32 = arith.constant 0 : i32
    %c0_i32_0 = arith.constant 0 : i32
    return %arg0, %c0_i32 : i32, i32
  }
  func.func @transform_2(%arg0: i32) -> (i32, i32) {
    %c0_i32 = arith.constant 0 : i32
    %c0_i32_0 = arith.constant 0 : i32
    return %arg0, %c0_i32 : i32, i32
  }
  func.func @transform_3(%arg0: i32) -> (i32, i32) {
    %c0_i32 = arith.constant 0 : i32
    %c0_i32_0 = arith.constant 0 : i32
    return %arg0, %c0_i32 : i32, i32
  }
  func.func @transform_4(%arg0: i32) -> (i32, i32) {
    %c0_i32 = arith.constant 0 : i32
    %c0_i32_0 = arith.constant 0 : i32
    return %arg0, %c0_i32 : i32, i32
  }
  func.func @transform_5(%arg0: i32) -> (i32, i32) {
    %c0_i32 = arith.constant 0 : i32
    %c0_i32_0 = arith.constant 0 : i32
    return %arg0, %c0_i32 : i32, i32
  }
  func.func @transform_6(%arg0: i32) -> (i32, i32) {
    %c0_i32 = arith.constant 0 : i32
    %c0_i32_0 = arith.constant 0 : i32
    %c0_i32_1 = arith.constant 0 : i32
    return %c0_i32, %c0_i32_0 : i32, i32
  }
  func.func @transform_7(%arg0: i32) -> (i32, i32) {
    %c0_i32 = arith.constant 0 : i32
    %c0_i32_0 = arith.constant 0 : i32
    return %arg0, %c0_i32 : i32, i32
  }
  func.func @transform_8(%arg0: i32) -> (i32, i32) {
    %c0_i32 = arith.constant 0 : i32
    %c0_i32_0 = arith.constant 0 : i32
    return %arg0, %c0_i32 : i32, i32
  }
  func.func @transform_9(%arg0: i32) -> (i32, i32) {
    %c0_i32 = arith.constant 0 : i32
    %c0_i32_0 = arith.constant 0 : i32
    return %arg0, %c0_i32 : i32, i32
  }
}

module attributes {stable_mosaic.version = 14 : i64} {
  func.func @_final_body(%arg0: memref<20000x128xf32, #tpu.memory_space<vmem>>, %arg1: memref<2x10240xf32, #tpu.memory_space<vmem>>, %arg2: memref<2x10240xf32, #tpu.memory_space<vmem>>, %arg3: memref<64x7xf32, #tpu.memory_space<vmem>>, %arg4: memref<2x7xf32, #tpu.memory_space<vmem>>) attributes {dimension_semantics = [], scalar_prefetch = 0 : i64, scratch_operands = 0 : i64, tpu.core_type = #tpu.core_type<tc>} {
    %get3A = arith.constant 0 : index
    %get3A_0 = arith.constant 0 : index
    %get3A_1 = vector.load %arg0[%get3A, %get3A_0] : memref<20000x128xf32, #tpu.memory_space<vmem>>, vector<10000x128xf32>
    %get3A_2 = arith.constant 10000 : index
    %get3A_3 = arith.constant 0 : index
    %get3A_4 = vector.load %arg0[%get3A_2, %get3A_3] : memref<20000x128xf32, #tpu.memory_space<vmem>>, vector<10000x128xf32>
    %add3A = arith.addf %get3A_1, %get3A_4 : vector<10000x128xf32>
    %slice3A = vector.extract_strided_slice %add3A {offsets = [0, 0], sizes = [10000, 64], strides = [1, 1]} : vector<10000x128xf32> to vector<10000x64xf32>
    %max3A = arith.constant 0.000000e+00 : f32
    %max3A_5 = vector.broadcast %max3A : f32 to vector<10000x64xf32>
    %max3A_6 = arith.maximumf %slice3A, %max3A_5 : vector<10000x64xf32>
    %slice3A_7 = vector.extract_strided_slice %add3A {offsets = [0, 64], sizes = [10000, 64], strides = [1, 1]} : vector<10000x128xf32> to vector<10000x64xf32>
    %max3A_8 = arith.constant 0.000000e+00 : f32
    %max3A_9 = vector.broadcast %max3A_8 : f32 to vector<10000x64xf32>
    %max3A_10 = arith.maximumf %slice3A_7, %max3A_9 : vector<10000x64xf32>
    %get3A_11 = arith.constant 0 : index
    %get3A_12 = arith.constant 0 : index
    %get3A_13 = vector.load %arg1[%get3A_11, %get3A_12] : memref<2x10240xf32, #tpu.memory_space<vmem>>, vector<1x10000xf32>
    %get3A_14 = arith.constant 1 : index
    %get3A_15 = arith.constant 0 : index
    %get3A_16 = vector.load %arg1[%get3A_14, %get3A_15] : memref<2x10240xf32, #tpu.memory_space<vmem>>, vector<1x10000xf32>
    %add3A_17 = arith.addf %get3A_13, %get3A_16 : vector<1x10000xf32>
    %get3A_18 = arith.constant 0 : index
    %get3A_19 = arith.constant 0 : index
    %get3A_20 = vector.load %arg2[%get3A_18, %get3A_19] : memref<2x10240xf32, #tpu.memory_space<vmem>>, vector<1x10000xf32>
    %get3A_21 = arith.constant 1 : index
    %get3A_22 = arith.constant 0 : index
    %get3A_23 = vector.load %arg2[%get3A_21, %get3A_22] : memref<2x10240xf32, #tpu.memory_space<vmem>>, vector<1x10000xf32>
    %add3A_24 = arith.addf %get3A_20, %get3A_23 : vector<1x10000xf32>
    %dot_general3A = arith.constant dense<0.000000e+00> : vector<1x64xf32>
    %dot_general3A_25 = tpu.matmul %add3A_17, %max3A_6, %dot_general3A {dimension_numbers = #tpu.dot_dimension_numbers<[1], [0], [0], [1], [0, 0, 1, 1], [], []>, precision = #tpu.contract_precision<fp32>, transpose_lhs_hint = false} : vector<1x10000xf32>, vector<10000x64xf32>, vector<1x64xf32> -> vector<1x64xf32>
    %get3A_26 = arith.constant 0 : index
    %get3A_27 = arith.constant 0 : index
    %get3A_28 = vector.load %arg3[%get3A_26, %get3A_27] : memref<64x7xf32, #tpu.memory_space<vmem>>, vector<64x7xf32>
    %dot_general3A_29 = arith.constant dense<0.000000e+00> : vector<1x7xf32>
    %dot_general3A_30 = tpu.matmul %dot_general3A_25, %get3A_28, %dot_general3A_29 {dimension_numbers = #tpu.dot_dimension_numbers<[1], [0], [0], [1], [0, 0, 1, 1], [], []>, precision = #tpu.contract_precision<fp32>, transpose_lhs_hint = false} : vector<1x64xf32>, vector<64x7xf32>, vector<1x7xf32> -> vector<1x7xf32>
    %dot_general3A_31 = arith.constant dense<0.000000e+00> : vector<1x64xf32>
    %dot_general3A_32 = tpu.matmul %add3A_24, %max3A_10, %dot_general3A_31 {dimension_numbers = #tpu.dot_dimension_numbers<[1], [0], [0], [1], [0, 0, 1, 1], [], []>, precision = #tpu.contract_precision<fp32>, transpose_lhs_hint = false} : vector<1x10000xf32>, vector<10000x64xf32>, vector<1x64xf32> -> vector<1x64xf32>
    %get3A_33 = arith.constant 0 : index
    %get3A_34 = arith.constant 0 : index
    %get3A_35 = vector.load %arg3[%get3A_33, %get3A_34] : memref<64x7xf32, #tpu.memory_space<vmem>>, vector<64x7xf32>
    %dot_general3A_36 = arith.constant dense<0.000000e+00> : vector<1x7xf32>
    %dot_general3A_37 = tpu.matmul %dot_general3A_32, %get3A_35, %dot_general3A_36 {dimension_numbers = #tpu.dot_dimension_numbers<[1], [0], [0], [1], [0, 0, 1, 1], [], []>, precision = #tpu.contract_precision<fp32>, transpose_lhs_hint = false} : vector<1x64xf32>, vector<64x7xf32>, vector<1x7xf32> -> vector<1x7xf32>
    %concatenate3A = tpu.concatenate %dot_general3A_30, %dot_general3A_37 in 0 : vector<1x7xf32>, vector<1x7xf32> -> vector<2x7xf32>
    %reduce_max3A = arith.constant dense<0xFF800000> : vector<2xf32>
    %reduce_max3A_38 = vector.multi_reduction <maximumf>, %concatenate3A, %reduce_max3A [1] : vector<2x7xf32> to vector<2xf32>
    %broadcast_in_dim3A = vector.shape_cast %reduce_max3A_38 : vector<2xf32> to vector<2x1xf32>
    %sub3A = vector.broadcast %broadcast_in_dim3A : vector<2x1xf32> to vector<2x7xf32>
    %sub3A_39 = arith.subf %concatenate3A, %sub3A : vector<2x7xf32>
    %exp3A = math.exp %sub3A_39 : vector<2x7xf32>
    %reduce_sum3A = arith.constant dense<0.000000e+00> : vector<2xf32>
    %reduce_sum3A_40 = vector.multi_reduction <add>, %exp3A, %reduce_sum3A [1] : vector<2x7xf32> to vector<2xf32>
    %broadcast_in_dim3A_41 = vector.shape_cast %reduce_sum3A_40 : vector<2xf32> to vector<2x1xf32>
    %div3A = vector.broadcast %broadcast_in_dim3A_41 : vector<2x1xf32> to vector<2x7xf32>
    %div3A_42 = arith.divf %exp3A, %div3A : vector<2x7xf32>
    %swap3A = arith.constant 0 : index
    %swap3A_43 = arith.constant 0 : index
    %swap3A_44 = vector.load %arg4[%swap3A, %swap3A_43] : memref<2x7xf32, #tpu.memory_space<vmem>>, vector<2x7xf32>
    tpu.vector_store %arg4[%swap3A, %swap3A_43], %div3A_42 {strides = array<i32>} : memref<2x7xf32, #tpu.memory_space<vmem>>, vector<2x7xf32>,
    return
  }
}

</mosaic_0001>

<sc_bundles>
// kernel: kernel.12.cloned.1.call-start
scs
__scs_entry_jumppad:
0x0: {  	(pc) =	sbr.rel $0x88, $3  }
0x1: {  	(tag) =	ssettag $0x0;
	lr =	simm.s32 $0x1  }
0x2: {  	[smem:$0x3F95] =	sst lr;
	_ =	strace $0xD0000000  }
0x3: {  	_ = 	snop  }
0x4: {  	_ = 	snop  }
0x5: {  	_ = 	snop  }
0x6: {  	_ = 	snop  }
0x7: {  	_ = 	snop  }
__scs_overlays_trampoline_lowered:
0x8: {  	[smem:$0x3FA4] =	sst s0  }
0x9: {  	[smem:$0x3FA5] =	sst s1  }
0xa: {  	[smem:$0x3FA6] =	sst s2  }
0xb: {  	[smem:$0x3FA7] =	sst s3  }
0xc: {  	[smem:$0x3FA8] =	sst s4  }
0xd: {  	[smem:$0x3FA9] =	sst s5  }
0xe: {  	[smem:$0x3FAA] =	sst s6  }
0xf: {  	[smem:$0x3FAB] =	sst s7  }
0x10: {  	[smem:$0x3FAC] =	sst s8  }
0x11: {  	[smem:$0x3FAD] =	sst s9;
	s0 =	simm.s32 @!p0 $0x0  }
0x12: {  	s1 =	sld [smem:$0x3F93];
	s0 =	simm.s32 @p0 $0x1  }
0x13: {  	[smem:$0x3FAE] =	sst s0;
	s0 =	simm.s32 @!p1 $0x0  }
0x14: {  	s2 =	sld [smem:$0x3F92];
	s0 =	simm.s32 @p1 $0x1  }
0x15: {  	[smem:$0x3FAF] =	sst s0;
	s0 =	simm.s32 @!p2 $0x0  }
0x16: {  	s3 =	sld [smem:$0x3FDB];
	s0 =	simm.s32 @p2 $0x1  }
0x17: {  	s4 =	simm.s32 $0x1BF5;
	[smem:$0x3FB1] =	sst s0  }
0x18: {  	s0 =	sld [smem:$0x3F94];
	_ =	swait.ge [sflag:s4], $0x0  }
0x19: {  	s7 =	sld [smem:$0x3F95]  }
0x1a: {  	s8 =	sadd.s32 $0xFFFFE003, lr  }
0x1b: {  	s9 =	sadd.s32 $0xFFFFFEF7, lr;
	s5 =	simm.s32 $0xFFFFFFFF;
	p2 =	slt.u32 s8, $0xFFFFF086  }
0x1c: {  	p1 =	slt.u32 s9, $0xF7A;
	s5 =	simm.s32 @!p2 $0x0  }
0x1d: {  	s5 =	simm.s32 @p1 $0x1;
	p0 =	seq.s32 s7, s2  }
0x1e: {  	s7 =	smul.u32 @!p0 $0xF7A, s2;
	p2 =	seq.s32 @!p0 s5, $0x0  }
0x1f: {  	s9 =	smul.u32 $0xF7A, s1;
	s8 =	simm.s32 @!p0 $0x1BF5;
	p2 =	por !p2, p0  }
0x20: {  	[sflag:s8] =	ssyncset.s32 @!p0 $0xFFFFF086;
	s6 =	sadd.s32 @!p0 s3, s7;
	s7 =	simm.s32 @!p0 $0x108  }
0x21: {  	s3 =	sadd.s32 s3, s9;
	s6 =	sadd.s32 @!p0 $0x88, s6;
	s7 =	simm.s32 @p2 $0x1082  }
0x22: {  	[simem:s7], [sflag:s8] =	dma.local @!p0 [hbm:s6], $0xF7A  }
0x23: {  	s9 =	sor.u32 $0xD0000000, s2;
	s6 =	simm.s32 $0x108;
	_ =	swait.ge @!p0 [sflag:s8], $0x0  }
0x24: {  	s3 =	sadd.s32 $0x88, s3;
	s6 =	simm.s32 @!p1 $0x1082;
	[sflag:s4] =	ssyncset.s32 $0xFFFFF086  }
0x25: {  	[simem:s6], [sflag:s4] =	dma.local [hbm:s3], $0xF7A  }
0x26: {  	[smem:$0x3F95] =	sst s1;
	(tag) =	ssettag s2;
	_ =	strace s9  }
0x27: {  	s1 =	sld [smem:$0x3FA5]  }
0x28: {  	s2 =	sld [smem:$0x3FA6]  }
0x29: {  	s4 =	sld [smem:$0x3FA8]  }
0x2a: {  	p0 =	seq.s32 s5, $0x0;
	s5 =	sld [smem:$0x3FA9]  }
0x2b: {  	s6 =	sld [smem:$0x3FAA]  }
0x2c: {  	s7 =	sld [smem:$0x3FAB]  }
0x2d: {  	s3 =	simm.s32 $0x108;
	s8 =	sld [smem:$0x3FAC]  }
0x2e: {  	s3 =	simm.s32 @!p0 $0x1082;
	s9 =	sld [smem:$0x3FAD]  }
0x2f: {  	lr =	sadd.s32 s0, s3;
	s0 =	sld [smem:$0x3FA4]  }
0x30: {  	s3 =	sld [smem:$0x3FA7]  }
0x31: {  	[smem:$0x3FB0] =	sst s10  }
0x32: {  	s10 =	sld [smem:$0x3FAE];
	_ =	sdelay $0x3  }
0x33: {  	p0 =	seq.s32 s10, $0x1;
	s10 =	sld [smem:$0x3FB0];
	_ =	sdelay $0x3  }
0x34: {  	[smem:$0x3FB0] =	sst s10  }
0x35: {  	s10 =	sld [smem:$0x3FAF];
	_ =	sdelay $0x3  }
0x36: {  	p1 =	seq.s32 s10, $0x1;
	s10 =	sld [smem:$0x3FB0];
	_ =	sdelay $0x3  }
0x37: {  	[smem:$0x3FB0] =	sst s10  }
0x38: {  	s10 =	sld [smem:$0x3FB1]  }
0x39: {  	_ = 	snop;
	(pc) =	sbr.ind lr, $3  }
0x3a: {  	_ = 	snop  }
0x3b: {  	_ = 	snop  }
0x3c: {  	p2 =	seq.s32 s10, $0x1;
	s10 =	sld [smem:$0x3FB0]  }
0x3d: {  	_ =	shalt  }
0x3e: {  	_ =	shalt  }
0x3f: {  	_ =	shalt  }
0x40: {  	_ =	shalt  }
0x41: {  	_ =	shalt  }
0x42: {  	_ =	shalt  }
0x43: {  	_ =	shalt  }
0x44: {  	_ =	shalt  }
0x45: {  	_ =	shalt  }
0x46: {  	_ =	shalt  }
0x47: {  	_ =	shalt  }
0x48: {  	_ =	shalt  }
0x49: {  	_ =	shalt  }
0x4a: {  	_ =	shalt  }
0x4b: {  	_ =	shalt  }
0x4c: {  	_ =	shalt  }
0x4d: {  	_ =	shalt  }
0x4e: {  	_ =	shalt  }
0x4f: {  	_ =	shalt  }
0x50: {  	_ =	shalt  }
0x51: {  	_ =	shalt  }
0x52: {  	_ =	shalt  }
0x53: {  	_ =	shalt  }
0x54: {  	_ =	shalt  }
0x55: {  	_ =	shalt  }
0x56: {  	_ =	shalt  }
0x57: {  	_ =	shalt  }
0x58: {  	_ =	shalt  }
0x59: {  	_ =	shalt  }
0x5a: {  	_ =	shalt  }
0x5b: {  	_ =	shalt  }
0x5c: {  	_ =	shalt  }
0x5d: {  	_ =	shalt  }
0x5e: {  	_ =	shalt  }
0x5f: {  	_ =	shalt  }
0x60: {  	_ =	shalt  }
0x61: {  	_ =	shalt  }
0x62: {  	_ =	shalt  }
0x63: {  	_ =	shalt  }
0x64: {  	_ =	shalt  }
0x65: {  	_ =	shalt  }
0x66: {  	_ =	shalt  }
0x67: {  	_ =	shalt  }
0x68: {  	_ =	shalt  }
0x69: {  	_ =	shalt  }
0x6a: {  	_ =	shalt  }
0x6b: {  	_ =	shalt  }
0x6c: {  	_ =	shalt  }
0x6d: {  	_ =	shalt  }
0x6e: {  	_ =	shalt  }
0x6f: {  	_ =	shalt  }
0x70: {  	_ =	shalt  }
0x71: {  	_ =	shalt  }
0x72: {  	_ =	shalt  }
0x73: {  	_ =	shalt  }
0x74: {  	_ =	shalt  }
0x75: {  	_ =	shalt  }
0x76: {  	_ =	shalt  }
0x77: {  	_ =	shalt  }
0x78: {  	_ =	shalt  }
0x79: {  	_ =	shalt  }
0x7a: {  	_ =	shalt  }
0x7b: {  	_ =	shalt  }
0x7c: {  	_ =	shalt  }
0x7d: {  	_ =	shalt  }
0x7e: {  	_ =	shalt  }
0x7f: {  	_ =	shalt  }
0x80: {  	_ =	shalt  }
0x81: {  	_ =	shalt  }
0x82: {  	_ =	shalt  }
0x83: {  	_ =	shalt  }
0x84: {  	_ =	shalt  }
0x85: {  	_ =	shalt  }
0x86: {  	_ =	shalt  }
0x87: {  	_ =	shalt  }
.Lfunc_end0:
.L_simem_size_0:
called_computation_lowered:
.L_overlay_start_0:
0x88: {  	s2 =	sld [smem:$0x3FD9]  }
0x89: {  	s3 =	sld [smem:$0x3FFE];
	_ =	sdelay $0x1  }
0x8a: {  	s1 =	srdreg.scid  }
0x8b: {  	s0 =	sand.u32 $0x1, s1  }
0x8c: {  	s16 =	sshll.u32 s0, $0xA;
	s2 =	sadd.s32 s3, s2  }
0x8d: {  	s2 =	sadd.s32 s2, s16  }
0x8e: {  	[smem:$0x3FBC] =	sst s2  }
0x8f: {  	_ = 	snop  }
0x90: {  	(tm) =	ssettm $0x1  }
0x91: {  	s17 =	sld [smem:$0x3FFB];
	_ =	sdelay $0x3  }
0x92: {  	_ =	strace s17  }
0x93: {  	s2 =	sld [smem:$0x3FFC];
	_ =	sdelay $0x3  }
0x94: {  	_ =	strace s2  }
0x95: {  	s2 =	sld [smem:$0x3FFD];
	_ =	sdelay $0x3  }
0x96: {  	_ =	strace s2  }
0x97: {  	_ =	strace $0x8FFFFFFF  }
0x98: {  	s18 =	sld [smem:$0x3FDB];
	_ =	sdelay $0x1  }
0x99: {  	s19 =	simm.s32 $_scs_section_size  }
0x9a: {  	s4 =	simm.s32 $_size__tile_overlayer_lowered;
	s5 =	simm.s32 $_tile_overlayer_lowered  }
0x9b: {  	s22 =	simm.s32 $0x1BFF;
	s21 =	sshll.u32 s5, $0x1;
	s2 =	sadd.s32 s19, s18  }
0x9c: {  	s6 =	simm.s32 $0x0;
	s20 =	sshll.u32 s4, $0x1;
	s4 =	sadd.s32 s21, s2  }
0x9d: {  	[timem:s6], [sflag:s22] =	dma.local [hbm:s4], s20  }
0x9e: {  	_ =	swait.ge [sflag:s22], s20  }
0x9f: {  	s3 =	ssub.s32 $0x0, s20;
	[sflag:s22] =	ssyncset.done $0x0  }
0xa0: {  	[sflag:s22] =	ssyncadd.s32 s3;
	_ =	sdelay $0x1  }
0xa1: {  	s23 =	simm.s32 $0x1B8B  }
0xa2: {  	_ =	swait.ge [sflag:s23], $0x1  }
0xa3: {  	[sflag:s23] =	ssyncset.done $0x0  }
0xa4: {  	s25 =	simm.s32 $0x1B8E;
	s24 =	sld [smem:$0x3FFE];
	[sflag:s23] =	ssyncadd.s32 $0xFFFFFFFF  }
0xa5: {  	s26 =	simm.s32 $execute0_lowered;
	[smem:$0x3FD2] =	sst s25  }
0xa6: {  	s4 =	sshll.u32 s26, $0x1;
	_ =	strace $0x80000046;
	[dreg:$0x1] =	wrdreg $0xFFFFFFFF  }
0xa7: {  	s28 =	simm.s32 $_size_execute0_lowered;
	s2 =	sadd.s32 s2, s4;
	[dreg:$0x0] =	wrdreg $0x0  }
0xa8: {  	s4 =	sshll.u32 s28, $0x1;
	[dreg:$0x2] =	wrdreg s2  }
0xa9: {  	[dreg:$0x3] =	wrdreg s4  }
0xaa: {  	[dreg:$0x4] =	wrdreg $0xC0  }
0xab: {  	_ =	task [dreg:s6], $0x5FFFF  }
0xac: {  	[dreg:$0x1] =	wrdreg $0xFFFFFFFF  }
0xad: {  	[dreg:$0x0] =	wrdreg $0x60  }
0xae: {  	[dreg:$0x2] =	wrdreg s24  }
0xaf: {  	[dreg:$0x3] =	wrdreg $0x9  }
0xb0: {  	_ =	task.clear_ibuf [dreg:s6], $0x4FFFF;
	_ =	strace $0x90000046  }
0xb1: {  	s29 =	simm.s32 $0x9;
	_ =	strace $0x80000048  }
0xb2: {  	_ =	swait.ge [sflag:s29], $0x1  }
0xb3: {  	[sflag:s29] =	ssyncadd.s32 $0xFFFFFFFF  }
0xb4: {  	_ =	strace $0x90000048  }
0xb5: {  	_ =	sfence  }
0xb6: {  	s30 =	sld [smem:$0x0];
	_ =	sdelay $0x2  }
0xb7: {  	s31 =	sshll.u32 s1, $0xD;
	s1 =	sshrl.u32 s1, $0x2  }
0xb8: {  	s3 =	sand.u32 $0x4000, s31;
	s1 =	sadd.s32 s1, s30  }
0xb9: {  	s0 =	sor.u32 s3, s0;
	s1 =	sshll.u32 s1, $0x11  }
0xba: {  	s0 =	sor.u32 s1, s0  }
0xbb: {  	s0 =	sadd.s32 $0x8F2B, s0  }
0xbc: {  	[sflag:s0] =	ssyncadd.remote.s32 $0x1  }
0xbd: {  	_ =	sfence.sel $0xFFFF  }
0xbe: {  	[dreg:$0x0] =	wrdreg $0xFFFFFFFF;
	(pc) =	sbr.abs _section_cstart, $3  }
0xbf: {  	[dreg:$0x1] =	wrdreg $0xFFFFFFFF  }
0xc0: {  	_ =	task.clear_ibuf [dreg:s6], $0x2FFFF;
	_ =	strace $0x9FFFFFFF  }
0xc1: {  	(tm) =	ssettm $0x7FFFFFFF  }
tec
execute0_lowered:
.L_overlay_start_1:
0x0: {  	(tag) =	ssettag $0x1  }
0x1: {  	s0 =	rddreg [dreg:$0x0]  }
0x2: {  	s2 =	simm.s32 $0x0;
	s1 =	srdreg.scid;
	s12 =	stileid.u32  }
0x3: {  	s28 =	simm.s32 $0x1;
	s29 =	simm.s32 $0x300;
	s30 =	simm.s32 $0xC300  }
0x4: {  	s31 =	simm.s32 $0x4300;
	s14 =	simm.s32 $0x0;
	[smem:$0x7FF] =	sst s2  }
0x5: {  	s3 =	sadd.s32 $0x2B400, s0;
	s1 =	sand.u32 $0x1, s1;
	s6 =	sshll.u32 s12, $0x1  }
0x6: {  	s4 =	sadd.s32 $0x52600, s0;
	s10 =	sadd.s32 $0x579800, s0;
	s21 =	smul.u32 $0x50000, s12  }
0x7: {  	s5 =	sadd.s32 $0x21400, s0;
	s23 =	smul.u32 $0xA00, s12;
	_ =	strace $0x80000047  }
0x8: {  	s7 =	sor.u32 s1, s6;
	s6 =	sadd.s32 $0x17400, s0;
	s25 =	smul.u32 $0x500, s1  }
0x9: {  	s8 =	ssub.s32 $0x2, s1;
	s0 =	sadd.s32 $0x79800, s0;
	s9 =	smul.u32 $0x500, s7  }
0xa: {  	s11 =	sshrl.u32 s8, $0x1;
	s7 =	smul.u32 $0x140000, s7;
	s26 =	sadd.s32 s21, s10  }
0xb: {  	s8 =	ssub.s32 s8, s11;
	[dreg:$0xd] =	wrdreg s26;
	s13 =	sadd.s32 s5, s9  }
0xc: {  	s15 =	sor.u32 $0x10, s9;
	s16 =	sadd.s32 s6, s9;
	[dreg:$0x2] =	wrdreg s13  }
0xd: {  	s9 =	sor.u32 $0x20, s9;
	s24 =	smax.u32 s8, $0x1;
	[dreg:$0x3] =	wrdreg s16  }
0xe: {  	s7 =	sshrl.u32 s7, $0x3;
	s17 =	sadd.s32 s5, s15;
	[dreg:$0xc] =	wrdreg s24  }
0xf: {  	s8 =	simm.s32 $0x8300;
	s11 =	sadd.s32 s6, s15;
	[dreg:$0x4] =	wrdreg s17  }
0x10: {  	s18 =	sadd.s32 s5, s9;
	s9 =	sadd.s32 s6, s9;
	[dreg:$0x5] =	wrdreg s11  }
0x11: {  	s19 =	sadd.s32 $0x27000, s7;
	s7 =	sadd.s32 $0x27800, s7;
	[dreg:$0x6] =	wrdreg s18  }
0x12: {  	s24 =	simm.s32 $0x200;
	s13 =	simm.s32 $0x280;
	[dreg:$0x7] =	wrdreg s9  }
0x13: {  	s20 =	sadd.s32 s10, s19;
	s9 =	sadd.s32 s0, s19;
	s22 =	sadd.s32 s10, s7  }
0x14: {  	s7 =	sadd.s32 s0, s7;
	s18 =	smul.u32 $0x28000, s1;
	[dreg:$0x8] =	wrdreg s20  }
0x15: {  	s0 =	sadd.s32 s21, s0;
	s21 =	sadd.s32 s25, s23;
	[dreg:$0x9] =	wrdreg s9  }
0x16: {  	s25 =	simm.s32 $0x180;
	s23 =	simm.s32 $0x80;
	[dreg:$0xa] =	wrdreg s22  }
0x17: {  	s1 =	simm.s32 $0x2;
	s10 =	simm.s32 $0x4;
	[dreg:$0xb] =	wrdreg s7  }
0x18: {  	s11 =	simm.s32 $0x5;
	[dreg:$0xe] =	wrdreg s0;
	s22 =	simm.s32 $0x100  }
0x19: {  	s0 =	simm.s32 $0x10300;
	s7 =	simm.s32 $0x3;
	s9 =	simm.s32 $0x14300  }
.LBB2_1:
0x1a: {  	[dreg:$0xf] =	wrdreg s14  }
0x1b: {  	s12 =	rddreg [dreg:$0x2]  }
0x1c: {  	[tilespmem:s2], [sflag:$0x1] =	stream.linear.gather [hbm4b:s12+s2], $0x80, $0x38;
	[tilespmem:$0x18300] =	vst v63  }
0x1d: {  	s14 =	rddreg [dreg:$0x3]  }
0x1e: {  	[tilespmem:s25], [sflag:$0x1] =	stream.linear.gather [hbm4b:s14+s2], $0x80, $0x38;
	[tilespmem:$0x18300] =	vst v63  }
0x1f: {  	s15 =	rddreg [dreg:$0x4]  }
0x20: {  	[tilespmem:s23], [sflag:$0x1] =	stream.linear.gather [hbm4b:s15+s2], $0x80, $0x38;
	[tilespmem:$0x18300] =	vst v63  }
0x21: {  	s16 =	rddreg [dreg:$0x5]  }
0x22: {  	[tilespmem:s24], [sflag:$0x1] =	stream.linear.gather [hbm4b:s16+s2], $0x80, $0x38;
	[tilespmem:$0x18300] =	vst v63  }
0x23: {  	s17 =	rddreg [dreg:$0x6]  }
0x24: {  	[tilespmem:s22], [sflag:$0x1] =	stream.linear.gather [hbm4b:s17+s2], $0x80, $0x38;
	[tilespmem:$0x18300] =	vst v63  }
0x25: {  	s19 =	rddreg [dreg:$0x7]  }
0x26: {  	[tilespmem:s13], [sflag:$0x1] =	stream.linear.gather [hbm4b:s19+s2], $0x80, $0x38;
	[tilespmem:$0x18300] =	vst v63  }
0x27: {  	_ =	swait.ge [sflag:s28], $0x80  }
0x28: {  	[sflag:s28] =	ssyncset.done $0x0  }
0x29: {  	[sflag:s28] =	ssyncadd.s32 $0xFFFFFF80  }
0x2a: {  	_ =	swait.ge [sflag:s28], $0x80  }
0x2b: {  	[sflag:s28] =	ssyncset.done $0x0  }
0x2c: {  	[sflag:s28] =	ssyncadd.s32 $0xFFFFFF80  }
0x2d: {  	[tilespmem:s29], [sflag:$0x2] =	stream.indirect.gather [hbm4b:s3+s23], $0x80, s2, s23, $0xb8;
	[tilespmem:$0x18300] =	vst v63  }
0x2e: {  	_ = 	snop  }
0x2f: {  	[tilespmem:s30], [sflag:$0x3] =	stream.indirect.gather [hbm4b:s4+s23], $0x80, s25, s23, $0xb8;
	[tilespmem:$0x18300] =	vst v63  }
0x30: {  	_ =	swait.ge [sflag:s28], $0x80  }
0x31: {  	[sflag:s28] =	ssyncset.done $0x0  }
0x32: {  	[sflag:s28] =	ssyncadd.s32 $0xFFFFFF80  }
0x33: {  	_ =	swait.ge [sflag:s28], $0x80  }
0x34: {  	[sflag:s28] =	ssyncset.done $0x0  }
0x35: {  	[sflag:s28] =	ssyncadd.s32 $0xFFFFFF80  }
0x36: {  	[tilespmem:s31], [sflag:$0x2] =	stream.indirect.gather [hbm4b:s3+s23], $0x80, s23, s23, $0xb8;
	[tilespmem:$0x18300] =	vst v63  }
0x37: {  	_ = 	snop  }
0x38: {  	[tilespmem:s0], [sflag:$0x3] =	stream.indirect.gather [hbm4b:s4+s23], $0x80, s24, s23, $0xb8;
	[tilespmem:$0x18300] =	vst v63  }
0x39: {  	_ =	swait.ge [sflag:s1], $0x4000  }
0x3a: {  	[sflag:s1] =	ssyncset.done $0x0  }
0x3b: {  	[sflag:s1] =	ssyncadd.s32 $0xFFFFC000  }
0x3c: {  	_ =	swait.ge [sflag:s7], $0x4000  }
0x3d: {  	[sflag:s7] =	ssyncset.done $0x0  }
0x3e: {  	[sflag:s7] =	ssyncadd.s32 $0xFFFFC000  }
0x3f: {  	_ =	swait.ge [sflag:s28], $0x80  }
0x40: {  	[sflag:s28] =	ssyncset.done $0x0  }
0x41: {  	[sflag:s28] =	ssyncadd.s32 $0xFFFFFF80  }
0x42: {  	_ =	swait.ge [sflag:s28], $0x80  }
0x43: {  	s15 =	sadd.s32 $0x50, s21;
	[sflag:s28] =	ssyncset.done $0x0  }
0x44: {  	s16 =	sadd.s32 $0xFFFFFFE0, s15;
	[sflag:s28] =	ssyncadd.s32 $0xFFFFFF80  }
0x45: {  	[tilespmem:s8], [sflag:$0x2] =	stream.indirect.gather [hbm4b:s3+s23], $0x80, s22, s23, $0xb8;
	[tilespmem:$0x18300] =	vst v63  }
0x46: {  	s20 =	simm.s32 $0x30;
	s16 =	sand.u32 $0xFFFFF80, s16;
	s19 =	rddreg [dreg:$0xd]  }
0x47: {  	[tilespmem:s9], [sflag:$0x3] =	stream.indirect.gather [hbm4b:s4+s23], $0x80, s13, s23, $0xb8;
	[tilespmem:$0x18300] =	vst v63  }
0x48: {  	s17 =	sand.u32 $0x70, s20;
	s20 =	rddreg [dreg:$0xe];
	s13 =	sadd.s32 s19, s18  }
0x49: {  	[hbm4b:s13+s2] =	stream.linear.scatter [tilespmem:s29], [sflag:$0x4], $0x4000, $0x38;
	[tilespmem:$0x18300] =	vst v63  }
0x4a: {  	s16 =	sor.u32 s17, s16;
	s14 =	sadd.s32 s20, s18  }
0x4b: {  	[hbm4b:s14+s2] =	stream.linear.scatter [tilespmem:s30], [sflag:$0x5], $0x4000, $0x38;
	[tilespmem:$0x18300] =	vst v63  }
0x4c: {  	s17 =	sadd.s32 s5, s16  }
0x4d: {  	[tilespmem:s2], [sflag:$0x1] =	stream.linear.gather [hbm4b:s17+s2], $0x80, $0x38;
	[tilespmem:$0x18300] =	vst v63  }
0x4e: {  	s16 =	sadd.s32 s6, s16  }
0x4f: {  	[tilespmem:s25], [sflag:$0x1] =	stream.linear.gather [hbm4b:s16+s2], $0x80, $0x38;
	[tilespmem:$0x18300] =	vst v63  }
0x50: {  	_ =	swait.ge [sflag:s1], $0x4000  }
0x51: {  	[sflag:s1] =	ssyncset.done $0x0  }
0x52: {  	[sflag:s1] =	ssyncadd.s32 $0xFFFFC000  }
0x53: {  	_ =	swait.ge [sflag:s7], $0x4000  }
0x54: {  	[sflag:s7] =	ssyncset.done $0x0  }
0x55: {  	[sflag:s7] =	ssyncadd.s32 $0xFFFFC000  }
0x56: {  	_ =	swait.ge [sflag:s10], $0x4000  }
0x57: {  	[sflag:s10] =	ssyncset.done $0x0  }
0x58: {  	[sflag:s10] =	ssyncadd.s32 $0xFFFFC000  }
0x59: {  	_ =	swait.ge [sflag:s11], $0x4000  }
0x5a: {  	[sflag:s11] =	ssyncset.done $0x0  }
0x5b: {  	[sflag:s11] =	ssyncadd.s32 $0xFFFFC000  }
0x5c: {  	_ =	swait.ge [sflag:s28], $0x80  }
0x5d: {  	[sflag:s28] =	ssyncset.done $0x0  }
0x5e: {  	[sflag:s28] =	ssyncadd.s32 $0xFFFFFF80  }
0x5f: {  	_ =	swait.ge [sflag:s28], $0x80  }
0x60: {  	[sflag:s28] =	ssyncset.done $0x0  }
0x61: {  	[sflag:s28] =	ssyncadd.s32 $0xFFFFFF80  }
0x62: {  	[tilespmem:s29], [sflag:$0x2] =	stream.indirect.gather [hbm4b:s3+s23], $0x80, s2, s23, $0xb8;
	[tilespmem:$0x18300] =	vst v63  }
0x63: {  	s26 =	simm.s32 $0x40;
	s15 =	sadd.s32 $0xFFFFFFF0, s15  }
0x64: {  	[tilespmem:s30], [sflag:$0x3] =	stream.indirect.gather [hbm4b:s4+s23], $0x80, s25, s23, $0xb8;
	[tilespmem:$0x18300] =	vst v63  }
0x65: {  	s15 =	sand.u32 $0xFFFFF80, s15;
	s12 =	sadd.s32 $0x800, s13;
	s16 =	sand.u32 $0x70, s26  }
0x66: {  	[hbm4b:s12+s2] =	stream.linear.scatter [tilespmem:s31], [sflag:$0x4], $0x4000, $0x38;
	[tilespmem:$0x18300] =	vst v63  }
0x67: {  	s17 =	sadd.s32 $0x800, s14;
	s15 =	sor.u32 s16, s15  }
0x68: {  	[hbm4b:s17+s2] =	stream.linear.scatter [tilespmem:s0], [sflag:$0x5], $0x4000, $0x38;
	[tilespmem:$0x18300] =	vst v63  }
0x69: {  	s25 =	sadd.s32 s5, s15  }
0x6a: {  	[tilespmem:s23], [sflag:$0x1] =	stream.linear.gather [hbm4b:s25+s2], $0x80, $0x38;
	[tilespmem:$0x18300] =	vst v63  }
0x6b: {  	s15 =	sadd.s32 s6, s15  }
0x6c: {  	[tilespmem:s24], [sflag:$0x1] =	stream.linear.gather [hbm4b:s15+s2], $0x80, $0x38;
	[tilespmem:$0x18300] =	vst v63  }
0x6d: {  	_ =	swait.ge [sflag:s1], $0x4000  }
0x6e: {  	[sflag:s1] =	ssyncset.done $0x0  }
0x6f: {  	[sflag:s1] =	ssyncadd.s32 $0xFFFFC000  }
0x70: {  	_ =	swait.ge [sflag:s7], $0x4000  }
0x71: {  	[sflag:s7] =	ssyncset.done $0x0  }
0x72: {  	[sflag:s7] =	ssyncadd.s32 $0xFFFFC000  }
0x73: {  	_ =	swait.ge [sflag:s10], $0x4000  }
0x74: {  	[sflag:s10] =	ssyncset.done $0x0  }
0x75: {  	[sflag:s10] =	ssyncadd.s32 $0xFFFFC000  }
0x76: {  	_ =	swait.ge [sflag:s11], $0x4000  }
0x77: {  	[sflag:s11] =	ssyncset.done $0x0  }
0x78: {  	[sflag:s11] =	ssyncadd.s32 $0xFFFFC000  }
0x79: {  	_ =	swait.ge [sflag:s28], $0x80  }
0x7a: {  	[sflag:s28] =	ssyncset.done $0x0  }
0x7b: {  	[sflag:s28] =	ssyncadd.s32 $0xFFFFFF80  }
0x7c: {  	_ =	swait.ge [sflag:s28], $0x80  }
0x7d: {  	[sflag:s28] =	ssyncset.done $0x0  }
0x7e: {  	p1 =	por $0x0, $0x0;
	[sflag:s28] =	ssyncadd.s32 $0xFFFFFF80  }
0x7f: {  	[tilespmem:s31], [sflag:$0x2] =	stream.indirect.gather [hbm4b:s3+s23], $0x80, s23, s23, $0xb8;
	[tilespmem:$0x18300] =	vst v63  }
0x80: {  	s13 =	sadd.s32 $0x1000, s13;
	s16 =	sadd.s32 @!p1 $0x50, s21;
	s15 =	simm.s32 $0x50  }
0x81: {  	[tilespmem:s0], [sflag:$0x3] =	stream.indirect.gather [hbm4b:s4+s23], $0x80, s24, s23, $0xb8;
	[tilespmem:$0x18300] =	vst v63  }
0x82: {  	s26 =	sadd.s32 $0x1000, s14;
	s14 =	sand.u32 @!p1 $0xFFFFF80, s16;
	s15 =	sand.u32 @!p1 $0x70, s15  }
0x83: {  	[hbm4b:s13+s2] =	stream.linear.scatter [tilespmem:s8], [sflag:$0x4], $0x4000, $0x38;
	[tilespmem:$0x18300] =	vst v63  }
0x84: {  	s15 =	sor.u32 @!p1 s15, s14  }
0x85: {  	[hbm4b:s26+s2] =	stream.linear.scatter [tilespmem:s9], [sflag:$0x5], $0x4000, $0x38;
	[tilespmem:$0x18300] =	vst v63  }
0x86: {  	s14 =	simm.s32 @!p1 $0x0;
	s16 =	sadd.s32 @!p1 s5, s15;
	s13 =	simm.s32 @!p1 $0x100  }
0x87: {  	[tilespmem:s13], [sflag:$0x1] =	stream.linear.gather @!p1 [hbm4b:s16+s14], $0x80, $0x38;
	[tilespmem:$0x18300] =	vst v63  }
0x88: {  	s17 =	simm.s32 @!p1 $0x280;
	s15 =	sadd.s32 @!p1 s6, s15;
	s13 =	simm.s32 $0x80  }
.LBB2_2:
0x89: {  	s19 =	sadd.s32 $0x1800, s19  }
0x8a: {  	s20 =	sadd.s32 $0x1800, s20;
	s16 =	smov.u32 s13;
	s13 =	sadd.s32 $0x30, s13  }
0x8b: {  	[tilespmem:s17], [sflag:$0x1] =	stream.linear.gather @!p1 [hbm4b:s15+s14], $0x80, $0x38;
	[tilespmem:$0x18300] =	vst v63  }
0x8c: {  	p0 =	sne.s32 s13, $0x530;
	_ =	swait.ge [sflag:s10], $0x4000  }
0x8d: {  	[sflag:s10] =	ssyncset.done $0x0  }
0x8e: {  	[sflag:s10] =	ssyncadd.s32 $0xFFFFC000  }
0x8f: {  	_ =	swait.ge [sflag:s11], $0x4000  }
0x90: {  	[sflag:s11] =	ssyncset.done $0x0  }
0x91: {  	[sflag:s11] =	ssyncadd.s32 $0xFFFFC000  }
0x92: {  	_ =	swait.ge [sflag:s1], $0x4000  }
0x93: {  	[sflag:s1] =	ssyncset.done $0x0  }
0x94: {  	[sflag:s1] =	ssyncadd.s32 $0xFFFFC000  }
0x95: {  	_ =	swait.ge [sflag:s7], $0x4000  }
0x96: {  	[sflag:s7] =	ssyncset.done $0x0  }
0x97: {  	[sflag:s7] =	ssyncadd.s32 $0xFFFFC000  }
0x98: {  	_ =	swait.ge [sflag:s28], $0x80  }
0x99: {  	[sflag:s28] =	ssyncset.done $0x0  }
0x9a: {  	s15 =	sadd.s32 $0xFFFFFFE0, s16;
	[sflag:s28] =	ssyncadd.s32 $0xFFFFFF80  }
0x9b: {  	s14 =	sadd.s32 $0xFFFFFFF0, s16;
	s12 =	sadd.s32 s16, s21;
	_ =	swait.ge [sflag:s28], $0x80  }
0x9c: {  	s17 =	sadd.s32 s19, s18;
	s25 =	sadd.s32 $0xFFFFFFE0, s12;
	[sflag:s28] =	ssyncset.done $0x0  }
0x9d: {  	s12 =	sadd.s32 $0xFFFFFFF0, s12;
	s26 =	sand.u32 $0x70, s14;
	[sflag:s28] =	ssyncadd.s32 $0xFFFFFF80  }
0x9e: {  	[tilespmem:s8], [sflag:$0x2] =	stream.indirect.gather [hbm4b:s3+s23], $0x80, s22, s23, $0xb8;
	[tilespmem:$0x18300] =	vst v63  }
0x9f: {  	s14 =	simm.s32 $0x280;
	s25 =	sand.u32 $0xFFFFF80, s25;
	s12 =	sand.u32 $0xFFFFF80, s12  }
0xa0: {  	[tilespmem:s9], [sflag:$0x3] =	stream.indirect.gather [hbm4b:s4+s23], $0x80, s14, s23, $0xb8;
	[tilespmem:$0x18300] =	vst v63  }
0xa1: {  	s22 =	sand.u32 $0x70, s15;
	s15 =	sor.u32 s26, s12;
	s14 =	sadd.s32 s20, s18  }
0xa2: {  	[hbm4b:s17+s2] =	stream.linear.scatter [tilespmem:s29], [sflag:$0x4], $0x4000, $0x38;
	[tilespmem:$0x18300] =	vst v63  }
0xa3: {  	s12 =	sor.u32 s22, s25;
	s25 =	simm.s32 $0x180  }
0xa4: {  	[hbm4b:s14+s2] =	stream.linear.scatter [tilespmem:s30], [sflag:$0x5], $0x4000, $0x38;
	[tilespmem:$0x18300] =	vst v63  }
0xa5: {  	s22 =	sadd.s32 s5, s12  }
0xa6: {  	[tilespmem:s2], [sflag:$0x1] =	stream.linear.gather [hbm4b:s22+s2], $0x80, $0x38;
	[tilespmem:$0x18300] =	vst v63  }
0xa7: {  	s12 =	sadd.s32 s6, s12  }
0xa8: {  	[tilespmem:s25], [sflag:$0x1] =	stream.linear.gather [hbm4b:s12+s2], $0x80, $0x38;
	[tilespmem:$0x18300] =	vst v63  }
0xa9: {  	_ =	swait.ge [sflag:s1], $0x4000  }
0xaa: {  	[sflag:s1] =	ssyncset.done $0x0  }
0xab: {  	[sflag:s1] =	ssyncadd.s32 $0xFFFFC000  }
0xac: {  	_ =	swait.ge [sflag:s7], $0x4000  }
0xad: {  	[sflag:s7] =	ssyncset.done $0x0  }
0xae: {  	[sflag:s7] =	ssyncadd.s32 $0xFFFFC000  }
0xaf: {  	_ =	swait.ge [sflag:s10], $0x4000  }
0xb0: {  	[sflag:s10] =	ssyncset.done $0x0  }
0xb1: {  	[sflag:s10] =	ssyncadd.s32 $0xFFFFC000  }
0xb2: {  	_ =	swait.ge [sflag:s11], $0x4000  }
0xb3: {  	[sflag:s11] =	ssyncset.done $0x0  }
0xb4: {  	[sflag:s11] =	ssyncadd.s32 $0xFFFFC000  }
0xb5: {  	_ =	swait.ge [sflag:s28], $0x80  }
0xb6: {  	[sflag:s28] =	ssyncset.done $0x0  }
0xb7: {  	[sflag:s28] =	ssyncadd.s32 $0xFFFFFF80  }
0xb8: {  	_ =	swait.ge [sflag:s28], $0x80  }
0xb9: {  	[sflag:s28] =	ssyncset.done $0x0  }
0xba: {  	[sflag:s28] =	ssyncadd.s32 $0xFFFFFF80  }
0xbb: {  	[tilespmem:s29], [sflag:$0x2] =	stream.indirect.gather [hbm4b:s3+s23], $0x80, s2, s23, $0xb8;
	[tilespmem:$0x18300] =	vst v63  }
0xbc: {  	s12 =	sadd.s32 $0x800, s17  }
0xbd: {  	[tilespmem:s30], [sflag:$0x3] =	stream.indirect.gather [hbm4b:s4+s23], $0x80, s25, s23, $0xb8;
	[tilespmem:$0x18300] =	vst v63  }
0xbe: {  	s22 =	sadd.s32 $0x800, s14  }
0xbf: {  	[hbm4b:s12+s2] =	stream.linear.scatter [tilespmem:s31], [sflag:$0x4], $0x4000, $0x38;
	[tilespmem:$0x18300] =	vst v63  }
0xc0: {  	s12 =	sadd.s32 s5, s15  }
0xc1: {  	[hbm4b:s22+s2] =	stream.linear.scatter [tilespmem:s0], [sflag:$0x5], $0x4000, $0x38;
	[tilespmem:$0x18300] =	vst v63  }
0xc2: {  	s15 =	sadd.s32 s6, s15  }
0xc3: {  	[tilespmem:s23], [sflag:$0x1] =	stream.linear.gather [hbm4b:s12+s2], $0x80, $0x38;
	[tilespmem:$0x18300] =	vst v63  }
0xc4: {  	_ = 	snop  }
0xc5: {  	[tilespmem:s24], [sflag:$0x1] =	stream.linear.gather [hbm4b:s15+s2], $0x80, $0x38;
	[tilespmem:$0x18300] =	vst v63  }
0xc6: {  	_ =	swait.ge [sflag:s1], $0x4000  }
0xc7: {  	[sflag:s1] =	ssyncset.done $0x0  }
0xc8: {  	[sflag:s1] =	ssyncadd.s32 $0xFFFFC000  }
0xc9: {  	_ =	swait.ge [sflag:s7], $0x4000  }
0xca: {  	[sflag:s7] =	ssyncset.done $0x0  }
0xcb: {  	[sflag:s7] =	ssyncadd.s32 $0xFFFFC000  }
0xcc: {  	_ =	swait.ge [sflag:s10], $0x4000  }
0xcd: {  	[sflag:s10] =	ssyncset.done $0x0  }
0xce: {  	[sflag:s10] =	ssyncadd.s32 $0xFFFFC000  }
0xcf: {  	_ =	swait.ge [sflag:s11], $0x4000  }
0xd0: {  	[sflag:s11] =	ssyncset.done $0x0  }
0xd1: {  	[sflag:s11] =	ssyncadd.s32 $0xFFFFC000  }
0xd2: {  	_ =	swait.ge [sflag:s28], $0x80  }
0xd3: {  	[sflag:s28] =	ssyncset.done $0x0  }
0xd4: {  	[sflag:s28] =	ssyncadd.s32 $0xFFFFFF80  }
0xd5: {  	_ =	swait.ge [sflag:s28], $0x80  }
0xd6: {  	[sflag:s28] =	ssyncset.done $0x0  }
0xd7: {  	[sflag:s28] =	ssyncadd.s32 $0xFFFFFF80  }
0xd8: {  	[tilespmem:s31], [sflag:$0x2] =	stream.indirect.gather [hbm4b:s3+s23], $0x80, s23, s23, $0xb8;
	[tilespmem:$0x18300] =	vst v63  }
0xd9: {  	p1 =	seq.s32 s16, $0x500;
	s12 =	sadd.s32 $0x1000, s17  }
0xda: {  	[tilespmem:s0], [sflag:$0x3] =	stream.indirect.gather [hbm4b:s4+s23], $0x80, s24, s23, $0xb8;
	[tilespmem:$0x18300] =	vst v63  }
0xdb: {  	s14 =	sadd.s32 $0x1000, s14;
	s15 =	sadd.s32 @!p1 s16, s21  }
0xdc: {  	[hbm4b:s12+s2] =	stream.linear.scatter [tilespmem:s8], [sflag:$0x4], $0x4000, $0x38;
	[tilespmem:$0x18300] =	vst v63  }
0xdd: {  	s12 =	sand.u32 @!p1 $0xFFFFF80, s15;
	s15 =	sand.u32 @!p1 $0x70, s16  }
0xde: {  	[hbm4b:s14+s2] =	stream.linear.scatter [tilespmem:s9], [sflag:$0x5], $0x4000, $0x38;
	[tilespmem:$0x18300] =	vst v63  }
.Ltmp0:
0xdf: {  	_ = 	snop;
	(pc) =	sbr.rel @p0 .LBB2_2-.Ltmp0, $4  }
0xe0: {  	s16 =	simm.s32 @!p1 $0x100;
	s12 =	sor.u32 @!p1 s15, s12;
	s14 =	simm.s32 @!p1 $0x0  }
0xe1: {  	s17 =	simm.s32 @!p1 $0x280;
	s22 =	sadd.s32 @!p1 s5, s12;
	s15 =	sadd.s32 @!p1 s6, s12  }
0xe2: {  	[tilespmem:s16], [sflag:$0x1] =	stream.linear.gather @!p1 [hbm4b:s22+s14], $0x80, $0x38;
	[tilespmem:$0x18300] =	vst v63  }
0xe3: {  	s22 =	simm.s32 $0x100  }
0xe4: {  	[tilespmem:s17], [sflag:$0x1] =	stream.linear.gather @!p1 [hbm4b:s15+s14], $0x80, $0x38;
	[tilespmem:$0x18300] =	vst v63  }
0xe5: {  	_ =	swait.ge [sflag:s10], $0x4000  }
0xe6: {  	[sflag:s10] =	ssyncset.done $0x0  }
0xe7: {  	[sflag:s10] =	ssyncadd.s32 $0xFFFFC000  }
0xe8: {  	_ =	swait.ge [sflag:s11], $0x4000  }
0xe9: {  	[sflag:s11] =	ssyncset.done $0x0  }
0xea: {  	[sflag:s11] =	ssyncadd.s32 $0xFFFFC000  }
0xeb: {  	_ =	swait.ge [sflag:s1], $0x4000  }
0xec: {  	[sflag:s1] =	ssyncset.done $0x0  }
0xed: {  	[sflag:s1] =	ssyncadd.s32 $0xFFFFC000  }
0xee: {  	_ =	swait.ge [sflag:s7], $0x4000  }
0xef: {  	[sflag:s7] =	ssyncset.done $0x0  }
0xf0: {  	s12 =	rddreg [dreg:$0x8];
	[sflag:s7] =	ssyncadd.s32 $0xFFFFC000  }
0xf1: {  	[hbm4b:s12+s2] =	stream.linear.scatter [tilespmem:s29], [sflag:$0x4], $0x4000, $0x38;
	[tilespmem:$0x18300] =	vst v63  }
0xf2: {  	s16 =	rddreg [dreg:$0x9]  }
0xf3: {  	[hbm4b:s16+s2] =	stream.linear.scatter [tilespmem:s30], [sflag:$0x5], $0x4000, $0x38;
	[tilespmem:$0x18300] =	vst v63  }
0xf4: {  	_ =	swait.ge [sflag:s1], $0x4000  }
0xf5: {  	[sflag:s1] =	ssyncset.done $0x0  }
0xf6: {  	[sflag:s1] =	ssyncadd.s32 $0xFFFFC000  }
0xf7: {  	_ =	swait.ge [sflag:s7], $0x4000  }
0xf8: {  	[sflag:s7] =	ssyncset.done $0x0  }
0xf9: {  	s17 =	rddreg [dreg:$0xa];
	[sflag:s7] =	ssyncadd.s32 $0xFFFFC000  }
0xfa: {  	[hbm4b:s17+s2] =	stream.linear.scatter [tilespmem:s31], [sflag:$0x4], $0x4000, $0x38;
	[tilespmem:$0x18300] =	vst v63  }
0xfb: {  	s19 =	rddreg [dreg:$0xb]  }
0xfc: {  	[hbm4b:s19+s2] =	stream.linear.scatter [tilespmem:s0], [sflag:$0x5], $0x4000, $0x38;
	[tilespmem:$0x18300] =	vst v63  }
0xfd: {  	_ =	swait.ge [sflag:s10], $0x4000  }
0xfe: {  	[sflag:s10] =	ssyncset.done $0x0  }
0xff: {  	[sflag:s10] =	ssyncadd.s32 $0xFFFFC000  }
0x100: {  	_ =	swait.ge [sflag:s11], $0x4000  }
0x101: {  	[sflag:s11] =	ssyncset.done $0x0  }
0x102: {  	[sflag:s11] =	ssyncadd.s32 $0xFFFFC000  }
0x103: {  	_ =	swait.ge [sflag:s10], $0x4000  }
0x104: {  	[sflag:s10] =	ssyncset.done $0x0  }
0x105: {  	[sflag:s10] =	ssyncadd.s32 $0xFFFFC000  }
0x106: {  	_ =	swait.ge [sflag:s11], $0x4000  }
0x107: {  	s20 =	rddreg [dreg:$0xf]  }
0x108: {  	s26 =	rddreg [dreg:$0xc];
	s14 =	sadd.s32 $0x1, s20  }
0x109: {  	p0 =	sne.s32 s14, s26  }
.Ltmp1:
0x10a: {  	_ = 	snop;
	(pc) =	sbr.rel @p0 .LBB2_1-.Ltmp1, $3  }
0x10b: {  	_ =	sdelay $0x1  }
0x10c: {  	[sflag:s11] =	ssyncset.done $0x0  }
0x10d: {  	s13 =	simm.s32 $0x280;
	[sflag:s11] =	ssyncadd.s32 $0xFFFFC000  }
0x10e: {  	_ =	sfence.sel $0x180000  }
0x10f: {  	[bflag:$0x0] =	sbarrier.arrive $0xFFFF  }
0x110: {  	_ =	strace $0x90000047  }
0x111: {  	s0 =	stileid.u32;
	[bflag:$0x2] =	sbarrier.arrive $0xFFFF  }
0x112: {  	p0 =	sne.s32 s0, $0x0;
	s0 =	rddreg [dreg:$0x1]  }
0x113: {  	s0 =	sadd.s32 @!p0 $0x100000, s0  }
0x114: {  	[sflag:s0] =	ssyncadd.tile.s32 @!p0 $0x1;
	_ =	shalt  }
.Lfunc_end2:
_tile_overlayer_lowered:
.L_overlay_start_2:
0x115: {  	(tag) =	ssettag $0x2  }
0x116: {  	s0 =	rddreg [dreg:$0x0];
	s2 =	stileid.u32  }
0x117: {  	s1 =	rddreg [dreg:$0x1];
	p0 =	sne.s32 s2, $0x0  }
0x118: {  	s3 =	rddreg [dreg:$0x2];
	[bflag:$0x3] =	sbarrier.arrive $0xFFFF;
	s2 =	simm.s32 @!p0 $0x1C06  }
0x119: {  	[timem:s3], [sflag:s2] =	dma.local @!p0 [hbm:s0], s1  }
0x11a: {  	s0 =	simm.s32 @!p0 $0x6  }
0x11b: {  	_ =	swait.ge @!p0 [sflag:s0], s1  }
0x11c: {  	s1 =	ssub.s32 @!p0 $0x0, s1;
	[sflag:s0] =	ssyncset.done @!p0 $0x0  }
0x11d: {  	[sflag:s0] =	ssyncadd.s32 @!p0 s1  }
0x11e: {  	[bflag:$0x3] =	sbarrier.arrive $0xFFFF  }
0x11f: {  	_ =	shalt  }

// kernel: kernel.15.cloned.1.call-start
scs
__scs_entry_jumppad:
0x0: {  	(pc) =	sbr.rel $0x88, $3  }
0x1: {  	(tag) =	ssettag $0x0;
	lr =	simm.s32 $0x1  }
0x2: {  	[smem:$0x3F95] =	sst lr;
	_ =	strace $0xD0000000  }
0x3: {  	_ = 	snop  }
0x4: {  	_ = 	snop  }
0x5: {  	_ = 	snop  }
0x6: {  	_ = 	snop  }
0x7: {  	_ = 	snop  }
__scs_overlays_trampoline_lowered:
0x8: {  	[smem:$0x3FA4] =	sst s0  }
0x9: {  	[smem:$0x3FA5] =	sst s1  }
0xa: {  	[smem:$0x3FA6] =	sst s2  }
0xb: {  	[smem:$0x3FA7] =	sst s3  }
0xc: {  	[smem:$0x3FA8] =	sst s4  }
0xd: {  	[smem:$0x3FA9] =	sst s5  }
0xe: {  	[smem:$0x3FAA] =	sst s6  }
0xf: {  	[smem:$0x3FAB] =	sst s7  }
0x10: {  	[smem:$0x3FAC] =	sst s8  }
0x11: {  	[smem:$0x3FAD] =	sst s9;
	s0 =	simm.s32 @!p0 $0x0  }
0x12: {  	s1 =	sld [smem:$0x3F93];
	s0 =	simm.s32 @p0 $0x1  }
0x13: {  	[smem:$0x3FAE] =	sst s0;
	s0 =	simm.s32 @!p1 $0x0  }
0x14: {  	s2 =	sld [smem:$0x3F92];
	s0 =	simm.s32 @p1 $0x1  }
0x15: {  	[smem:$0x3FAF] =	sst s0;
	s0 =	simm.s32 @!p2 $0x0  }
0x16: {  	s3 =	sld [smem:$0x3FDB];
	s0 =	simm.s32 @p2 $0x1  }
0x17: {  	s4 =	simm.s32 $0x1BF5;
	[smem:$0x3FB1] =	sst s0  }
0x18: {  	s0 =	sld [smem:$0x3F94];
	_ =	swait.ge [sflag:s4], $0x0  }
0x19: {  	s7 =	sld [smem:$0x3F95]  }
0x1a: {  	s8 =	sadd.s32 $0xFFFFE003, lr  }
0x1b: {  	s9 =	sadd.s32 $0xFFFFFEF7, lr;
	s5 =	simm.s32 $0xFFFFFFFF;
	p2 =	slt.u32 s8, $0xFFFFF086  }
0x1c: {  	p1 =	slt.u32 s9, $0xF7A;
	s5 =	simm.s32 @!p2 $0x0  }
0x1d: {  	s5 =	simm.s32 @p1 $0x1;
	p0 =	seq.s32 s7, s2  }
0x1e: {  	s7 =	smul.u32 @!p0 $0xF7A, s2;
	p2 =	seq.s32 @!p0 s5, $0x0  }
0x1f: {  	s9 =	smul.u32 $0xF7A, s1;
	s8 =	simm.s32 @!p0 $0x1BF5;
	p2 =	por !p2, p0  }
0x20: {  	[sflag:s8] =	ssyncset.s32 @!p0 $0xFFFFF086;
	s6 =	sadd.s32 @!p0 s3, s7;
	s7 =	simm.s32 @!p0 $0x108  }
0x21: {  	s3 =	sadd.s32 s3, s9;
	s6 =	sadd.s32 @!p0 $0x88, s6;
	s7 =	simm.s32 @p2 $0x1082  }
0x22: {  	[simem:s7], [sflag:s8] =	dma.local @!p0 [hbm:s6], $0xF7A  }
0x23: {  	s9 =	sor.u32 $0xD0000000, s2;
	s6 =	simm.s32 $0x108;
	_ =	swait.ge @!p0 [sflag:s8], $0x0  }
0x24: {  	s3 =	sadd.s32 $0x88, s3;
	s6 =	simm.s32 @!p1 $0x1082;
	[sflag:s4] =	ssyncset.s32 $0xFFFFF086  }
0x25: {  	[simem:s6], [sflag:s4] =	dma.local [hbm:s3], $0xF7A  }
0x26: {  	[smem:$0x3F95] =	sst s1;
	(tag) =	ssettag s2;
	_ =	strace s9  }
0x27: {  	s1 =	sld [smem:$0x3FA5]  }
0x28: {  	s2 =	sld [smem:$0x3FA6]  }
0x29: {  	s4 =	sld [smem:$0x3FA8]  }
0x2a: {  	p0 =	seq.s32 s5, $0x0;
	s5 =	sld [smem:$0x3FA9]  }
0x2b: {  	s6 =	sld [smem:$0x3FAA]  }
0x2c: {  	s7 =	sld [smem:$0x3FAB]  }
0x2d: {  	s3 =	simm.s32 $0x108;
	s8 =	sld [smem:$0x3FAC]  }
0x2e: {  	s3 =	simm.s32 @!p0 $0x1082;
	s9 =	sld [smem:$0x3FAD]  }
0x2f: {  	lr =	sadd.s32 s0, s3;
	s0 =	sld [smem:$0x3FA4]  }
0x30: {  	s3 =	sld [smem:$0x3FA7]  }
0x31: {  	[smem:$0x3FB0] =	sst s10  }
0x32: {  	s10 =	sld [smem:$0x3FAE];
	_ =	sdelay $0x3  }
0x33: {  	p0 =	seq.s32 s10, $0x1;
	s10 =	sld [smem:$0x3FB0];
	_ =	sdelay $0x3  }
0x34: {  	[smem:$0x3FB0] =	sst s10  }
0x35: {  	s10 =	sld [smem:$0x3FAF];
	_ =	sdelay $0x3  }
0x36: {  	p1 =	seq.s32 s10, $0x1;
	s10 =	sld [smem:$0x3FB0];
	_ =	sdelay $0x3  }
0x37: {  	[smem:$0x3FB0] =	sst s10  }
0x38: {  	s10 =	sld [smem:$0x3FB1]  }
0x39: {  	_ = 	snop;
	(pc) =	sbr.ind lr, $3  }
0x3a: {  	_ = 	snop  }
0x3b: {  	_ = 	snop  }
0x3c: {  	p2 =	seq.s32 s10, $0x1;
	s10 =	sld [smem:$0x3FB0]  }
0x3d: {  	_ =	shalt  }
0x3e: {  	_ =	shalt  }
0x3f: {  	_ =	shalt  }
0x40: {  	_ =	shalt  }
0x41: {  	_ =	shalt  }
0x42: {  	_ =	shalt  }
0x43: {  	_ =	shalt  }
0x44: {  	_ =	shalt  }
0x45: {  	_ =	shalt  }
0x46: {  	_ =	shalt  }
0x47: {  	_ =	shalt  }
0x48: {  	_ =	shalt  }
0x49: {  	_ =	shalt  }
0x4a: {  	_ =	shalt  }
0x4b: {  	_ =	shalt  }
0x4c: {  	_ =	shalt  }
0x4d: {  	_ =	shalt  }
0x4e: {  	_ =	shalt  }
0x4f: {  	_ =	shalt  }
0x50: {  	_ =	shalt  }
0x51: {  	_ =	shalt  }
0x52: {  	_ =	shalt  }
0x53: {  	_ =	shalt  }
0x54: {  	_ =	shalt  }
0x55: {  	_ =	shalt  }
0x56: {  	_ =	shalt  }
0x57: {  	_ =	shalt  }
0x58: {  	_ =	shalt  }
0x59: {  	_ =	shalt  }
0x5a: {  	_ =	shalt  }
0x5b: {  	_ =	shalt  }
0x5c: {  	_ =	shalt  }
0x5d: {  	_ =	shalt  }
0x5e: {  	_ =	shalt  }
0x5f: {  	_ =	shalt  }
0x60: {  	_ =	shalt  }
0x61: {  	_ =	shalt  }
0x62: {  	_ =	shalt  }
0x63: {  	_ =	shalt  }
0x64: {  	_ =	shalt  }
0x65: {  	_ =	shalt  }
0x66: {  	_ =	shalt  }
0x67: {  	_ =	shalt  }
0x68: {  	_ =	shalt  }
0x69: {  	_ =	shalt  }
0x6a: {  	_ =	shalt  }
0x6b: {  	_ =	shalt  }
0x6c: {  	_ =	shalt  }
0x6d: {  	_ =	shalt  }
0x6e: {  	_ =	shalt  }
0x6f: {  	_ =	shalt  }
0x70: {  	_ =	shalt  }
0x71: {  	_ =	shalt  }
0x72: {  	_ =	shalt  }
0x73: {  	_ =	shalt  }
0x74: {  	_ =	shalt  }
0x75: {  	_ =	shalt  }
0x76: {  	_ =	shalt  }
0x77: {  	_ =	shalt  }
0x78: {  	_ =	shalt  }
0x79: {  	_ =	shalt  }
0x7a: {  	_ =	shalt  }
0x7b: {  	_ =	shalt  }
0x7c: {  	_ =	shalt  }
0x7d: {  	_ =	shalt  }
0x7e: {  	_ =	shalt  }
0x7f: {  	_ =	shalt  }
0x80: {  	_ =	shalt  }
0x81: {  	_ =	shalt  }
0x82: {  	_ =	shalt  }
0x83: {  	_ =	shalt  }
0x84: {  	_ =	shalt  }
0x85: {  	_ =	shalt  }
0x86: {  	_ =	shalt  }
0x87: {  	_ =	shalt  }
.Lfunc_end0:
.L_simem_size_0:
called_computation.1_lowered:
.L_overlay_start_0:
0x88: {  	s2 =	sld [smem:$0x3FD9]  }
0x89: {  	s3 =	sld [smem:$0x3FFE];
	_ =	sdelay $0x1  }
0x8a: {  	s1 =	srdreg.scid  }
0x8b: {  	s0 =	sand.u32 $0x1, s1  }
0x8c: {  	s16 =	sshll.u32 s0, $0xA;
	s2 =	sadd.s32 s3, s2  }
0x8d: {  	s2 =	sadd.s32 s2, s16  }
0x8e: {  	[smem:$0x3FBC] =	sst s2  }
0x8f: {  	_ = 	snop  }
0x90: {  	(tm) =	ssettm $0x1  }
0x91: {  	s17 =	sld [smem:$0x3FFB];
	_ =	sdelay $0x3  }
0x92: {  	_ =	strace s17  }
0x93: {  	s2 =	sld [smem:$0x3FFC];
	_ =	sdelay $0x3  }
0x94: {  	_ =	strace s2  }
0x95: {  	s2 =	sld [smem:$0x3FFD];
	_ =	sdelay $0x3  }
0x96: {  	_ =	strace s2  }
0x97: {  	_ =	strace $0x8FFFFFFF  }
0x98: {  	s18 =	sld [smem:$0x3FDB];
	_ =	sdelay $0x1  }
0x99: {  	s19 =	simm.s32 $_scs_section_size  }
0x9a: {  	s4 =	simm.s32 $_size__tile_overlayer_lowered;
	s5 =	simm.s32 $_tile_overlayer_lowered  }
0x9b: {  	s22 =	simm.s32 $0x1BFF;
	s21 =	sshll.u32 s5, $0x1;
	s2 =	sadd.s32 s19, s18  }
0x9c: {  	s6 =	simm.s32 $0x0;
	s20 =	sshll.u32 s4, $0x1;
	s4 =	sadd.s32 s21, s2  }
0x9d: {  	[timem:s6], [sflag:s22] =	dma.local [hbm:s4], s20  }
0x9e: {  	_ =	swait.ge [sflag:s22], s20  }
0x9f: {  	s3 =	ssub.s32 $0x0, s20;
	[sflag:s22] =	ssyncset.done $0x0  }
0xa0: {  	[sflag:s22] =	ssyncadd.s32 s3;
	_ =	sdelay $0x1  }
0xa1: {  	s23 =	simm.s32 $0x1B8B  }
0xa2: {  	_ =	swait.ge [sflag:s23], $0x1  }
0xa3: {  	[sflag:s23] =	ssyncset.done $0x0  }
0xa4: {  	s25 =	simm.s32 $0x1B8E;
	s24 =	sld [smem:$0x3FFE];
	[sflag:s23] =	ssyncadd.s32 $0xFFFFFFFF  }
0xa5: {  	s26 =	simm.s32 $execute0_lowered;
	[smem:$0x3FD2] =	sst s25  }
0xa6: {  	s4 =	sshll.u32 s26, $0x1;
	_ =	strace $0x80000049;
	[dreg:$0x1] =	wrdreg $0xFFFFFFFF  }
0xa7: {  	s28 =	simm.s32 $_size_execute0_lowered;
	s2 =	sadd.s32 s2, s4;
	[dreg:$0x0] =	wrdreg $0x0  }
0xa8: {  	s4 =	sshll.u32 s28, $0x1;
	[dreg:$0x2] =	wrdreg s2  }
0xa9: {  	[dreg:$0x3] =	wrdreg s4  }
0xaa: {  	[dreg:$0x4] =	wrdreg $0xC0  }
0xab: {  	_ =	task [dreg:s6], $0x5FFFF  }
0xac: {  	[dreg:$0x1] =	wrdreg $0xFFFFFFFF  }
0xad: {  	[dreg:$0x0] =	wrdreg $0x60  }
0xae: {  	[dreg:$0x2] =	wrdreg s24  }
0xaf: {  	[dreg:$0x3] =	wrdreg $0xE000  }
0xb0: {  	[dreg:$0x4] =	wrdreg $0xAE000  }
0xb1: {  	[dreg:$0x5] =	wrdreg $0x9  }
0xb2: {  	_ =	task.clear_ibuf [dreg:s6], $0x6FFFF;
	_ =	strace $0x90000049  }
0xb3: {  	s29 =	simm.s32 $0x9;
	_ =	strace $0x8000004B  }
0xb4: {  	_ =	swait.ge [sflag:s29], $0x1  }
0xb5: {  	[sflag:s29] =	ssyncadd.s32 $0xFFFFFFFF  }
0xb6: {  	_ =	strace $0x9000004B  }
0xb7: {  	_ =	sfence  }
0xb8: {  	s30 =	sld [smem:$0x0];
	_ =	sdelay $0x2  }
0xb9: {  	s31 =	sshll.u32 s1, $0xD;
	s1 =	sshrl.u32 s1, $0x2  }
0xba: {  	s3 =	sand.u32 $0x4000, s31;
	s1 =	sadd.s32 s1, s30  }
0xbb: {  	s0 =	sor.u32 s3, s0;
	s1 =	sshll.u32 s1, $0x11  }
0xbc: {  	s0 =	sor.u32 s1, s0  }
0xbd: {  	s0 =	sadd.s32 $0x8F2B, s0  }
0xbe: {  	[sflag:s0] =	ssyncadd.remote.s32 $0x1  }
0xbf: {  	_ =	sfence.sel $0xFFFF  }
0xc0: {  	[dreg:$0x0] =	wrdreg $0xFFFFFFFF;
	(pc) =	sbr.abs _section_cstart, $3  }
0xc1: {  	[dreg:$0x1] =	wrdreg $0xFFFFFFFF  }
0xc2: {  	_ =	task.clear_ibuf [dreg:s6], $0x2FFFF;
	_ =	strace $0x9FFFFFFF  }
0xc3: {  	(tm) =	ssettm $0x7FFFFFFF  }
tec
execute0_lowered:
.L_overlay_start_1:
0x0: {  	(tag) =	ssettag $0x1  }
0x1: {  	s0 =	rddreg [dreg:$0x0]  }
0x2: {  	s5 =	rddreg [dreg:$0x1]  }
0x3: {  	s25 =	rddreg [dreg:$0x2]  }
0x4: {  	s4 =	simm.s32 $0x0;
	s1 =	srdreg.scid;
	s12 =	stileid.u32  }
0x5: {  	s18 =	simm.s32 $0x600;
	s19 =	simm.s32 $0x6;
	s20 =	simm.s32 $0x100  }
0x6: {  	s21 =	simm.s32 $0x1;
	s29 =	simm.s32 $0x200;
	s30 =	simm.s32 $0x300  }
0x7: {  	s31 =	simm.s32 $0x2;
	[smem:$0x7FF] =	sst s4;
	s2 =	smul.u32 $0xA000, s12  }
0x8: {  	s1 =	sand.u32 $0x1, s1;
	s28 =	sadd.s32 $0xA79800, s0;
	s6 =	sadd.s32 $0xA8D800, s0  }
0x9: {  	s8 =	sshll.u32 s12, $0x1;
	s7 =	sadd.s32 $0x2B400, s0;
	s11 =	smul.u32 $0x28000, s12  }
0xa: {  	s9 =	sadd.s32 $0x85400, s0;
	s12 =	smul.u32 $0x1400, s12;
	_ =	strace $0x8000004A  }
0xb: {  	s3 =	smul.u32 $0xA0000, s1;
	s22 =	sor.u32 s1, s8;
	s8 =	sadd.s32 $0xAA1800, s0  }
0xc: {  	s10 =	ssub.s32 $0x2, s1;
	s1 =	smul.u32 $0xA00, s1;
	[dreg:$0x4] =	wrdreg s28  }
0xd: {  	s23 =	sshrl.u32 s10, $0x1;
	s26 =	sshrl.u32 s11, $0x2;
	s11 =	simm.s32 $0x5  }
0xe: {  	s2 =	sadd.s32 s2, s3;
	s3 =	smul.u32 $0xA00, s22;
	s13 =	sadd.s32 s26, s5  }
0xf: {  	s14 =	sadd.s32 s26, s25;
	s15 =	sadd.s32 s1, s12;
	s22 =	simm.s32 $0x80  }
0x10: {  	s12 =	simm.s32 $0x4;
	s2 =	sshrl.u32 s2, $0x3;
	s24 =	sadd.s32 s28, s3  }
0x11: {  	s2 =	sadd.s32 s2, s0;
	s3 =	sadd.s32 s6, s3;
	[dreg:$0x5] =	wrdreg s24  }
0x12: {  	s0 =	ssub.s32 s10, s23;
	s23 =	simm.s32 $0x180;
	[dreg:$0x6] =	wrdreg s3  }
0x13: {  	s0 =	smax.u32 s0, $0x1;
	s16 =	sadd.s32 $0x5D400, s2;
	s17 =	sadd.s32 $0x35400, s2  }
0x14: {  	v0 =	vimm.f32 $0.0e+00;
	s2 =	simm.s32 $0x0;
	[dreg:$0x7] =	wrdreg s0;
	s0 =	simm.s32 $0x3  }
.LBB2_1:
0x15: {  	[dreg:$0x8] =	wrdreg s2;
	s1 =	simm.s32 $0x0  }
.LBB2_2:
0x16: {  	p0 =	sne.s32 s1, $0x1FC0  }
.Ltmp0:
0x17: {  	_ = 	snop;
	(pc) =	sbr.rel @p0 .LBB2_2-.Ltmp0, $3  }
0x18: {  	_ =	sdelay $0x1  }
0x19: {  	s2 =	sshra.s32 s1, $0x2  }
0x1a: {  	s1 =	sadd.s32 $0x40, s1;
	[tilespmem:s2+$0x600] =	vst v0  }
0x1b: {  	s1 =	sadd.s32 $0x0, s13  }
0x1c: {  	[spmem:s1] =	stream.linear.scatter [tilespmem:s18], [sflag:$0x6], $0x800, $0x38;
	[tilespmem:$0x14E00] =	vst v63  }
0x1d: {  	_ =	swait.ge [sflag:s19], $0x800  }
0x1e: {  	[sflag:s19] =	ssyncset.done $0x0  }
0x1f: {  	s26 =	sadd.s32 $0x0, s14;
	[sflag:s19] =	ssyncadd.s32 $0xFFFFF800  }
0x20: {  	[spmem:s26] =	stream.linear.scatter [tilespmem:s18], [sflag:$0x6], $0x800, $0x38;
	[tilespmem:$0x14E00] =	vst v63  }
0x21: {  	_ =	swait.ge [sflag:s19], $0x800  }
0x22: {  	s2 =	simm.s32 $0x4000;
	s1 =	simm.s32 $0x800;
	[sflag:s19] =	ssyncset.done $0x0  }
.LBB2_4:
0x23: {  	s3 =	sadd.s32 s1, s13  }
0x24: {  	[sflag:s19] =	ssyncadd.s32 $0xFFFFF800;
	s10 =	smov.u32 s2;
	s24 =	sadd.s32 $0x2000, s2  }
0x25: {  	[spmem:s3] =	stream.linear.scatter [tilespmem:s18], [sflag:$0x6], $0x800, $0x38;
	[tilespmem:$0x14E00] =	vst v63  }
0x26: {  	p0 =	sne.s32 s2, $0x26000;
	_ =	swait.ge [sflag:s19], $0x800  }
.Ltmp1:
0x27: {  	[sflag:s19] =	ssyncset.done $0x0;
	(pc) =	sbr.rel @p0 .LBB2_4-.Ltmp1, $4  }
0x28: {  	s1 =	sadd.s32 s1, s14;
	[sflag:s19] =	ssyncadd.s32 $0xFFFFF800  }
0x29: {  	[spmem:s1] =	stream.linear.scatter [tilespmem:s18], [sflag:$0x6], $0x800, $0x38;
	[tilespmem:$0x14E00] =	vst v63  }
0x2a: {  	_ =	swait.ge [sflag:s19], $0x800  }
0x2b: {  	s2 =	smov.u32 s24;
	s1 =	sshra.s32 s10, $0x2;
	[sflag:s19] =	ssyncset.done $0x0  }
0x2c: {  	s2 =	sadd.s32 s1, s13;
	[sflag:s19] =	ssyncadd.s32 $0xFFFFF800  }
0x2d: {  	[spmem:s2] =	stream.linear.scatter [tilespmem:s18], [sflag:$0x6], $0x800, $0x38;
	[tilespmem:$0x14E00] =	vst v63  }
0x2e: {  	_ =	swait.ge [sflag:s19], $0x800  }
0x2f: {  	[sflag:s19] =	ssyncset.done $0x0  }
0x30: {  	s3 =	sadd.s32 s1, s14;
	[sflag:s19] =	ssyncadd.s32 $0xFFFFF800  }
0x31: {  	[spmem:s3] =	stream.linear.scatter [tilespmem:s18], [sflag:$0x6], $0x800, $0x38;
	[tilespmem:$0x14E00] =	vst v63  }
0x32: {  	_ =	swait.ge [sflag:s19], $0x800  }
0x33: {  	[sflag:s19] =	ssyncset.done $0x0  }
0x34: {  	[sflag:s19] =	ssyncadd.s32 $0xFFFFF800  }
0x35: {  	[bflag:$0x0] =	sbarrier.arrive $0xFFFF  }
0x36: {  	s26 =	simm.s32 $0x0;
	s10 =	rddreg [dreg:$0x5]  }
0x37: {  	[tilespmem:s26], [sflag:$0x1] =	stream.linear.gather [hbm4b:s10+s26], $0x80, $0x38;
	[tilespmem:$0x14E00] =	vst v63  }
0x38: {  	s24 =	rddreg [dreg:$0x6]  }
0x39: {  	[tilespmem:s20], [sflag:$0x1] =	stream.linear.gather [hbm4b:s24+s26], $0x80, $0x38;
	[tilespmem:$0x14E00] =	vst v63  }
0x3a: {  	s3 =	simm.s32 $0x400;
	s10 =	simm.s32 $0x280;
	s24 =	simm.s32 $0x380  }
.LBB2_6:
0x3b: {  	_ =	swait.ge [sflag:s21], $0x80  }
0x3c: {  	s1 =	sadd.s32 s26, s15;
	[sflag:s21] =	ssyncset.done $0x0  }
0x3d: {  	s2 =	sand.u32 $0x60, s26;
	s1 =	sand.u32 $0xFFFFF80, s1;
	[sflag:s21] =	ssyncadd.s32 $0xFFFFFF80  }
0x3e: {  	s1 =	sor.u32 s1, s2;
	_ =	swait.ge [sflag:s21], $0x80  }
0x3f: {  	s1 =	sor.u32 $0x10, s1;
	[sflag:s21] =	ssyncset.done $0x0  }
0x40: {  	s2 =	sadd.s32 s28, s1;
	[sflag:s21] =	ssyncadd.s32 $0xFFFFFF80  }
0x41: {  	[tilespmem:s22], [sflag:$0x1] =	stream.linear.gather [hbm4b:s2+s4], $0x80, $0x38;
	[tilespmem:$0x14E00] =	vst v63  }
0x42: {  	s1 =	sadd.s32 s6, s1  }
0x43: {  	[tilespmem:s23], [sflag:$0x1] =	stream.linear.gather [hbm4b:s1+s4], $0x80, $0x38;
	[tilespmem:$0x14E00] =	vst v63  }
0x44: {  	v1 =	vld [tilespmem:$0x0]  }
0x45: {  	v2 =	vld [tilespmem:$0x10]  }
0x46: {  	v3 =	vld [tilespmem:$0x20]  }
0x47: {  	v5 =	vld [tilespmem:$0x30]  }
0x48: {  	v6 =	vld [tilespmem:$0x40]  }
0x49: {  	v7 =	vld [tilespmem:$0x50]  }
0x4a: {  	v8 =	vld [tilespmem:$0x60]  }
0x4b: {  	v9 =	vld [tilespmem:$0x70]  }
0x4c: {  	vm0 =	vlt.s32 v1, $0x4E200  }
0x4d: {  	v4 =	vadd.s32 $0xFFFB1E00, v1;
	vm11 =	vlt.s32 v2, $0x4E200;
	v29 =	vadd.s32 $0xFFFB1E00, v2  }
0x4e: {  	vm2 =	vlt.s32 v3, $0x4E200;
	v30 =	vadd.s32 $0xFFFB1E00, v3;
	vm13 =	vlt.s32 v5, $0x4E200  }
0x4f: {  	v31 =	vadd.s32 $0xFFFB1E00, v5;
	vm14 =	vlt.s32 v6, $0x4E200;
	v32 =	vadd.s32 $0xFFFB1E00, v6  }
0x50: {  	vm4 =	vlt.s32 v7, $0x4E200;
	vm6 =	vlt.s32 v8, $0x4E200;
	vm7 =	vlt.s32 v9, $0x4E200  }
0x51: {  	v1 =	vsel vm0, v1, v4;
	v2 =	vsel vm11, v2, v29;
	v3 =	vsel vm2, v3, v30  }
0x52: {  	v4 =	vsel vm13, v5, v31;
	v5 =	vsel vm14, v6, v32;
	vm1 =	vlt.s32 v1, $0x4E1FF  }
0x53: {  	vm0 =	vlt.s32 v2, $0x4E1FF;
	vm12 =	vlt.s32 v3, $0x4E1FF;
	v1 =	vnsel vm1, $0x4E1FF, v1  }
0x54: {  	vm15 =	vlt.s32 v4, $0x4E1FF;
	v2 =	vnsel vm0, $0x4E1FF, v2;
	v3 =	vnsel vm12, $0x4E1FF, v3;
	[tilespmem:$0x200] =	vst v1  }
0x55: {  	vm1 =	vlt.s32 v5, $0x4E1FF;
	v1 =	vadd.s32 $0xFFFB1E00, v7;
	[tilespmem:$0x210] =	vst v2;
	v2 =	vnsel vm15, $0x4E1FF, v4  }
0x56: {  	v33 =	vnsel vm1, $0x4E1FF, v5;
	[tilespmem:$0x220] =	vst v3;
	v3 =	vadd.s32 $0xFFFB1E00, v8;
	v1 =	vsel vm4, v7, v1  }
0x57: {  	[tilespmem:$0x230] =	vst v2;
	v2 =	vsel vm6, v8, v3;
	v3 =	vadd.s32 $0xFFFB1E00, v9;
	vm5 =	vlt.s32 v1, $0x4E1FF  }
0x58: {  	[tilespmem:$0x240] =	vst v33;
	vm8 =	vlt.s32 v2, $0x4E1FF;
	v3 =	vsel vm7, v9, v3;
	v1 =	vnsel vm5, $0x4E1FF, v1  }
0x59: {  	vm9 =	vlt.s32 v3, $0x4E1FF;
	[tilespmem:$0x250] =	vst v1;
	v1 =	vnsel vm8, $0x4E1FF, v2  }
0x5a: {  	[tilespmem:$0x260] =	vst v1;
	v1 =	vnsel vm9, $0x4E1FF, v3  }
0x5b: {  	[tilespmem:$0x270] =	vst v1  }
0x5c: {  	[tilespmem:s30], [sflag:$0x2] =	stream.indirect.gather [hbm4b:s7+s22], $0x1, s29, s22, $0xb8;
	[tilespmem:$0x14E00] =	vst v63  }
0x5d: {  	_ = 	snop  }
0x5e: {  	[tilespmem:s3], [sflag:$0x3] =	stream.indirect.gather [hbm4b:s8+s22], $0x1, s29, s22, $0xb8;
	[tilespmem:$0x14E00] =	vst v63  }
0x5f: {  	_ =	swait.ge [sflag:s21], $0x80  }
0x60: {  	[sflag:s21] =	ssyncset.done $0x0  }
0x61: {  	[sflag:s21] =	ssyncadd.s32 $0xFFFFFF80  }
0x62: {  	_ =	swait.ge [sflag:s21], $0x80  }
0x63: {  	[sflag:s21] =	ssyncset.done $0x0  }
0x64: {  	[sflag:s21] =	ssyncadd.s32 $0xFFFFFF80  }
0x65: {  	v1 =	vld [tilespmem:$0x80]  }
0x66: {  	v2 =	vld [tilespmem:$0x90]  }
0x67: {  	v3 =	vld [tilespmem:$0xA0]  }
0x68: {  	v35 =	vld [tilespmem:$0xB0]  }
0x69: {  	v37 =	vld [tilespmem:$0xC0]  }
0x6a: {  	v39 =	vld [tilespmem:$0xD0]  }
0x6b: {  	v41 =	vld [tilespmem:$0xE0]  }
0x6c: {  	v43 =	vld [tilespmem:$0xF0]  }
0x6d: {  	vm10 =	vlt.s32 v1, $0x4E200  }
0x6e: {  	v34 =	vadd.s32 $0xFFFB1E00, v1;
	vm11 =	vlt.s32 v2, $0x4E200;
	v36 =	vadd.s32 $0xFFFB1E00, v2  }
0x6f: {  	vm13 =	vlt.s32 v3, $0x4E200;
	v38 =	vadd.s32 $0xFFFB1E00, v3;
	vm15 =	vlt.s32 v35, $0x4E200  }
0x70: {  	v40 =	vadd.s32 $0xFFFB1E00, v35;
	vm4 =	vlt.s32 v37, $0x4E200;
	v42 =	vadd.s32 $0xFFFB1E00, v37  }
0x71: {  	vm6 =	vlt.s32 v39, $0x4E200;
	vm8 =	vlt.s32 v41, $0x4E200;
	vm9 =	vlt.s32 v43, $0x4E200  }
0x72: {  	v44 =	vadd.s32 $0xFFFB1E00, v43;
	v1 =	vsel vm10, v1, v34;
	v2 =	vsel vm11, v2, v36  }
0x73: {  	v3 =	vsel vm13, v3, v38;
	v4 =	vsel vm15, v35, v40;
	vm12 =	vlt.s32 v1, $0x4E1FF  }
0x74: {  	v5 =	vsel vm4, v37, v42;
	vm0 =	vlt.s32 v2, $0x4E1FF;
	v1 =	vnsel vm12, $0x4E1FF, v1  }
0x75: {  	vm14 =	vlt.s32 v3, $0x4E1FF;
	vm5 =	vlt.s32 v4, $0x4E1FF;
	v2 =	vnsel vm0, $0x4E1FF, v2;
	[tilespmem:$0x280] =	vst v1  }
0x76: {  	vm1 =	vlt.s32 v5, $0x4E1FF;
	v3 =	vnsel vm14, $0x4E1FF, v3;
	v1 =	vadd.s32 $0xFFFB1E00, v39;
	[tilespmem:$0x290] =	vst v2  }
0x77: {  	v4 =	vnsel vm5, $0x4E1FF, v4;
	[tilespmem:$0x2A0] =	vst v3;
	v3 =	vadd.s32 $0xFFFB1E00, v41;
	v1 =	vsel vm6, v39, v1  }
0x78: {  	v2 =	vnsel vm1, $0x4E1FF, v5;
	[tilespmem:$0x2B0] =	vst v4;
	v3 =	vsel vm8, v41, v3;
	vm7 =	vlt.s32 v1, $0x4E1FF  }
0x79: {  	[tilespmem:$0x2C0] =	vst v2;
	v2 =	vsel vm9, v43, v44;
	vm10 =	vlt.s32 v3, $0x4E1FF;
	v1 =	vnsel vm7, $0x4E1FF, v1  }
0x7a: {  	vm11 =	vlt.s32 v2, $0x4E1FF;
	[tilespmem:$0x2D0] =	vst v1;
	v1 =	vnsel vm10, $0x4E1FF, v3  }
0x7b: {  	[tilespmem:$0x2E0] =	vst v1;
	v1 =	vnsel vm11, $0x4E1FF, v2  }
0x7c: {  	[tilespmem:$0x2F0] =	vst v1  }
0x7d: {  	[tilespmem:s24], [sflag:$0x2] =	stream.indirect.gather [hbm4b:s7+s22], $0x1, s10, s22, $0xb8;
	[tilespmem:$0x14E00] =	vst v63  }
0x7e: {  	s2 =	simm.s32 $0x480  }
0x7f: {  	[tilespmem:s2], [sflag:$0x3] =	stream.indirect.gather [hbm4b:s8+s22], $0x1, s10, s22, $0xb8;
	[tilespmem:$0x14E00] =	vst v63  }
0x80: {  	_ =	swait.ge [sflag:s31], $0x80  }
0x81: {  	[sflag:s31] =	ssyncset.done $0x0  }
0x82: {  	[sflag:s31] =	ssyncadd.s32 $0xFFFFFF80  }
0x83: {  	_ =	swait.ge [sflag:s0], $0x80  }
0x84: {  	[sflag:s0] =	ssyncset.done $0x0  }
0x85: {  	[sflag:s0] =	ssyncadd.s32 $0xFFFFFF80  }
0x86: {  	v1 =	vld [tilespmem:$0x0]  }
0x87: {  	v2 =	vld [tilespmem:$0x400]  }
0x88: {  	v3 =	vld [tilespmem:$0x10]  }
0x89: {  	v45 =	vld [tilespmem:$0x410]  }
0x8a: {  	v46 =	vld [tilespmem:$0x20]  }
0x8b: {  	v47 =	vld [tilespmem:$0x420]  }
0x8c: {  	v48 =	vld [tilespmem:$0x30]  }
0x8d: {  	v49 =	vld [tilespmem:$0x430]  }
0x8e: {  	v50 =	vld [tilespmem:$0x40]  }
0x8f: {  	v10 =	vld [tilespmem:$0x440]  }
0x90: {  	v11 =	vld [tilespmem:$0x50]  }
0x91: {  	v12 =	vld [tilespmem:$0x450]  }
0x92: {  	v51 =	vld [tilespmem:$0x70];
	vm12 =	vlt.s32 v1, $0x4E200  }
0x93: {  	v1 =	vld [tilespmem:$0x60];
	vm13 =	vlt.s32 v3, $0x4E200;
	v2 =	vnsel vm12, $0x0, v2  }
0x94: {  	v3 =	vld [tilespmem:$0x460];
	vm14 =	vlt.s32 v46, $0x4E200;
	[tilespmem:$0x500] =	vst v2;
	v2 =	vnsel vm13, $0x0, v45  }
0x95: {  	v52 =	vld [tilespmem:$0x470];
	vm15 =	vlt.s32 v48, $0x4E200;
	[tilespmem:$0x510] =	vst v2;
	v2 =	vnsel vm14, $0x0, v47  }
0x96: {  	vm4 =	vlt.s32 v50, $0x4E200;
	[tilespmem:$0x520] =	vst v2;
	v2 =	vnsel vm15, $0x0, v49  }
0x97: {  	vm5 =	vlt.s32 v11, $0x4E200;
	[tilespmem:$0x530] =	vst v2;
	v2 =	vnsel vm4, $0x0, v10  }
0x98: {  	vm6 =	vlt.s32 v1, $0x4E200;
	[tilespmem:$0x540] =	vst v2;
	v2 =	vnsel vm5, $0x0, v12  }
0x99: {  	vm7 =	vlt.s32 v51, $0x4E200;
	v1 =	vnsel vm6, $0x0, v3;
	[tilespmem:$0x550] =	vst v2  }
0x9a: {  	[tilespmem:$0x560] =	vst v1;
	v1 =	vnsel vm7, $0x0, v52  }
0x9b: {  	[tilespmem:$0x570] =	vst v1  }
0x9c: {  	[spmem:s5] =	stream.indirect.scatter.add.f32 [tilespmem:s30], [sflag:$0x5], $0x1, s20, s22, $0xb8;
	[tilespmem:$0x14E00] =	vst v63  }
0x9d: {  	s2 =	simm.s32 $0x500  }
0x9e: {  	[spmem:s25] =	stream.indirect.scatter.add.f32 [tilespmem:s2], [sflag:$0x5], $0x1, s20, s22, $0xb8;
	[tilespmem:$0x14E00] =	vst v63  }
0x9f: {  	_ = 	snop  }
0xa0: {  	[hbm4b:s9+s22] =	stream.indirect.scatter [tilespmem:s20], [sflag:$0x4], $0x1, s4, s22, $0xb8;
	[tilespmem:$0x14E00] =	vst v63  }
0xa1: {  	_ =	swait.ge [sflag:s31], $0x80  }
0xa2: {  	[sflag:s31] =	ssyncset.done $0x0  }
0xa3: {  	[sflag:s31] =	ssyncadd.s32 $0xFFFFFF80  }
0xa4: {  	_ =	swait.ge [sflag:s0], $0x80  }
0xa5: {  	[sflag:s0] =	ssyncset.done $0x0  }
0xa6: {  	[sflag:s0] =	ssyncadd.s32 $0xFFFFFF80  }
0xa7: {  	v1 =	vld [tilespmem:$0x80]  }
0xa8: {  	v2 =	vld [tilespmem:$0x480]  }
0xa9: {  	v3 =	vld [tilespmem:$0x90]  }
0xaa: {  	v53 =	vld [tilespmem:$0x490]  }
0xab: {  	v54 =	vld [tilespmem:$0xA0]  }
0xac: {  	v55 =	vld [tilespmem:$0x4A0]  }
0xad: {  	v56 =	vld [tilespmem:$0xB0]  }
0xae: {  	v57 =	vld [tilespmem:$0x4B0]  }
0xaf: {  	v58 =	vld [tilespmem:$0xC0]  }
0xb0: {  	v59 =	vld [tilespmem:$0x4C0]  }
0xb1: {  	v60 =	vld [tilespmem:$0xD0]  }
0xb2: {  	v61 =	vld [tilespmem:$0x4D0]  }
0xb3: {  	v62 =	vld [tilespmem:$0xF0];
	vm8 =	vlt.s32 v1, $0x4E200  }
0xb4: {  	v1 =	vld [tilespmem:$0xE0];
	vm9 =	vlt.s32 v3, $0x4E200;
	v2 =	vnsel vm8, $0x0, v2  }
0xb5: {  	v3 =	vld [tilespmem:$0x4E0];
	vm10 =	vlt.s32 v54, $0x4E200;
	[tilespmem:$0x580] =	vst v2;
	v2 =	vnsel vm9, $0x0, v53  }
0xb6: {  	v63 =	vld [tilespmem:$0x4F0];
	vm11 =	vlt.s32 v56, $0x4E200;
	[tilespmem:$0x590] =	vst v2;
	v2 =	vnsel vm10, $0x0, v55  }
0xb7: {  	vm12 =	vlt.s32 v58, $0x4E200;
	[tilespmem:$0x5A0] =	vst v2;
	v2 =	vnsel vm11, $0x0, v57  }
0xb8: {  	vm13 =	vlt.s32 v60, $0x4E200;
	[tilespmem:$0x5B0] =	vst v2;
	v2 =	vnsel vm12, $0x0, v59  }
0xb9: {  	vm14 =	vlt.s32 v1, $0x4E200;
	[tilespmem:$0x5C0] =	vst v2;
	v2 =	vnsel vm13, $0x0, v61  }
0xba: {  	vm15 =	vlt.s32 v62, $0x4E200;
	v1 =	vnsel vm14, $0x0, v3;
	[tilespmem:$0x5D0] =	vst v2  }
0xbb: {  	[tilespmem:$0x5E0] =	vst v1;
	v1 =	vnsel vm15, $0x0, v63  }
0xbc: {  	[tilespmem:$0x5F0] =	vst v1  }
0xbd: {  	[spmem:s5] =	stream.indirect.scatter.add.f32 [tilespmem:s24], [sflag:$0x5], $0x1, s23, s22, $0xb8;
	[tilespmem:$0x14E00] =	vst v63  }
0xbe: {  	s2 =	simm.s32 $0x580  }
0xbf: {  	[spmem:s25] =	stream.indirect.scatter.add.f32 [tilespmem:s2], [sflag:$0x5], $0x1, s23, s22, $0xb8;
	[tilespmem:$0x14E00] =	vst v63  }
0xc0: {  	_ = 	snop  }
0xc1: {  	[hbm4b:s9+s22] =	stream.indirect.scatter [tilespmem:s23], [sflag:$0x4], $0x1, s22, s22, $0xb8;
	[tilespmem:$0x14E00] =	vst v63  }
0xc2: {  	_ =	swait.ge [sflag:s11], $0x80  }
0xc3: {  	[sflag:s11] =	ssyncset.done $0x0  }
0xc4: {  	[sflag:s11] =	ssyncadd.s32 $0xFFFFFF80  }
0xc5: {  	_ =	swait.ge [sflag:s11], $0x80  }
0xc6: {  	[sflag:s11] =	ssyncset.done $0x0  }
0xc7: {  	[sflag:s11] =	ssyncadd.s32 $0xFFFFFF80  }
0xc8: {  	_ =	swait.ge [sflag:s12], $0x80  }
0xc9: {  	[sflag:s12] =	ssyncset.done $0x0  }
0xca: {  	[sflag:s12] =	ssyncadd.s32 $0xFFFFFF80  }
0xcb: {  	_ =	swait.ge [sflag:s11], $0x80  }
0xcc: {  	[sflag:s11] =	ssyncset.done $0x0  }
0xcd: {  	[sflag:s11] =	ssyncadd.s32 $0xFFFFFF80  }
0xce: {  	p0 =	seq.s32 s26, $0x9E0;
	_ =	swait.ge [sflag:s11], $0x80  }
.Ltmp2:
0xcf: {  	[sflag:s11] =	ssyncset.done $0x0;
	(pc) =	sbr.rel @p0 .LBB2_8-.Ltmp2, $4  }
0xd0: {  	[sflag:s11] =	ssyncadd.s32 $0xFFFFFF80  }
0xd1: {  	_ =	swait.ge [sflag:s12], $0x80  }
0xd2: {  	[sflag:s12] =	ssyncset.done $0x0  }
0xd3: {  	[sflag:s12] =	ssyncadd.s32 $0xFFFFFF80  }
0xd4: {  	s26 =	sadd.s32 $0x20, s26  }
0xd5: {  	s1 =	sadd.s32 s15, s26  }
0xd6: {  	s2 =	sand.u32 $0x60, s26;
	s1 =	sand.u32 $0xFFFFF80, s1  }
.Ltmp3:
0xd7: {  	s1 =	sor.u32 s2, s1;
	(pc) =	sbr.rel .LBB2_6-.Ltmp3, $4  }
0xd8: {  	s2 =	sadd.s32 s28, s1  }
0xd9: {  	[tilespmem:s4], [sflag:$0x1] =	stream.linear.gather [hbm4b:s2+s4], $0x80, $0x38;
	[tilespmem:$0x14E00] =	vst v63  }
0xda: {  	s1 =	sadd.s32 s6, s1  }
0xdb: {  	[tilespmem:s20], [sflag:$0x1] =	stream.linear.gather [hbm4b:s1+s4], $0x80, $0x38;
	[tilespmem:$0x14E00] =	vst v63  }
.LBB2_8:
0xdc: {  	s1 =	stileid.u32  }
0xdd: {  	[bflag:$0x0] =	sbarrier.arrive $0xFFFF;
	s30 =	sshll.u32 s1, $0x6  }
0xde: {  	s28 =	sshrl.u32 s13, $0x3;
	s2 =	sadd.s32 $0x0, s17;
	s5 =	sor.u32 $0x1C06, s30  }
0xdf: {  	[hbm:s2], [sflag:s5] =	dma.local [spmem:s28], $0x100  }
0xe0: {  	s29 =	sadd.s32 $0x800, s13;
	s10 =	sadd.s32 $0x0, s16;
	_ =	swait.ge [sflag:s19], $0x100  }
0xe1: {  	s24 =	sshrl.u32 s14, $0x3;
	s26 =	sadd.s32 $0x100, s17;
	[sflag:s19] =	ssyncset.done $0x0  }
0xe2: {  	s3 =	sshrl.u32 s29, $0x3;
	[dreg:$0x9] =	wrdreg s5;
	[sflag:s19] =	ssyncadd.s32 $0xFFFFFF00  }
0xe3: {  	[hbm:s10], [sflag:s5] =	dma.local [spmem:s24], $0x100  }
0xe4: {  	s1 =	sadd.s32 $0x800, s29;
	s2 =	simm.s32 $0x100;
	_ =	swait.ge [sflag:s19], $0x100  }
0xe5: {  	s24 =	simm.s32 $0x200;
	s10 =	sadd.s32 $0x800, s14;
	[sflag:s19] =	ssyncset.done $0x0  }
.LBB2_9:
0xe6: {  	s25 =	sshrl.u32 s1, $0x3;
	s28 =	sor.u32 $0x1C06, s30;
	[sflag:s19] =	ssyncadd.s32 $0xFFFFFF00  }
0xe7: {  	s29 =	smov.u32 s2;
	s2 =	smov.u32 s24;
	s5 =	sadd.s32 $0x100, s24  }
0xe8: {  	[hbm:s26], [sflag:s28] =	dma.local [spmem:s3], $0x100  }
0xe9: {  	p0 =	sne.s32 s24, $0x1300;
	s26 =	sadd.s32 s2, s17;
	_ =	swait.ge [sflag:s19], $0x100  }
.Ltmp4:
0xea: {  	[sflag:s19] =	ssyncset.done $0x0;
	(pc) =	sbr.rel @p0 .LBB2_9-.Ltmp4, $4  }
0xeb: {  	s24 =	sshrl.u32 s10, $0x3;
	s3 =	sadd.s32 s29, s16;
	[sflag:s19] =	ssyncadd.s32 $0xFFFFFF00  }
0xec: {  	[hbm:s3], [sflag:s28] =	dma.local [spmem:s24], $0x100  }
0xed: {  	s10 =	sadd.s32 $0x800, s10;
	s3 =	smov.u32 s25;
	_ =	swait.ge [sflag:s19], $0x100  }
0xee: {  	s1 =	sadd.s32 $0x800, s1;
	s24 =	smov.u32 s5;
	[sflag:s19] =	ssyncset.done $0x0  }
0xef: {  	[sflag:s19] =	ssyncadd.s32 $0xFFFFFF00;
	s5 =	rddreg [dreg:$0x9]  }
0xf0: {  	[hbm:s26], [sflag:s5] =	dma.local [spmem:s3], $0x100  }
0xf1: {  	_ =	swait.ge [sflag:s19], $0x100  }
0xf2: {  	[sflag:s19] =	ssyncset.done $0x0  }
0xf3: {  	s1 =	sadd.s32 s2, s16;
	s24 =	sshrl.u32 s10, $0x3;
	[sflag:s19] =	ssyncadd.s32 $0xFFFFFF00  }
0xf4: {  	[hbm:s1], [sflag:s5] =	dma.local [spmem:s24], $0x100  }
0xf5: {  	_ =	swait.ge [sflag:s19], $0x100  }
0xf6: {  	s25 =	rddreg [dreg:$0x8]  }
0xf7: {  	s26 =	rddreg [dreg:$0x7];
	s2 =	sadd.s32 $0x1, s25  }
0xf8: {  	p0 =	sne.s32 s2, s26  }
.Ltmp5:
0xf9: {  	_ = 	snop;
	(pc) =	sbr.rel @p0 .LBB2_1-.Ltmp5, $4  }
0xfa: {  	[sflag:s19] =	ssyncset.done $0x0  }
0xfb: {  	s28 =	rddreg [dreg:$0x4];
	[sflag:s19] =	ssyncadd.s32 $0xFFFFFF00  }
0xfc: {  	s5 =	rddreg [dreg:$0x1]  }
0xfd: {  	s29 =	simm.s32 $0x200;
	s30 =	simm.s32 $0x300;
	s25 =	rddreg [dreg:$0x2]  }
0xfe: {  	_ =	sfence.sel $0x180000  }
0xff: {  	[bflag:$0x0] =	sbarrier.arrive $0xFFFF  }
0x100: {  	_ =	strace $0x9000004A  }
0x101: {  	s0 =	stileid.u32;
	[bflag:$0x2] =	sbarrier.arrive $0xFFFF  }
0x102: {  	p0 =	sne.s32 s0, $0x0;
	s0 =	rddreg [dreg:$0x3]  }
0x103: {  	s0 =	sadd.s32 @!p0 $0x100000, s0  }
0x104: {  	[sflag:s0] =	ssyncadd.tile.s32 @!p0 $0x1;
	_ =	shalt  }
.Lfunc_end2:
_tile_overlayer_lowered:
.L_overlay_start_2:
0x105: {  	(tag) =	ssettag $0x2  }
0x106: {  	s0 =	rddreg [dreg:$0x0];
	s2 =	stileid.u32  }
0x107: {  	s1 =	rddreg [dreg:$0x1];
	p0 =	sne.s32 s2, $0x0  }
0x108: {  	s3 =	rddreg [dreg:$0x2];
	[bflag:$0x3] =	sbarrier.arrive $0xFFFF;
	s2 =	simm.s32 @!p0 $0x1C06  }
0x109: {  	[timem:s3], [sflag:s2] =	dma.local @!p0 [hbm:s0], s1  }
0x10a: {  	s0 =	simm.s32 @!p0 $0x6  }
0x10b: {  	_ =	swait.ge @!p0 [sflag:s0], s1  }
0x10c: {  	s1 =	ssub.s32 @!p0 $0x0, s1;
	[sflag:s0] =	ssyncset.done @!p0 $0x0  }
0x10d: {  	[sflag:s0] =	ssyncadd.s32 @!p0 s1  }
0x10e: {  	[bflag:$0x3] =	sbarrier.arrive $0xFFFF  }
0x10f: {  	_ =	shalt  }

// kernel: kernel.18.cloned.1.call-start
scs
__scs_entry_jumppad:
0x0: {  	(pc) =	sbr.rel $0x88, $3  }
0x1: {  	(tag) =	ssettag $0x0;
	lr =	simm.s32 $0x1  }
0x2: {  	[smem:$0x3F95] =	sst lr;
	_ =	strace $0xD0000000  }
0x3: {  	_ = 	snop  }
0x4: {  	_ = 	snop  }
0x5: {  	_ = 	snop  }
0x6: {  	_ = 	snop  }
0x7: {  	_ = 	snop  }
__scs_overlays_trampoline_lowered:
0x8: {  	[smem:$0x3FA4] =	sst s0  }
0x9: {  	[smem:$0x3FA5] =	sst s1  }
0xa: {  	[smem:$0x3FA6] =	sst s2  }
0xb: {  	[smem:$0x3FA7] =	sst s3  }
0xc: {  	[smem:$0x3FA8] =	sst s4  }
0xd: {  	[smem:$0x3FA9] =	sst s5  }
0xe: {  	[smem:$0x3FAA] =	sst s6  }
0xf: {  	[smem:$0x3FAB] =	sst s7  }
0x10: {  	[smem:$0x3FAC] =	sst s8  }
0x11: {  	[smem:$0x3FAD] =	sst s9;
	s0 =	simm.s32 @!p0 $0x0  }
0x12: {  	s1 =	sld [smem:$0x3F93];
	s0 =	simm.s32 @p0 $0x1  }
0x13: {  	[smem:$0x3FAE] =	sst s0;
	s0 =	simm.s32 @!p1 $0x0  }
0x14: {  	s2 =	sld [smem:$0x3F92];
	s0 =	simm.s32 @p1 $0x1  }
0x15: {  	[smem:$0x3FAF] =	sst s0;
	s0 =	simm.s32 @!p2 $0x0  }
0x16: {  	s3 =	sld [smem:$0x3FDB];
	s0 =	simm.s32 @p2 $0x1  }
0x17: {  	s4 =	simm.s32 $0x1BF5;
	[smem:$0x3FB1] =	sst s0  }
0x18: {  	s0 =	sld [smem:$0x3F94];
	_ =	swait.ge [sflag:s4], $0x0  }
0x19: {  	s7 =	sld [smem:$0x3F95]  }
0x1a: {  	s8 =	sadd.s32 $0xFFFFE003, lr  }
0x1b: {  	s9 =	sadd.s32 $0xFFFFFEF7, lr;
	s5 =	simm.s32 $0xFFFFFFFF;
	p2 =	slt.u32 s8, $0xFFFFF086  }
0x1c: {  	p1 =	slt.u32 s9, $0xF7A;
	s5 =	simm.s32 @!p2 $0x0  }
0x1d: {  	s5 =	simm.s32 @p1 $0x1;
	p0 =	seq.s32 s7, s2  }
0x1e: {  	s7 =	smul.u32 @!p0 $0xF7A, s2;
	p2 =	seq.s32 @!p0 s5, $0x0  }
0x1f: {  	s9 =	smul.u32 $0xF7A, s1;
	s8 =	simm.s32 @!p0 $0x1BF5;
	p2 =	por !p2, p0  }
0x20: {  	[sflag:s8] =	ssyncset.s32 @!p0 $0xFFFFF086;
	s6 =	sadd.s32 @!p0 s3, s7;
	s7 =	simm.s32 @!p0 $0x108  }
0x21: {  	s3 =	sadd.s32 s3, s9;
	s6 =	sadd.s32 @!p0 $0x88, s6;
	s7 =	simm.s32 @p2 $0x1082  }
0x22: {  	[simem:s7], [sflag:s8] =	dma.local @!p0 [hbm:s6], $0xF7A  }
0x23: {  	s9 =	sor.u32 $0xD0000000, s2;
	s6 =	simm.s32 $0x108;
	_ =	swait.ge @!p0 [sflag:s8], $0x0  }
0x24: {  	s3 =	sadd.s32 $0x88, s3;
	s6 =	simm.s32 @!p1 $0x1082;
	[sflag:s4] =	ssyncset.s32 $0xFFFFF086  }
0x25: {  	[simem:s6], [sflag:s4] =	dma.local [hbm:s3], $0xF7A  }
0x26: {  	[smem:$0x3F95] =	sst s1;
	(tag) =	ssettag s2;
	_ =	strace s9  }
0x27: {  	s1 =	sld [smem:$0x3FA5]  }
0x28: {  	s2 =	sld [smem:$0x3FA6]  }
0x29: {  	s4 =	sld [smem:$0x3FA8]  }
0x2a: {  	p0 =	seq.s32 s5, $0x0;
	s5 =	sld [smem:$0x3FA9]  }
0x2b: {  	s6 =	sld [smem:$0x3FAA]  }
0x2c: {  	s7 =	sld [smem:$0x3FAB]  }
0x2d: {  	s3 =	simm.s32 $0x108;
	s8 =	sld [smem:$0x3FAC]  }
0x2e: {  	s3 =	simm.s32 @!p0 $0x1082;
	s9 =	sld [smem:$0x3FAD]  }
0x2f: {  	lr =	sadd.s32 s0, s3;
	s0 =	sld [smem:$0x3FA4]  }
0x30: {  	s3 =	sld [smem:$0x3FA7]  }
0x31: {  	[smem:$0x3FB0] =	sst s10  }
0x32: {  	s10 =	sld [smem:$0x3FAE];
	_ =	sdelay $0x3  }
0x33: {  	p0 =	seq.s32 s10, $0x1;
	s10 =	sld [smem:$0x3FB0];
	_ =	sdelay $0x3  }
0x34: {  	[smem:$0x3FB0] =	sst s10  }
0x35: {  	s10 =	sld [smem:$0x3FAF];
	_ =	sdelay $0x3  }
0x36: {  	p1 =	seq.s32 s10, $0x1;
	s10 =	sld [smem:$0x3FB0];
	_ =	sdelay $0x3  }
0x37: {  	[smem:$0x3FB0] =	sst s10  }
0x38: {  	s10 =	sld [smem:$0x3FB1]  }
0x39: {  	_ = 	snop;
	(pc) =	sbr.ind lr, $3  }
0x3a: {  	_ = 	snop  }
0x3b: {  	_ = 	snop  }
0x3c: {  	p2 =	seq.s32 s10, $0x1;
	s10 =	sld [smem:$0x3FB0]  }
0x3d: {  	_ =	shalt  }
0x3e: {  	_ =	shalt  }
0x3f: {  	_ =	shalt  }
0x40: {  	_ =	shalt  }
0x41: {  	_ =	shalt  }
0x42: {  	_ =	shalt  }
0x43: {  	_ =	shalt  }
0x44: {  	_ =	shalt  }
0x45: {  	_ =	shalt  }
0x46: {  	_ =	shalt  }
0x47: {  	_ =	shalt  }
0x48: {  	_ =	shalt  }
0x49: {  	_ =	shalt  }
0x4a: {  	_ =	shalt  }
0x4b: {  	_ =	shalt  }
0x4c: {  	_ =	shalt  }
0x4d: {  	_ =	shalt  }
0x4e: {  	_ =	shalt  }
0x4f: {  	_ =	shalt  }
0x50: {  	_ =	shalt  }
0x51: {  	_ =	shalt  }
0x52: {  	_ =	shalt  }
0x53: {  	_ =	shalt  }
0x54: {  	_ =	shalt  }
0x55: {  	_ =	shalt  }
0x56: {  	_ =	shalt  }
0x57: {  	_ =	shalt  }
0x58: {  	_ =	shalt  }
0x59: {  	_ =	shalt  }
0x5a: {  	_ =	shalt  }
0x5b: {  	_ =	shalt  }
0x5c: {  	_ =	shalt  }
0x5d: {  	_ =	shalt  }
0x5e: {  	_ =	shalt  }
0x5f: {  	_ =	shalt  }
0x60: {  	_ =	shalt  }
0x61: {  	_ =	shalt  }
0x62: {  	_ =	shalt  }
0x63: {  	_ =	shalt  }
0x64: {  	_ =	shalt  }
0x65: {  	_ =	shalt  }
0x66: {  	_ =	shalt  }
0x67: {  	_ =	shalt  }
0x68: {  	_ =	shalt  }
0x69: {  	_ =	shalt  }
0x6a: {  	_ =	shalt  }
0x6b: {  	_ =	shalt  }
0x6c: {  	_ =	shalt  }
0x6d: {  	_ =	shalt  }
0x6e: {  	_ =	shalt  }
0x6f: {  	_ =	shalt  }
0x70: {  	_ =	shalt  }
0x71: {  	_ =	shalt  }
0x72: {  	_ =	shalt  }
0x73: {  	_ =	shalt  }
0x74: {  	_ =	shalt  }
0x75: {  	_ =	shalt  }
0x76: {  	_ =	shalt  }
0x77: {  	_ =	shalt  }
0x78: {  	_ =	shalt  }
0x79: {  	_ =	shalt  }
0x7a: {  	_ =	shalt  }
0x7b: {  	_ =	shalt  }
0x7c: {  	_ =	shalt  }
0x7d: {  	_ =	shalt  }
0x7e: {  	_ =	shalt  }
0x7f: {  	_ =	shalt  }
0x80: {  	_ =	shalt  }
0x81: {  	_ =	shalt  }
0x82: {  	_ =	shalt  }
0x83: {  	_ =	shalt  }
0x84: {  	_ =	shalt  }
0x85: {  	_ =	shalt  }
0x86: {  	_ =	shalt  }
0x87: {  	_ =	shalt  }
.Lfunc_end0:
.L_simem_size_0:
called_computation.2_lowered:
.L_overlay_start_0:
0x88: {  	s2 =	sld [smem:$0x3FD9]  }
0x89: {  	s3 =	sld [smem:$0x3FFE];
	_ =	sdelay $0x1  }
0x8a: {  	s1 =	srdreg.scid  }
0x8b: {  	s0 =	sand.u32 $0x1, s1  }
0x8c: {  	s16 =	sshll.u32 s0, $0xA;
	s2 =	sadd.s32 s3, s2  }
0x8d: {  	s2 =	sadd.s32 s2, s16  }
0x8e: {  	[smem:$0x3FBC] =	sst s2  }
0x8f: {  	_ = 	snop  }
0x90: {  	(tm) =	ssettm $0x1  }
0x91: {  	s17 =	sld [smem:$0x3FFB];
	_ =	sdelay $0x3  }
0x92: {  	_ =	strace s17  }
0x93: {  	s2 =	sld [smem:$0x3FFC];
	_ =	sdelay $0x3  }
0x94: {  	_ =	strace s2  }
0x95: {  	s2 =	sld [smem:$0x3FFD];
	_ =	sdelay $0x3  }
0x96: {  	_ =	strace s2  }
0x97: {  	_ =	strace $0x8FFFFFFF  }
0x98: {  	s18 =	sld [smem:$0x3FDB];
	_ =	sdelay $0x1  }
0x99: {  	s19 =	simm.s32 $_scs_section_size  }
0x9a: {  	s4 =	simm.s32 $_size__tile_overlayer_lowered;
	s5 =	simm.s32 $_tile_overlayer_lowered  }
0x9b: {  	s22 =	simm.s32 $0x1BFF;
	s21 =	sshll.u32 s5, $0x1;
	s2 =	sadd.s32 s19, s18  }
0x9c: {  	s6 =	simm.s32 $0x0;
	s20 =	sshll.u32 s4, $0x1;
	s4 =	sadd.s32 s21, s2  }
0x9d: {  	[timem:s6], [sflag:s22] =	dma.local [hbm:s4], s20  }
0x9e: {  	_ =	swait.ge [sflag:s22], s20  }
0x9f: {  	s3 =	ssub.s32 $0x0, s20;
	[sflag:s22] =	ssyncset.done $0x0  }
0xa0: {  	[sflag:s22] =	ssyncadd.s32 s3;
	_ =	sdelay $0x1  }
0xa1: {  	s23 =	simm.s32 $0x1B8B  }
0xa2: {  	_ =	swait.ge [sflag:s23], $0x1  }
0xa3: {  	[sflag:s23] =	ssyncset.done $0x0  }
0xa4: {  	s25 =	simm.s32 $0x1B8E;
	s24 =	sld [smem:$0x3FFE];
	[sflag:s23] =	ssyncadd.s32 $0xFFFFFFFF  }
0xa5: {  	s26 =	simm.s32 $execute0_lowered;
	[smem:$0x3FD2] =	sst s25  }
0xa6: {  	s4 =	sshll.u32 s26, $0x1;
	_ =	strace $0x8000004C;
	[dreg:$0x1] =	wrdreg $0xFFFFFFFF  }
0xa7: {  	s28 =	simm.s32 $_size_execute0_lowered;
	s2 =	sadd.s32 s2, s4;
	[dreg:$0x0] =	wrdreg $0x0  }
0xa8: {  	s4 =	sshll.u32 s28, $0x1;
	[dreg:$0x2] =	wrdreg s2  }
0xa9: {  	[dreg:$0x3] =	wrdreg s4  }
0xaa: {  	[dreg:$0x4] =	wrdreg $0xC0  }
0xab: {  	_ =	task [dreg:s6], $0x5FFFF  }
0xac: {  	[dreg:$0x1] =	wrdreg $0xFFFFFFFF  }
0xad: {  	[dreg:$0x0] =	wrdreg $0x60  }
0xae: {  	[dreg:$0x2] =	wrdreg s24  }
0xaf: {  	[dreg:$0x3] =	wrdreg $0x9  }
0xb0: {  	_ =	task.clear_ibuf [dreg:s6], $0x4FFFF;
	_ =	strace $0x9000004C  }
0xb1: {  	s29 =	simm.s32 $0x9;
	_ =	strace $0x8000004E  }
0xb2: {  	_ =	swait.ge [sflag:s29], $0x1  }
0xb3: {  	[sflag:s29] =	ssyncadd.s32 $0xFFFFFFFF  }
0xb4: {  	_ =	strace $0x9000004E  }
0xb5: {  	_ =	sfence  }
0xb6: {  	s30 =	sld [smem:$0x0];
	_ =	sdelay $0x2  }
0xb7: {  	s31 =	sshll.u32 s1, $0xD;
	s1 =	sshrl.u32 s1, $0x2  }
0xb8: {  	s3 =	sand.u32 $0x4000, s31;
	s1 =	sadd.s32 s1, s30  }
0xb9: {  	s0 =	sor.u32 s3, s0;
	s1 =	sshll.u32 s1, $0x11  }
0xba: {  	s0 =	sor.u32 s1, s0  }
0xbb: {  	s0 =	sadd.s32 $0x8F2B, s0  }
0xbc: {  	[sflag:s0] =	ssyncadd.remote.s32 $0x1  }
0xbd: {  	_ =	sfence.sel $0xFFFF  }
0xbe: {  	[dreg:$0x0] =	wrdreg $0xFFFFFFFF;
	(pc) =	sbr.abs _section_cstart, $3  }
0xbf: {  	[dreg:$0x1] =	wrdreg $0xFFFFFFFF  }
0xc0: {  	_ =	task.clear_ibuf [dreg:s6], $0x2FFFF;
	_ =	strace $0x9FFFFFFF  }
0xc1: {  	(tm) =	ssettm $0x7FFFFFFF  }
tec
execute0_lowered:
.L_overlay_start_1:
0x0: {  	(tag) =	ssettag $0x1  }
0x1: {  	s1 =	srdreg.scid  }
0x2: {  	s0 =	stileid.u32;
	s5 =	rddreg [dreg:$0x0];
	s2 =	simm.s32 $0x0  }
0x3: {  	s16 =	simm.s32 $0x2800;
	s17 =	simm.s32 $0x2900;
	s18 =	simm.s32 $0x1  }
0x4: {  	s19 =	simm.s32 $0x80;
	s20 =	simm.s32 $0x2880;
	s21 =	simm.s32 $0x2980  }
0x5: {  	s22 =	simm.s32 $0x2;
	s23 =	simm.s32 $0x2780;
	s24 =	simm.s32 $0x0  }
0x6: {  	s6 =	sand.u32 $0x1, s1;
	s29 =	sshll.u32 s0, $0x1;
	s1 =	rddreg [dreg:$0x1]  }
0x7: {  	[smem:$0x7FF] =	sst s2;
	s4 =	sadd.s32 $0xA8D800, s5;
	s11 =	smul.u32 $0x5000, s0  }
0x8: {  	s14 =	sadd.s32 $0x2B400, s5;
	s7 =	sor.u32 s6, s29;
	s12 =	smul.u32 $0x2800, s6  }
0x9: {  	s13 =	sadd.s32 $0x35400, s5;
	s9 =	ssub.s32 $0x2, s6;
	s3 =	smul.u32 $0x500, s7  }
0xa: {  	_ =	strace $0x8000004D;
	s7 =	smul.u32 $0x2800, s7;
	s30 =	sshrl.u32 s9, $0x1  }
0xb: {  	s9 =	ssub.s32 s9, s30;
	s11 =	sadd.s32 s12, s11;
	s8 =	sadd.s32 s3, s5  }
0xc: {  	s3 =	sadd.s32 $0xA79800, s5;
	s10 =	sshrl.u32 s7, $0x3;
	s6 =	smax.u32 s9, $0x1  }
0xd: {  	s12 =	sshrl.u32 s11, $0x3;
	s15 =	sor.u32 $0x80, s11;
	s5 =	sadd.s32 $0x85400, s8  }
0xe: {  	s31 =	sadd.s32 $0x4E0, s10;
	s10 =	sadd.s32 $0x4F0, s10;
	s11 =	sadd.s32 s12, s13  }
0xf: {  	s12 =	sadd.s32 s12, s14;
	s15 =	sshrl.u32 s15, $0x3;
	s7 =	sadd.s32 s14, s31  }
0x10: {  	s8 =	sadd.s32 s13, s31;
	s9 =	sadd.s32 s14, s10;
	s10 =	sadd.s32 s13, s10  }
0x11: {  	s13 =	sadd.s32 s15, s13;
	s14 =	sadd.s32 s15, s14;
	s15 =	simm.s32 $0x3  }
.LBB2_1:
0x12: {  	[tilespmem:s2], [sflag:$0x3] =	stream.linear.gather [hbm4b:s5+s2], $0x2800, $0x38;
	[tilespmem:$0x2A00] =	vst v63  }
0x13: {  	_ =	swait.ge [sflag:s15], $0x2800  }
0x14: {  	[sflag:s15] =	ssyncset.done $0x0  }
0x15: {  	[sflag:s15] =	ssyncadd.s32 $0xFFFFD800  }
0x16: {  	[tilespmem:s16], [sflag:$0x1] =	stream.indirect.gather [hbm4b:s3+s19], $0x1, s2, s19, $0xb8;
	[tilespmem:$0x2A00] =	vst v63  }
0x17: {  	_ = 	snop  }
0x18: {  	[tilespmem:s17], [sflag:$0x1] =	stream.indirect.gather [hbm4b:s4+s19], $0x1, s2, s19, $0xb8;
	[tilespmem:$0x2A00] =	vst v63  }
0x19: {  	_ =	swait.ge [sflag:s18], $0x80  }
0x1a: {  	[sflag:s18] =	ssyncset.done $0x0  }
0x1b: {  	[sflag:s18] =	ssyncadd.s32 $0xFFFFFF80  }
0x1c: {  	_ =	swait.ge [sflag:s18], $0x80  }
0x1d: {  	[sflag:s18] =	ssyncset.done $0x0  }
0x1e: {  	[sflag:s18] =	ssyncadd.s32 $0xFFFFFF80  }
0x1f: {  	[tilespmem:s20], [sflag:$0x1] =	stream.indirect.gather [hbm4b:s3+s19], $0x1, s19, s19, $0xb8;
	[tilespmem:$0x2A00] =	vst v63  }
0x20: {  	_ = 	snop  }
0x21: {  	[tilespmem:s21], [sflag:$0x1] =	stream.indirect.gather [hbm4b:s4+s19], $0x1, s19, s19, $0xb8;
	[tilespmem:$0x2A00] =	vst v63  }
0x22: {  	s25 =	sadd.s32 $0x0, s12  }
0x23: {  	[hbm4b:s25+s2] =	stream.linear.scatter [tilespmem:s16], [sflag:$0x2], $0x80, $0x38;
	[tilespmem:$0x2A00] =	vst v63  }
0x24: {  	s28 =	sadd.s32 $0x0, s11  }
0x25: {  	[hbm4b:s28+s2] =	stream.linear.scatter [tilespmem:s17], [sflag:$0x2], $0x80, $0x38;
	[tilespmem:$0x2A00] =	vst v63  }
0x26: {  	_ =	swait.ge [sflag:s18], $0x80  }
0x27: {  	[sflag:s18] =	ssyncset.done $0x0  }
0x28: {  	[sflag:s18] =	ssyncadd.s32 $0xFFFFFF80  }
0x29: {  	_ =	swait.ge [sflag:s18], $0x80  }
0x2a: {  	[sflag:s18] =	ssyncset.done $0x0  }
0x2b: {  	[sflag:s18] =	ssyncadd.s32 $0xFFFFFF80  }
0x2c: {  	_ =	swait.ge [sflag:s22], $0x80  }
0x2d: {  	[sflag:s22] =	ssyncset.done $0x0  }
0x2e: {  	[sflag:s22] =	ssyncadd.s32 $0xFFFFFF80  }
0x2f: {  	_ =	swait.ge [sflag:s22], $0x80  }
0x30: {  	[sflag:s22] =	ssyncset.done $0x0  }
0x31: {  	s29 =	simm.s32 $0x100;
	[sflag:s22] =	ssyncadd.s32 $0xFFFFFF80  }
0x32: {  	[tilespmem:s16], [sflag:$0x1] =	stream.indirect.gather [hbm4b:s3+s19], $0x1, s29, s19, $0xb8;
	[tilespmem:$0x2A00] =	vst v63  }
0x33: {  	_ = 	snop  }
0x34: {  	[tilespmem:s17], [sflag:$0x1] =	stream.indirect.gather [hbm4b:s4+s19], $0x1, s29, s19, $0xb8;
	[tilespmem:$0x2A00] =	vst v63  }
0x35: {  	s30 =	sadd.s32 $0x0, s14  }
0x36: {  	[hbm4b:s30+s2] =	stream.linear.scatter [tilespmem:s20], [sflag:$0x2], $0x80, $0x38;
	[tilespmem:$0x2A00] =	vst v63  }
0x37: {  	s31 =	sadd.s32 $0x0, s13  }
0x38: {  	[hbm4b:s31+s2] =	stream.linear.scatter [tilespmem:s21], [sflag:$0x2], $0x80, $0x38;
	[tilespmem:$0x2A00] =	vst v63  }
0x39: {  	_ =	swait.ge [sflag:s22], $0x80  }
0x3a: {  	[sflag:s22] =	ssyncset.done $0x0  }
0x3b: {  	[sflag:s22] =	ssyncadd.s32 $0xFFFFFF80  }
0x3c: {  	_ =	swait.ge [sflag:s22], $0x80  }
0x3d: {  	s26 =	simm.s32 $0x80;
	s25 =	simm.s32 $0x20;
	[sflag:s22] =	ssyncset.done $0x0  }
.LBB2_2:
0x3e: {  	p0 =	sne.s32 s25, $0x4C0;
	[sflag:s22] =	ssyncadd.s32 $0xFFFFFF80;
	s26 =	sadd.s32 $0x100, s26  }
0x3f: {  	s28 =	smov.u32 s25;
	s25 =	sadd.s32 $0x20, s25;
	_ =	swait.ge [sflag:s18], $0x80  }
0x40: {  	[sflag:s18] =	ssyncset.done $0x0  }
0x41: {  	[sflag:s18] =	ssyncadd.s32 $0xFFFFFF80  }
0x42: {  	_ =	swait.ge [sflag:s18], $0x80  }
0x43: {  	[sflag:s18] =	ssyncset.done $0x0  }
0x44: {  	[sflag:s18] =	ssyncadd.s32 $0xFFFFFF80  }
0x45: {  	[tilespmem:s20], [sflag:$0x1] =	stream.indirect.gather [hbm4b:s3+s19], $0x1, s26, s19, $0xb8;
	[tilespmem:$0x2A00] =	vst v63  }
0x46: {  	_ = 	snop  }
0x47: {  	[tilespmem:s21], [sflag:$0x1] =	stream.indirect.gather [hbm4b:s4+s19], $0x1, s26, s19, $0xb8;
	[tilespmem:$0x2A00] =	vst v63  }
0x48: {  	s29 =	sadd.s32 s28, s12  }
0x49: {  	[hbm4b:s29+s2] =	stream.linear.scatter [tilespmem:s16], [sflag:$0x2], $0x80, $0x38;
	[tilespmem:$0x2A00] =	vst v63  }
0x4a: {  	s29 =	sadd.s32 s28, s11  }
0x4b: {  	[hbm4b:s29+s2] =	stream.linear.scatter [tilespmem:s17], [sflag:$0x2], $0x80, $0x38;
	[tilespmem:$0x2A00] =	vst v63  }
0x4c: {  	_ =	swait.ge [sflag:s18], $0x80  }
0x4d: {  	[sflag:s18] =	ssyncset.done $0x0  }
0x4e: {  	[sflag:s18] =	ssyncadd.s32 $0xFFFFFF80  }
0x4f: {  	_ =	swait.ge [sflag:s18], $0x80  }
0x50: {  	[sflag:s18] =	ssyncset.done $0x0  }
0x51: {  	[sflag:s18] =	ssyncadd.s32 $0xFFFFFF80  }
0x52: {  	_ =	swait.ge [sflag:s22], $0x80  }
0x53: {  	[sflag:s22] =	ssyncset.done $0x0  }
0x54: {  	[sflag:s22] =	ssyncadd.s32 $0xFFFFFF80  }
0x55: {  	_ =	swait.ge [sflag:s22], $0x80  }
0x56: {  	[sflag:s22] =	ssyncset.done $0x0  }
0x57: {  	s29 =	sadd.s32 $0x80, s26;
	[sflag:s22] =	ssyncadd.s32 $0xFFFFFF80  }
0x58: {  	[tilespmem:s16], [sflag:$0x1] =	stream.indirect.gather [hbm4b:s3+s19], $0x1, s29, s19, $0xb8;
	[tilespmem:$0x2A00] =	vst v63  }
0x59: {  	_ = 	snop  }
0x5a: {  	[tilespmem:s17], [sflag:$0x1] =	stream.indirect.gather [hbm4b:s4+s19], $0x1, s29, s19, $0xb8;
	[tilespmem:$0x2A00] =	vst v63  }
0x5b: {  	s29 =	sadd.s32 s28, s14  }
0x5c: {  	[hbm4b:s29+s2] =	stream.linear.scatter [tilespmem:s20], [sflag:$0x2], $0x80, $0x38;
	[tilespmem:$0x2A00] =	vst v63  }
0x5d: {  	s28 =	sadd.s32 s28, s13  }
0x5e: {  	[hbm4b:s28+s2] =	stream.linear.scatter [tilespmem:s21], [sflag:$0x2], $0x80, $0x38;
	[tilespmem:$0x2A00] =	vst v63  }
.Ltmp0:
0x5f: {  	_ =	swait.ge [sflag:s22], $0x80;
	(pc) =	sbr.rel @p0 .LBB2_2-.Ltmp0, $4  }
0x60: {  	[sflag:s22] =	ssyncset.done $0x0  }
0x61: {  	[sflag:s22] =	ssyncadd.s32 $0xFFFFFF80  }
0x62: {  	_ =	swait.ge [sflag:s22], $0x80  }
0x63: {  	[sflag:s22] =	ssyncset.done $0x0  }
0x64: {  	[sflag:s22] =	ssyncadd.s32 $0xFFFFFF80  }
0x65: {  	_ =	swait.ge [sflag:s18], $0x80  }
0x66: {  	[sflag:s18] =	ssyncset.done $0x0  }
0x67: {  	[sflag:s18] =	ssyncadd.s32 $0xFFFFFF80  }
0x68: {  	_ =	swait.ge [sflag:s18], $0x80  }
0x69: {  	[sflag:s18] =	ssyncset.done $0x0  }
0x6a: {  	[sflag:s18] =	ssyncadd.s32 $0xFFFFFF80  }
0x6b: {  	[tilespmem:s20], [sflag:$0x1] =	stream.indirect.gather [hbm4b:s3+s19], $0x1, s23, s19, $0xb8;
	[tilespmem:$0x2A00] =	vst v63  }
0x6c: {  	_ = 	snop  }
0x6d: {  	[tilespmem:s21], [sflag:$0x1] =	stream.indirect.gather [hbm4b:s4+s19], $0x1, s23, s19, $0xb8;
	[tilespmem:$0x2A00] =	vst v63  }
0x6e: {  	_ = 	snop  }
0x6f: {  	[hbm4b:s7+s2] =	stream.linear.scatter [tilespmem:s16], [sflag:$0x2], $0x80, $0x38;
	[tilespmem:$0x2A00] =	vst v63  }
0x70: {  	_ = 	snop  }
0x71: {  	[hbm4b:s8+s2] =	stream.linear.scatter [tilespmem:s17], [sflag:$0x2], $0x80, $0x38;
	[tilespmem:$0x2A00] =	vst v63  }
0x72: {  	_ =	swait.ge [sflag:s18], $0x80  }
0x73: {  	[sflag:s18] =	ssyncset.done $0x0  }
0x74: {  	[sflag:s18] =	ssyncadd.s32 $0xFFFFFF80  }
0x75: {  	_ =	swait.ge [sflag:s18], $0x80  }
0x76: {  	[sflag:s18] =	ssyncset.done $0x0  }
0x77: {  	[sflag:s18] =	ssyncadd.s32 $0xFFFFFF80  }
0x78: {  	_ =	swait.ge [sflag:s22], $0x80  }
0x79: {  	[sflag:s22] =	ssyncset.done $0x0  }
0x7a: {  	[sflag:s22] =	ssyncadd.s32 $0xFFFFFF80  }
0x7b: {  	_ =	swait.ge [sflag:s22], $0x80  }
0x7c: {  	[sflag:s22] =	ssyncset.done $0x0  }
0x7d: {  	[sflag:s22] =	ssyncadd.s32 $0xFFFFFF80  }
0x7e: {  	[hbm4b:s9+s2] =	stream.linear.scatter [tilespmem:s20], [sflag:$0x2], $0x80, $0x38;
	[tilespmem:$0x2A00] =	vst v63  }
0x7f: {  	s24 =	sadd.s32 $0x1, s24  }
0x80: {  	[hbm4b:s10+s2] =	stream.linear.scatter [tilespmem:s21], [sflag:$0x2], $0x80, $0x38;
	[tilespmem:$0x2A00] =	vst v63  }
0x81: {  	p0 =	sne.s32 s24, s6;
	_ =	swait.ge [sflag:s22], $0x80  }
.Ltmp1:
0x82: {  	[sflag:s22] =	ssyncset.done $0x0;
	(pc) =	sbr.rel @p0 .LBB2_1-.Ltmp1, $4  }
0x83: {  	[sflag:s22] =	ssyncadd.s32 $0xFFFFFF80  }
0x84: {  	_ =	swait.ge [sflag:s22], $0x80  }
0x85: {  	[sflag:s22] =	ssyncset.done $0x0  }
0x86: {  	[sflag:s22] =	ssyncadd.s32 $0xFFFFFF80  }
0x87: {  	_ =	sfence.sel $0x180000  }
0x88: {  	[bflag:$0x0] =	sbarrier.arrive $0xFFFF  }
0x89: {  	p0 =	sne.s32 s0, $0x0;
	_ =	strace $0x9000004D  }
0x8a: {  	s0 =	sadd.s32 @!p0 $0x100000, s1;
	[bflag:$0x2] =	sbarrier.arrive $0xFFFF  }
0x8b: {  	[sflag:s0] =	ssyncadd.tile.s32 @!p0 $0x1;
	_ =	shalt  }
.Lfunc_end2:
_tile_overlayer_lowered:
.L_overlay_start_2:
0x8c: {  	(tag) =	ssettag $0x2  }
0x8d: {  	s0 =	rddreg [dreg:$0x0];
	s2 =	stileid.u32  }
0x8e: {  	s1 =	rddreg [dreg:$0x1];
	p0 =	sne.s32 s2, $0x0  }
0x8f: {  	s3 =	rddreg [dreg:$0x2];
	[bflag:$0x3] =	sbarrier.arrive $0xFFFF;
	s2 =	simm.s32 @!p0 $0x1C03  }
0x90: {  	[timem:s3], [sflag:s2] =	dma.local @!p0 [hbm:s0], s1  }
0x91: {  	s0 =	simm.s32 @!p0 $0x3  }
0x92: {  	_ =	swait.ge @!p0 [sflag:s0], s1  }
0x93: {  	s1 =	ssub.s32 @!p0 $0x0, s1;
	[sflag:s0] =	ssyncset.done @!p0 $0x0  }
0x94: {  	[sflag:s0] =	ssyncadd.s32 @!p0 s1  }
0x95: {  	[bflag:$0x3] =	sbarrier.arrive $0xFFFF  }
0x96: {  	_ =	shalt  }

// kernel: kernel.21.cloned.1.call-start
scs
__scs_entry_jumppad:
0x0: {  	(pc) =	sbr.rel $0x88, $3  }
0x1: {  	(tag) =	ssettag $0x0;
	lr =	simm.s32 $0x1  }
0x2: {  	[smem:$0x3F95] =	sst lr;
	_ =	strace $0xD0000000  }
0x3: {  	_ = 	snop  }
0x4: {  	_ = 	snop  }
0x5: {  	_ = 	snop  }
0x6: {  	_ = 	snop  }
0x7: {  	_ = 	snop  }
__scs_overlays_trampoline_lowered:
0x8: {  	[smem:$0x3FA4] =	sst s0  }
0x9: {  	[smem:$0x3FA5] =	sst s1  }
0xa: {  	[smem:$0x3FA6] =	sst s2  }
0xb: {  	[smem:$0x3FA7] =	sst s3  }
0xc: {  	[smem:$0x3FA8] =	sst s4  }
0xd: {  	[smem:$0x3FA9] =	sst s5  }
0xe: {  	[smem:$0x3FAA] =	sst s6  }
0xf: {  	[smem:$0x3FAB] =	sst s7  }
0x10: {  	[smem:$0x3FAC] =	sst s8  }
0x11: {  	[smem:$0x3FAD] =	sst s9;
	s0 =	simm.s32 @!p0 $0x0  }
0x12: {  	s1 =	sld [smem:$0x3F93];
	s0 =	simm.s32 @p0 $0x1  }
0x13: {  	[smem:$0x3FAE] =	sst s0;
	s0 =	simm.s32 @!p1 $0x0  }
0x14: {  	s2 =	sld [smem:$0x3F92];
	s0 =	simm.s32 @p1 $0x1  }
0x15: {  	[smem:$0x3FAF] =	sst s0;
	s0 =	simm.s32 @!p2 $0x0  }
0x16: {  	s3 =	sld [smem:$0x3FDB];
	s0 =	simm.s32 @p2 $0x1  }
0x17: {  	s4 =	simm.s32 $0x1BF5;
	[smem:$0x3FB1] =	sst s0  }
0x18: {  	s0 =	sld [smem:$0x3F94];
	_ =	swait.ge [sflag:s4], $0x0  }
0x19: {  	s7 =	sld [smem:$0x3F95]  }
0x1a: {  	s8 =	sadd.s32 $0xFFFFE003, lr  }
0x1b: {  	s9 =	sadd.s32 $0xFFFFFEF7, lr;
	s5 =	simm.s32 $0xFFFFFFFF;
	p2 =	slt.u32 s8, $0xFFFFF086  }
0x1c: {  	p1 =	slt.u32 s9, $0xF7A;
	s5 =	simm.s32 @!p2 $0x0  }
0x1d: {  	s5 =	simm.s32 @p1 $0x1;
	p0 =	seq.s32 s7, s2  }
0x1e: {  	s7 =	smul.u32 @!p0 $0xF7A, s2;
	p2 =	seq.s32 @!p0 s5, $0x0  }
0x1f: {  	s9 =	smul.u32 $0xF7A, s1;
	s8 =	simm.s32 @!p0 $0x1BF5;
	p2 =	por !p2, p0  }
0x20: {  	[sflag:s8] =	ssyncset.s32 @!p0 $0xFFFFF086;
	s6 =	sadd.s32 @!p0 s3, s7;
	s7 =	simm.s32 @!p0 $0x108  }
0x21: {  	s3 =	sadd.s32 s3, s9;
	s6 =	sadd.s32 @!p0 $0x88, s6;
	s7 =	simm.s32 @p2 $0x1082  }
0x22: {  	[simem:s7], [sflag:s8] =	dma.local @!p0 [hbm:s6], $0xF7A  }
0x23: {  	s9 =	sor.u32 $0xD0000000, s2;
	s6 =	simm.s32 $0x108;
	_ =	swait.ge @!p0 [sflag:s8], $0x0  }
0x24: {  	s3 =	sadd.s32 $0x88, s3;
	s6 =	simm.s32 @!p1 $0x1082;
	[sflag:s4] =	ssyncset.s32 $0xFFFFF086  }
0x25: {  	[simem:s6], [sflag:s4] =	dma.local [hbm:s3], $0xF7A  }
0x26: {  	[smem:$0x3F95] =	sst s1;
	(tag) =	ssettag s2;
	_ =	strace s9  }
0x27: {  	s1 =	sld [smem:$0x3FA5]  }
0x28: {  	s2 =	sld [smem:$0x3FA6]  }
0x29: {  	s4 =	sld [smem:$0x3FA8]  }
0x2a: {  	p0 =	seq.s32 s5, $0x0;
	s5 =	sld [smem:$0x3FA9]  }
0x2b: {  	s6 =	sld [smem:$0x3FAA]  }
0x2c: {  	s7 =	sld [smem:$0x3FAB]  }
0x2d: {  	s3 =	simm.s32 $0x108;
	s8 =	sld [smem:$0x3FAC]  }
0x2e: {  	s3 =	simm.s32 @!p0 $0x1082;
	s9 =	sld [smem:$0x3FAD]  }
0x2f: {  	lr =	sadd.s32 s0, s3;
	s0 =	sld [smem:$0x3FA4]  }
0x30: {  	s3 =	sld [smem:$0x3FA7]  }
0x31: {  	[smem:$0x3FB0] =	sst s10  }
0x32: {  	s10 =	sld [smem:$0x3FAE];
	_ =	sdelay $0x3  }
0x33: {  	p0 =	seq.s32 s10, $0x1;
	s10 =	sld [smem:$0x3FB0];
	_ =	sdelay $0x3  }
0x34: {  	[smem:$0x3FB0] =	sst s10  }
0x35: {  	s10 =	sld [smem:$0x3FAF];
	_ =	sdelay $0x3  }
0x36: {  	p1 =	seq.s32 s10, $0x1;
	s10 =	sld [smem:$0x3FB0];
	_ =	sdelay $0x3  }
0x37: {  	[smem:$0x3FB0] =	sst s10  }
0x38: {  	s10 =	sld [smem:$0x3FB1]  }
0x39: {  	_ = 	snop;
	(pc) =	sbr.ind lr, $3  }
0x3a: {  	_ = 	snop  }
0x3b: {  	_ = 	snop  }
0x3c: {  	p2 =	seq.s32 s10, $0x1;
	s10 =	sld [smem:$0x3FB0]  }
0x3d: {  	_ =	shalt  }
0x3e: {  	_ =	shalt  }
0x3f: {  	_ =	shalt  }
0x40: {  	_ =	shalt  }
0x41: {  	_ =	shalt  }
0x42: {  	_ =	shalt  }
0x43: {  	_ =	shalt  }
0x44: {  	_ =	shalt  }
0x45: {  	_ =	shalt  }
0x46: {  	_ =	shalt  }
0x47: {  	_ =	shalt  }
0x48: {  	_ =	shalt  }
0x49: {  	_ =	shalt  }
0x4a: {  	_ =	shalt  }
0x4b: {  	_ =	shalt  }
0x4c: {  	_ =	shalt  }
0x4d: {  	_ =	shalt  }
0x4e: {  	_ =	shalt  }
0x4f: {  	_ =	shalt  }
0x50: {  	_ =	shalt  }
0x51: {  	_ =	shalt  }
0x52: {  	_ =	shalt  }
0x53: {  	_ =	shalt  }
0x54: {  	_ =	shalt  }
0x55: {  	_ =	shalt  }
0x56: {  	_ =	shalt  }
0x57: {  	_ =	shalt  }
0x58: {  	_ =	shalt  }
0x59: {  	_ =	shalt  }
0x5a: {  	_ =	shalt  }
0x5b: {  	_ =	shalt  }
0x5c: {  	_ =	shalt  }
0x5d: {  	_ =	shalt  }
0x5e: {  	_ =	shalt  }
0x5f: {  	_ =	shalt  }
0x60: {  	_ =	shalt  }
0x61: {  	_ =	shalt  }
0x62: {  	_ =	shalt  }
0x63: {  	_ =	shalt  }
0x64: {  	_ =	shalt  }
0x65: {  	_ =	shalt  }
0x66: {  	_ =	shalt  }
0x67: {  	_ =	shalt  }
0x68: {  	_ =	shalt  }
0x69: {  	_ =	shalt  }
0x6a: {  	_ =	shalt  }
0x6b: {  	_ =	shalt  }
0x6c: {  	_ =	shalt  }
0x6d: {  	_ =	shalt  }
0x6e: {  	_ =	shalt  }
0x6f: {  	_ =	shalt  }
0x70: {  	_ =	shalt  }
0x71: {  	_ =	shalt  }
0x72: {  	_ =	shalt  }
0x73: {  	_ =	shalt  }
0x74: {  	_ =	shalt  }
0x75: {  	_ =	shalt  }
0x76: {  	_ =	shalt  }
0x77: {  	_ =	shalt  }
0x78: {  	_ =	shalt  }
0x79: {  	_ =	shalt  }
0x7a: {  	_ =	shalt  }
0x7b: {  	_ =	shalt  }
0x7c: {  	_ =	shalt  }
0x7d: {  	_ =	shalt  }
0x7e: {  	_ =	shalt  }
0x7f: {  	_ =	shalt  }
0x80: {  	_ =	shalt  }
0x81: {  	_ =	shalt  }
0x82: {  	_ =	shalt  }
0x83: {  	_ =	shalt  }
0x84: {  	_ =	shalt  }
0x85: {  	_ =	shalt  }
0x86: {  	_ =	shalt  }
0x87: {  	_ =	shalt  }
.Lfunc_end0:
.L_simem_size_0:
called_computation.3_lowered:
.L_overlay_start_0:
0x88: {  	s2 =	sld [smem:$0x3FD9]  }
0x89: {  	s3 =	sld [smem:$0x3FFE];
	_ =	sdelay $0x1  }
0x8a: {  	s1 =	srdreg.scid  }
0x8b: {  	s0 =	sand.u32 $0x1, s1  }
0x8c: {  	s16 =	sshll.u32 s0, $0xA;
	s2 =	sadd.s32 s3, s2  }
0x8d: {  	s2 =	sadd.s32 s2, s16  }
0x8e: {  	[smem:$0x3FBC] =	sst s2  }
0x8f: {  	_ = 	snop  }
0x90: {  	(tm) =	ssettm $0x1  }
0x91: {  	s17 =	sld [smem:$0x3FFB];
	_ =	sdelay $0x3  }
0x92: {  	_ =	strace s17  }
0x93: {  	s2 =	sld [smem:$0x3FFC];
	_ =	sdelay $0x3  }
0x94: {  	_ =	strace s2  }
0x95: {  	s2 =	sld [smem:$0x3FFD];
	_ =	sdelay $0x3  }
0x96: {  	_ =	strace s2  }
0x97: {  	_ =	strace $0x8FFFFFFF  }
0x98: {  	s18 =	sld [smem:$0x3FDB];
	_ =	sdelay $0x1  }
0x99: {  	s19 =	simm.s32 $_scs_section_size  }
0x9a: {  	s4 =	simm.s32 $_size__tile_overlayer_lowered;
	s5 =	simm.s32 $_tile_overlayer_lowered  }
0x9b: {  	s22 =	simm.s32 $0x1BFF;
	s21 =	sshll.u32 s5, $0x1;
	s2 =	sadd.s32 s19, s18  }
0x9c: {  	s6 =	simm.s32 $0x0;
	s20 =	sshll.u32 s4, $0x1;
	s4 =	sadd.s32 s21, s2  }
0x9d: {  	[timem:s6], [sflag:s22] =	dma.local [hbm:s4], s20  }
0x9e: {  	_ =	swait.ge [sflag:s22], s20  }
0x9f: {  	s3 =	ssub.s32 $0x0, s20;
	[sflag:s22] =	ssyncset.done $0x0  }
0xa0: {  	[sflag:s22] =	ssyncadd.s32 s3;
	_ =	sdelay $0x1  }
0xa1: {  	s23 =	simm.s32 $0x1B8B  }
0xa2: {  	_ =	swait.ge [sflag:s23], $0x1  }
0xa3: {  	[sflag:s23] =	ssyncset.done $0x0  }
0xa4: {  	s25 =	simm.s32 $0x1B8E;
	s24 =	sld [smem:$0x3FFE];
	[sflag:s23] =	ssyncadd.s32 $0xFFFFFFFF  }
0xa5: {  	s26 =	simm.s32 $execute0_lowered;
	[smem:$0x3FD2] =	sst s25  }
0xa6: {  	s4 =	sshll.u32 s26, $0x1;
	_ =	strace $0x8000004F;
	[dreg:$0x1] =	wrdreg $0xFFFFFFFF  }
0xa7: {  	s28 =	simm.s32 $_size_execute0_lowered;
	s2 =	sadd.s32 s2, s4;
	[dreg:$0x0] =	wrdreg $0x0  }
0xa8: {  	s4 =	sshll.u32 s28, $0x1;
	[dreg:$0x2] =	wrdreg s2  }
0xa9: {  	[dreg:$0x3] =	wrdreg s4  }
0xaa: {  	[dreg:$0x4] =	wrdreg $0xC0  }
0xab: {  	_ =	task [dreg:s6], $0x5FFFF  }
0xac: {  	[dreg:$0x1] =	wrdreg $0xFFFFFFFF  }
0xad: {  	[dreg:$0x0] =	wrdreg $0x60  }
0xae: {  	[dreg:$0x2] =	wrdreg s24  }
0xaf: {  	[dreg:$0x3] =	wrdreg $0x94000  }
0xb0: {  	[dreg:$0x4] =	wrdreg $0x1CC800  }
0xb1: {  	[dreg:$0x5] =	wrdreg $0x1CF000  }
0xb2: {  	[dreg:$0x6] =	wrdreg $0x9  }
0xb3: {  	_ =	task.clear_ibuf [dreg:s6], $0x7FFFF;
	_ =	strace $0x9000004F  }
0xb4: {  	s29 =	simm.s32 $0x9;
	_ =	strace $0x80000051  }
0xb5: {  	_ =	swait.ge [sflag:s29], $0x1  }
0xb6: {  	[sflag:s29] =	ssyncadd.s32 $0xFFFFFFFF  }
0xb7: {  	_ =	strace $0x90000051  }
0xb8: {  	_ =	sfence  }
0xb9: {  	s30 =	sld [smem:$0x0];
	_ =	sdelay $0x2  }
0xba: {  	s31 =	sshll.u32 s1, $0xD;
	s1 =	sshrl.u32 s1, $0x2  }
0xbb: {  	s3 =	sand.u32 $0x4000, s31;
	s1 =	sadd.s32 s1, s30  }
0xbc: {  	s0 =	sor.u32 s3, s0;
	s1 =	sshll.u32 s1, $0x11  }
0xbd: {  	s0 =	sor.u32 s1, s0  }
0xbe: {  	s0 =	sadd.s32 $0x8F2B, s0  }
0xbf: {  	[sflag:s0] =	ssyncadd.remote.s32 $0x1  }
0xc0: {  	_ =	sfence.sel $0xFFFF  }
0xc1: {  	[dreg:$0x0] =	wrdreg $0xFFFFFFFF;
	(pc) =	sbr.abs _section_cstart, $3  }
0xc2: {  	[dreg:$0x1] =	wrdreg $0xFFFFFFFF  }
0xc3: {  	_ =	task.clear_ibuf [dreg:s6], $0x2FFFF;
	_ =	strace $0x9FFFFFFF  }
0xc4: {  	(tm) =	ssettm $0x7FFFFFFF  }
0xc5: {  	_ =	shalt  }
tec
execute0_lowered:
.L_overlay_start_1:
0x0: {  	(tag) =	ssettag $0x1  }
0x1: {  	s0 =	rddreg [dreg:$0x0]  }
0x2: {  	s1 =	rddreg [dreg:$0x1]  }
0x3: {  	s2 =	rddreg [dreg:$0x2]  }
0x4: {  	s3 =	rddreg [dreg:$0x3];
	s8 =	stileid.u32  }
0x5: {  	s4 =	simm.s32 $0x0;
	s7 =	srdreg.scid;
	s25 =	smul.u32 $0xA00, s8  }
0x6: {  	s28 =	simm.s32 $0x2;
	[smem:$0x7FF] =	sst s4;
	s26 =	smul.u32 $0x4E000, s8  }
0x7: {  	s12 =	sadd.s32 $0x28AB800, s0;
	s13 =	sand.u32 $0x1, s7;
	s31 =	smul.u32 $0x2700, s8  }
0x8: {  	s5 =	sadd.s32 $0x3400, s0;
	s6 =	sadd.s32 $0xD400, s0;
	s10 =	smul.u32 $0x27100, s13  }
0x9: {  	s7 =	sadd.s32 $0x21400, s0;
	s11 =	sshll.u32 s8, $0x1;
	s14 =	smul.u32 $0x500, s13  }
0xa: {  	s19 =	ssub.s32 $0x2, s13;
	s11 =	sor.u32 s13, s11;
	s13 =	smul.u32 $0x140000, s13  }
0xb: {  	s9 =	sadd.s32 $0x17400, s0;
	p0 =	seq.s32 s8, $0xF;
	s17 =	smul.u32 $0x28000, s11  }
0xc: {  	_ =	strace $0x80000050;
	s20 =	sshrl.u32 s19, $0x1;
	s21 =	smul.u32 $0x500, s11  }
0xd: {  	s11 =	simm.s32 $0x280;
	s15 =	sadd.s32 s10, s0;
	s17 =	sadd.s32 s12, s17  }
0xe: {  	s16 =	sadd.s32 s14, s0;
	s22 =	sadd.s32 s9, s21;
	[dreg:$0x5] =	wrdreg s17  }
0xf: {  	s18 =	ssub.s32 s19, s20;
	s23 =	sadd.s32 s7, s21;
	[dreg:$0x6] =	wrdreg s22  }
0x10: {  	s10 =	simm.s32 $0x280;
	s24 =	sadd.s32 s5, s21;
	[dreg:$0x7] =	wrdreg s23  }
0x11: {  	s19 =	smul.u32 $0x280000, s8;
	s0 =	sadd.s32 s6, s21;
	[dreg:$0x8] =	wrdreg s24  }
0x12: {  	[dreg:$0x9] =	wrdreg s0;
	s17 =	sadd.s32 s14, s25;
	s14 =	sadd.s32 $0x2BE00, s16  }
0x13: {  	s11 =	simm.s32 @!p0 $0x270;
	s22 =	sadd.s32 $0x800, s3;
	[dreg:$0xd] =	wrdreg s14  }
0x14: {  	p0 =	sne.s32 s8, $0x0;
	s23 =	sadd.s32 $0x1000, s2;
	[dreg:$0x12] =	wrdreg s22  }
0x15: {  	s13 =	sadd.s32 s13, s19;
	s24 =	sadd.s32 $0x1000, s3;
	[dreg:$0x13] =	wrdreg s23  }
0x16: {  	s20 =	sor.u32 $0x4000, s13;
	s13 =	sor.u32 $0x8000, s13;
	[dreg:$0x14] =	wrdreg s24  }
0x17: {  	s29 =	sshrl.u32 s20, $0x3;
	s20 =	sshrl.u32 s26, $0x2;
	s26 =	sadd.s32 $0x1800, s2  }
0x18: {  	s13 =	sshrl.u32 s13, $0x3;
	s0 =	sadd.s32 s29, s12;
	[dreg:$0x15] =	wrdreg s26  }
0x19: {  	s14 =	simm.s32 $0x100;
	s30 =	sadd.s32 s13, s12;
	[dreg:$0xa] =	wrdreg s0  }
0x1a: {  	s22 =	simm.s32 $0x80;
	s13 =	sadd.s32 $0x2B400, s16;
	[dreg:$0xb] =	wrdreg s30  }
0x1b: {  	s23 =	simm.s32 $0x180;
	s16 =	smax.u32 s18, $0x1;
	[dreg:$0xc] =	wrdreg s13  }
0x1c: {  	s12 =	sadd.s32 s31, s15;
	s18 =	sadd.s32 $0x800, s2;
	[dreg:$0xe] =	wrdreg s16  }
0x1d: {  	s25 =	sadd.s32 s20, s1;
	s29 =	sadd.s32 $0x1800, s3;
	[dreg:$0xf] =	wrdreg s18  }
0x1e: {  	s31 =	sadd.s32 $0x2000, s3;
	s15 =	simm.s32 $0x200;
	[dreg:$0x16] =	wrdreg s29  }
0x1f: {  	s20 =	simm.s32 $0x1;
	s26 =	simm.s32 $0x380;
	[dreg:$0x18] =	wrdreg s31  }
0x20: {  	s21 =	sadd.s32 $0x2C800, s12;
	s30 =	sadd.s32 $0x2000, s2;
	[dreg:$0x10] =	wrdreg s25  }
0x21: {  	s13 =	simm.s32 $0x400;
	s16 =	simm.s32 $0x300;
	[dreg:$0x11] =	wrdreg s21  }
0x22: {  	v0 =	vimm.f32 $0.0e+00;
	s18 =	simm.s32 $0x0;
	[dreg:$0x17] =	wrdreg s30;
	s21 =	simm.s32 $0x4400  }
.LBB2_1:
0x23: {  	[dreg:$0x19] =	wrdreg s18;
	s12 =	simm.s32 $0x0;
	s18 =	simm.s32 $0x200  }
.LBB2_2:
0x24: {  	p1 =	sne.s32 s18, $0x1E00;
	[tilespmem:s12+$0x8470] =	vst v0  }
0x25: {  	[tilespmem:s12+$0x8400] =	vst v0  }
0x26: {  	[tilespmem:s12+$0x8410] =	vst v0  }
.Ltmp0:
0x27: {  	[tilespmem:s12+$0x8420] =	vst v0;
	(pc) =	sbr.rel @p1 .LBB2_2-.Ltmp0, $4  }
0x28: {  	[tilespmem:s12+$0x8430] =	vst v0  }
0x29: {  	[tilespmem:s12+$0x8440] =	vst v0  }
0x2a: {  	[tilespmem:s12+$0x8450] =	vst v0  }
0x2b: {  	[tilespmem:s12+$0x8460] =	vst v0;
	s12 =	sshra.s32 s18, $0x2;
	s18 =	sadd.s32 $0x200, s18  }
0x2c: {  	[tilespmem:s12+$0x8470] =	vst v0  }
0x2d: {  	[tilespmem:s12+$0x8400] =	vst v0  }
0x2e: {  	[tilespmem:s12+$0x8410] =	vst v0  }
0x2f: {  	[tilespmem:s12+$0x8420] =	vst v0  }
0x30: {  	[tilespmem:s12+$0x8430] =	vst v0  }
0x31: {  	[tilespmem:s12+$0x8440] =	vst v0  }
0x32: {  	[tilespmem:s12+$0x8450] =	vst v0  }
0x33: {  	[tilespmem:s12+$0x8460] =	vst v0;
	s12 =	simm.s32 $0x40;
	s18 =	simm.s32 $0x0  }
.LBB2_4:
0x34: {  	p1 =	sne.s32 s12, $0x1FC0;
	[tilespmem:s18+$0x8C00] =	vst v0;
	s18 =	smov.u32 s12;
	s12 =	sadd.s32 $0x40, s12  }
.Ltmp1:
0x35: {  	(pc) =	sbr.rel @p1 .LBB2_4-.Ltmp1, $2  }
0x36: {  	_ =	sdelay $0x2  }
0x37: {  	s18 =	sshra.s32 s18, $0x2  }
0x38: {  	p1 =	sle.u32 s11, $0x0  }
0x39: {  	[tilespmem:s18+$0x8C00] =	vst v0;
	s12 =	simm.s32 @!p1 $0x8400;
	s19 =	simm.s32 @!p1 $0x2  }
0x3a: {  	[spmem:s25] =	stream.linear.scatter @!p1 [tilespmem:s12], [sflag:$0x2], $0x800, $0x38;
	[tilespmem:$0x1D180] =	vst v63  }
0x3b: {  	_ =	swait.ge @!p1 [sflag:s19], $0x800  }
0x3c: {  	s18 =	smov.u32 s25;
	s12 =	simm.s32 $0x10;
	[sflag:s19] =	ssyncset.done @!p1 $0x0  }
.LBB2_6:
0x3d: {  	[sflag:s19] =	ssyncadd.s32 @!p1 $0xFFFFF800;
	s19 =	smov.u32 s12;
	s12 =	sadd.s32 $0x10, s12  }
0x3e: {  	s18 =	sadd.s32 $0x800, s18;
	p2 =	sne.s32 s12, $0x280  }
.Ltmp2:
0x3f: {  	p1 =	sge.u32 s19, s11;
	(pc) =	sbr.rel @p2 .LBB2_6-.Ltmp2, $4  }
0x40: {  	s30 =	simm.s32 @!p1 $0x8400;
	s19 =	simm.s32 @!p1 $0x2  }
0x41: {  	[spmem:s18] =	stream.linear.scatter @!p1 [tilespmem:s30], [sflag:$0x2], $0x800, $0x38;
	[tilespmem:$0x1D180] =	vst v63  }
0x42: {  	_ =	swait.ge @!p1 [sflag:s19], $0x800  }
0x43: {  	[sflag:s19] =	ssyncset.done @!p1 $0x0  }
0x44: {  	[sflag:s19] =	ssyncadd.s32 @!p1 $0xFFFFF800;
	s12 =	simm.s32 @!p0 $0x8C00;
	s18 =	simm.s32 @!p0 $0x2  }
0x45: {  	[spmem:s2] =	stream.linear.scatter @!p0 [tilespmem:s12], [sflag:$0x2], $0x800, $0x38;
	[tilespmem:$0x1D180] =	vst v63  }
0x46: {  	_ =	swait.ge @!p0 [sflag:s18], $0x800  }
0x47: {  	[sflag:s18] =	ssyncset.done @!p0 $0x0  }
0x48: {  	[sflag:s18] =	ssyncadd.s32 @!p0 $0xFFFFF800  }
0x49: {  	[spmem:s3] =	stream.linear.scatter @!p0 [tilespmem:s12], [sflag:$0x2], $0x800, $0x38;
	[tilespmem:$0x1D180] =	vst v63  }
0x4a: {  	_ =	swait.ge @!p0 [sflag:s18], $0x800  }
0x4b: {  	[sflag:s18] =	ssyncset.done @!p0 $0x0  }
0x4c: {  	s0 =	rddreg [dreg:$0xf];
	[sflag:s18] =	ssyncadd.s32 @!p0 $0xFFFFF800  }
0x4d: {  	[spmem:s0] =	stream.linear.scatter @!p0 [tilespmem:s12], [sflag:$0x2], $0x800, $0x38;
	[tilespmem:$0x1D180] =	vst v63  }
0x4e: {  	_ =	swait.ge @!p0 [sflag:s18], $0x800  }
0x4f: {  	[sflag:s18] =	ssyncset.done @!p0 $0x0  }
0x50: {  	s0 =	rddreg [dreg:$0x12];
	[sflag:s18] =	ssyncadd.s32 @!p0 $0xFFFFF800  }
0x51: {  	[spmem:s0] =	stream.linear.scatter @!p0 [tilespmem:s12], [sflag:$0x2], $0x800, $0x38;
	[tilespmem:$0x1D180] =	vst v63  }
0x52: {  	_ =	swait.ge @!p0 [sflag:s18], $0x800  }
0x53: {  	[sflag:s18] =	ssyncset.done @!p0 $0x0  }
0x54: {  	s0 =	rddreg [dreg:$0x13];
	[sflag:s18] =	ssyncadd.s32 @!p0 $0xFFFFF800  }
0x55: {  	[spmem:s0] =	stream.linear.scatter @!p0 [tilespmem:s12], [sflag:$0x2], $0x800, $0x38;
	[tilespmem:$0x1D180] =	vst v63  }
0x56: {  	_ =	swait.ge @!p0 [sflag:s18], $0x800  }
0x57: {  	[sflag:s18] =	ssyncset.done @!p0 $0x0  }
0x58: {  	s0 =	rddreg [dreg:$0x14];
	[sflag:s18] =	ssyncadd.s32 @!p0 $0xFFFFF800  }
0x59: {  	[spmem:s0] =	stream.linear.scatter @!p0 [tilespmem:s12], [sflag:$0x2], $0x800, $0x38;
	[tilespmem:$0x1D180] =	vst v63  }
0x5a: {  	_ =	swait.ge @!p0 [sflag:s18], $0x800  }
0x5b: {  	[sflag:s18] =	ssyncset.done @!p0 $0x0  }
0x5c: {  	s0 =	rddreg [dreg:$0x15];
	[sflag:s18] =	ssyncadd.s32 @!p0 $0xFFFFF800  }
0x5d: {  	[spmem:s0] =	stream.linear.scatter @!p0 [tilespmem:s12], [sflag:$0x2], $0x800, $0x38;
	[tilespmem:$0x1D180] =	vst v63  }
0x5e: {  	_ =	swait.ge @!p0 [sflag:s18], $0x800  }
0x5f: {  	[sflag:s18] =	ssyncset.done @!p0 $0x0  }
0x60: {  	s0 =	rddreg [dreg:$0x16];
	[sflag:s18] =	ssyncadd.s32 @!p0 $0xFFFFF800  }
0x61: {  	[spmem:s0] =	stream.linear.scatter @!p0 [tilespmem:s12], [sflag:$0x2], $0x800, $0x38;
	[tilespmem:$0x1D180] =	vst v63  }
0x62: {  	_ =	swait.ge @!p0 [sflag:s18], $0x800  }
0x63: {  	[sflag:s18] =	ssyncset.done @!p0 $0x0  }
0x64: {  	s0 =	rddreg [dreg:$0x17];
	[sflag:s18] =	ssyncadd.s32 @!p0 $0xFFFFF800  }
0x65: {  	[spmem:s0] =	stream.linear.scatter @!p0 [tilespmem:s12], [sflag:$0x2], $0x800, $0x38;
	[tilespmem:$0x1D180] =	vst v63  }
0x66: {  	_ =	swait.ge @!p0 [sflag:s18], $0x800  }
0x67: {  	[sflag:s18] =	ssyncset.done @!p0 $0x0  }
0x68: {  	s0 =	rddreg [dreg:$0x18];
	[sflag:s18] =	ssyncadd.s32 @!p0 $0xFFFFF800  }
0x69: {  	[spmem:s0] =	stream.linear.scatter @!p0 [tilespmem:s12], [sflag:$0x2], $0x800, $0x38;
	[tilespmem:$0x1D180] =	vst v63  }
0x6a: {  	_ =	swait.ge @!p0 [sflag:s18], $0x800  }
0x6b: {  	[sflag:s18] =	ssyncset.done @!p0 $0x0  }
0x6c: {  	[sflag:s18] =	ssyncadd.s32 @!p0 $0xFFFFF800  }
0x6d: {  	[bflag:$0x0] =	sbarrier.arrive $0xFFFF  }
0x6e: {  	s24 =	rddreg [dreg:$0x5]  }
0x6f: {  	[tilespmem:s13], [sflag:$0x1] =	stream.linear.gather [hbm4b:s24+s4], $0x4000, $0x38;
	[tilespmem:$0x1D180] =	vst v63  }
0x70: {  	s25 =	rddreg [dreg:$0x6]  }
0x71: {  	[tilespmem:s4], [sflag:$0x1] =	stream.linear.gather [hbm4b:s25+s4], $0x80, $0x38;
	[tilespmem:$0x1D180] =	vst v63  }
0x72: {  	s29 =	rddreg [dreg:$0x7]  }
0x73: {  	[tilespmem:s14], [sflag:$0x1] =	stream.linear.gather [hbm4b:s29+s4], $0x80, $0x38;
	[tilespmem:$0x1D180] =	vst v63  }
0x74: {  	s12 =	rddreg [dreg:$0x8]  }
0x75: {  	[tilespmem:s15], [sflag:$0x1] =	stream.linear.gather [hbm4b:s12+s4], $0x80, $0x38;
	[tilespmem:$0x1D180] =	vst v63  }
0x76: {  	s18 =	rddreg [dreg:$0x9]  }
0x77: {  	[tilespmem:s16], [sflag:$0x1] =	stream.linear.gather [hbm4b:s18+s4], $0x80, $0x38;
	[tilespmem:$0x1D180] =	vst v63  }
0x78: {  	_ =	swait.ge [sflag:s20], $0x4000  }
0x79: {  	[sflag:s20] =	ssyncset.done $0x0  }
0x7a: {  	[sflag:s20] =	ssyncadd.s32 $0xFFFFC000  }
0x7b: {  	_ =	swait.ge [sflag:s20], $0x80  }
0x7c: {  	[sflag:s20] =	ssyncset.done $0x0  }
0x7d: {  	[sflag:s20] =	ssyncadd.s32 $0xFFFFFF80  }
0x7e: {  	_ =	swait.ge [sflag:s20], $0x80  }
0x7f: {  	[sflag:s20] =	ssyncset.done $0x0  }
0x80: {  	[sflag:s20] =	ssyncadd.s32 $0xFFFFFF80  }
0x81: {  	_ =	swait.ge [sflag:s20], $0x80  }
0x82: {  	[sflag:s20] =	ssyncset.done $0x0  }
0x83: {  	s19 =	sadd.s32 $0x20, s17;
	[sflag:s20] =	ssyncadd.s32 $0xFFFFFF80  }
0x84: {  	s24 =	simm.s32 $0x10;
	s12 =	sadd.s32 $0xFFFFFFE0, s19;
	_ =	swait.ge [sflag:s20], $0x80  }
0x85: {  	s12 =	sand.u32 $0xFFFFF80, s12;
	s18 =	sand.u32 $0x70, s24;
	[sflag:s20] =	ssyncset.done $0x0  }
0x86: {  	s12 =	sor.u32 s18, s12;
	s0 =	rddreg [dreg:$0xa];
	[sflag:s20] =	ssyncadd.s32 $0xFFFFFF80  }
0x87: {  	[tilespmem:s21], [sflag:$0x1] =	stream.linear.gather [hbm4b:s0+s4], $0x4000, $0x38;
	[tilespmem:$0x1D180] =	vst v63  }
0x88: {  	s18 =	sadd.s32 s9, s12  }
0x89: {  	[tilespmem:s22], [sflag:$0x1] =	stream.linear.gather [hbm4b:s18+s4], $0x80, $0x38;
	[tilespmem:$0x1D180] =	vst v63  }
0x8a: {  	s25 =	sadd.s32 s7, s12  }
0x8b: {  	[tilespmem:s23], [sflag:$0x1] =	stream.linear.gather [hbm4b:s25+s4], $0x80, $0x38;
	[tilespmem:$0x1D180] =	vst v63  }
0x8c: {  	s29 =	sadd.s32 s5, s12  }
0x8d: {  	[tilespmem:s10], [sflag:$0x1] =	stream.linear.gather [hbm4b:s29+s4], $0x80, $0x38;
	[tilespmem:$0x1D180] =	vst v63  }
0x8e: {  	s12 =	sadd.s32 s6, s12  }
0x8f: {  	[tilespmem:s26], [sflag:$0x1] =	stream.linear.gather [hbm4b:s12+s4], $0x80, $0x38;
	[tilespmem:$0x1D180] =	vst v63  }
0x90: {  	_ = 	snop  }
0x91: {  	[spmem:s1] =	stream.indirect.scatter.add.f32 [tilespmem:s13], [sflag:$0x2], $0x80, s4, s22, $0xb8;
	[tilespmem:$0x1D180] =	vst v63  }
0x92: {  	_ =	swait.ge [sflag:s28], $0x4000  }
0x93: {  	[sflag:s28] =	ssyncset.done $0x0  }
0x94: {  	[sflag:s28] =	ssyncadd.s32 $0xFFFFC000  }
0x95: {  	[spmem:s2] =	stream.indirect.scatter.add.f32 [tilespmem:s15], [sflag:$0x2], $0x1, s14, s22, $0xb8;
	[tilespmem:$0x1D180] =	vst v63  }
0x96: {  	_ =	swait.ge [sflag:s28], $0x80  }
0x97: {  	[sflag:s28] =	ssyncset.done $0x0  }
0x98: {  	[sflag:s28] =	ssyncadd.s32 $0xFFFFFF80  }
0x99: {  	[spmem:s3] =	stream.indirect.scatter.add.f32 [tilespmem:s16], [sflag:$0x2], $0x1, s14, s22, $0xb8;
	[tilespmem:$0x1D180] =	vst v63  }
0x9a: {  	_ =	swait.ge [sflag:s28], $0x80  }
0x9b: {  	[sflag:s28] =	ssyncset.done $0x0  }
0x9c: {  	[sflag:s28] =	ssyncadd.s32 $0xFFFFFF80  }
0x9d: {  	_ =	swait.ge [sflag:s20], $0x4000  }
0x9e: {  	[sflag:s20] =	ssyncset.done $0x0  }
0x9f: {  	[sflag:s20] =	ssyncadd.s32 $0xFFFFC000  }
0xa0: {  	_ =	swait.ge [sflag:s20], $0x80  }
0xa1: {  	[sflag:s20] =	ssyncset.done $0x0  }
0xa2: {  	[sflag:s20] =	ssyncadd.s32 $0xFFFFFF80  }
0xa3: {  	_ =	swait.ge [sflag:s20], $0x80  }
0xa4: {  	[sflag:s20] =	ssyncset.done $0x0  }
0xa5: {  	[sflag:s20] =	ssyncadd.s32 $0xFFFFFF80  }
0xa6: {  	_ =	swait.ge [sflag:s20], $0x80  }
0xa7: {  	p1 =	por $0x0, $0x0;
	[sflag:s20] =	ssyncset.done $0x0  }
0xa8: {  	s30 =	simm.s32 @!p1 $0x0;
	s19 =	sadd.s32 @!p1 $0x20, s17;
	[sflag:s20] =	ssyncadd.s32 $0xFFFFFF80  }
0xa9: {  	s19 =	sand.u32 @!p1 $0xFFFFF80, s19;
	s12 =	simm.s32 $0x20;
	_ =	swait.ge [sflag:s20], $0x80  }
0xaa: {  	s18 =	simm.s32 @!p1 $0x400;
	s12 =	sand.u32 @!p1 $0x60, s12;
	[sflag:s20] =	ssyncset.done $0x0  }
0xab: {  	s12 =	sor.u32 @!p1 s12, s19;
	s24 =	rddreg [dreg:$0xb];
	[sflag:s20] =	ssyncadd.s32 $0xFFFFFF80  }
0xac: {  	[tilespmem:s18], [sflag:$0x1] =	stream.linear.gather @!p1 [hbm4b:s24+s30], $0x4000, $0x38;
	[tilespmem:$0x1D180] =	vst v63  }
0xad: {  	s18 =	sadd.s32 @!p1 s9, s12  }
0xae: {  	[tilespmem:s30], [sflag:$0x1] =	stream.linear.gather @!p1 [hbm4b:s18+s30], $0x80, $0x38;
	[tilespmem:$0x1D180] =	vst v63  }
0xaf: {  	s19 =	simm.s32 @!p1 $0x100;
	s18 =	sadd.s32 @!p1 s7, s12  }
0xb0: {  	[tilespmem:s19], [sflag:$0x1] =	stream.linear.gather @!p1 [hbm4b:s18+s30], $0x80, $0x38;
	[tilespmem:$0x1D180] =	vst v63  }
0xb1: {  	s18 =	sadd.s32 @!p1 s5, s12;
	s19 =	simm.s32 @!p1 $0x200  }
0xb2: {  	[tilespmem:s19], [sflag:$0x1] =	stream.linear.gather @!p1 [hbm4b:s18+s30], $0x80, $0x38;
	[tilespmem:$0x1D180] =	vst v63  }
0xb3: {  	s12 =	sadd.s32 @!p1 s6, s12;
	s18 =	simm.s32 @!p1 $0x300  }
0xb4: {  	[tilespmem:s18], [sflag:$0x1] =	stream.linear.gather @!p1 [hbm4b:s12+s30], $0x80, $0x38;
	[tilespmem:$0x1D180] =	vst v63  }
0xb5: {  	_ = 	snop  }
0xb6: {  	[spmem:s1] =	stream.indirect.scatter.add.f32 [tilespmem:s21], [sflag:$0x2], $0x80, s22, s22, $0xb8;
	[tilespmem:$0x1D180] =	vst v63  }
0xb7: {  	_ =	swait.ge [sflag:s28], $0x4000  }
0xb8: {  	[sflag:s28] =	ssyncset.done $0x0  }
0xb9: {  	[sflag:s28] =	ssyncadd.s32 $0xFFFFC000  }
0xba: {  	[spmem:s2] =	stream.indirect.scatter.add.f32 [tilespmem:s10], [sflag:$0x2], $0x1, s23, s22, $0xb8;
	[tilespmem:$0x1D180] =	vst v63  }
0xbb: {  	_ =	swait.ge [sflag:s28], $0x80  }
0xbc: {  	[sflag:s28] =	ssyncset.done $0x0  }
0xbd: {  	s31 =	sadd.s32 $0x1000, s24;
	[sflag:s28] =	ssyncadd.s32 $0xFFFFFF80  }
0xbe: {  	[spmem:s3] =	stream.indirect.scatter.add.f32 [tilespmem:s26], [sflag:$0x2], $0x1, s23, s22, $0xb8;
	[tilespmem:$0x1D180] =	vst v63  }
0xbf: {  	s30 =	simm.s32 $0x40;
	s18 =	smov.u32 s0;
	_ =	swait.ge [sflag:s28], $0x80  }
.LBB2_8:
0xc0: {  	[sflag:s28] =	ssyncset.done $0x0  }
0xc1: {  	s18 =	sadd.s32 $0x1000, s18;
	s12 =	smov.u32 s30;
	s30 =	sadd.s32 $0x20, s30  }
0xc2: {  	p1 =	sne.s32 s30, $0x520;
	[sflag:s28] =	ssyncadd.s32 $0xFFFFFF80  }
0xc3: {  	_ =	swait.ge [sflag:s20], $0x4000  }
0xc4: {  	[sflag:s20] =	ssyncset.done $0x0  }
0xc5: {  	[sflag:s20] =	ssyncadd.s32 $0xFFFFC000  }
0xc6: {  	_ =	swait.ge [sflag:s20], $0x80  }
0xc7: {  	[sflag:s20] =	ssyncset.done $0x0  }
0xc8: {  	[sflag:s20] =	ssyncadd.s32 $0xFFFFFF80  }
0xc9: {  	_ =	swait.ge [sflag:s20], $0x80  }
0xca: {  	[sflag:s20] =	ssyncset.done $0x0  }
0xcb: {  	[sflag:s20] =	ssyncadd.s32 $0xFFFFFF80  }
0xcc: {  	_ =	swait.ge [sflag:s20], $0x80  }
0xcd: {  	[sflag:s20] =	ssyncset.done $0x0  }
0xce: {  	s19 =	sadd.s32 s12, s17;
	[sflag:s20] =	ssyncadd.s32 $0xFFFFFF80  }
0xcf: {  	s0 =	sadd.s32 $0xFFFFFFF0, s12;
	s19 =	sadd.s32 $0xFFFFFFE0, s19;
	_ =	swait.ge [sflag:s20], $0x80  }
0xd0: {  	s0 =	sand.u32 $0x70, s0;
	s19 =	sand.u32 $0xFFFFF80, s19;
	[sflag:s20] =	ssyncset.done $0x0  }
0xd1: {  	s0 =	sor.u32 s0, s19;
	[sflag:s20] =	ssyncadd.s32 $0xFFFFFF80  }
0xd2: {  	[tilespmem:s21], [sflag:$0x1] =	stream.linear.gather [hbm4b:s18+s4], $0x4000, $0x38;
	[tilespmem:$0x1D180] =	vst v63  }
0xd3: {  	s19 =	sadd.s32 s9, s0;
	s25 =	sadd.s32 s7, s0  }
0xd4: {  	[tilespmem:s22], [sflag:$0x1] =	stream.linear.gather [hbm4b:s19+s4], $0x80, $0x38;
	[tilespmem:$0x1D180] =	vst v63  }
0xd5: {  	s19 =	sadd.s32 s5, s0  }
0xd6: {  	[tilespmem:s23], [sflag:$0x1] =	stream.linear.gather [hbm4b:s25+s4], $0x80, $0x38;
	[tilespmem:$0x1D180] =	vst v63  }
0xd7: {  	s0 =	sadd.s32 s6, s0  }
0xd8: {  	[tilespmem:s10], [sflag:$0x1] =	stream.linear.gather [hbm4b:s19+s4], $0x80, $0x38;
	[tilespmem:$0x1D180] =	vst v63  }
0xd9: {  	_ = 	snop  }
0xda: {  	[tilespmem:s26], [sflag:$0x1] =	stream.linear.gather [hbm4b:s0+s4], $0x80, $0x38;
	[tilespmem:$0x1D180] =	vst v63  }
0xdb: {  	_ = 	snop  }
0xdc: {  	[spmem:s1] =	stream.indirect.scatter.add.f32 [tilespmem:s13], [sflag:$0x2], $0x80, s4, s22, $0xb8;
	[tilespmem:$0x1D180] =	vst v63  }
0xdd: {  	_ =	swait.ge [sflag:s28], $0x4000  }
0xde: {  	[sflag:s28] =	ssyncset.done $0x0  }
0xdf: {  	[sflag:s28] =	ssyncadd.s32 $0xFFFFC000  }
0xe0: {  	[spmem:s2] =	stream.indirect.scatter.add.f32 [tilespmem:s15], [sflag:$0x2], $0x1, s14, s22, $0xb8;
	[tilespmem:$0x1D180] =	vst v63  }
0xe1: {  	_ =	swait.ge [sflag:s28], $0x80  }
0xe2: {  	[sflag:s28] =	ssyncset.done $0x0  }
0xe3: {  	[sflag:s28] =	ssyncadd.s32 $0xFFFFFF80  }
0xe4: {  	[spmem:s3] =	stream.indirect.scatter.add.f32 [tilespmem:s16], [sflag:$0x2], $0x1, s14, s22, $0xb8;
	[tilespmem:$0x1D180] =	vst v63  }
0xe5: {  	_ =	swait.ge [sflag:s28], $0x80  }
0xe6: {  	[sflag:s28] =	ssyncset.done $0x0  }
0xe7: {  	[sflag:s28] =	ssyncadd.s32 $0xFFFFFF80  }
0xe8: {  	_ =	swait.ge [sflag:s20], $0x4000  }
0xe9: {  	[sflag:s20] =	ssyncset.done $0x0  }
0xea: {  	[sflag:s20] =	ssyncadd.s32 $0xFFFFC000  }
0xeb: {  	_ =	swait.ge [sflag:s20], $0x80  }
0xec: {  	[sflag:s20] =	ssyncset.done $0x0  }
0xed: {  	[sflag:s20] =	ssyncadd.s32 $0xFFFFFF80  }
0xee: {  	_ =	swait.ge [sflag:s20], $0x80  }
0xef: {  	[sflag:s20] =	ssyncset.done $0x0  }
0xf0: {  	[sflag:s20] =	ssyncadd.s32 $0xFFFFFF80  }
0xf1: {  	_ =	swait.ge [sflag:s20], $0x80  }
0xf2: {  	[sflag:s20] =	ssyncset.done $0x0  }
0xf3: {  	p2 =	seq.s32 s12, $0x500;
	[sflag:s20] =	ssyncadd.s32 $0xFFFFFF80  }
0xf4: {  	s19 =	sadd.s32 @!p2 s12, s17;
	s0 =	simm.s32 @!p2 $0x400;
	_ =	swait.ge [sflag:s20], $0x80  }
0xf5: {  	s12 =	sand.u32 @!p2 $0x60, s12;
	s19 =	sand.u32 @!p2 $0xFFFFF80, s19;
	[sflag:s20] =	ssyncset.done $0x0  }
0xf6: {  	s25 =	simm.s32 @!p2 $0x0;
	s12 =	sor.u32 @!p2 s12, s19;
	[sflag:s20] =	ssyncadd.s32 $0xFFFFFF80  }
0xf7: {  	[tilespmem:s0], [sflag:$0x1] =	stream.linear.gather @!p2 [hbm4b:s31+s25], $0x4000, $0x38;
	[tilespmem:$0x1D180] =	vst v63  }
0xf8: {  	s19 =	sadd.s32 @!p2 s7, s12;
	s24 =	sadd.s32 @!p2 s5, s12;
	s0 =	sadd.s32 @!p2 s9, s12  }
0xf9: {  	[tilespmem:s25], [sflag:$0x1] =	stream.linear.gather @!p2 [hbm4b:s0+s25], $0x80, $0x38;
	[tilespmem:$0x1D180] =	vst v63  }
0xfa: {  	s29 =	simm.s32 @!p2 $0x200;
	s12 =	sadd.s32 @!p2 s6, s12;
	s0 =	simm.s32 @!p2 $0x100  }
0xfb: {  	[tilespmem:s0], [sflag:$0x1] =	stream.linear.gather @!p2 [hbm4b:s19+s25], $0x80, $0x38;
	[tilespmem:$0x1D180] =	vst v63  }
0xfc: {  	s0 =	simm.s32 @!p2 $0x300  }
0xfd: {  	[tilespmem:s29], [sflag:$0x1] =	stream.linear.gather @!p2 [hbm4b:s24+s25], $0x80, $0x38;
	[tilespmem:$0x1D180] =	vst v63  }
0xfe: {  	_ = 	snop  }
0xff: {  	[tilespmem:s0], [sflag:$0x1] =	stream.linear.gather @!p2 [hbm4b:s12+s25], $0x80, $0x38;
	[tilespmem:$0x1D180] =	vst v63  }
0x100: {  	_ = 	snop  }
0x101: {  	[spmem:s1] =	stream.indirect.scatter.add.f32 [tilespmem:s21], [sflag:$0x2], $0x80, s22, s22, $0xb8;
	[tilespmem:$0x1D180] =	vst v63  }
0x102: {  	_ =	swait.ge [sflag:s28], $0x4000  }
0x103: {  	[sflag:s28] =	ssyncset.done $0x0  }
0x104: {  	[sflag:s28] =	ssyncadd.s32 $0xFFFFC000  }
0x105: {  	[spmem:s2] =	stream.indirect.scatter.add.f32 [tilespmem:s10], [sflag:$0x2], $0x1, s23, s22, $0xb8;
	[tilespmem:$0x1D180] =	vst v63  }
.Ltmp3:
0x106: {  	_ =	swait.ge [sflag:s28], $0x80;
	(pc) =	sbr.rel @p1 .LBB2_8-.Ltmp3, $4  }
0x107: {  	[sflag:s28] =	ssyncset.done $0x0  }
0x108: {  	[sflag:s28] =	ssyncadd.s32 $0xFFFFFF80  }
0x109: {  	[spmem:s3] =	stream.indirect.scatter.add.f32 [tilespmem:s26], [sflag:$0x2], $0x1, s23, s22, $0xb8;
	[tilespmem:$0x1D180] =	vst v63  }
0x10a: {  	s31 =	sadd.s32 $0x1000, s31;
	_ =	swait.ge [sflag:s28], $0x80  }
0x10b: {  	[sflag:s28] =	ssyncset.done $0x0  }
0x10c: {  	[sflag:s28] =	ssyncadd.s32 $0xFFFFFF80  }
0x10d: {  	p1 =	sle.u32 s11, $0x0;
	[bflag:$0x0] =	sbarrier.arrive $0xFFFF  }
0x10e: {  	s0 =	sshll.u32 @!p1 s8, $0x6;
	s19 =	simm.s32 @!p1 $0x2;
	s25 =	rddreg [dreg:$0x10]  }
0x10f: {  	s0 =	sor.u32 @!p1 $0x1C02, s0;
	s24 =	rddreg [dreg:$0x11];
	s12 =	sshrl.u32 @!p1 s25, $0x3  }
0x110: {  	[hbm:s24], [sflag:s0] =	dma.local @!p1 [spmem:s12], $0x100  }
0x111: {  	s18 =	simm.s32 $0x10;
	s31 =	simm.s32 $0x20;
	_ =	swait.ge @!p1 [sflag:s19], $0x100  }
0x112: {  	s30 =	sadd.s32 $0x800, s25;
	s12 =	sadd.s32 $0x100, s24;
	[sflag:s19] =	ssyncset.done @!p1 $0x0  }
.LBB2_10:
0x113: {  	[sflag:s19] =	ssyncadd.s32 @!p1 $0xFFFFFF00  }
0x114: {  	p1 =	sge.u32 s18, s11;
	s18 =	smov.u32 s31;
	s31 =	sadd.s32 $0x10, s31  }
0x115: {  	p2 =	sne.s32 s31, $0x280  }
.Ltmp4:
0x116: {  	s0 =	sshll.u32 @!p1 s8, $0x6;
	s24 =	sshrl.u32 @!p1 s30, $0x3;
	(pc) =	sbr.rel @p2 .LBB2_10-.Ltmp4, $4  }
0x117: {  	s19 =	simm.s32 @!p1 $0x2;
	s0 =	sor.u32 @!p1 $0x1C02, s0  }
0x118: {  	[hbm:s12], [sflag:s0] =	dma.local @!p1 [spmem:s24], $0x100  }
0x119: {  	_ =	swait.ge @!p1 [sflag:s19], $0x100  }
0x11a: {  	s30 =	sadd.s32 $0x800, s30;
	s12 =	sadd.s32 $0x100, s12;
	[sflag:s19] =	ssyncset.done @!p1 $0x0  }
0x11b: {  	p2 =	sge.u32 s18, s11  }
0x11c: {  	[sflag:s19] =	ssyncadd.s32 @!p1 $0xFFFFFF00;
	s0 =	sshll.u32 @!p2 s8, $0x6  }
0x11d: {  	s18 =	sshrl.u32 @!p2 s30, $0x3;
	s19 =	simm.s32 @!p2 $0x2;
	s0 =	sor.u32 @!p2 $0x1C02, s0  }
0x11e: {  	[hbm:s12], [sflag:s0] =	dma.local @!p2 [spmem:s18], $0x100  }
0x11f: {  	_ =	swait.ge @!p2 [sflag:s19], $0x100  }
0x120: {  	s0 =	sshrl.u32 @!p0 s2, $0x3;
	[sflag:s19] =	ssyncset.done @!p2 $0x0  }
0x121: {  	s12 =	simm.s32 @!p0 $0x1C02;
	s18 =	rddreg [dreg:$0xc];
	[sflag:s19] =	ssyncadd.s32 @!p2 $0xFFFFFF00  }
0x122: {  	[hbm:s18], [sflag:s12] =	dma.local @!p0 [spmem:s0], $0x500  }
0x123: {  	s0 =	simm.s32 @!p0 $0x2  }
0x124: {  	_ =	swait.ge @!p0 [sflag:s0], $0x500  }
0x125: {  	[sflag:s0] =	ssyncset.done @!p0 $0x0  }
0x126: {  	s18 =	sshrl.u32 @!p0 s3, $0x3;
	s19 =	rddreg [dreg:$0xd];
	[sflag:s0] =	ssyncadd.s32 @!p0 $0xFFFFFB00  }
0x127: {  	[hbm:s19], [sflag:s12] =	dma.local @!p0 [spmem:s18], $0x500  }
0x128: {  	_ =	swait.ge @!p0 [sflag:s0], $0x500  }
0x129: {  	s30 =	rddreg [dreg:$0x19]  }
0x12a: {  	s31 =	rddreg [dreg:$0xe];
	s18 =	sadd.s32 $0x1, s30  }
0x12b: {  	p1 =	sne.s32 s18, s31  }
.Ltmp5:
0x12c: {  	_ = 	snop;
	(pc) =	sbr.rel @p1 .LBB2_1-.Ltmp5, $3  }
0x12d: {  	_ =	sdelay $0x1  }
0x12e: {  	[sflag:s0] =	ssyncset.done @!p0 $0x0  }
0x12f: {  	[sflag:s0] =	ssyncadd.s32 @!p0 $0xFFFFFB00  }
0x130: {  	_ =	sfence.sel $0x180000  }
0x131: {  	[bflag:$0x0] =	sbarrier.arrive $0xFFFF  }
0x132: {  	_ =	strace $0x90000050  }
0x133: {  	[bflag:$0x2] =	sbarrier.arrive $0xFFFF  }
0x134: {  	s0 =	rddreg [dreg:$0x4]  }
0x135: {  	s0 =	sadd.s32 @!p0 $0x100000, s0  }
0x136: {  	[sflag:s0] =	ssyncadd.tile.s32 @!p0 $0x1;
	_ =	shalt  }
.Lfunc_end2:
_tile_overlayer_lowered:
.L_overlay_start_2:
0x137: {  	(tag) =	ssettag $0x2  }
0x138: {  	s0 =	rddreg [dreg:$0x0];
	s2 =	stileid.u32  }
0x139: {  	s1 =	rddreg [dreg:$0x1];
	p0 =	sne.s32 s2, $0x0  }
0x13a: {  	s3 =	rddreg [dreg:$0x2];
	[bflag:$0x3] =	sbarrier.arrive $0xFFFF;
	s2 =	simm.s32 @!p0 $0x1C02  }
0x13b: {  	[timem:s3], [sflag:s2] =	dma.local @!p0 [hbm:s0], s1  }
0x13c: {  	s0 =	simm.s32 @!p0 $0x2  }
0x13d: {  	_ =	swait.ge @!p0 [sflag:s0], s1  }
0x13e: {  	s1 =	ssub.s32 @!p0 $0x0, s1;
	[sflag:s0] =	ssyncset.done @!p0 $0x0  }
0x13f: {  	[sflag:s0] =	ssyncadd.s32 @!p0 s1  }
0x140: {  	[bflag:$0x3] =	sbarrier.arrive $0xFFFF  }
0x141: {  	_ =	shalt  }

</sc_bundles>
